<compile_context>
chip_gen: v7x
topology: tpu7x:2x2x1
jax: 0.10.2.dev20260603
libtpu: 0.0.44.dev20260713+nightly
codegen_flags: <defaults>
</compile_context>

<pallas_src>
import math

import jax
import jax.numpy as jnp
from jax import lax
from jax.experimental import pallas as pl
from jax.experimental.pallas import tpu as pltpu

N = 10000
E = 160000
DIM = 256
HEADS = 16
HD = DIM // HEADS
B = 16
T = 32
RB = 1000
NBLK = N // RB


def _ln(x, w, b, eps=1e-5):
    m = jnp.mean(x, axis=-1, keepdims=True)
    va = jnp.mean((x - m) ** 2, axis=-1, keepdims=True)
    return (x - m) * jax.lax.rsqrt(va + eps) * w + b


def _gelu(x):
    return 0.5 * x * (1.0 + lax.erf(x * (1.0 / math.sqrt(2.0))))


def _ln_body(x_ref, w_ref, b_ref, o_ref):
    o_ref[...] = _ln(x_ref[...], w_ref[...], b_ref[...])


def _ln_x(x, w, b):
    return pl.pallas_call(
        _ln_body,
        grid=(NBLK,),
        in_specs=[
            pl.BlockSpec((RB, DIM), lambda i: (i, 0)),
            pl.BlockSpec((1, DIM), lambda i: (0, 0)),
            pl.BlockSpec((1, DIM), lambda i: (0, 0)),
        ],
        out_specs=pl.BlockSpec((RB, DIM), lambda i: (i, 0)),
        out_shape=jax.ShapeDtypeStruct((N, DIM), jnp.float32),
    )(x, w.reshape(1, DIM), b.reshape(1, DIM))


def _mlp_body(eps_ref, x_ref, xn_ref, aggr_ref, batch_ref,
              w1_ref, b1_ref, lnw_ref, lnb_ref, w2_ref, b2_ref, g_ref,
              x1_ref, sums_ref, cnts_ref):
    i = pl.program_id(0)
    eps = eps_ref[0]
    h = (1.0 + eps) * xn_ref[...] + aggr_ref[...]
    h = jnp.dot(h, w1_ref[...], preferred_element_type=jnp.float32) + b1_ref[...]
    h = _ln(h, lnw_ref[...], lnb_ref[...])
    h = _gelu(h)
    h = jnp.dot(h, w2_ref[...], preferred_element_type=jnp.float32) + b2_ref[...]
    x1 = x_ref[...] + g_ref[...] * h
    x1_ref[...] = x1

    bl = batch_ref[0]
    ohT = (lax.broadcasted_iota(jnp.int32, (B, RB), 0) == bl).astype(jnp.float32)

    @pl.when(i == 0)
    def _():
        sums_ref[...] = jnp.zeros_like(sums_ref)
        cnts_ref[...] = jnp.zeros_like(cnts_ref)

    sums_ref[...] += jnp.dot(ohT, x1, preferred_element_type=jnp.float32)
    cnts_ref[...] += jnp.dot(ohT, jnp.ones((RB, DIM), jnp.float32),
                             preferred_element_type=jnp.float32)


def _mlp_stage(eps, x, xn, aggr, batch3, w1t, b1, lnw, lnb, w2t, b2, g):
    return pl.pallas_call(
        _mlp_body,
        grid=(NBLK,),
        in_specs=[
            pl.BlockSpec(memory_space=pltpu.SMEM),
            pl.BlockSpec((RB, DIM), lambda i: (i, 0)),
            pl.BlockSpec((RB, DIM), lambda i: (i, 0)),
            pl.BlockSpec((RB, DIM), lambda i: (i, 0)),
            pl.BlockSpec((1, 1, RB), lambda i: (i, 0, 0)),
            pl.BlockSpec((DIM, 2 * DIM), lambda i: (0, 0)),
            pl.BlockSpec((1, 2 * DIM), lambda i: (0, 0)),
            pl.BlockSpec((1, 2 * DIM), lambda i: (0, 0)),
            pl.BlockSpec((1, 2 * DIM), lambda i: (0, 0)),
            pl.BlockSpec((2 * DIM, DIM), lambda i: (0, 0)),
            pl.BlockSpec((1, DIM), lambda i: (0, 0)),
            pl.BlockSpec((1, DIM), lambda i: (0, 0)),
        ],
        out_specs=[
            pl.BlockSpec((RB, DIM), lambda i: (i, 0)),
            pl.BlockSpec((B, DIM), lambda i: (0, 0)),
            pl.BlockSpec((B, DIM), lambda i: (0, 0)),
        ],
        out_shape=[
            jax.ShapeDtypeStruct((N, DIM), jnp.float32),
            jax.ShapeDtypeStruct((B, DIM), jnp.float32),
            jax.ShapeDtypeStruct((B, DIM), jnp.float32),
        ],
    )(eps, x, xn, aggr, batch3, w1t, b1, lnw, lnb, w2t, b2, g)


def _tok_body(vf_ref, sums_ref, cnts_ref,
              vnw_ref, vnb_ref, wq_ref, bq_ref, wk_ref, bk_ref, wv_ref, bv_ref,
              wo_ref, bo_ref, g_ref, kvw_ref, kvb_ref,
              vout_ref, kbd_ref, vbd_ref):
    ns = sums_ref[...] / jnp.maximum(cnts_ref[...], 1.0)
    vf = vf_ref[...]
    vn = _ln(vf, vnw_ref[...], vnb_ref[...])
    q = jnp.dot(vn, wq_ref[...], preferred_element_type=jnp.float32) + bq_ref[...]
    k_self = jnp.dot(vn, wk_ref[...], preferred_element_type=jnp.float32) + bk_ref[...]
    v_self = jnp.dot(vn, wv_ref[...], preferred_element_type=jnp.float32) + bv_ref[...]
    k_ns = jnp.dot(ns, wk_ref[...], preferred_element_type=jnp.float32) + bk_ref[...]
    v_ns = jnp.dot(ns, wv_ref[...], preferred_element_type=jnp.float32) + bv_ref[...]

    G = B * HEADS
    qh = q.reshape(B, T, HEADS, HD).transpose(0, 2, 1, 3).reshape(G, T, HD)
    kh_s = k_self.reshape(B, T, HEADS, HD).transpose(0, 2, 1, 3).reshape(G, T, HD)
    vh_s = v_self.reshape(B, T, HEADS, HD).transpose(0, 2, 1, 3).reshape(G, T, HD)
    kh_n = k_ns.reshape(B, 1, HEADS, HD).transpose(0, 2, 1, 3).reshape(G, 1, HD)
    vh_n = v_ns.reshape(B, 1, HEADS, HD).transpose(0, 2, 1, 3).reshape(G, 1, HD)
    kh = jnp.concatenate([kh_s, kh_n], axis=1)
    vh = jnp.concatenate([vh_s, vh_n], axis=1)
    att = jnp.einsum('gqd,gkd->gqk', qh, kh,
                     preferred_element_type=jnp.float32) * (1.0 / math.sqrt(HD))
    att = jax.nn.softmax(att, axis=-1)
    o = jnp.einsum('gqk,gkd->gqd', att, vh,
                   preferred_element_type=jnp.float32)
    o = o.reshape(B, HEADS, T, HD).transpose(0, 2, 1, 3).reshape(B * T, DIM)
    v_upd = jnp.dot(o, wo_ref[...], preferred_element_type=jnp.float32) + bo_ref[...]
    v_new = vf + g_ref[...] * v_upd
    vout_ref[...] = v_new

    kv = jnp.dot(v_new, kvw_ref[...], preferred_element_type=jnp.float32) + kvb_ref[...]
    k2 = kv[:, :DIM].reshape(B, T, DIM)
    v2 = kv[:, DIM:].reshape(B, T, DIM)
    hmask = (lax.broadcasted_iota(jnp.int32, (DIM, HEADS * T), 0) // HD ==
             lax.broadcasted_iota(jnp.int32, (DIM, HEADS * T), 1) // T
             ).astype(jnp.float32)
    k2t = k2.transpose(0, 2, 1)
    kbd_ref[...] = jnp.tile(k2t, (1, 1, HEADS)) * hmask
    hmask2 = (lax.broadcasted_iota(jnp.int32, (HEADS * T, DIM), 1) // HD ==
              lax.broadcasted_iota(jnp.int32, (HEADS * T, DIM), 0) // T
              ).astype(jnp.float32)
    vbd_ref[...] = jnp.tile(v2, (1, HEADS, 1)) * hmask2


def _tok_stage(vf, sums, cnts, vnw, vnb, wqt, bq, wkt, bk, wvt, bv,
               wot, bo, g, kvwt, kvb):
    full = lambda s: pl.BlockSpec(s, lambda: tuple(0 for _ in s))
    args = (vf, sums, cnts, vnw, vnb, wqt, bq, wkt, bk, wvt, bv, wot, bo, g,
            kvwt, kvb)
    return pl.pallas_call(
        _tok_body,
        in_specs=[full(a.shape) for a in args],
        out_specs=[full((B * T, DIM)), full((B, DIM, HEADS * T)),
                   full((B, HEADS * T, DIM))],
        out_shape=[
            jax.ShapeDtypeStruct((B * T, DIM), jnp.float32),
            jax.ShapeDtypeStruct((B, DIM, HEADS * T), jnp.float32),
            jax.ShapeDtypeStruct((B, HEADS * T, DIM), jnp.float32),
        ],
    )(*args)


def _xattn_body(present_ref, x1_ref, oh_ref, kbd_ref, vbd_ref,
                n3w_ref, n3b_ref, qw_ref, qb_ref, ow_ref, ob_ref, g_ref,
                n4w_ref, n4b_ref, f1w_ref, f1b_ref, bnw_ref, bnb_ref,
                f2w_ref, f2b_ref, xo_ref, sacc_ref, oacc_ref):
    i = pl.program_id(0)
    x1 = x1_ref[...]
    xn = _ln(x1, n3w_ref[...], n3b_ref[...])
    q2 = jnp.dot(xn, qw_ref[...], preferred_element_type=jnp.float32) + qb_ref[...]

    scale = 1.0 / math.sqrt(HD)
    sacc_ref[...] = jnp.zeros((RB, HEADS * T), jnp.float32)
    for b in range(B):
        @pl.when(present_ref[i, b] > 0)
        def _(b=b):
            rm = oh_ref[:, b:b + 1]
            sb = jnp.dot(q2, kbd_ref[b], preferred_element_type=jnp.float32)
            sacc_ref[...] += sb * rm
    scores = sacc_ref[...] * scale
    rmax = jnp.max(scores, axis=1, keepdims=True)
    e = jnp.exp(scores - rmax)
    gsel = (lax.broadcasted_iota(jnp.int32, (HEADS * T, HEADS), 0) // T ==
            lax.broadcasted_iota(jnp.int32, (HEADS * T, HEADS), 1)
            ).astype(jnp.float32)
    gselT = (lax.broadcasted_iota(jnp.int32, (HEADS, HEADS * T), 1) // T ==
             lax.broadcasted_iota(jnp.int32, (HEADS, HEADS * T), 0)
             ).astype(jnp.float32)
    denom = jnp.dot(e, gsel, preferred_element_type=jnp.float32)
    dfull = jnp.dot(denom, gselT, preferred_element_type=jnp.float32)
    attn = e / dfull

    oacc_ref[...] = jnp.zeros((RB, DIM), jnp.float32)
    for b in range(B):
        @pl.when(present_ref[i, b] > 0)
        def _(b=b):
            rm = oh_ref[:, b:b + 1]
            oacc_ref[...] += jnp.dot(attn * rm, vbd_ref[b],
                                     preferred_element_type=jnp.float32)
    out = oacc_ref[...]
    attn_out = jnp.dot(out, ow_ref[...], preferred_element_type=jnp.float32) + ob_ref[...]
    x2 = x1 + g_ref[...] * attn_out

    x4 = _ln(x2, n4w_ref[...], n4b_ref[...])
    f = jnp.dot(x4, f1w_ref[...], preferred_element_type=jnp.float32) + f1b_ref[...]
    f = f * (1.0 / math.sqrt(1.0 + 1e-5)) * bnw_ref[...] + bnb_ref[...]
    f = _gelu(f)
    f = jnp.dot(f, f2w_ref[...], preferred_element_type=jnp.float32) + f2b_ref[...]
    xo_ref[...] = x2 + f


def _xattn_stage(present, x1, ohN, kbd, vbd, n3w, n3b, qwt, qb, owt, obb, g,
                 n4w, n4b, f1wt, f1b, bnw, bnb, f2wt, f2b):
    rep = lambda s: pl.BlockSpec(s, lambda i: tuple(0 for _ in s))
    return pl.pallas_call(
        _xattn_body,
        grid=(NBLK,),
        in_specs=[
            pl.BlockSpec(memory_space=pltpu.SMEM),
            pl.BlockSpec((RB, DIM), lambda i: (i, 0)),
            pl.BlockSpec((RB, B), lambda i: (i, 0)),
            rep((B, DIM, HEADS * T)),
            rep((B, HEADS * T, DIM)),
            rep((1, DIM)), rep((1, DIM)),
            rep((DIM, DIM)), rep((1, DIM)),
            rep((DIM, DIM)), rep((1, DIM)), rep((1, DIM)),
            rep((1, DIM)), rep((1, DIM)),
            rep((DIM, 4 * DIM)), rep((1, 4 * DIM)),
            rep((1, 4 * DIM)), rep((1, 4 * DIM)),
            rep((4 * DIM, DIM)), rep((1, DIM)),
        ],
        out_specs=pl.BlockSpec((RB, DIM), lambda i: (i, 0)),
        out_shape=jax.ShapeDtypeStruct((N, DIM), jnp.float32),
        scratch_shapes=[pltpu.VMEM((RB, HEADS * T), jnp.float32),
                        pltpu.VMEM((RB, DIM), jnp.float32)],
    )(present, x1, ohN, kbd, vbd, n3w, n3b, qwt, qb, owt, obb, g,
      n4w, n4b, f1wt, f1b, bnw, bnb, f2wt, f2b)


from jax.experimental.pallas import tpu_sc as plsc

NC = 2
NS = 16
L = 16
HALF = N // NC
TRASH = HALF
CE = 640
NCHUNK = E // CE


def _gine_sc_body(xnr_hbm, src_hbm, dst_hbm, ea_hbm, out_hbm,
                  acc, rows0, rows1, ea0, ea1, src0, src1, dst0, dst1,
                  gix0, gix1, semi0, semi1, semd0, semd1):
    c = lax.axis_index("c")
    s = lax.axis_index("s")
    zero = jnp.zeros((L,), jnp.float32)

    def zfill(r, carry):
        acc[pl.ds(r * L, L)] = zero
        return carry

    lax.fori_loop(0, HALF + 8, zfill, 0, unroll=8)

    half0 = c * HALF
    col0 = s * L
    rowsb = [rows0, rows1]
    eab = [ea0, ea1]
    srcb = [src0, src1]
    dstb = [dst0, dst1]
    gixb = [gix0, gix1]
    semi = [semi0, semi1]
    semd = [semd0, semd1]

    def fire_idx(k, t):
        base = k * CE
        pltpu.async_copy(src_hbm.at[pl.ds(base, CE)], srcb[t], semi[t])
        pltpu.async_copy(dst_hbm.at[pl.ds(base, CE)], dstb[t], semi[t])

    def wait_idx(k, t):
        base = k * CE
        pltpu.make_async_copy(src_hbm.at[pl.ds(base, CE)], srcb[t], semi[t]).wait()
        pltpu.make_async_copy(dst_hbm.at[pl.ds(base, CE)], dstb[t], semi[t]).wait()

    def fire_dat(k, t):
        for j in range(CE // L):
            gixb[t][pl.ds(j * L, L)] = srcb[t][pl.ds(j * L, L)] * L + s
        pltpu.async_copy(xnr_hbm.at[gixb[t]], rowsb[t], semd[t])
        base = k * CE
        pltpu.async_copy(ea_hbm.at[pl.ds(base, CE), pl.ds(col0, L)], eab[t], semd[t])

    def wait_dat(k, t):
        base = k * CE
        pltpu.make_async_copy(xnr_hbm.at[gixb[t]], rowsb[t], semd[t]).wait()
        pltpu.make_async_copy(ea_hbm.at[pl.ds(base, CE), pl.ds(col0, L)],
                              eab[t], semd[t]).wait()

    cols = lax.iota(jnp.int32, L)

    def compute(t):
        rv, ev, dv_ref = rowsb[t], eab[t], dstb[t]

        def blk(bq, cr):
            dv = dv_ref[pl.ds(bq * L, L)]
            dl = dv - half0
            dl = jnp.where((dl >= 0) & (dl < HALF), dl, TRASH) * L
            for j in range(L):
                e = bq * L + j
                msg = jnp.maximum(rv[e] + ev[e], 0.0)
                addr = dl.at[jnp.full((L,), j, jnp.int32)].get(
                    mode='promise_in_bounds') + cols
                plsc.addupdate_scatter(acc, [addr], msg)
            return cr

        lax.fori_loop(0, CE // L, blk, 0, unroll=2)

    fire_idx(0, 0)
    wait_idx(0, 0)
    fire_dat(0, 0)
    fire_idx(1, 1)

    def pair(m, carry):
        k0 = 2 * m
        k1 = k0 + 1
        wait_idx(k1, 1)
        fire_dat(k1, 1)
        wait_dat(k0, 0)
        compute(0)

        @pl.when(k0 + 2 < NCHUNK)
        def _():
            fire_idx(k0 + 2, 0)

        @pl.when(k0 + 2 < NCHUNK)
        def _():
            wait_idx(k0 + 2, 0)
            fire_dat(k0 + 2, 0)

        wait_dat(k1, 1)
        compute(1)

        @pl.when(k1 + 2 < NCHUNK)
        def _():
            fire_idx(k1 + 2, 1)

        return carry

    lax.fori_loop(0, NCHUNK // 2, pair, 0)
    pltpu.sync_copy(acc.at[pl.ds(0, HALF * L)], out_hbm.at[c, s])


def _gine_aggr(xn, src, dst, edge_attr):
    xnr = xn.reshape(N * L, L)
    mesh = plsc.VectorSubcoreMesh(core_axis_name="c", subcore_axis_name="s",
                                  num_cores=NC, num_subcores=NS)
    f = pl.kernel(
        _gine_sc_body,
        out_type=jax.ShapeDtypeStruct((NC, NS, HALF * L), jnp.float32),
        mesh=mesh,
        scratch_types=[
            pltpu.VMEM(((HALF + 8) * L,), jnp.float32),
            pltpu.VMEM((CE, L), jnp.float32),
            pltpu.VMEM((CE, L), jnp.float32),
            pltpu.VMEM((CE, L), jnp.float32),
            pltpu.VMEM((CE, L), jnp.float32),
            pltpu.VMEM((CE,), jnp.int32),
            pltpu.VMEM((CE,), jnp.int32),
            pltpu.VMEM((CE,), jnp.int32),
            pltpu.VMEM((CE,), jnp.int32),
            pltpu.VMEM((CE,), jnp.int32),
            pltpu.VMEM((CE,), jnp.int32),
            pltpu.SemaphoreType.DMA,
            pltpu.SemaphoreType.DMA,
            pltpu.SemaphoreType.DMA,
            pltpu.SemaphoreType.DMA,
        ],
        compiler_params=pltpu.CompilerParams(use_tc_tiling_on_sc=False,
                                             needs_layout_passes=False),
    )
    out3 = f(xnr, src, dst, edge_attr)
    return (out3.reshape(NC, NS, HALF, L).transpose(0, 2, 1, 3)
            .reshape(N, DIM))


def kernel(x, edge_index, edge_attr, v, batch, params):
    p = params
    xn = _ln_x(x, p['norm1_w'], p['norm1_b'])
    aggr = _gine_aggr(xn, edge_index[0], edge_index[1], edge_attr)

    batch3 = batch.reshape(NBLK, 1, RB)
    r = lambda a: a.reshape(1, -1)
    x1, sums, cnts = _mlp_stage(
        p['eps'].reshape(1), x, xn, aggr, batch3,
        p['mlp1_w'].T, r(p['mlp1_b']), r(p['mlp_ln_w']), r(p['mlp_ln_b']),
        p['mlp2_w'].T, r(p['mlp2_b']), r(p['res1_g']))

    aw = p['attn_in_w']
    ab = p['attn_in_b']
    vf = v.reshape(B * T, DIM)
    v_out, kbd, vbd = _tok_stage(
        vf, sums, cnts, r(p['vnorm_w']), r(p['vnorm_b']),
        aw[:DIM].T, r(ab[:DIM]), aw[DIM:2 * DIM].T, r(ab[DIM:2 * DIM]),
        aw[2 * DIM:].T, r(ab[2 * DIM:]),
        p['attn_out_w'].T, r(p['attn_out_b']), r(p['res2_g']),
        p['kv_w'].T, r(p['kv_b']))

    ohN = (batch[:, None] == jnp.arange(B)[None, :]).astype(jnp.float32)
    blk = jnp.arange(N) // RB
    present = jnp.zeros((NBLK, B), jnp.int32).at[blk, batch].add(1)

    x_out = _xattn_stage(
        present, x1, ohN, kbd, vbd,
        r(p['norm3_w']), r(p['norm3_b']), p['q_w'].T, r(p['q_b']),
        p['o_w'].T, r(p['o_b']), r(p['res3_g']),
        r(p['norm4_w']), r(p['norm4_b']), p['ffn1_w'].T, r(p['ffn1_b']),
        r(p['bn_w']), r(p['bn_b']), p['ffn2_w'].T, r(p['ffn2_b']))
    return x_out, v_out.reshape(B, T, DIM)

# --- scband reference (transcript-rebuilt; emitter-appended) ---
"""Pipeline reference for scband-optimized-nexus-block-75969381532449 (READ-ONLY COPY).

The authoritative reference and input builder live on the scoring server;
editing this copy changes nothing except your own understanding.
"""

import jax, jax.numpy as jnp
import numpy as np

N = 10000
E = 160000
DIM = 256
HEADS = 16
HD = DIM // HEADS
B = 16
T = 32


def _ln(x, w, b, eps=1e-5):
    m = jnp.mean(x, axis=-1, keepdims=True)
    va = jnp.mean((x - m) ** 2, axis=-1, keepdims=True)
    return (x - m) / jnp.sqrt(va + eps) * w + b


def _make_params(key):
    ks = jax.random.split(key, 12)
    def w(k, shape):
        return jax.random.normal(k, shape, jnp.float32) * 0.02
    ones = lambda n: jnp.ones((n,), jnp.float32)
    zeros = lambda n: jnp.zeros((n,), jnp.float32)
    p = {}
    p['norm1_w'] = ones(DIM); p['norm1_b'] = zeros(DIM)
    p['eps'] = jnp.zeros((), jnp.float32)
    p['mlp1_w'] = w(ks[0], (2 * DIM, DIM)); p['mlp1_b'] = zeros(2 * DIM)
    p['mlp_ln_w'] = ones(2 * DIM); p['mlp_ln_b'] = zeros(2 * DIM)
    p['mlp2_w'] = w(ks[1], (DIM, 2 * DIM)); p['mlp2_b'] = zeros(DIM)
    p['res1_g'] = jnp.full((DIM,), 1e-5, jnp.float32)
    p['vnorm_w'] = ones(DIM); p['vnorm_b'] = zeros(DIM)
    p['attn_in_w'] = w(ks[2], (3 * DIM, DIM)); p['attn_in_b'] = zeros(3 * DIM)
    p['attn_out_w'] = w(ks[3], (DIM, DIM)); p['attn_out_b'] = zeros(DIM)
    p['res2_g'] = jnp.full((DIM,), 1e-5, jnp.float32)
    p['norm3_w'] = ones(DIM); p['norm3_b'] = zeros(DIM)
    p['q_w'] = w(ks[4], (DIM, DIM)); p['q_b'] = zeros(DIM)
    p['kv_w'] = w(ks[5], (2 * DIM, DIM)); p['kv_b'] = zeros(2 * DIM)
    p['o_w'] = w(ks[6], (DIM, DIM)); p['o_b'] = zeros(DIM)
    p['res3_g'] = jnp.full((DIM,), 1e-5, jnp.float32)
    p['norm4_w'] = ones(DIM); p['norm4_b'] = zeros(DIM)
    p['ffn1_w'] = w(ks[7], (4 * DIM, DIM)); p['ffn1_b'] = zeros(4 * DIM)
    p['bn_w'] = ones(4 * DIM); p['bn_b'] = zeros(4 * DIM)
    p['ffn2_w'] = w(ks[8], (DIM, 4 * DIM)); p['ffn2_b'] = zeros(DIM)
    return p


def _forward(x, edge_attr, v, params, edge_index, batch):
    p = params
    # GINEConv(norm1(x)) with nn = MLP([dim, 2dim, dim], gelu, layer_norm), train_eps
    xn = _ln(x, p['norm1_w'], p['norm1_b'])
    src = edge_index[0]
    dst = edge_index[1]
    msg = jax.nn.relu(xn[src] + edge_attr)
    aggr = jnp.zeros_like(xn).at[dst].add(msg)
    h = (1.0 + p['eps']) * xn + aggr
    h = h @ p['mlp1_w'].T + p['mlp1_b']
    h = _ln(h, p['mlp_ln_w'], p['mlp_ln_b'])
    h = jax.nn.gelu(h, approximate=False)
    h = h @ p['mlp2_w'].T + p['mlp2_b']
    x = x + p['res1_g'] * h  # GatedResidual (drop_path identity in eval)

    # token self/cross attention with node summary
    v_res = v
    vn = _ln(v, p['vnorm_w'], p['vnorm_b'])
    nb = v.shape[0]
    sums = jax.ops.segment_sum(x, batch, num_segments=nb)
    cnts = jax.ops.segment_sum(jnp.ones((x.shape[0], 1), x.dtype), batch, num_segments=nb)
    node_summary = (sums / jnp.maximum(cnts, 1.0))[:, None, :]
    ctx = jnp.concatenate([vn, node_summary], axis=1)
    Wq = p['attn_in_w'][:DIM]; Wk = p['attn_in_w'][DIM:2 * DIM]; Wv = p['attn_in_w'][2 * DIM:]
    bq = p['attn_in_b'][:DIM]; bk = p['attn_in_b'][DIM:2 * DIM]; bv = p['attn_in_b'][2 * DIM:]
    q = vn @ Wq.T + bq
    k = ctx @ Wk.T + bk
    val = ctx @ Wv.T + bv
    def heads(t):
        return t.reshape(t.shape[0], t.shape[1], HEADS, HD).transpose(0, 2, 1, 3)
    qh, kh, vh = heads(q), heads(k), heads(val)
    att = jax.nn.softmax(jnp.einsum('bhqd,bhkd->bhqk', qh, kh) * (1.0 / np.sqrt(HD)), axis=-1)
    o = jnp.einsum('bhqk,bhkd->bhqd', att, vh).transpose(0, 2, 1, 3).reshape(nb, -1, DIM)
    v_upd = o @ p['attn_out_w'].T + p['attn_out_b']
    v = v_res + p['res2_g'] * v_upd

    # node -> token cross attention
    x_norm = _ln(x, p['norm3_w'], p['norm3_b'])
    q2 = (x_norm @ p['q_w'].T + p['q_b']).reshape(-1, HEADS, HD)
    kv = (v @ p['kv_w'].T + p['kv_b']).reshape(nb, v.shape[1], 2, HEADS, HD)
    k2 = kv[:, :, 0]
    val2 = kv[:, :, 1]
    k_exp = k2[batch]
    val_exp = val2[batch]
    scores = jnp.einsum('nhd,nthd->nht', q2, k_exp) * (1.0 / np.sqrt(HD))
    attn = jax.nn.softmax(scores, axis=-1)  # scatter_softmax with single segment == softmax over T
    attn_out = jnp.einsum('nht,nthd->nhd', attn, val_exp).reshape(-1, DIM)
    x = x + p['res3_g'] * (attn_out @ p['o_w'].T + p['o_b'])

    # FFN: MLP([dim, 4dim, dim], gelu) with default batch_norm (eval: running stats 0/1)
    x4 = _ln(x, p['norm4_w'], p['norm4_b'])
    f = x4 @ p['ffn1_w'].T + p['ffn1_b']
    f = f / jnp.sqrt(1.0 + 1e-5) * p['bn_w'] + p['bn_b']
    f = jax.nn.gelu(f, approximate=False)
    f = f @ p['ffn2_w'].T + p['ffn2_b']
    x = x + f
    return x, v


def setup_inputs(seed: int = 0):
    key = jax.random.key(seed)
    k1, k2, k3, k4, k5 = jax.random.split(key, 5)
    x = jax.random.normal(k1, (N, DIM), jnp.float32)
    edge_index = jax.random.randint(k2, (2, E), 0, N, jnp.int32)
    edge_attr = jax.random.normal(k3, (E, DIM), jnp.float32)
    v = jax.random.normal(k4, (B, T, DIM), jnp.float32)
    batch = jnp.sort(jax.random.randint(k5, (N,), 0, B, jnp.int32))
    params = _make_params(jax.random.key(1))
    return {'x': x, 'edge_index': edge_index, 'edge_attr': edge_attr, 'v': v, 'batch': batch, 'params': params}


def reference(x, edge_index, edge_attr, v, batch, params):
    return _forward(x, edge_attr, v, params, edge_index, batch)

if __name__ == "__main__":
    import jax
    _d = setup_inputs()
    print(jax.jit(kernel)(*tuple(_d.values())))

</pallas_src>

<mosaic_0001>
#map = affine_map<(d0, d1) -> (0, 0)>
#map1 = affine_map<(d0, d1) -> (0)>
#map2 = affine_map<(d0, d1) -> (0, 0, 0)>
module attributes {stable_mosaic.version = 14 : i64} {
  func.func @_gine_sc_body(%arg0: i32, %arg1: i32, %arg2: memref<160000x16xf32, #tpu.memory_space<hbm>>, %arg3: memref<160000xi32, #tpu.memory_space<hbm>>, %arg4: memref<160000xi32, #tpu.memory_space<hbm>>, %arg5: memref<160000x256xf32, #tpu.memory_space<hbm>>, %arg6: memref<2x16x80000xf32, #tpu.memory_space<hbm>>, %arg7: memref<80128xf32, #tpu.memory_space<vmem>>, %arg8: memref<640x16xf32, #tpu.memory_space<vmem>>, %arg9: memref<640x16xf32, #tpu.memory_space<vmem>>, %arg10: memref<640x16xf32, #tpu.memory_space<vmem>>, %arg11: memref<640x16xf32, #tpu.memory_space<vmem>>, %arg12: memref<640xi32, #tpu.memory_space<vmem>>, %arg13: memref<640xi32, #tpu.memory_space<vmem>>, %arg14: memref<640xi32, #tpu.memory_space<vmem>>, %arg15: memref<640xi32, #tpu.memory_space<vmem>>, %arg16: memref<640xi32, #tpu.memory_space<vmem>>, %arg17: memref<640xi32, #tpu.memory_space<vmem>>, %arg18: memref<!tpu.dma_semaphore, #tpu.memory_space<semaphore_mem>>, %arg19: memref<!tpu.dma_semaphore, #tpu.memory_space<semaphore_mem>>, %arg20: memref<!tpu.dma_semaphore, #tpu.memory_space<semaphore_mem>>, %arg21: memref<!tpu.dma_semaphore, #tpu.memory_space<semaphore_mem>>) attributes {dimension_semantics = [#tpu.dimension_semantics<core_parallel>, #tpu.dimension_semantics<subcore_parallel>], iteration_bounds = array<i64: 2, 16>, scalar_prefetch = 0 : i64, scratch_operands = 15 : i64, tpu.core_type = #tpu.core_type<sc_vector_subcore>, window_params = [{transform_indices = #map}, {transform_indices = #map1}, {transform_indices = #map1}, {transform_indices = #map}, {transform_indices = #map2}]} {
    %broadcast_in_dim3A = arith.constant 0.000000e+00 : f32
    %broadcast_in_dim3A_0 = vector.broadcast %broadcast_in_dim3A : f32 to vector<16xf32>
    %scan3A = arith.constant 0 : i32
    %scan3A_1 = arith.constant 0 : i32
    %scan3A_2 = arith.constant 5008 : i32
    %scan3A_3 = arith.addi %scan3A_1, %scan3A_2 : i32
    %scan3A_4 = arith.constant 8 : i32
    scf.for %scan3A_401 = %scan3A_1 to %scan3A_3 step %scan3A_4  : i32 {
      %mul3A_402 = arith.constant 16 : i32
      %mul3A_403 = arith.muli %scan3A_401, %mul3A_402 : i32
      %swap3A_404 = arith.index_cast %mul3A_403 : i32 to index
      %swap3A_405 = tpu.vector_load %arg7[%swap3A_404] {strides = array<i32>} : memref<80128xf32, #tpu.memory_space<vmem>>, vector<16xf32>,
      tpu.vector_store %arg7[%swap3A_404], %broadcast_in_dim3A_0 {strides = array<i32>} : memref<80128xf32, #tpu.memory_space<vmem>>, vector<16xf32>,
      %scan3A_406 = arith.constant 1 : i32
      %scan3A_407 = arith.addi %scan3A_401, %scan3A_406 : i32
      %mul3A_408 = arith.constant 16 : i32
      %mul3A_409 = arith.muli %scan3A_407, %mul3A_408 : i32
      %swap3A_410 = arith.index_cast %mul3A_409 : i32 to index
      %swap3A_411 = tpu.vector_load %arg7[%swap3A_410] {strides = array<i32>} : memref<80128xf32, #tpu.memory_space<vmem>>, vector<16xf32>,
      tpu.vector_store %arg7[%swap3A_410], %broadcast_in_dim3A_0 {strides = array<i32>} : memref<80128xf32, #tpu.memory_space<vmem>>, vector<16xf32>,
      %scan3A_412 = arith.constant 2 : i32
      %scan3A_413 = arith.addi %scan3A_401, %scan3A_412 : i32
      %mul3A_414 = arith.constant 16 : i32
      %mul3A_415 = arith.muli %scan3A_413, %mul3A_414 : i32
      %swap3A_416 = arith.index_cast %mul3A_415 : i32 to index
      %swap3A_417 = tpu.vector_load %arg7[%swap3A_416] {strides = array<i32>} : memref<80128xf32, #tpu.memory_space<vmem>>, vector<16xf32>,
      tpu.vector_store %arg7[%swap3A_416], %broadcast_in_dim3A_0 {strides = array<i32>} : memref<80128xf32, #tpu.memory_space<vmem>>, vector<16xf32>,
      %scan3A_418 = arith.constant 3 : i32
      %scan3A_419 = arith.addi %scan3A_401, %scan3A_418 : i32
      %mul3A_420 = arith.constant 16 : i32
      %mul3A_421 = arith.muli %scan3A_419, %mul3A_420 : i32
      %swap3A_422 = arith.index_cast %mul3A_421 : i32 to index
      %swap3A_423 = tpu.vector_load %arg7[%swap3A_422] {strides = array<i32>} : memref<80128xf32, #tpu.memory_space<vmem>>, vector<16xf32>,
      tpu.vector_store %arg7[%swap3A_422], %broadcast_in_dim3A_0 {strides = array<i32>} : memref<80128xf32, #tpu.memory_space<vmem>>, vector<16xf32>,
      %scan3A_424 = arith.constant 4 : i32
      %scan3A_425 = arith.addi %scan3A_401, %scan3A_424 : i32
      %mul3A_426 = arith.constant 16 : i32
      %mul3A_427 = arith.muli %scan3A_425, %mul3A_426 : i32
      %swap3A_428 = arith.index_cast %mul3A_427 : i32 to index
      %swap3A_429 = tpu.vector_load %arg7[%swap3A_428] {strides = array<i32>} : memref<80128xf32, #tpu.memory_space<vmem>>, vector<16xf32>,
      tpu.vector_store %arg7[%swap3A_428], %broadcast_in_dim3A_0 {strides = array<i32>} : memref<80128xf32, #tpu.memory_space<vmem>>, vector<16xf32>,
      %scan3A_430 = arith.constant 5 : i32
      %scan3A_431 = arith.addi %scan3A_401, %scan3A_430 : i32
      %mul3A_432 = arith.constant 16 : i32
      %mul3A_433 = arith.muli %scan3A_431, %mul3A_432 : i32
      %swap3A_434 = arith.index_cast %mul3A_433 : i32 to index
      %swap3A_435 = tpu.vector_load %arg7[%swap3A_434] {strides = array<i32>} : memref<80128xf32, #tpu.memory_space<vmem>>, vector<16xf32>,
      tpu.vector_store %arg7[%swap3A_434], %broadcast_in_dim3A_0 {strides = array<i32>} : memref<80128xf32, #tpu.memory_space<vmem>>, vector<16xf32>,
      %scan3A_436 = arith.constant 6 : i32
      %scan3A_437 = arith.addi %scan3A_401, %scan3A_436 : i32
      %mul3A_438 = arith.constant 16 : i32
      %mul3A_439 = arith.muli %scan3A_437, %mul3A_438 : i32
      %swap3A_440 = arith.index_cast %mul3A_439 : i32 to index
      %swap3A_441 = tpu.vector_load %arg7[%swap3A_440] {strides = array<i32>} : memref<80128xf32, #tpu.memory_space<vmem>>, vector<16xf32>,
      tpu.vector_store %arg7[%swap3A_440], %broadcast_in_dim3A_0 {strides = array<i32>} : memref<80128xf32, #tpu.memory_space<vmem>>, vector<16xf32>,
      %scan3A_442 = arith.constant 7 : i32
      %scan3A_443 = arith.addi %scan3A_401, %scan3A_442 : i32
      %mul3A_444 = arith.constant 16 : i32
      %mul3A_445 = arith.muli %scan3A_443, %mul3A_444 : i32
      %swap3A_446 = arith.index_cast %mul3A_445 : i32 to index
      %swap3A_447 = tpu.vector_load %arg7[%swap3A_446] {strides = array<i32>} : memref<80128xf32, #tpu.memory_space<vmem>>, vector<16xf32>,
      tpu.vector_store %arg7[%swap3A_446], %broadcast_in_dim3A_0 {strides = array<i32>} : memref<80128xf32, #tpu.memory_space<vmem>>, vector<16xf32>,
    }
    %scan3A_5 = arith.constant 5008 : i32
    %mul3A = arith.constant 5000 : i32
    %mul3A_6 = arith.muli %arg0, %mul3A : i32
    %mul3A_7 = arith.constant 16 : i32
    %mul3A_8 = arith.muli %arg1, %mul3A_7 : i32
    %iota3A = tpu.iota {dimensions = array<i32: 0>} : vector<16xi32>
    %dma_start3A = arith.constant 0 : i32
    %dma_start3A_9 = tpu.memref_slice %arg3[%dma_start3A] : memref<160000xi32, #tpu.memory_space<hbm>> -> memref<640xi32, #tpu.memory_space<hbm>>
    %dma_start3A_10 = arith.constant 0 : i32
    %dma_start3A_11 = tpu.memref_slice %arg3[%dma_start3A_10] : memref<160000xi32, #tpu.memory_space<hbm>> -> memref<640xi32, #tpu.memory_space<hbm>>
    tpu.enqueue_dma source(%dma_start3A_11 : memref<640xi32, #tpu.memory_space<hbm>>) target(%arg12 : memref<640xi32, #tpu.memory_space<vmem>>) target_semaphore(%arg18 : memref<!tpu.dma_semaphore, #tpu.memory_space<semaphore_mem>>)
    %dma_start3A_12 = arith.constant 0 : i32
    %dma_start3A_13 = tpu.memref_slice %arg4[%dma_start3A_12] : memref<160000xi32, #tpu.memory_space<hbm>> -> memref<640xi32, #tpu.memory_space<hbm>>
    %dma_start3A_14 = arith.constant 0 : i32
    %dma_start3A_15 = tpu.memref_slice %arg4[%dma_start3A_14] : memref<160000xi32, #tpu.memory_space<hbm>> -> memref<640xi32, #tpu.memory_space<hbm>>
    tpu.enqueue_dma source(%dma_start3A_15 : memref<640xi32, #tpu.memory_space<hbm>>) target(%arg14 : memref<640xi32, #tpu.memory_space<vmem>>) target_semaphore(%arg18 : memref<!tpu.dma_semaphore, #tpu.memory_space<semaphore_mem>>)
    %dma_wait3A = arith.constant 0 : i32
    %dma_wait3A_16 = tpu.memref_slice %arg3[%dma_wait3A] : memref<160000xi32, #tpu.memory_space<hbm>> -> memref<640xi32, #tpu.memory_space<hbm>>
    %dma_wait3A_17 = arith.constant 0 : i32
    %dma_wait3A_18 = tpu.memref_slice %arg3[%dma_wait3A_17] : memref<160000xi32, #tpu.memory_space<hbm>> -> memref<640xi32, #tpu.memory_space<hbm>>
    tpu.wait_dma2 semaphore(%arg18 : memref<!tpu.dma_semaphore, #tpu.memory_space<semaphore_mem>>) src(%dma_wait3A_18 : memref<640xi32, #tpu.memory_space<hbm>>) dst(%arg12 : memref<640xi32, #tpu.memory_space<vmem>>)
    %dma_wait3A_19 = arith.constant 0 : i32
    %dma_wait3A_20 = tpu.memref_slice %arg4[%dma_wait3A_19] : memref<160000xi32, #tpu.memory_space<hbm>> -> memref<640xi32, #tpu.memory_space<hbm>>
    %dma_wait3A_21 = arith.constant 0 : i32
    %dma_wait3A_22 = tpu.memref_slice %arg4[%dma_wait3A_21] : memref<160000xi32, #tpu.memory_space<hbm>> -> memref<640xi32, #tpu.memory_space<hbm>>
    tpu.wait_dma2 semaphore(%arg18 : memref<!tpu.dma_semaphore, #tpu.memory_space<semaphore_mem>>) src(%dma_wait3A_22 : memref<640xi32, #tpu.memory_space<hbm>>) dst(%arg14 : memref<640xi32, #tpu.memory_space<vmem>>)
    %get3A = arith.constant 0 : index
    %get3A_23 = tpu.vector_load %arg12[%get3A] {strides = array<i32>} : memref<640xi32, #tpu.memory_space<vmem>>, vector<16xi32>,
    %mul3A_24 = arith.constant 16 : i32
    %mul3A_25 = vector.broadcast %mul3A_24 : i32 to vector<16xi32>
    %mul3A_26 = arith.muli %get3A_23, %mul3A_25 : vector<16xi32>
    %add3A = vector.broadcast %arg1 : i32 to vector<16xi32>
    %add3A_27 = arith.addi %mul3A_26, %add3A : vector<16xi32>
    %swap3A = arith.constant 0 : index
    %swap3A_28 = tpu.vector_load %arg16[%swap3A] {strides = array<i32>} : memref<640xi32, #tpu.memory_space<vmem>>, vector<16xi32>,
    tpu.vector_store %arg16[%swap3A], %add3A_27 {strides = array<i32>} : memref<640xi32, #tpu.memory_space<vmem>>, vector<16xi32>,
    %get3A_29 = arith.constant 16 : index
    %get3A_30 = tpu.vector_load %arg12[%get3A_29] {strides = array<i32>} : memref<640xi32, #tpu.memory_space<vmem>>, vector<16xi32>,
    %mul3A_31 = arith.constant 16 : i32
    %mul3A_32 = vector.broadcast %mul3A_31 : i32 to vector<16xi32>
    %mul3A_33 = arith.muli %get3A_30, %mul3A_32 : vector<16xi32>
    %add3A_34 = vector.broadcast %arg1 : i32 to vector<16xi32>
    %add3A_35 = arith.addi %mul3A_33, %add3A_34 : vector<16xi32>
    %swap3A_36 = arith.constant 16 : index
    %swap3A_37 = tpu.vector_load %arg16[%swap3A_36] {strides = array<i32>} : memref<640xi32, #tpu.memory_space<vmem>>, vector<16xi32>,
    tpu.vector_store %arg16[%swap3A_36], %add3A_35 {strides = array<i32>} : memref<640xi32, #tpu.memory_space<vmem>>, vector<16xi32>,
    %get3A_38 = arith.constant 32 : index
    %get3A_39 = tpu.vector_load %arg12[%get3A_38] {strides = array<i32>} : memref<640xi32, #tpu.memory_space<vmem>>, vector<16xi32>,
    %mul3A_40 = arith.constant 16 : i32
    %mul3A_41 = vector.broadcast %mul3A_40 : i32 to vector<16xi32>
    %mul3A_42 = arith.muli %get3A_39, %mul3A_41 : vector<16xi32>
    %add3A_43 = vector.broadcast %arg1 : i32 to vector<16xi32>
    %add3A_44 = arith.addi %mul3A_42, %add3A_43 : vector<16xi32>
    %swap3A_45 = arith.constant 32 : index
    %swap3A_46 = tpu.vector_load %arg16[%swap3A_45] {strides = array<i32>} : memref<640xi32, #tpu.memory_space<vmem>>, vector<16xi32>,
    tpu.vector_store %arg16[%swap3A_45], %add3A_44 {strides = array<i32>} : memref<640xi32, #tpu.memory_space<vmem>>, vector<16xi32>,
    %get3A_47 = arith.constant 48 : index
    %get3A_48 = tpu.vector_load %arg12[%get3A_47] {strides = array<i32>} : memref<640xi32, #tpu.memory_space<vmem>>, vector<16xi32>,
    %mul3A_49 = arith.constant 16 : i32
    %mul3A_50 = vector.broadcast %mul3A_49 : i32 to vector<16xi32>
    %mul3A_51 = arith.muli %get3A_48, %mul3A_50 : vector<16xi32>
    %add3A_52 = vector.broadcast %arg1 : i32 to vector<16xi32>
    %add3A_53 = arith.addi %mul3A_51, %add3A_52 : vector<16xi32>
    %swap3A_54 = arith.constant 48 : index
    %swap3A_55 = tpu.vector_load %arg16[%swap3A_54] {strides = array<i32>} : memref<640xi32, #tpu.memory_space<vmem>>, vector<16xi32>,
    tpu.vector_store %arg16[%swap3A_54], %add3A_53 {strides = array<i32>} : memref<640xi32, #tpu.memory_space<vmem>>, vector<16xi32>,
    %get3A_56 = arith.constant 64 : index
    %get3A_57 = tpu.vector_load %arg12[%get3A_56] {strides = array<i32>} : memref<640xi32, #tpu.memory_space<vmem>>, vector<16xi32>,
    %mul3A_58 = arith.constant 16 : i32
    %mul3A_59 = vector.broadcast %mul3A_58 : i32 to vector<16xi32>
    %mul3A_60 = arith.muli %get3A_57, %mul3A_59 : vector<16xi32>
    %add3A_61 = vector.broadcast %arg1 : i32 to vector<16xi32>
    %add3A_62 = arith.addi %mul3A_60, %add3A_61 : vector<16xi32>
    %swap3A_63 = arith.constant 64 : index
    %swap3A_64 = tpu.vector_load %arg16[%swap3A_63] {strides = array<i32>} : memref<640xi32, #tpu.memory_space<vmem>>, vector<16xi32>,
    tpu.vector_store %arg16[%swap3A_63], %add3A_62 {strides = array<i32>} : memref<640xi32, #tpu.memory_space<vmem>>, vector<16xi32>,
    %get3A_65 = arith.constant 80 : index
    %get3A_66 = tpu.vector_load %arg12[%get3A_65] {strides = array<i32>} : memref<640xi32, #tpu.memory_space<vmem>>, vector<16xi32>,
    %mul3A_67 = arith.constant 16 : i32
    %mul3A_68 = vector.broadcast %mul3A_67 : i32 to vector<16xi32>
    %mul3A_69 = arith.muli %get3A_66, %mul3A_68 : vector<16xi32>
    %add3A_70 = vector.broadcast %arg1 : i32 to vector<16xi32>
    %add3A_71 = arith.addi %mul3A_69, %add3A_70 : vector<16xi32>
    %swap3A_72 = arith.constant 80 : index
    %swap3A_73 = tpu.vector_load %arg16[%swap3A_72] {strides = array<i32>} : memref<640xi32, #tpu.memory_space<vmem>>, vector<16xi32>,
    tpu.vector_store %arg16[%swap3A_72], %add3A_71 {strides = array<i32>} : memref<640xi32, #tpu.memory_space<vmem>>, vector<16xi32>,
    %get3A_74 = arith.constant 96 : index
    %get3A_75 = tpu.vector_load %arg12[%get3A_74] {strides = array<i32>} : memref<640xi32, #tpu.memory_space<vmem>>, vector<16xi32>,
    %mul3A_76 = arith.constant 16 : i32
    %mul3A_77 = vector.broadcast %mul3A_76 : i32 to vector<16xi32>
    %mul3A_78 = arith.muli %get3A_75, %mul3A_77 : vector<16xi32>
    %add3A_79 = vector.broadcast %arg1 : i32 to vector<16xi32>
    %add3A_80 = arith.addi %mul3A_78, %add3A_79 : vector<16xi32>
    %swap3A_81 = arith.constant 96 : index
    %swap3A_82 = tpu.vector_load %arg16[%swap3A_81] {strides = array<i32>} : memref<640xi32, #tpu.memory_space<vmem>>, vector<16xi32>,
    tpu.vector_store %arg16[%swap3A_81], %add3A_80 {strides = array<i32>} : memref<640xi32, #tpu.memory_space<vmem>>, vector<16xi32>,
    %get3A_83 = arith.constant 112 : index
    %get3A_84 = tpu.vector_load %arg12[%get3A_83] {strides = array<i32>} : memref<640xi32, #tpu.memory_space<vmem>>, vector<16xi32>,
    %mul3A_85 = arith.constant 16 : i32
    %mul3A_86 = vector.broadcast %mul3A_85 : i32 to vector<16xi32>
    %mul3A_87 = arith.muli %get3A_84, %mul3A_86 : vector<16xi32>
    %add3A_88 = vector.broadcast %arg1 : i32 to vector<16xi32>
    %add3A_89 = arith.addi %mul3A_87, %add3A_88 : vector<16xi32>
    %swap3A_90 = arith.constant 112 : index
    %swap3A_91 = tpu.vector_load %arg16[%swap3A_90] {strides = array<i32>} : memref<640xi32, #tpu.memory_space<vmem>>, vector<16xi32>,
    tpu.vector_store %arg16[%swap3A_90], %add3A_89 {strides = array<i32>} : memref<640xi32, #tpu.memory_space<vmem>>, vector<16xi32>,
    %get3A_92 = arith.constant 128 : index
    %get3A_93 = tpu.vector_load %arg12[%get3A_92] {strides = array<i32>} : memref<640xi32, #tpu.memory_space<vmem>>, vector<16xi32>,
    %mul3A_94 = arith.constant 16 : i32
    %mul3A_95 = vector.broadcast %mul3A_94 : i32 to vector<16xi32>
    %mul3A_96 = arith.muli %get3A_93, %mul3A_95 : vector<16xi32>
    %add3A_97 = vector.broadcast %arg1 : i32 to vector<16xi32>
    %add3A_98 = arith.addi %mul3A_96, %add3A_97 : vector<16xi32>
    %swap3A_99 = arith.constant 128 : index
    %swap3A_100 = tpu.vector_load %arg16[%swap3A_99] {strides = array<i32>} : memref<640xi32, #tpu.memory_space<vmem>>, vector<16xi32>,
    tpu.vector_store %arg16[%swap3A_99], %add3A_98 {strides = array<i32>} : memref<640xi32, #tpu.memory_space<vmem>>, vector<16xi32>,
    %get3A_101 = arith.constant 144 : index
    %get3A_102 = tpu.vector_load %arg12[%get3A_101] {strides = array<i32>} : memref<640xi32, #tpu.memory_space<vmem>>, vector<16xi32>,
    %mul3A_103 = arith.constant 16 : i32
    %mul3A_104 = vector.broadcast %mul3A_103 : i32 to vector<16xi32>
    %mul3A_105 = arith.muli %get3A_102, %mul3A_104 : vector<16xi32>
    %add3A_106 = vector.broadcast %arg1 : i32 to vector<16xi32>
    %add3A_107 = arith.addi %mul3A_105, %add3A_106 : vector<16xi32>
    %swap3A_108 = arith.constant 144 : index
    %swap3A_109 = tpu.vector_load %arg16[%swap3A_108] {strides = array<i32>} : memref<640xi32, #tpu.memory_space<vmem>>, vector<16xi32>,
    tpu.vector_store %arg16[%swap3A_108], %add3A_107 {strides = array<i32>} : memref<640xi32, #tpu.memory_space<vmem>>, vector<16xi32>,
    %get3A_110 = arith.constant 160 : index
    %get3A_111 = tpu.vector_load %arg12[%get3A_110] {strides = array<i32>} : memref<640xi32, #tpu.memory_space<vmem>>, vector<16xi32>,
    %mul3A_112 = arith.constant 16 : i32
    %mul3A_113 = vector.broadcast %mul3A_112 : i32 to vector<16xi32>
    %mul3A_114 = arith.muli %get3A_111, %mul3A_113 : vector<16xi32>
    %add3A_115 = vector.broadcast %arg1 : i32 to vector<16xi32>
    %add3A_116 = arith.addi %mul3A_114, %add3A_115 : vector<16xi32>
    %swap3A_117 = arith.constant 160 : index
    %swap3A_118 = tpu.vector_load %arg16[%swap3A_117] {strides = array<i32>} : memref<640xi32, #tpu.memory_space<vmem>>, vector<16xi32>,
    tpu.vector_store %arg16[%swap3A_117], %add3A_116 {strides = array<i32>} : memref<640xi32, #tpu.memory_space<vmem>>, vector<16xi32>,
    %get3A_119 = arith.constant 176 : index
    %get3A_120 = tpu.vector_load %arg12[%get3A_119] {strides = array<i32>} : memref<640xi32, #tpu.memory_space<vmem>>, vector<16xi32>,
    %mul3A_121 = arith.constant 16 : i32
    %mul3A_122 = vector.broadcast %mul3A_121 : i32 to vector<16xi32>
    %mul3A_123 = arith.muli %get3A_120, %mul3A_122 : vector<16xi32>
    %add3A_124 = vector.broadcast %arg1 : i32 to vector<16xi32>
    %add3A_125 = arith.addi %mul3A_123, %add3A_124 : vector<16xi32>
    %swap3A_126 = arith.constant 176 : index
    %swap3A_127 = tpu.vector_load %arg16[%swap3A_126] {strides = array<i32>} : memref<640xi32, #tpu.memory_space<vmem>>, vector<16xi32>,
    tpu.vector_store %arg16[%swap3A_126], %add3A_125 {strides = array<i32>} : memref<640xi32, #tpu.memory_space<vmem>>, vector<16xi32>,
    %get3A_128 = arith.constant 192 : index
    %get3A_129 = tpu.vector_load %arg12[%get3A_128] {strides = array<i32>} : memref<640xi32, #tpu.memory_space<vmem>>, vector<16xi32>,
    %mul3A_130 = arith.constant 16 : i32
    %mul3A_131 = vector.broadcast %mul3A_130 : i32 to vector<16xi32>
    %mul3A_132 = arith.muli %get3A_129, %mul3A_131 : vector<16xi32>
    %add3A_133 = vector.broadcast %arg1 : i32 to vector<16xi32>
    %add3A_134 = arith.addi %mul3A_132, %add3A_133 : vector<16xi32>
    %swap3A_135 = arith.constant 192 : index
    %swap3A_136 = tpu.vector_load %arg16[%swap3A_135] {strides = array<i32>} : memref<640xi32, #tpu.memory_space<vmem>>, vector<16xi32>,
    tpu.vector_store %arg16[%swap3A_135], %add3A_134 {strides = array<i32>} : memref<640xi32, #tpu.memory_space<vmem>>, vector<16xi32>,
    %get3A_137 = arith.constant 208 : index
    %get3A_138 = tpu.vector_load %arg12[%get3A_137] {strides = array<i32>} : memref<640xi32, #tpu.memory_space<vmem>>, vector<16xi32>,
    %mul3A_139 = arith.constant 16 : i32
    %mul3A_140 = vector.broadcast %mul3A_139 : i32 to vector<16xi32>
    %mul3A_141 = arith.muli %get3A_138, %mul3A_140 : vector<16xi32>
    %add3A_142 = vector.broadcast %arg1 : i32 to vector<16xi32>
    %add3A_143 = arith.addi %mul3A_141, %add3A_142 : vector<16xi32>
    %swap3A_144 = arith.constant 208 : index
    %swap3A_145 = tpu.vector_load %arg16[%swap3A_144] {strides = array<i32>} : memref<640xi32, #tpu.memory_space<vmem>>, vector<16xi32>,
    tpu.vector_store %arg16[%swap3A_144], %add3A_143 {strides = array<i32>} : memref<640xi32, #tpu.memory_space<vmem>>, vector<16xi32>,
    %get3A_146 = arith.constant 224 : index
    %get3A_147 = tpu.vector_load %arg12[%get3A_146] {strides = array<i32>} : memref<640xi32, #tpu.memory_space<vmem>>, vector<16xi32>,
    %mul3A_148 = arith.constant 16 : i32
    %mul3A_149 = vector.broadcast %mul3A_148 : i32 to vector<16xi32>
    %mul3A_150 = arith.muli %get3A_147, %mul3A_149 : vector<16xi32>
    %add3A_151 = vector.broadcast %arg1 : i32 to vector<16xi32>
    %add3A_152 = arith.addi %mul3A_150, %add3A_151 : vector<16xi32>
    %swap3A_153 = arith.constant 224 : index
    %swap3A_154 = tpu.vector_load %arg16[%swap3A_153] {strides = array<i32>} : memref<640xi32, #tpu.memory_space<vmem>>, vector<16xi32>,
    tpu.vector_store %arg16[%swap3A_153], %add3A_152 {strides = array<i32>} : memref<640xi32, #tpu.memory_space<vmem>>, vector<16xi32>,
    %get3A_155 = arith.constant 240 : index
    %get3A_156 = tpu.vector_load %arg12[%get3A_155] {strides = array<i32>} : memref<640xi32, #tpu.memory_space<vmem>>, vector<16xi32>,
    %mul3A_157 = arith.constant 16 : i32
    %mul3A_158 = vector.broadcast %mul3A_157 : i32 to vector<16xi32>
    %mul3A_159 = arith.muli %get3A_156, %mul3A_158 : vector<16xi32>
    %add3A_160 = vector.broadcast %arg1 : i32 to vector<16xi32>
    %add3A_161 = arith.addi %mul3A_159, %add3A_160 : vector<16xi32>
    %swap3A_162 = arith.constant 240 : index
    %swap3A_163 = tpu.vector_load %arg16[%swap3A_162] {strides = array<i32>} : memref<640xi32, #tpu.memory_space<vmem>>, vector<16xi32>,
    tpu.vector_store %arg16[%swap3A_162], %add3A_161 {strides = array<i32>} : memref<640xi32, #tpu.memory_space<vmem>>, vector<16xi32>,
    %get3A_164 = arith.constant 256 : index
    %get3A_165 = tpu.vector_load %arg12[%get3A_164] {strides = array<i32>} : memref<640xi32, #tpu.memory_space<vmem>>, vector<16xi32>,
    %mul3A_166 = arith.constant 16 : i32
    %mul3A_167 = vector.broadcast %mul3A_166 : i32 to vector<16xi32>
    %mul3A_168 = arith.muli %get3A_165, %mul3A_167 : vector<16xi32>
    %add3A_169 = vector.broadcast %arg1 : i32 to vector<16xi32>
    %add3A_170 = arith.addi %mul3A_168, %add3A_169 : vector<16xi32>
    %swap3A_171 = arith.constant 256 : index
    %swap3A_172 = tpu.vector_load %arg16[%swap3A_171] {strides = array<i32>} : memref<640xi32, #tpu.memory_space<vmem>>, vector<16xi32>,
    tpu.vector_store %arg16[%swap3A_171], %add3A_170 {strides = array<i32>} : memref<640xi32, #tpu.memory_space<vmem>>, vector<16xi32>,
    %get3A_173 = arith.constant 272 : index
    %get3A_174 = tpu.vector_load %arg12[%get3A_173] {strides = array<i32>} : memref<640xi32, #tpu.memory_space<vmem>>, vector<16xi32>,
    %mul3A_175 = arith.constant 16 : i32
    %mul3A_176 = vector.broadcast %mul3A_175 : i32 to vector<16xi32>
    %mul3A_177 = arith.muli %get3A_174, %mul3A_176 : vector<16xi32>
    %add3A_178 = vector.broadcast %arg1 : i32 to vector<16xi32>
    %add3A_179 = arith.addi %mul3A_177, %add3A_178 : vector<16xi32>
    %swap3A_180 = arith.constant 272 : index
    %swap3A_181 = tpu.vector_load %arg16[%swap3A_180] {strides = array<i32>} : memref<640xi32, #tpu.memory_space<vmem>>, vector<16xi32>,
    tpu.vector_store %arg16[%swap3A_180], %add3A_179 {strides = array<i32>} : memref<640xi32, #tpu.memory_space<vmem>>, vector<16xi32>,
    %get3A_182 = arith.constant 288 : index
    %get3A_183 = tpu.vector_load %arg12[%get3A_182] {strides = array<i32>} : memref<640xi32, #tpu.memory_space<vmem>>, vector<16xi32>,
    %mul3A_184 = arith.constant 16 : i32
    %mul3A_185 = vector.broadcast %mul3A_184 : i32 to vector<16xi32>
    %mul3A_186 = arith.muli %get3A_183, %mul3A_185 : vector<16xi32>
    %add3A_187 = vector.broadcast %arg1 : i32 to vector<16xi32>
    %add3A_188 = arith.addi %mul3A_186, %add3A_187 : vector<16xi32>
    %swap3A_189 = arith.constant 288 : index
    %swap3A_190 = tpu.vector_load %arg16[%swap3A_189] {strides = array<i32>} : memref<640xi32, #tpu.memory_space<vmem>>, vector<16xi32>,
    tpu.vector_store %arg16[%swap3A_189], %add3A_188 {strides = array<i32>} : memref<640xi32, #tpu.memory_space<vmem>>, vector<16xi32>,
    %get3A_191 = arith.constant 304 : index
    %get3A_192 = tpu.vector_load %arg12[%get3A_191] {strides = array<i32>} : memref<640xi32, #tpu.memory_space<vmem>>, vector<16xi32>,
    %mul3A_193 = arith.constant 16 : i32
    %mul3A_194 = vector.broadcast %mul3A_193 : i32 to vector<16xi32>
    %mul3A_195 = arith.muli %get3A_192, %mul3A_194 : vector<16xi32>
    %add3A_196 = vector.broadcast %arg1 : i32 to vector<16xi32>
    %add3A_197 = arith.addi %mul3A_195, %add3A_196 : vector<16xi32>
    %swap3A_198 = arith.constant 304 : index
    %swap3A_199 = tpu.vector_load %arg16[%swap3A_198] {strides = array<i32>} : memref<640xi32, #tpu.memory_space<vmem>>, vector<16xi32>,
    tpu.vector_store %arg16[%swap3A_198], %add3A_197 {strides = array<i32>} : memref<640xi32, #tpu.memory_space<vmem>>, vector<16xi32>,
    %get3A_200 = arith.constant 320 : index
    %get3A_201 = tpu.vector_load %arg12[%get3A_200] {strides = array<i32>} : memref<640xi32, #tpu.memory_space<vmem>>, vector<16xi32>,
    %mul3A_202 = arith.constant 16 : i32
    %mul3A_203 = vector.broadcast %mul3A_202 : i32 to vector<16xi32>
    %mul3A_204 = arith.muli %get3A_201, %mul3A_203 : vector<16xi32>
    %add3A_205 = vector.broadcast %arg1 : i32 to vector<16xi32>
    %add3A_206 = arith.addi %mul3A_204, %add3A_205 : vector<16xi32>
    %swap3A_207 = arith.constant 320 : index
    %swap3A_208 = tpu.vector_load %arg16[%swap3A_207] {strides = array<i32>} : memref<640xi32, #tpu.memory_space<vmem>>, vector<16xi32>,
    tpu.vector_store %arg16[%swap3A_207], %add3A_206 {strides = array<i32>} : memref<640xi32, #tpu.memory_space<vmem>>, vector<16xi32>,
    %get3A_209 = arith.constant 336 : index
    %get3A_210 = tpu.vector_load %arg12[%get3A_209] {strides = array<i32>} : memref<640xi32, #tpu.memory_space<vmem>>, vector<16xi32>,
    %mul3A_211 = arith.constant 16 : i32
    %mul3A_212 = vector.broadcast %mul3A_211 : i32 to vector<16xi32>
    %mul3A_213 = arith.muli %get3A_210, %mul3A_212 : vector<16xi32>
    %add3A_214 = vector.broadcast %arg1 : i32 to vector<16xi32>
    %add3A_215 = arith.addi %mul3A_213, %add3A_214 : vector<16xi32>
    %swap3A_216 = arith.constant 336 : index
    %swap3A_217 = tpu.vector_load %arg16[%swap3A_216] {strides = array<i32>} : memref<640xi32, #tpu.memory_space<vmem>>, vector<16xi32>,
    tpu.vector_store %arg16[%swap3A_216], %add3A_215 {strides = array<i32>} : memref<640xi32, #tpu.memory_space<vmem>>, vector<16xi32>,
    %get3A_218 = arith.constant 352 : index
    %get3A_219 = tpu.vector_load %arg12[%get3A_218] {strides = array<i32>} : memref<640xi32, #tpu.memory_space<vmem>>, vector<16xi32>,
    %mul3A_220 = arith.constant 16 : i32
    %mul3A_221 = vector.broadcast %mul3A_220 : i32 to vector<16xi32>
    %mul3A_222 = arith.muli %get3A_219, %mul3A_221 : vector<16xi32>
    %add3A_223 = vector.broadcast %arg1 : i32 to vector<16xi32>
    %add3A_224 = arith.addi %mul3A_222, %add3A_223 : vector<16xi32>
    %swap3A_225 = arith.constant 352 : index
    %swap3A_226 = tpu.vector_load %arg16[%swap3A_225] {strides = array<i32>} : memref<640xi32, #tpu.memory_space<vmem>>, vector<16xi32>,
    tpu.vector_store %arg16[%swap3A_225], %add3A_224 {strides = array<i32>} : memref<640xi32, #tpu.memory_space<vmem>>, vector<16xi32>,
    %get3A_227 = arith.constant 368 : index
    %get3A_228 = tpu.vector_load %arg12[%get3A_227] {strides = array<i32>} : memref<640xi32, #tpu.memory_space<vmem>>, vector<16xi32>,
    %mul3A_229 = arith.constant 16 : i32
    %mul3A_230 = vector.broadcast %mul3A_229 : i32 to vector<16xi32>
    %mul3A_231 = arith.muli %get3A_228, %mul3A_230 : vector<16xi32>
    %add3A_232 = vector.broadcast %arg1 : i32 to vector<16xi32>
    %add3A_233 = arith.addi %mul3A_231, %add3A_232 : vector<16xi32>
    %swap3A_234 = arith.constant 368 : index
    %swap3A_235 = tpu.vector_load %arg16[%swap3A_234] {strides = array<i32>} : memref<640xi32, #tpu.memory_space<vmem>>, vector<16xi32>,
    tpu.vector_store %arg16[%swap3A_234], %add3A_233 {strides = array<i32>} : memref<640xi32, #tpu.memory_space<vmem>>, vector<16xi32>,
    %get3A_236 = arith.constant 384 : index
    %get3A_237 = tpu.vector_load %arg12[%get3A_236] {strides = array<i32>} : memref<640xi32, #tpu.memory_space<vmem>>, vector<16xi32>,
    %mul3A_238 = arith.constant 16 : i32
    %mul3A_239 = vector.broadcast %mul3A_238 : i32 to vector<16xi32>
    %mul3A_240 = arith.muli %get3A_237, %mul3A_239 : vector<16xi32>
    %add3A_241 = vector.broadcast %arg1 : i32 to vector<16xi32>
    %add3A_242 = arith.addi %mul3A_240, %add3A_241 : vector<16xi32>
    %swap3A_243 = arith.constant 384 : index
    %swap3A_244 = tpu.vector_load %arg16[%swap3A_243] {strides = array<i32>} : memref<640xi32, #tpu.memory_space<vmem>>, vector<16xi32>,
    tpu.vector_store %arg16[%swap3A_243], %add3A_242 {strides = array<i32>} : memref<640xi32, #tpu.memory_space<vmem>>, vector<16xi32>,
    %get3A_245 = arith.constant 400 : index
    %get3A_246 = tpu.vector_load %arg12[%get3A_245] {strides = array<i32>} : memref<640xi32, #tpu.memory_space<vmem>>, vector<16xi32>,
    %mul3A_247 = arith.constant 16 : i32
    %mul3A_248 = vector.broadcast %mul3A_247 : i32 to vector<16xi32>
    %mul3A_249 = arith.muli %get3A_246, %mul3A_248 : vector<16xi32>
    %add3A_250 = vector.broadcast %arg1 : i32 to vector<16xi32>
    %add3A_251 = arith.addi %mul3A_249, %add3A_250 : vector<16xi32>
    %swap3A_252 = arith.constant 400 : index
    %swap3A_253 = tpu.vector_load %arg16[%swap3A_252] {strides = array<i32>} : memref<640xi32, #tpu.memory_space<vmem>>, vector<16xi32>,
    tpu.vector_store %arg16[%swap3A_252], %add3A_251 {strides = array<i32>} : memref<640xi32, #tpu.memory_space<vmem>>, vector<16xi32>,
    %get3A_254 = arith.constant 416 : index
    %get3A_255 = tpu.vector_load %arg12[%get3A_254] {strides = array<i32>} : memref<640xi32, #tpu.memory_space<vmem>>, vector<16xi32>,
    %mul3A_256 = arith.constant 16 : i32
    %mul3A_257 = vector.broadcast %mul3A_256 : i32 to vector<16xi32>
    %mul3A_258 = arith.muli %get3A_255, %mul3A_257 : vector<16xi32>
    %add3A_259 = vector.broadcast %arg1 : i32 to vector<16xi32>
    %add3A_260 = arith.addi %mul3A_258, %add3A_259 : vector<16xi32>
    %swap3A_261 = arith.constant 416 : index
    %swap3A_262 = tpu.vector_load %arg16[%swap3A_261] {strides = array<i32>} : memref<640xi32, #tpu.memory_space<vmem>>, vector<16xi32>,
    tpu.vector_store %arg16[%swap3A_261], %add3A_260 {strides = array<i32>} : memref<640xi32, #tpu.memory_space<vmem>>, vector<16xi32>,
    %get3A_263 = arith.constant 432 : index
    %get3A_264 = tpu.vector_load %arg12[%get3A_263] {strides = array<i32>} : memref<640xi32, #tpu.memory_space<vmem>>, vector<16xi32>,
    %mul3A_265 = arith.constant 16 : i32
    %mul3A_266 = vector.broadcast %mul3A_265 : i32 to vector<16xi32>
    %mul3A_267 = arith.muli %get3A_264, %mul3A_266 : vector<16xi32>
    %add3A_268 = vector.broadcast %arg1 : i32 to vector<16xi32>
    %add3A_269 = arith.addi %mul3A_267, %add3A_268 : vector<16xi32>
    %swap3A_270 = arith.constant 432 : index
    %swap3A_271 = tpu.vector_load %arg16[%swap3A_270] {strides = array<i32>} : memref<640xi32, #tpu.memory_space<vmem>>, vector<16xi32>,
    tpu.vector_store %arg16[%swap3A_270], %add3A_269 {strides = array<i32>} : memref<640xi32, #tpu.memory_space<vmem>>, vector<16xi32>,
    %get3A_272 = arith.constant 448 : index
    %get3A_273 = tpu.vector_load %arg12[%get3A_272] {strides = array<i32>} : memref<640xi32, #tpu.memory_space<vmem>>, vector<16xi32>,
    %mul3A_274 = arith.constant 16 : i32
    %mul3A_275 = vector.broadcast %mul3A_274 : i32 to vector<16xi32>
    %mul3A_276 = arith.muli %get3A_273, %mul3A_275 : vector<16xi32>
    %add3A_277 = vector.broadcast %arg1 : i32 to vector<16xi32>
    %add3A_278 = arith.addi %mul3A_276, %add3A_277 : vector<16xi32>
    %swap3A_279 = arith.constant 448 : index
    %swap3A_280 = tpu.vector_load %arg16[%swap3A_279] {strides = array<i32>} : memref<640xi32, #tpu.memory_space<vmem>>, vector<16xi32>,
    tpu.vector_store %arg16[%swap3A_279], %add3A_278 {strides = array<i32>} : memref<640xi32, #tpu.memory_space<vmem>>, vector<16xi32>,
    %get3A_281 = arith.constant 464 : index
    %get3A_282 = tpu.vector_load %arg12[%get3A_281] {strides = array<i32>} : memref<640xi32, #tpu.memory_space<vmem>>, vector<16xi32>,
    %mul3A_283 = arith.constant 16 : i32
    %mul3A_284 = vector.broadcast %mul3A_283 : i32 to vector<16xi32>
    %mul3A_285 = arith.muli %get3A_282, %mul3A_284 : vector<16xi32>
    %add3A_286 = vector.broadcast %arg1 : i32 to vector<16xi32>
    %add3A_287 = arith.addi %mul3A_285, %add3A_286 : vector<16xi32>
    %swap3A_288 = arith.constant 464 : index
    %swap3A_289 = tpu.vector_load %arg16[%swap3A_288] {strides = array<i32>} : memref<640xi32, #tpu.memory_space<vmem>>, vector<16xi32>,
    tpu.vector_store %arg16[%swap3A_288], %add3A_287 {strides = array<i32>} : memref<640xi32, #tpu.memory_space<vmem>>, vector<16xi32>,
    %get3A_290 = arith.constant 480 : index
    %get3A_291 = tpu.vector_load %arg12[%get3A_290] {strides = array<i32>} : memref<640xi32, #tpu.memory_space<vmem>>, vector<16xi32>,
    %mul3A_292 = arith.constant 16 : i32
    %mul3A_293 = vector.broadcast %mul3A_292 : i32 to vector<16xi32>
    %mul3A_294 = arith.muli %get3A_291, %mul3A_293 : vector<16xi32>
    %add3A_295 = vector.broadcast %arg1 : i32 to vector<16xi32>
    %add3A_296 = arith.addi %mul3A_294, %add3A_295 : vector<16xi32>
    %swap3A_297 = arith.constant 480 : index
    %swap3A_298 = tpu.vector_load %arg16[%swap3A_297] {strides = array<i32>} : memref<640xi32, #tpu.memory_space<vmem>>, vector<16xi32>,
    tpu.vector_store %arg16[%swap3A_297], %add3A_296 {strides = array<i32>} : memref<640xi32, #tpu.memory_space<vmem>>, vector<16xi32>,
    %get3A_299 = arith.constant 496 : index
    %get3A_300 = tpu.vector_load %arg12[%get3A_299] {strides = array<i32>} : memref<640xi32, #tpu.memory_space<vmem>>, vector<16xi32>,
    %mul3A_301 = arith.constant 16 : i32
    %mul3A_302 = vector.broadcast %mul3A_301 : i32 to vector<16xi32>
    %mul3A_303 = arith.muli %get3A_300, %mul3A_302 : vector<16xi32>
    %add3A_304 = vector.broadcast %arg1 : i32 to vector<16xi32>
    %add3A_305 = arith.addi %mul3A_303, %add3A_304 : vector<16xi32>
    %swap3A_306 = arith.constant 496 : index
    %swap3A_307 = tpu.vector_load %arg16[%swap3A_306] {strides = array<i32>} : memref<640xi32, #tpu.memory_space<vmem>>, vector<16xi32>,
    tpu.vector_store %arg16[%swap3A_306], %add3A_305 {strides = array<i32>} : memref<640xi32, #tpu.memory_space<vmem>>, vector<16xi32>,
    %get3A_308 = arith.constant 512 : index
    %get3A_309 = tpu.vector_load %arg12[%get3A_308] {strides = array<i32>} : memref<640xi32, #tpu.memory_space<vmem>>, vector<16xi32>,
    %mul3A_310 = arith.constant 16 : i32
    %mul3A_311 = vector.broadcast %mul3A_310 : i32 to vector<16xi32>
    %mul3A_312 = arith.muli %get3A_309, %mul3A_311 : vector<16xi32>
    %add3A_313 = vector.broadcast %arg1 : i32 to vector<16xi32>
    %add3A_314 = arith.addi %mul3A_312, %add3A_313 : vector<16xi32>
    %swap3A_315 = arith.constant 512 : index
    %swap3A_316 = tpu.vector_load %arg16[%swap3A_315] {strides = array<i32>} : memref<640xi32, #tpu.memory_space<vmem>>, vector<16xi32>,
    tpu.vector_store %arg16[%swap3A_315], %add3A_314 {strides = array<i32>} : memref<640xi32, #tpu.memory_space<vmem>>, vector<16xi32>,
    %get3A_317 = arith.constant 528 : index
    %get3A_318 = tpu.vector_load %arg12[%get3A_317] {strides = array<i32>} : memref<640xi32, #tpu.memory_space<vmem>>, vector<16xi32>,
    %mul3A_319 = arith.constant 16 : i32
    %mul3A_320 = vector.broadcast %mul3A_319 : i32 to vector<16xi32>
    %mul3A_321 = arith.muli %get3A_318, %mul3A_320 : vector<16xi32>
    %add3A_322 = vector.broadcast %arg1 : i32 to vector<16xi32>
    %add3A_323 = arith.addi %mul3A_321, %add3A_322 : vector<16xi32>
    %swap3A_324 = arith.constant 528 : index
    %swap3A_325 = tpu.vector_load %arg16[%swap3A_324] {strides = array<i32>} : memref<640xi32, #tpu.memory_space<vmem>>, vector<16xi32>,
    tpu.vector_store %arg16[%swap3A_324], %add3A_323 {strides = array<i32>} : memref<640xi32, #tpu.memory_space<vmem>>, vector<16xi32>,
    %get3A_326 = arith.constant 544 : index
    %get3A_327 = tpu.vector_load %arg12[%get3A_326] {strides = array<i32>} : memref<640xi32, #tpu.memory_space<vmem>>, vector<16xi32>,
    %mul3A_328 = arith.constant 16 : i32
    %mul3A_329 = vector.broadcast %mul3A_328 : i32 to vector<16xi32>
    %mul3A_330 = arith.muli %get3A_327, %mul3A_329 : vector<16xi32>
    %add3A_331 = vector.broadcast %arg1 : i32 to vector<16xi32>
    %add3A_332 = arith.addi %mul3A_330, %add3A_331 : vector<16xi32>
    %swap3A_333 = arith.constant 544 : index
    %swap3A_334 = tpu.vector_load %arg16[%swap3A_333] {strides = array<i32>} : memref<640xi32, #tpu.memory_space<vmem>>, vector<16xi32>,
    tpu.vector_store %arg16[%swap3A_333], %add3A_332 {strides = array<i32>} : memref<640xi32, #tpu.memory_space<vmem>>, vector<16xi32>,
    %get3A_335 = arith.constant 560 : index
    %get3A_336 = tpu.vector_load %arg12[%get3A_335] {strides = array<i32>} : memref<640xi32, #tpu.memory_space<vmem>>, vector<16xi32>,
    %mul3A_337 = arith.constant 16 : i32
    %mul3A_338 = vector.broadcast %mul3A_337 : i32 to vector<16xi32>
    %mul3A_339 = arith.muli %get3A_336, %mul3A_338 : vector<16xi32>
    %add3A_340 = vector.broadcast %arg1 : i32 to vector<16xi32>
    %add3A_341 = arith.addi %mul3A_339, %add3A_340 : vector<16xi32>
    %swap3A_342 = arith.constant 560 : index
    %swap3A_343 = tpu.vector_load %arg16[%swap3A_342] {strides = array<i32>} : memref<640xi32, #tpu.memory_space<vmem>>, vector<16xi32>,
    tpu.vector_store %arg16[%swap3A_342], %add3A_341 {strides = array<i32>} : memref<640xi32, #tpu.memory_space<vmem>>, vector<16xi32>,
    %get3A_344 = arith.constant 576 : index
    %get3A_345 = tpu.vector_load %arg12[%get3A_344] {strides = array<i32>} : memref<640xi32, #tpu.memory_space<vmem>>, vector<16xi32>,
    %mul3A_346 = arith.constant 16 : i32
    %mul3A_347 = vector.broadcast %mul3A_346 : i32 to vector<16xi32>
    %mul3A_348 = arith.muli %get3A_345, %mul3A_347 : vector<16xi32>
    %add3A_349 = vector.broadcast %arg1 : i32 to vector<16xi32>
    %add3A_350 = arith.addi %mul3A_348, %add3A_349 : vector<16xi32>
    %swap3A_351 = arith.constant 576 : index
    %swap3A_352 = tpu.vector_load %arg16[%swap3A_351] {strides = array<i32>} : memref<640xi32, #tpu.memory_space<vmem>>, vector<16xi32>,
    tpu.vector_store %arg16[%swap3A_351], %add3A_350 {strides = array<i32>} : memref<640xi32, #tpu.memory_space<vmem>>, vector<16xi32>,
    %get3A_353 = arith.constant 592 : index
    %get3A_354 = tpu.vector_load %arg12[%get3A_353] {strides = array<i32>} : memref<640xi32, #tpu.memory_space<vmem>>, vector<16xi32>,
    %mul3A_355 = arith.constant 16 : i32
    %mul3A_356 = vector.broadcast %mul3A_355 : i32 to vector<16xi32>
    %mul3A_357 = arith.muli %get3A_354, %mul3A_356 : vector<16xi32>
    %add3A_358 = vector.broadcast %arg1 : i32 to vector<16xi32>
    %add3A_359 = arith.addi %mul3A_357, %add3A_358 : vector<16xi32>
    %swap3A_360 = arith.constant 592 : index
    %swap3A_361 = tpu.vector_load %arg16[%swap3A_360] {strides = array<i32>} : memref<640xi32, #tpu.memory_space<vmem>>, vector<16xi32>,
    tpu.vector_store %arg16[%swap3A_360], %add3A_359 {strides = array<i32>} : memref<640xi32, #tpu.memory_space<vmem>>, vector<16xi32>,
    %get3A_362 = arith.constant 608 : index
    %get3A_363 = tpu.vector_load %arg12[%get3A_362] {strides = array<i32>} : memref<640xi32, #tpu.memory_space<vmem>>, vector<16xi32>,
    %mul3A_364 = arith.constant 16 : i32
    %mul3A_365 = vector.broadcast %mul3A_364 : i32 to vector<16xi32>
    %mul3A_366 = arith.muli %get3A_363, %mul3A_365 : vector<16xi32>
    %add3A_367 = vector.broadcast %arg1 : i32 to vector<16xi32>
    %add3A_368 = arith.addi %mul3A_366, %add3A_367 : vector<16xi32>
    %swap3A_369 = arith.constant 608 : index
    %swap3A_370 = tpu.vector_load %arg16[%swap3A_369] {strides = array<i32>} : memref<640xi32, #tpu.memory_space<vmem>>, vector<16xi32>,
    tpu.vector_store %arg16[%swap3A_369], %add3A_368 {strides = array<i32>} : memref<640xi32, #tpu.memory_space<vmem>>, vector<16xi32>,
    %get3A_371 = arith.constant 624 : index
    %get3A_372 = tpu.vector_load %arg12[%get3A_371] {strides = array<i32>} : memref<640xi32, #tpu.memory_space<vmem>>, vector<16xi32>,
    %mul3A_373 = arith.constant 16 : i32
    %mul3A_374 = vector.broadcast %mul3A_373 : i32 to vector<16xi32>
    %mul3A_375 = arith.muli %get3A_372, %mul3A_374 : vector<16xi32>
    %add3A_376 = vector.broadcast %arg1 : i32 to vector<16xi32>
    %add3A_377 = arith.addi %mul3A_375, %add3A_376 : vector<16xi32>
    %swap3A_378 = arith.constant 624 : index
    %swap3A_379 = tpu.vector_load %arg16[%swap3A_378] {strides = array<i32>} : memref<640xi32, #tpu.memory_space<vmem>>, vector<16xi32>,
    tpu.vector_store %arg16[%swap3A_378], %add3A_377 {strides = array<i32>} : memref<640xi32, #tpu.memory_space<vmem>>, vector<16xi32>,
    %dma_start3A_380 = arith.constant 0 : i32
    %dma_start3A_381 = arith.constant 0 : i32
    %dma_start3A_382 = tpu.memref_slice %arg2[%dma_start3A_380, %dma_start3A_381] : memref<160000x16xf32, #tpu.memory_space<hbm>> -> memref<160000x16xf32, #tpu.memory_space<hbm>>
    tpu.enqueue_indirect_dma source(%dma_start3A_382 : memref<160000x16xf32, #tpu.memory_space<hbm>>) target(%arg8 : memref<640x16xf32, #tpu.memory_space<vmem>>) offsets(%arg16 : memref<640xi32, #tpu.memory_space<vmem>>) semaphore(%arg20 : memref<!tpu.dma_semaphore, #tpu.memory_space<semaphore_mem>>)
    %dma_start3A_383 = arith.constant 0 : i32
    %dma_start3A_384 = tpu.memref_slice %arg5[%dma_start3A_383, %mul3A_8] : memref<160000x256xf32, #tpu.memory_space<hbm>> -> memref<640x16xf32, #tpu.memory_space<hbm>>
    %dma_start3A_385 = arith.constant 0 : i32
    %dma_start3A_386 = tpu.memref_slice %arg5[%dma_start3A_385, %mul3A_8] : memref<160000x256xf32, #tpu.memory_space<hbm>> -> memref<640x16xf32, #tpu.memory_space<hbm>>
    tpu.enqueue_dma source(%dma_start3A_386 : memref<640x16xf32, #tpu.memory_space<hbm>>) target(%arg10 : memref<640x16xf32, #tpu.memory_space<vmem>>) target_semaphore(%arg20 : memref<!tpu.dma_semaphore, #tpu.memory_space<semaphore_mem>>)
    %dma_start3A_387 = arith.constant 640 : i32
    %dma_start3A_388 = tpu.memref_slice %arg3[%dma_start3A_387] : memref<160000xi32, #tpu.memory_space<hbm>> -> memref<640xi32, #tpu.memory_space<hbm>>
    %dma_start3A_389 = arith.constant 640 : i32
    %dma_start3A_390 = tpu.memref_slice %arg3[%dma_start3A_389] : memref<160000xi32, #tpu.memory_space<hbm>> -> memref<640xi32, #tpu.memory_space<hbm>>
    tpu.enqueue_dma source(%dma_start3A_390 : memref<640xi32, #tpu.memory_space<hbm>>) target(%arg13 : memref<640xi32, #tpu.memory_space<vmem>>) target_semaphore(%arg19 : memref<!tpu.dma_semaphore, #tpu.memory_space<semaphore_mem>>)
    %dma_start3A_391 = arith.constant 640 : i32
    %dma_start3A_392 = tpu.memref_slice %arg4[%dma_start3A_391] : memref<160000xi32, #tpu.memory_space<hbm>> -> memref<640xi32, #tpu.memory_space<hbm>>
    %dma_start3A_393 = arith.constant 640 : i32
    %dma_start3A_394 = tpu.memref_slice %arg4[%dma_start3A_393] : memref<160000xi32, #tpu.memory_space<hbm>> -> memref<640xi32, #tpu.memory_space<hbm>>
    tpu.enqueue_dma source(%dma_start3A_394 : memref<640xi32, #tpu.memory_space<hbm>>) target(%arg15 : memref<640xi32, #tpu.memory_space<vmem>>) target_semaphore(%arg19 : memref<!tpu.dma_semaphore, #tpu.memory_space<semaphore_mem>>)
    %scan3A_395 = arith.constant 0 : i32
    %scan3A_396 = arith.constant 0 : i32
    %scan3A_397 = arith.constant 125 : i32
    %scan3A_398 = arith.addi %scan3A_396, %scan3A_397 : i32
    %scan3A_399 = arith.constant 1 : i32
    scf.for %scan3A_401 = %scan3A_396 to %scan3A_398 step %scan3A_399  : i32 {
      %mul3A_402 = arith.constant 2 : i32
      %mul3A_403 = arith.muli %mul3A_402, %scan3A_401 : i32
      %add3A_404 = arith.constant 1 : i32
      %add3A_405 = arith.addi %mul3A_403, %add3A_404 : i32
      %mul3A_406 = arith.constant 640 : i32
      %mul3A_407 = arith.muli %add3A_405, %mul3A_406 : i32
      %dma_wait3A_408 = tpu.memref_slice %arg3[%mul3A_407] : memref<160000xi32, #tpu.memory_space<hbm>> -> memref<640xi32, #tpu.memory_space<hbm>>
      %dma_wait3A_409 = tpu.memref_slice %arg3[%mul3A_407] : memref<160000xi32, #tpu.memory_space<hbm>> -> memref<640xi32, #tpu.memory_space<hbm>>
      tpu.wait_dma2 semaphore(%arg19 : memref<!tpu.dma_semaphore, #tpu.memory_space<semaphore_mem>>) src(%dma_wait3A_409 : memref<640xi32, #tpu.memory_space<hbm>>) dst(%arg13 : memref<640xi32, #tpu.memory_space<vmem>>)
      %dma_wait3A_410 = tpu.memref_slice %arg4[%mul3A_407] : memref<160000xi32, #tpu.memory_space<hbm>> -> memref<640xi32, #tpu.memory_space<hbm>>
      %dma_wait3A_411 = tpu.memref_slice %arg4[%mul3A_407] : memref<160000xi32, #tpu.memory_space<hbm>> -> memref<640xi32, #tpu.memory_space<hbm>>
      tpu.wait_dma2 semaphore(%arg19 : memref<!tpu.dma_semaphore, #tpu.memory_space<semaphore_mem>>) src(%dma_wait3A_411 : memref<640xi32, #tpu.memory_space<hbm>>) dst(%arg15 : memref<640xi32, #tpu.memory_space<vmem>>)
      %get3A_412 = arith.constant 0 : index
      %get3A_413 = tpu.vector_load %arg13[%get3A_412] {strides = array<i32>} : memref<640xi32, #tpu.memory_space<vmem>>, vector<16xi32>,
      %mul3A_414 = arith.constant 16 : i32
      %mul3A_415 = vector.broadcast %mul3A_414 : i32 to vector<16xi32>
      %mul3A_416 = arith.muli %get3A_413, %mul3A_415 : vector<16xi32>
      %add3A_417 = vector.broadcast %arg1 : i32 to vector<16xi32>
      %add3A_418 = arith.addi %mul3A_416, %add3A_417 : vector<16xi32>
      %swap3A_419 = arith.constant 0 : index
      %swap3A_420 = tpu.vector_load %arg17[%swap3A_419] {strides = array<i32>} : memref<640xi32, #tpu.memory_space<vmem>>, vector<16xi32>,
      tpu.vector_store %arg17[%swap3A_419], %add3A_418 {strides = array<i32>} : memref<640xi32, #tpu.memory_space<vmem>>, vector<16xi32>,
      %get3A_421 = arith.constant 16 : index
      %get3A_422 = tpu.vector_load %arg13[%get3A_421] {strides = array<i32>} : memref<640xi32, #tpu.memory_space<vmem>>, vector<16xi32>,
      %mul3A_423 = arith.constant 16 : i32
      %mul3A_424 = vector.broadcast %mul3A_423 : i32 to vector<16xi32>
      %mul3A_425 = arith.muli %get3A_422, %mul3A_424 : vector<16xi32>
      %add3A_426 = vector.broadcast %arg1 : i32 to vector<16xi32>
      %add3A_427 = arith.addi %mul3A_425, %add3A_426 : vector<16xi32>
      %swap3A_428 = arith.constant 16 : index
      %swap3A_429 = tpu.vector_load %arg17[%swap3A_428] {strides = array<i32>} : memref<640xi32, #tpu.memory_space<vmem>>, vector<16xi32>,
      tpu.vector_store %arg17[%swap3A_428], %add3A_427 {strides = array<i32>} : memref<640xi32, #tpu.memory_space<vmem>>, vector<16xi32>,
      %get3A_430 = arith.constant 32 : index
      %get3A_431 = tpu.vector_load %arg13[%get3A_430] {strides = array<i32>} : memref<640xi32, #tpu.memory_space<vmem>>, vector<16xi32>,
      %mul3A_432 = arith.constant 16 : i32
      %mul3A_433 = vector.broadcast %mul3A_432 : i32 to vector<16xi32>
      %mul3A_434 = arith.muli %get3A_431, %mul3A_433 : vector<16xi32>
      %add3A_435 = vector.broadcast %arg1 : i32 to vector<16xi32>
      %add3A_436 = arith.addi %mul3A_434, %add3A_435 : vector<16xi32>
      %swap3A_437 = arith.constant 32 : index
      %swap3A_438 = tpu.vector_load %arg17[%swap3A_437] {strides = array<i32>} : memref<640xi32, #tpu.memory_space<vmem>>, vector<16xi32>,
      tpu.vector_store %arg17[%swap3A_437], %add3A_436 {strides = array<i32>} : memref<640xi32, #tpu.memory_space<vmem>>, vector<16xi32>,
      %get3A_439 = arith.constant 48 : index
      %get3A_440 = tpu.vector_load %arg13[%get3A_439] {strides = array<i32>} : memref<640xi32, #tpu.memory_space<vmem>>, vector<16xi32>,
      %mul3A_441 = arith.constant 16 : i32
      %mul3A_442 = vector.broadcast %mul3A_441 : i32 to vector<16xi32>
      %mul3A_443 = arith.muli %get3A_440, %mul3A_442 : vector<16xi32>
      %add3A_444 = vector.broadcast %arg1 : i32 to vector<16xi32>
      %add3A_445 = arith.addi %mul3A_443, %add3A_444 : vector<16xi32>
      %swap3A_446 = arith.constant 48 : index
      %swap3A_447 = tpu.vector_load %arg17[%swap3A_446] {strides = array<i32>} : memref<640xi32, #tpu.memory_space<vmem>>, vector<16xi32>,
      tpu.vector_store %arg17[%swap3A_446], %add3A_445 {strides = array<i32>} : memref<640xi32, #tpu.memory_space<vmem>>, vector<16xi32>,
      %get3A_448 = arith.constant 64 : index
      %get3A_449 = tpu.vector_load %arg13[%get3A_448] {strides = array<i32>} : memref<640xi32, #tpu.memory_space<vmem>>, vector<16xi32>,
      %mul3A_450 = arith.constant 16 : i32
      %mul3A_451 = vector.broadcast %mul3A_450 : i32 to vector<16xi32>
      %mul3A_452 = arith.muli %get3A_449, %mul3A_451 : vector<16xi32>
      %add3A_453 = vector.broadcast %arg1 : i32 to vector<16xi32>
      %add3A_454 = arith.addi %mul3A_452, %add3A_453 : vector<16xi32>
      %swap3A_455 = arith.constant 64 : index
      %swap3A_456 = tpu.vector_load %arg17[%swap3A_455] {strides = array<i32>} : memref<640xi32, #tpu.memory_space<vmem>>, vector<16xi32>,
      tpu.vector_store %arg17[%swap3A_455], %add3A_454 {strides = array<i32>} : memref<640xi32, #tpu.memory_space<vmem>>, vector<16xi32>,
      %get3A_457 = arith.constant 80 : index
      %get3A_458 = tpu.vector_load %arg13[%get3A_457] {strides = array<i32>} : memref<640xi32, #tpu.memory_space<vmem>>, vector<16xi32>,
      %mul3A_459 = arith.constant 16 : i32
      %mul3A_460 = vector.broadcast %mul3A_459 : i32 to vector<16xi32>
      %mul3A_461 = arith.muli %get3A_458, %mul3A_460 : vector<16xi32>
      %add3A_462 = vector.broadcast %arg1 : i32 to vector<16xi32>
      %add3A_463 = arith.addi %mul3A_461, %add3A_462 : vector<16xi32>
      %swap3A_464 = arith.constant 80 : index
      %swap3A_465 = tpu.vector_load %arg17[%swap3A_464] {strides = array<i32>} : memref<640xi32, #tpu.memory_space<vmem>>, vector<16xi32>,
      tpu.vector_store %arg17[%swap3A_464], %add3A_463 {strides = array<i32>} : memref<640xi32, #tpu.memory_space<vmem>>, vector<16xi32>,
      %get3A_466 = arith.constant 96 : index
      %get3A_467 = tpu.vector_load %arg13[%get3A_466] {strides = array<i32>} : memref<640xi32, #tpu.memory_space<vmem>>, vector<16xi32>,
      %mul3A_468 = arith.constant 16 : i32
      %mul3A_469 = vector.broadcast %mul3A_468 : i32 to vector<16xi32>
      %mul3A_470 = arith.muli %get3A_467, %mul3A_469 : vector<16xi32>
      %add3A_471 = vector.broadcast %arg1 : i32 to vector<16xi32>
      %add3A_472 = arith.addi %mul3A_470, %add3A_471 : vector<16xi32>
      %swap3A_473 = arith.constant 96 : index
      %swap3A_474 = tpu.vector_load %arg17[%swap3A_473] {strides = array<i32>} : memref<640xi32, #tpu.memory_space<vmem>>, vector<16xi32>,
      tpu.vector_store %arg17[%swap3A_473], %add3A_472 {strides = array<i32>} : memref<640xi32, #tpu.memory_space<vmem>>, vector<16xi32>,
      %get3A_475 = arith.constant 112 : index
      %get3A_476 = tpu.vector_load %arg13[%get3A_475] {strides = array<i32>} : memref<640xi32, #tpu.memory_space<vmem>>, vector<16xi32>,
      %mul3A_477 = arith.constant 16 : i32
      %mul3A_478 = vector.broadcast %mul3A_477 : i32 to vector<16xi32>
      %mul3A_479 = arith.muli %get3A_476, %mul3A_478 : vector<16xi32>
      %add3A_480 = vector.broadcast %arg1 : i32 to vector<16xi32>
      %add3A_481 = arith.addi %mul3A_479, %add3A_480 : vector<16xi32>
      %swap3A_482 = arith.constant 112 : index
      %swap3A_483 = tpu.vector_load %arg17[%swap3A_482] {strides = array<i32>} : memref<640xi32, #tpu.memory_space<vmem>>, vector<16xi32>,
      tpu.vector_store %arg17[%swap3A_482], %add3A_481 {strides = array<i32>} : memref<640xi32, #tpu.memory_space<vmem>>, vector<16xi32>,
      %get3A_484 = arith.constant 128 : index
      %get3A_485 = tpu.vector_load %arg13[%get3A_484] {strides = array<i32>} : memref<640xi32, #tpu.memory_space<vmem>>, vector<16xi32>,
      %mul3A_486 = arith.constant 16 : i32
      %mul3A_487 = vector.broadcast %mul3A_486 : i32 to vector<16xi32>
      %mul3A_488 = arith.muli %get3A_485, %mul3A_487 : vector<16xi32>
      %add3A_489 = vector.broadcast %arg1 : i32 to vector<16xi32>
      %add3A_490 = arith.addi %mul3A_488, %add3A_489 : vector<16xi32>
      %swap3A_491 = arith.constant 128 : index
      %swap3A_492 = tpu.vector_load %arg17[%swap3A_491] {strides = array<i32>} : memref<640xi32, #tpu.memory_space<vmem>>, vector<16xi32>,
      tpu.vector_store %arg17[%swap3A_491], %add3A_490 {strides = array<i32>} : memref<640xi32, #tpu.memory_space<vmem>>, vector<16xi32>,
      %get3A_493 = arith.constant 144 : index
      %get3A_494 = tpu.vector_load %arg13[%get3A_493] {strides = array<i32>} : memref<640xi32, #tpu.memory_space<vmem>>, vector<16xi32>,
      %mul3A_495 = arith.constant 16 : i32
      %mul3A_496 = vector.broadcast %mul3A_495 : i32 to vector<16xi32>
      %mul3A_497 = arith.muli %get3A_494, %mul3A_496 : vector<16xi32>
      %add3A_498 = vector.broadcast %arg1 : i32 to vector<16xi32>
      %add3A_499 = arith.addi %mul3A_497, %add3A_498 : vector<16xi32>
      %swap3A_500 = arith.constant 144 : index
      %swap3A_501 = tpu.vector_load %arg17[%swap3A_500] {strides = array<i32>} : memref<640xi32, #tpu.memory_space<vmem>>, vector<16xi32>,
      tpu.vector_store %arg17[%swap3A_500], %add3A_499 {strides = array<i32>} : memref<640xi32, #tpu.memory_space<vmem>>, vector<16xi32>,
      %get3A_502 = arith.constant 160 : index
      %get3A_503 = tpu.vector_load %arg13[%get3A_502] {strides = array<i32>} : memref<640xi32, #tpu.memory_space<vmem>>, vector<16xi32>,
      %mul3A_504 = arith.constant 16 : i32
      %mul3A_505 = vector.broadcast %mul3A_504 : i32 to vector<16xi32>
      %mul3A_506 = arith.muli %get3A_503, %mul3A_505 : vector<16xi32>
      %add3A_507 = vector.broadcast %arg1 : i32 to vector<16xi32>
      %add3A_508 = arith.addi %mul3A_506, %add3A_507 : vector<16xi32>
      %swap3A_509 = arith.constant 160 : index
      %swap3A_510 = tpu.vector_load %arg17[%swap3A_509] {strides = array<i32>} : memref<640xi32, #tpu.memory_space<vmem>>, vector<16xi32>,
      tpu.vector_store %arg17[%swap3A_509], %add3A_508 {strides = array<i32>} : memref<640xi32, #tpu.memory_space<vmem>>, vector<16xi32>,
      %get3A_511 = arith.constant 176 : index
      %get3A_512 = tpu.vector_load %arg13[%get3A_511] {strides = array<i32>} : memref<640xi32, #tpu.memory_space<vmem>>, vector<16xi32>,
      %mul3A_513 = arith.constant 16 : i32
      %mul3A_514 = vector.broadcast %mul3A_513 : i32 to vector<16xi32>
      %mul3A_515 = arith.muli %get3A_512, %mul3A_514 : vector<16xi32>
      %add3A_516 = vector.broadcast %arg1 : i32 to vector<16xi32>
      %add3A_517 = arith.addi %mul3A_515, %add3A_516 : vector<16xi32>
      %swap3A_518 = arith.constant 176 : index
      %swap3A_519 = tpu.vector_load %arg17[%swap3A_518] {strides = array<i32>} : memref<640xi32, #tpu.memory_space<vmem>>, vector<16xi32>,
      tpu.vector_store %arg17[%swap3A_518], %add3A_517 {strides = array<i32>} : memref<640xi32, #tpu.memory_space<vmem>>, vector<16xi32>,
      %get3A_520 = arith.constant 192 : index
      %get3A_521 = tpu.vector_load %arg13[%get3A_520] {strides = array<i32>} : memref<640xi32, #tpu.memory_space<vmem>>, vector<16xi32>,
      %mul3A_522 = arith.constant 16 : i32
      %mul3A_523 = vector.broadcast %mul3A_522 : i32 to vector<16xi32>
      %mul3A_524 = arith.muli %get3A_521, %mul3A_523 : vector<16xi32>
      %add3A_525 = vector.broadcast %arg1 : i32 to vector<16xi32>
      %add3A_526 = arith.addi %mul3A_524, %add3A_525 : vector<16xi32>
      %swap3A_527 = arith.constant 192 : index
      %swap3A_528 = tpu.vector_load %arg17[%swap3A_527] {strides = array<i32>} : memref<640xi32, #tpu.memory_space<vmem>>, vector<16xi32>,
      tpu.vector_store %arg17[%swap3A_527], %add3A_526 {strides = array<i32>} : memref<640xi32, #tpu.memory_space<vmem>>, vector<16xi32>,
      %get3A_529 = arith.constant 208 : index
      %get3A_530 = tpu.vector_load %arg13[%get3A_529] {strides = array<i32>} : memref<640xi32, #tpu.memory_space<vmem>>, vector<16xi32>,
      %mul3A_531 = arith.constant 16 : i32
      %mul3A_532 = vector.broadcast %mul3A_531 : i32 to vector<16xi32>
      %mul3A_533 = arith.muli %get3A_530, %mul3A_532 : vector<16xi32>
      %add3A_534 = vector.broadcast %arg1 : i32 to vector<16xi32>
      %add3A_535 = arith.addi %mul3A_533, %add3A_534 : vector<16xi32>
      %swap3A_536 = arith.constant 208 : index
      %swap3A_537 = tpu.vector_load %arg17[%swap3A_536] {strides = array<i32>} : memref<640xi32, #tpu.memory_space<vmem>>, vector<16xi32>,
      tpu.vector_store %arg17[%swap3A_536], %add3A_535 {strides = array<i32>} : memref<640xi32, #tpu.memory_space<vmem>>, vector<16xi32>,
      %get3A_538 = arith.constant 224 : index
      %get3A_539 = tpu.vector_load %arg13[%get3A_538] {strides = array<i32>} : memref<640xi32, #tpu.memory_space<vmem>>, vector<16xi32>,
      %mul3A_540 = arith.constant 16 : i32
      %mul3A_541 = vector.broadcast %mul3A_540 : i32 to vector<16xi32>
      %mul3A_542 = arith.muli %get3A_539, %mul3A_541 : vector<16xi32>
      %add3A_543 = vector.broadcast %arg1 : i32 to vector<16xi32>
      %add3A_544 = arith.addi %mul3A_542, %add3A_543 : vector<16xi32>
      %swap3A_545 = arith.constant 224 : index
      %swap3A_546 = tpu.vector_load %arg17[%swap3A_545] {strides = array<i32>} : memref<640xi32, #tpu.memory_space<vmem>>, vector<16xi32>,
      tpu.vector_store %arg17[%swap3A_545], %add3A_544 {strides = array<i32>} : memref<640xi32, #tpu.memory_space<vmem>>, vector<16xi32>,
      %get3A_547 = arith.constant 240 : index
      %get3A_548 = tpu.vector_load %arg13[%get3A_547] {strides = array<i32>} : memref<640xi32, #tpu.memory_space<vmem>>, vector<16xi32>,
      %mul3A_549 = arith.constant 16 : i32
      %mul3A_550 = vector.broadcast %mul3A_549 : i32 to vector<16xi32>
      %mul3A_551 = arith.muli %get3A_548, %mul3A_550 : vector<16xi32>
      %add3A_552 = vector.broadcast %arg1 : i32 to vector<16xi32>
      %add3A_553 = arith.addi %mul3A_551, %add3A_552 : vector<16xi32>
      %swap3A_554 = arith.constant 240 : index
      %swap3A_555 = tpu.vector_load %arg17[%swap3A_554] {strides = array<i32>} : memref<640xi32, #tpu.memory_space<vmem>>, vector<16xi32>,
      tpu.vector_store %arg17[%swap3A_554], %add3A_553 {strides = array<i32>} : memref<640xi32, #tpu.memory_space<vmem>>, vector<16xi32>,
      %get3A_556 = arith.constant 256 : index
      %get3A_557 = tpu.vector_load %arg13[%get3A_556] {strides = array<i32>} : memref<640xi32, #tpu.memory_space<vmem>>, vector<16xi32>,
      %mul3A_558 = arith.constant 16 : i32
      %mul3A_559 = vector.broadcast %mul3A_558 : i32 to vector<16xi32>
      %mul3A_560 = arith.muli %get3A_557, %mul3A_559 : vector<16xi32>
      %add3A_561 = vector.broadcast %arg1 : i32 to vector<16xi32>
      %add3A_562 = arith.addi %mul3A_560, %add3A_561 : vector<16xi32>
      %swap3A_563 = arith.constant 256 : index
      %swap3A_564 = tpu.vector_load %arg17[%swap3A_563] {strides = array<i32>} : memref<640xi32, #tpu.memory_space<vmem>>, vector<16xi32>,
      tpu.vector_store %arg17[%swap3A_563], %add3A_562 {strides = array<i32>} : memref<640xi32, #tpu.memory_space<vmem>>, vector<16xi32>,
      %get3A_565 = arith.constant 272 : index
      %get3A_566 = tpu.vector_load %arg13[%get3A_565] {strides = array<i32>} : memref<640xi32, #tpu.memory_space<vmem>>, vector<16xi32>,
      %mul3A_567 = arith.constant 16 : i32
      %mul3A_568 = vector.broadcast %mul3A_567 : i32 to vector<16xi32>
      %mul3A_569 = arith.muli %get3A_566, %mul3A_568 : vector<16xi32>
      %add3A_570 = vector.broadcast %arg1 : i32 to vector<16xi32>
      %add3A_571 = arith.addi %mul3A_569, %add3A_570 : vector<16xi32>
      %swap3A_572 = arith.constant 272 : index
      %swap3A_573 = tpu.vector_load %arg17[%swap3A_572] {strides = array<i32>} : memref<640xi32, #tpu.memory_space<vmem>>, vector<16xi32>,
      tpu.vector_store %arg17[%swap3A_572], %add3A_571 {strides = array<i32>} : memref<640xi32, #tpu.memory_space<vmem>>, vector<16xi32>,
      %get3A_574 = arith.constant 288 : index
      %get3A_575 = tpu.vector_load %arg13[%get3A_574] {strides = array<i32>} : memref<640xi32, #tpu.memory_space<vmem>>, vector<16xi32>,
      %mul3A_576 = arith.constant 16 : i32
      %mul3A_577 = vector.broadcast %mul3A_576 : i32 to vector<16xi32>
      %mul3A_578 = arith.muli %get3A_575, %mul3A_577 : vector<16xi32>
      %add3A_579 = vector.broadcast %arg1 : i32 to vector<16xi32>
      %add3A_580 = arith.addi %mul3A_578, %add3A_579 : vector<16xi32>
      %swap3A_581 = arith.constant 288 : index
      %swap3A_582 = tpu.vector_load %arg17[%swap3A_581] {strides = array<i32>} : memref<640xi32, #tpu.memory_space<vmem>>, vector<16xi32>,
      tpu.vector_store %arg17[%swap3A_581], %add3A_580 {strides = array<i32>} : memref<640xi32, #tpu.memory_space<vmem>>, vector<16xi32>,
      %get3A_583 = arith.constant 304 : index
      %get3A_584 = tpu.vector_load %arg13[%get3A_583] {strides = array<i32>} : memref<640xi32, #tpu.memory_space<vmem>>, vector<16xi32>,
      %mul3A_585 = arith.constant 16 : i32
      %mul3A_586 = vector.broadcast %mul3A_585 : i32 to vector<16xi32>
      %mul3A_587 = arith.muli %get3A_584, %mul3A_586 : vector<16xi32>
      %add3A_588 = vector.broadcast %arg1 : i32 to vector<16xi32>
      %add3A_589 = arith.addi %mul3A_587, %add3A_588 : vector<16xi32>
      %swap3A_590 = arith.constant 304 : index
      %swap3A_591 = tpu.vector_load %arg17[%swap3A_590] {strides = array<i32>} : memref<640xi32, #tpu.memory_space<vmem>>, vector<16xi32>,
      tpu.vector_store %arg17[%swap3A_590], %add3A_589 {strides = array<i32>} : memref<640xi32, #tpu.memory_space<vmem>>, vector<16xi32>,
      %get3A_592 = arith.constant 320 : index
      %get3A_593 = tpu.vector_load %arg13[%get3A_592] {strides = array<i32>} : memref<640xi32, #tpu.memory_space<vmem>>, vector<16xi32>,
      %mul3A_594 = arith.constant 16 : i32
      %mul3A_595 = vector.broadcast %mul3A_594 : i32 to vector<16xi32>
      %mul3A_596 = arith.muli %get3A_593, %mul3A_595 : vector<16xi32>
      %add3A_597 = vector.broadcast %arg1 : i32 to vector<16xi32>
      %add3A_598 = arith.addi %mul3A_596, %add3A_597 : vector<16xi32>
      %swap3A_599 = arith.constant 320 : index
      %swap3A_600 = tpu.vector_load %arg17[%swap3A_599] {strides = array<i32>} : memref<640xi32, #tpu.memory_space<vmem>>, vector<16xi32>,
      tpu.vector_store %arg17[%swap3A_599], %add3A_598 {strides = array<i32>} : memref<640xi32, #tpu.memory_space<vmem>>, vector<16xi32>,
      %get3A_601 = arith.constant 336 : index
      %get3A_602 = tpu.vector_load %arg13[%get3A_601] {strides = array<i32>} : memref<640xi32, #tpu.memory_space<vmem>>, vector<16xi32>,
      %mul3A_603 = arith.constant 16 : i32
      %mul3A_604 = vector.broadcast %mul3A_603 : i32 to vector<16xi32>
      %mul3A_605 = arith.muli %get3A_602, %mul3A_604 : vector<16xi32>
      %add3A_606 = vector.broadcast %arg1 : i32 to vector<16xi32>
      %add3A_607 = arith.addi %mul3A_605, %add3A_606 : vector<16xi32>
      %swap3A_608 = arith.constant 336 : index
      %swap3A_609 = tpu.vector_load %arg17[%swap3A_608] {strides = array<i32>} : memref<640xi32, #tpu.memory_space<vmem>>, vector<16xi32>,
      tpu.vector_store %arg17[%swap3A_608], %add3A_607 {strides = array<i32>} : memref<640xi32, #tpu.memory_space<vmem>>, vector<16xi32>,
      %get3A_610 = arith.constant 352 : index
      %get3A_611 = tpu.vector_load %arg13[%get3A_610] {strides = array<i32>} : memref<640xi32, #tpu.memory_space<vmem>>, vector<16xi32>,
      %mul3A_612 = arith.constant 16 : i32
      %mul3A_613 = vector.broadcast %mul3A_612 : i32 to vector<16xi32>
      %mul3A_614 = arith.muli %get3A_611, %mul3A_613 : vector<16xi32>
      %add3A_615 = vector.broadcast %arg1 : i32 to vector<16xi32>
      %add3A_616 = arith.addi %mul3A_614, %add3A_615 : vector<16xi32>
      %swap3A_617 = arith.constant 352 : index
      %swap3A_618 = tpu.vector_load %arg17[%swap3A_617] {strides = array<i32>} : memref<640xi32, #tpu.memory_space<vmem>>, vector<16xi32>,
      tpu.vector_store %arg17[%swap3A_617], %add3A_616 {strides = array<i32>} : memref<640xi32, #tpu.memory_space<vmem>>, vector<16xi32>,
      %get3A_619 = arith.constant 368 : index
      %get3A_620 = tpu.vector_load %arg13[%get3A_619] {strides = array<i32>} : memref<640xi32, #tpu.memory_space<vmem>>, vector<16xi32>,
      %mul3A_621 = arith.constant 16 : i32
      %mul3A_622 = vector.broadcast %mul3A_621 : i32 to vector<16xi32>
      %mul3A_623 = arith.muli %get3A_620, %mul3A_622 : vector<16xi32>
      %add3A_624 = vector.broadcast %arg1 : i32 to vector<16xi32>
      %add3A_625 = arith.addi %mul3A_623, %add3A_624 : vector<16xi32>
      %swap3A_626 = arith.constant 368 : index
      %swap3A_627 = tpu.vector_load %arg17[%swap3A_626] {strides = array<i32>} : memref<640xi32, #tpu.memory_space<vmem>>, vector<16xi32>,
      tpu.vector_store %arg17[%swap3A_626], %add3A_625 {strides = array<i32>} : memref<640xi32, #tpu.memory_space<vmem>>, vector<16xi32>,
      %get3A_628 = arith.constant 384 : index
      %get3A_629 = tpu.vector_load %arg13[%get3A_628] {strides = array<i32>} : memref<640xi32, #tpu.memory_space<vmem>>, vector<16xi32>,
      %mul3A_630 = arith.constant 16 : i32
      %mul3A_631 = vector.broadcast %mul3A_630 : i32 to vector<16xi32>
      %mul3A_632 = arith.muli %get3A_629, %mul3A_631 : vector<16xi32>
      %add3A_633 = vector.broadcast %arg1 : i32 to vector<16xi32>
      %add3A_634 = arith.addi %mul3A_632, %add3A_633 : vector<16xi32>
      %swap3A_635 = arith.constant 384 : index
      %swap3A_636 = tpu.vector_load %arg17[%swap3A_635] {strides = array<i32>} : memref<640xi32, #tpu.memory_space<vmem>>, vector<16xi32>,
      tpu.vector_store %arg17[%swap3A_635], %add3A_634 {strides = array<i32>} : memref<640xi32, #tpu.memory_space<vmem>>, vector<16xi32>,
      %get3A_637 = arith.constant 400 : index
      %get3A_638 = tpu.vector_load %arg13[%get3A_637] {strides = array<i32>} : memref<640xi32, #tpu.memory_space<vmem>>, vector<16xi32>,
      %mul3A_639 = arith.constant 16 : i32
      %mul3A_640 = vector.broadcast %mul3A_639 : i32 to vector<16xi32>
      %mul3A_641 = arith.muli %get3A_638, %mul3A_640 : vector<16xi32>
      %add3A_642 = vector.broadcast %arg1 : i32 to vector<16xi32>
      %add3A_643 = arith.addi %mul3A_641, %add3A_642 : vector<16xi32>
      %swap3A_644 = arith.constant 400 : index
      %swap3A_645 = tpu.vector_load %arg17[%swap3A_644] {strides = array<i32>} : memref<640xi32, #tpu.memory_space<vmem>>, vector<16xi32>,
      tpu.vector_store %arg17[%swap3A_644], %add3A_643 {strides = array<i32>} : memref<640xi32, #tpu.memory_space<vmem>>, vector<16xi32>,
      %get3A_646 = arith.constant 416 : index
      %get3A_647 = tpu.vector_load %arg13[%get3A_646] {strides = array<i32>} : memref<640xi32, #tpu.memory_space<vmem>>, vector<16xi32>,
      %mul3A_648 = arith.constant 16 : i32
      %mul3A_649 = vector.broadcast %mul3A_648 : i32 to vector<16xi32>
      %mul3A_650 = arith.muli %get3A_647, %mul3A_649 : vector<16xi32>
      %add3A_651 = vector.broadcast %arg1 : i32 to vector<16xi32>
      %add3A_652 = arith.addi %mul3A_650, %add3A_651 : vector<16xi32>
      %swap3A_653 = arith.constant 416 : index
      %swap3A_654 = tpu.vector_load %arg17[%swap3A_653] {strides = array<i32>} : memref<640xi32, #tpu.memory_space<vmem>>, vector<16xi32>,
      tpu.vector_store %arg17[%swap3A_653], %add3A_652 {strides = array<i32>} : memref<640xi32, #tpu.memory_space<vmem>>, vector<16xi32>,
      %get3A_655 = arith.constant 432 : index
      %get3A_656 = tpu.vector_load %arg13[%get3A_655] {strides = array<i32>} : memref<640xi32, #tpu.memory_space<vmem>>, vector<16xi32>,
      %mul3A_657 = arith.constant 16 : i32
      %mul3A_658 = vector.broadcast %mul3A_657 : i32 to vector<16xi32>
      %mul3A_659 = arith.muli %get3A_656, %mul3A_658 : vector<16xi32>
      %add3A_660 = vector.broadcast %arg1 : i32 to vector<16xi32>
      %add3A_661 = arith.addi %mul3A_659, %add3A_660 : vector<16xi32>
      %swap3A_662 = arith.constant 432 : index
      %swap3A_663 = tpu.vector_load %arg17[%swap3A_662] {strides = array<i32>} : memref<640xi32, #tpu.memory_space<vmem>>, vector<16xi32>,
      tpu.vector_store %arg17[%swap3A_662], %add3A_661 {strides = array<i32>} : memref<640xi32, #tpu.memory_space<vmem>>, vector<16xi32>,
      %get3A_664 = arith.constant 448 : index
      %get3A_665 = tpu.vector_load %arg13[%get3A_664] {strides = array<i32>} : memref<640xi32, #tpu.memory_space<vmem>>, vector<16xi32>,
      %mul3A_666 = arith.constant 16 : i32
      %mul3A_667 = vector.broadcast %mul3A_666 : i32 to vector<16xi32>
      %mul3A_668 = arith.muli %get3A_665, %mul3A_667 : vector<16xi32>
      %add3A_669 = vector.broadcast %arg1 : i32 to vector<16xi32>
      %add3A_670 = arith.addi %mul3A_668, %add3A_669 : vector<16xi32>
      %swap3A_671 = arith.constant 448 : index
      %swap3A_672 = tpu.vector_load %arg17[%swap3A_671] {strides = array<i32>} : memref<640xi32, #tpu.memory_space<vmem>>, vector<16xi32>,
      tpu.vector_store %arg17[%swap3A_671], %add3A_670 {strides = array<i32>} : memref<640xi32, #tpu.memory_space<vmem>>, vector<16xi32>,
      %get3A_673 = arith.constant 464 : index
      %get3A_674 = tpu.vector_load %arg13[%get3A_673] {strides = array<i32>} : memref<640xi32, #tpu.memory_space<vmem>>, vector<16xi32>,
      %mul3A_675 = arith.constant 16 : i32
      %mul3A_676 = vector.broadcast %mul3A_675 : i32 to vector<16xi32>
      %mul3A_677 = arith.muli %get3A_674, %mul3A_676 : vector<16xi32>
      %add3A_678 = vector.broadcast %arg1 : i32 to vector<16xi32>
      %add3A_679 = arith.addi %mul3A_677, %add3A_678 : vector<16xi32>
      %swap3A_680 = arith.constant 464 : index
      %swap3A_681 = tpu.vector_load %arg17[%swap3A_680] {strides = array<i32>} : memref<640xi32, #tpu.memory_space<vmem>>, vector<16xi32>,
      tpu.vector_store %arg17[%swap3A_680], %add3A_679 {strides = array<i32>} : memref<640xi32, #tpu.memory_space<vmem>>, vector<16xi32>,
      %get3A_682 = arith.constant 480 : index
      %get3A_683 = tpu.vector_load %arg13[%get3A_682] {strides = array<i32>} : memref<640xi32, #tpu.memory_space<vmem>>, vector<16xi32>,
      %mul3A_684 = arith.constant 16 : i32
      %mul3A_685 = vector.broadcast %mul3A_684 : i32 to vector<16xi32>
      %mul3A_686 = arith.muli %get3A_683, %mul3A_685 : vector<16xi32>
      %add3A_687 = vector.broadcast %arg1 : i32 to vector<16xi32>
      %add3A_688 = arith.addi %mul3A_686, %add3A_687 : vector<16xi32>
      %swap3A_689 = arith.constant 480 : index
      %swap3A_690 = tpu.vector_load %arg17[%swap3A_689] {strides = array<i32>} : memref<640xi32, #tpu.memory_space<vmem>>, vector<16xi32>,
      tpu.vector_store %arg17[%swap3A_689], %add3A_688 {strides = array<i32>} : memref<640xi32, #tpu.memory_space<vmem>>, vector<16xi32>,
      %get3A_691 = arith.constant 496 : index
      %get3A_692 = tpu.vector_load %arg13[%get3A_691] {strides = array<i32>} : memref<640xi32, #tpu.memory_space<vmem>>, vector<16xi32>,
      %mul3A_693 = arith.constant 16 : i32
      %mul3A_694 = vector.broadcast %mul3A_693 : i32 to vector<16xi32>
      %mul3A_695 = arith.muli %get3A_692, %mul3A_694 : vector<16xi32>
      %add3A_696 = vector.broadcast %arg1 : i32 to vector<16xi32>
      %add3A_697 = arith.addi %mul3A_695, %add3A_696 : vector<16xi32>
      %swap3A_698 = arith.constant 496 : index
      %swap3A_699 = tpu.vector_load %arg17[%swap3A_698] {strides = array<i32>} : memref<640xi32, #tpu.memory_space<vmem>>, vector<16xi32>,
      tpu.vector_store %arg17[%swap3A_698], %add3A_697 {strides = array<i32>} : memref<640xi32, #tpu.memory_space<vmem>>, vector<16xi32>,
      %get3A_700 = arith.constant 512 : index
      %get3A_701 = tpu.vector_load %arg13[%get3A_700] {strides = array<i32>} : memref<640xi32, #tpu.memory_space<vmem>>, vector<16xi32>,
      %mul3A_702 = arith.constant 16 : i32
      %mul3A_703 = vector.broadcast %mul3A_702 : i32 to vector<16xi32>
      %mul3A_704 = arith.muli %get3A_701, %mul3A_703 : vector<16xi32>
      %add3A_705 = vector.broadcast %arg1 : i32 to vector<16xi32>
      %add3A_706 = arith.addi %mul3A_704, %add3A_705 : vector<16xi32>
      %swap3A_707 = arith.constant 512 : index
      %swap3A_708 = tpu.vector_load %arg17[%swap3A_707] {strides = array<i32>} : memref<640xi32, #tpu.memory_space<vmem>>, vector<16xi32>,
      tpu.vector_store %arg17[%swap3A_707], %add3A_706 {strides = array<i32>} : memref<640xi32, #tpu.memory_space<vmem>>, vector<16xi32>,
      %get3A_709 = arith.constant 528 : index
      %get3A_710 = tpu.vector_load %arg13[%get3A_709] {strides = array<i32>} : memref<640xi32, #tpu.memory_space<vmem>>, vector<16xi32>,
      %mul3A_711 = arith.constant 16 : i32
      %mul3A_712 = vector.broadcast %mul3A_711 : i32 to vector<16xi32>
      %mul3A_713 = arith.muli %get3A_710, %mul3A_712 : vector<16xi32>
      %add3A_714 = vector.broadcast %arg1 : i32 to vector<16xi32>
      %add3A_715 = arith.addi %mul3A_713, %add3A_714 : vector<16xi32>
      %swap3A_716 = arith.constant 528 : index
      %swap3A_717 = tpu.vector_load %arg17[%swap3A_716] {strides = array<i32>} : memref<640xi32, #tpu.memory_space<vmem>>, vector<16xi32>,
      tpu.vector_store %arg17[%swap3A_716], %add3A_715 {strides = array<i32>} : memref<640xi32, #tpu.memory_space<vmem>>, vector<16xi32>,
      %get3A_718 = arith.constant 544 : index
      %get3A_719 = tpu.vector_load %arg13[%get3A_718] {strides = array<i32>} : memref<640xi32, #tpu.memory_space<vmem>>, vector<16xi32>,
      %mul3A_720 = arith.constant 16 : i32
      %mul3A_721 = vector.broadcast %mul3A_720 : i32 to vector<16xi32>
      %mul3A_722 = arith.muli %get3A_719, %mul3A_721 : vector<16xi32>
      %add3A_723 = vector.broadcast %arg1 : i32 to vector<16xi32>
      %add3A_724 = arith.addi %mul3A_722, %add3A_723 : vector<16xi32>
      %swap3A_725 = arith.constant 544 : index
      %swap3A_726 = tpu.vector_load %arg17[%swap3A_725] {strides = array<i32>} : memref<640xi32, #tpu.memory_space<vmem>>, vector<16xi32>,
      tpu.vector_store %arg17[%swap3A_725], %add3A_724 {strides = array<i32>} : memref<640xi32, #tpu.memory_space<vmem>>, vector<16xi32>,
      %get3A_727 = arith.constant 560 : index
      %get3A_728 = tpu.vector_load %arg13[%get3A_727] {strides = array<i32>} : memref<640xi32, #tpu.memory_space<vmem>>, vector<16xi32>,
      %mul3A_729 = arith.constant 16 : i32
      %mul3A_730 = vector.broadcast %mul3A_729 : i32 to vector<16xi32>
      %mul3A_731 = arith.muli %get3A_728, %mul3A_730 : vector<16xi32>
      %add3A_732 = vector.broadcast %arg1 : i32 to vector<16xi32>
      %add3A_733 = arith.addi %mul3A_731, %add3A_732 : vector<16xi32>
      %swap3A_734 = arith.constant 560 : index
      %swap3A_735 = tpu.vector_load %arg17[%swap3A_734] {strides = array<i32>} : memref<640xi32, #tpu.memory_space<vmem>>, vector<16xi32>,
      tpu.vector_store %arg17[%swap3A_734], %add3A_733 {strides = array<i32>} : memref<640xi32, #tpu.memory_space<vmem>>, vector<16xi32>,
      %get3A_736 = arith.constant 576 : index
      %get3A_737 = tpu.vector_load %arg13[%get3A_736] {strides = array<i32>} : memref<640xi32, #tpu.memory_space<vmem>>, vector<16xi32>,
      %mul3A_738 = arith.constant 16 : i32
      %mul3A_739 = vector.broadcast %mul3A_738 : i32 to vector<16xi32>
      %mul3A_740 = arith.muli %get3A_737, %mul3A_739 : vector<16xi32>
      %add3A_741 = vector.broadcast %arg1 : i32 to vector<16xi32>
      %add3A_742 = arith.addi %mul3A_740, %add3A_741 : vector<16xi32>
      %swap3A_743 = arith.constant 576 : index
      %swap3A_744 = tpu.vector_load %arg17[%swap3A_743] {strides = array<i32>} : memref<640xi32, #tpu.memory_space<vmem>>, vector<16xi32>,
      tpu.vector_store %arg17[%swap3A_743], %add3A_742 {strides = array<i32>} : memref<640xi32, #tpu.memory_space<vmem>>, vector<16xi32>,
      %get3A_745 = arith.constant 592 : index
      %get3A_746 = tpu.vector_load %arg13[%get3A_745] {strides = array<i32>} : memref<640xi32, #tpu.memory_space<vmem>>, vector<16xi32>,
      %mul3A_747 = arith.constant 16 : i32
      %mul3A_748 = vector.broadcast %mul3A_747 : i32 to vector<16xi32>
      %mul3A_749 = arith.muli %get3A_746, %mul3A_748 : vector<16xi32>
      %add3A_750 = vector.broadcast %arg1 : i32 to vector<16xi32>
      %add3A_751 = arith.addi %mul3A_749, %add3A_750 : vector<16xi32>
      %swap3A_752 = arith.constant 592 : index
      %swap3A_753 = tpu.vector_load %arg17[%swap3A_752] {strides = array<i32>} : memref<640xi32, #tpu.memory_space<vmem>>, vector<16xi32>,
      tpu.vector_store %arg17[%swap3A_752], %add3A_751 {strides = array<i32>} : memref<640xi32, #tpu.memory_space<vmem>>, vector<16xi32>,
      %get3A_754 = arith.constant 608 : index
      %get3A_755 = tpu.vector_load %arg13[%get3A_754] {strides = array<i32>} : memref<640xi32, #tpu.memory_space<vmem>>, vector<16xi32>,
      %mul3A_756 = arith.constant 16 : i32
      %mul3A_757 = vector.broadcast %mul3A_756 : i32 to vector<16xi32>
      %mul3A_758 = arith.muli %get3A_755, %mul3A_757 : vector<16xi32>
      %add3A_759 = vector.broadcast %arg1 : i32 to vector<16xi32>
      %add3A_760 = arith.addi %mul3A_758, %add3A_759 : vector<16xi32>
      %swap3A_761 = arith.constant 608 : index
      %swap3A_762 = tpu.vector_load %arg17[%swap3A_761] {strides = array<i32>} : memref<640xi32, #tpu.memory_space<vmem>>, vector<16xi32>,
      tpu.vector_store %arg17[%swap3A_761], %add3A_760 {strides = array<i32>} : memref<640xi32, #tpu.memory_space<vmem>>, vector<16xi32>,
      %get3A_763 = arith.constant 624 : index
      %get3A_764 = tpu.vector_load %arg13[%get3A_763] {strides = array<i32>} : memref<640xi32, #tpu.memory_space<vmem>>, vector<16xi32>,
      %mul3A_765 = arith.constant 16 : i32
      %mul3A_766 = vector.broadcast %mul3A_765 : i32 to vector<16xi32>
      %mul3A_767 = arith.muli %get3A_764, %mul3A_766 : vector<16xi32>
      %add3A_768 = vector.broadcast %arg1 : i32 to vector<16xi32>
      %add3A_769 = arith.addi %mul3A_767, %add3A_768 : vector<16xi32>
      %swap3A_770 = arith.constant 624 : index
      %swap3A_771 = tpu.vector_load %arg17[%swap3A_770] {strides = array<i32>} : memref<640xi32, #tpu.memory_space<vmem>>, vector<16xi32>,
      tpu.vector_store %arg17[%swap3A_770], %add3A_769 {strides = array<i32>} : memref<640xi32, #tpu.memory_space<vmem>>, vector<16xi32>,
      %dma_start3A_772 = arith.constant 0 : i32
      %dma_start3A_773 = arith.constant 0 : i32
      %dma_start3A_774 = tpu.memref_slice %arg2[%dma_start3A_772, %dma_start3A_773] : memref<160000x16xf32, #tpu.memory_space<hbm>> -> memref<160000x16xf32, #tpu.memory_space<hbm>>
      tpu.enqueue_indirect_dma source(%dma_start3A_774 : memref<160000x16xf32, #tpu.memory_space<hbm>>) target(%arg9 : memref<640x16xf32, #tpu.memory_space<vmem>>) offsets(%arg17 : memref<640xi32, #tpu.memory_space<vmem>>) semaphore(%arg21 : memref<!tpu.dma_semaphore, #tpu.memory_space<semaphore_mem>>)
      %mul3A_775 = arith.constant 640 : i32
      %mul3A_776 = arith.muli %add3A_405, %mul3A_775 : i32
      %dma_start3A_777 = tpu.memref_slice %arg5[%mul3A_776, %mul3A_8] : memref<160000x256xf32, #tpu.memory_space<hbm>> -> memref<640x16xf32, #tpu.memory_space<hbm>>
      %dma_start3A_778 = tpu.memref_slice %arg5[%mul3A_776, %mul3A_8] : memref<160000x256xf32, #tpu.memory_space<hbm>> -> memref<640x16xf32, #tpu.memory_space<hbm>>
      tpu.enqueue_dma source(%dma_start3A_778 : memref<640x16xf32, #tpu.memory_space<hbm>>) target(%arg11 : memref<640x16xf32, #tpu.memory_space<vmem>>) target_semaphore(%arg21 : memref<!tpu.dma_semaphore, #tpu.memory_space<semaphore_mem>>)
      %mul3A_779 = arith.constant 640 : i32
      %mul3A_780 = arith.muli %mul3A_403, %mul3A_779 : i32
      %dma_wait3A_781 = arith.constant 0 : i32
      %dma_wait3A_782 = arith.constant 0 : i32
      %dma_wait3A_783 = tpu.memref_slice %arg2[%dma_wait3A_781, %dma_wait3A_782] : memref<160000x16xf32, #tpu.memory_space<hbm>> -> memref<160000x16xf32, #tpu.memory_space<hbm>>
      tpu.wait_indirect_dma semaphore(%arg20 : memref<!tpu.dma_semaphore, #tpu.memory_space<semaphore_mem>>) src(%dma_wait3A_783 : memref<160000x16xf32, #tpu.memory_space<hbm>>) dst(%arg8 : memref<640x16xf32, #tpu.memory_space<vmem>>)
      %dma_wait3A_784 = tpu.memref_slice %arg5[%mul3A_780, %mul3A_8] : memref<160000x256xf32, #tpu.memory_space<hbm>> -> memref<640x16xf32, #tpu.memory_space<hbm>>
      %dma_wait3A_785 = tpu.memref_slice %arg5[%mul3A_780, %mul3A_8] : memref<160000x256xf32, #tpu.memory_space<hbm>> -> memref<640x16xf32, #tpu.memory_space<hbm>>
      tpu.wait_dma2 semaphore(%arg20 : memref<!tpu.dma_semaphore, #tpu.memory_space<semaphore_mem>>) src(%dma_wait3A_785 : memref<640x16xf32, #tpu.memory_space<hbm>>) dst(%arg10 : memref<640x16xf32, #tpu.memory_space<vmem>>)
      %scan3A_786 = arith.constant 0 : i32
      %scan3A_787 = arith.constant 0 : i32
      %scan3A_788 = arith.constant 40 : i32
      %scan3A_789 = arith.addi %scan3A_787, %scan3A_788 : i32
      %scan3A_790 = arith.constant 2 : i32
      scf.for %scan3A_823 = %scan3A_787 to %scan3A_789 step %scan3A_790  : i32 {
        %mul3A_824 = arith.constant 16 : i32
        %mul3A_825 = arith.muli %scan3A_823, %mul3A_824 : i32
        %get3A_826 = arith.index_cast %mul3A_825 : i32 to index
        %get3A_827 = tpu.vector_load %arg14[%get3A_826] {strides = array<i32>} : memref<640xi32, #tpu.memory_space<vmem>>, vector<16xi32>,
        %sub3A = vector.broadcast %mul3A_6 : i32 to vector<16xi32>
        %sub3A_828 = arith.subi %get3A_827, %sub3A : vector<16xi32>
        %ge3A = arith.constant 0 : i32
        %ge3A_829 = vector.broadcast %ge3A : i32 to vector<16xi32>
        %ge3A_830 = arith.cmpi sge, %sub3A_828, %ge3A_829 : vector<16xi32>
        %lt3A_831 = arith.constant 5000 : i32
        %lt3A_832 = vector.broadcast %lt3A_831 : i32 to vector<16xi32>
        %lt3A_833 = arith.cmpi slt, %sub3A_828, %lt3A_832 : vector<16xi32>
        %and3A = arith.andi %ge3A_830, %lt3A_833 : vector<16xi1>
        %jit3A = arith.constant 5000 : i32
        %broadcast_in_dim3A_834 = vector.broadcast %jit3A : i32 to vector<16xi32>
        %select_n3A = arith.select %and3A, %sub3A_828, %broadcast_in_dim3A_834 : vector<16xi1>, vector<16xi32>
        %mul3A_835 = arith.constant 16 : i32
        %mul3A_836 = vector.broadcast %mul3A_835 : i32 to vector<16xi32>
        %mul3A_837 = arith.muli %select_n3A, %mul3A_836 : vector<16xi32>
        %mul3A_838 = arith.constant 16 : i32
        %mul3A_839 = arith.muli %scan3A_823, %mul3A_838 : i32
        %add3A_840 = arith.constant 0 : i32
        %add3A_841 = arith.addi %mul3A_839, %add3A_840 : i32
        %get3A_842 = arith.index_cast %add3A_841 : i32 to index
        %get3A_843 = arith.constant 0 : index
        %get3A_844 = tpu.vector_load %arg8[%get3A_842, %get3A_843] {strides = array<i32>} : memref<640x16xf32, #tpu.memory_space<vmem>>, vector<16xf32>,
        %get3A_845 = arith.index_cast %add3A_841 : i32 to index
        %get3A_846 = arith.constant 0 : index
        %get3A_847 = tpu.vector_load %arg10[%get3A_845, %get3A_846] {strides = array<i32>} : memref<640x16xf32, #tpu.memory_space<vmem>>, vector<16xf32>,
        %add3A_848 = arith.addf %get3A_844, %get3A_847 : vector<16xf32>
        %max3A = arith.constant 0.000000e+00 : f32
        %max3A_849 = vector.broadcast %max3A : f32 to vector<16xf32>
        %max3A_850 = arith.maximumf %add3A_848, %max3A_849 : vector<16xf32>
        %broadcast_in_dim3A_851 = arith.constant 0 : i32
        %broadcast_in_dim3A_852 = vector.broadcast %broadcast_in_dim3A_851 : i32 to vector<16xi32>
        %lt3A_853 = arith.constant 0 : i32
        %lt3A_854 = vector.broadcast %lt3A_853 : i32 to vector<16xi32>
        %lt3A_855 = arith.cmpi slt, %broadcast_in_dim3A_852, %lt3A_854 : vector<16xi32>
        %add3A_856 = arith.constant 16 : i32
        %add3A_857 = vector.broadcast %add3A_856 : i32 to vector<16xi32>
        %add3A_858 = arith.addi %broadcast_in_dim3A_852, %add3A_857 : vector<16xi32>
        %select_n3A_859 = arith.select %lt3A_855, %add3A_858, %broadcast_in_dim3A_852 : vector<16xi1>, vector<16xi32>
        %broadcast_in_dim3A_860 = vector.shape_cast %select_n3A_859 : vector<16xi32> to vector<16x1xi32>
        %gather3A = vector.shape_cast %broadcast_in_dim3A_860 : vector<16x1xi32> to vector<16xi32>
        %gather3A_861 = tpu.dynamic_gather %mul3A_837[%gather3A] in [0] : vector<16xi32>, vector<16xi32> -> vector<16xi32>
        %add3A_862 = arith.addi %gather3A_861, %iota3A : vector<16xi32>
        tpu.vector_store_idx %arg7[%add3A_862], %max3A_850 {add = true} : memref<80128xf32, #tpu.memory_space<vmem>>[vector<16xi32>], vector<16xf32>,
        %mul3A_863 = arith.constant 16 : i32
        %mul3A_864 = arith.muli %scan3A_823, %mul3A_863 : i32
        %add3A_865 = arith.constant 1 : i32
        %add3A_866 = arith.addi %mul3A_864, %add3A_865 : i32
        %get3A_867 = arith.index_cast %add3A_866 : i32 to index
        %get3A_868 = arith.constant 0 : index
        %get3A_869 = tpu.vector_load %arg8[%get3A_867, %get3A_868] {strides = array<i32>} : memref<640x16xf32, #tpu.memory_space<vmem>>, vector<16xf32>,
        %get3A_870 = arith.index_cast %add3A_866 : i32 to index
        %get3A_871 = arith.constant 0 : index
        %get3A_872 = tpu.vector_load %arg10[%get3A_870, %get3A_871] {strides = array<i32>} : memref<640x16xf32, #tpu.memory_space<vmem>>, vector<16xf32>,
        %add3A_873 = arith.addf %get3A_869, %get3A_872 : vector<16xf32>
        %max3A_874 = arith.constant 0.000000e+00 : f32
        %max3A_875 = vector.broadcast %max3A_874 : f32 to vector<16xf32>
        %max3A_876 = arith.maximumf %add3A_873, %max3A_875 : vector<16xf32>
        %broadcast_in_dim3A_877 = arith.constant 1 : i32
        %broadcast_in_dim3A_878 = vector.broadcast %broadcast_in_dim3A_877 : i32 to vector<16xi32>
        %lt3A_879 = arith.constant 0 : i32
        %lt3A_880 = vector.broadcast %lt3A_879 : i32 to vector<16xi32>
        %lt3A_881 = arith.cmpi slt, %broadcast_in_dim3A_878, %lt3A_880 : vector<16xi32>
        %add3A_882 = arith.constant 16 : i32
        %add3A_883 = vector.broadcast %add3A_882 : i32 to vector<16xi32>
        %add3A_884 = arith.addi %broadcast_in_dim3A_878, %add3A_883 : vector<16xi32>
        %select_n3A_885 = arith.select %lt3A_881, %add3A_884, %broadcast_in_dim3A_878 : vector<16xi1>, vector<16xi32>
        %broadcast_in_dim3A_886 = vector.shape_cast %select_n3A_885 : vector<16xi32> to vector<16x1xi32>
        %gather3A_887 = vector.shape_cast %broadcast_in_dim3A_886 : vector<16x1xi32> to vector<16xi32>
        %gather3A_888 = tpu.dynamic_gather %mul3A_837[%gather3A_887] in [0] : vector<16xi32>, vector<16xi32> -> vector<16xi32>
        %add3A_889 = arith.addi %gather3A_888, %iota3A : vector<16xi32>
        tpu.vector_store_idx %arg7[%add3A_889], %max3A_876 {add = true} : memref<80128xf32, #tpu.memory_space<vmem>>[vector<16xi32>], vector<16xf32>,
        %mul3A_890 = arith.constant 16 : i32
        %mul3A_891 = arith.muli %scan3A_823, %mul3A_890 : i32
        %add3A_892 = arith.constant 2 : i32
        %add3A_893 = arith.addi %mul3A_891, %add3A_892 : i32
        %get3A_894 = arith.index_cast %add3A_893 : i32 to index
        %get3A_895 = arith.constant 0 : index
        %get3A_896 = tpu.vector_load %arg8[%get3A_894, %get3A_895] {strides = array<i32>} : memref<640x16xf32, #tpu.memory_space<vmem>>, vector<16xf32>,
        %get3A_897 = arith.index_cast %add3A_893 : i32 to index
        %get3A_898 = arith.constant 0 : index
        %get3A_899 = tpu.vector_load %arg10[%get3A_897, %get3A_898] {strides = array<i32>} : memref<640x16xf32, #tpu.memory_space<vmem>>, vector<16xf32>,
        %add3A_900 = arith.addf %get3A_896, %get3A_899 : vector<16xf32>
        %max3A_901 = arith.constant 0.000000e+00 : f32
        %max3A_902 = vector.broadcast %max3A_901 : f32 to vector<16xf32>
        %max3A_903 = arith.maximumf %add3A_900, %max3A_902 : vector<16xf32>
        %broadcast_in_dim3A_904 = arith.constant 2 : i32
        %broadcast_in_dim3A_905 = vector.broadcast %broadcast_in_dim3A_904 : i32 to vector<16xi32>
        %lt3A_906 = arith.constant 0 : i32
        %lt3A_907 = vector.broadcast %lt3A_906 : i32 to vector<16xi32>
        %lt3A_908 = arith.cmpi slt, %broadcast_in_dim3A_905, %lt3A_907 : vector<16xi32>
        %add3A_909 = arith.constant 16 : i32
        %add3A_910 = vector.broadcast %add3A_909 : i32 to vector<16xi32>
        %add3A_911 = arith.addi %broadcast_in_dim3A_905, %add3A_910 : vector<16xi32>
        %select_n3A_912 = arith.select %lt3A_908, %add3A_911, %broadcast_in_dim3A_905 : vector<16xi1>, vector<16xi32>
        %broadcast_in_dim3A_913 = vector.shape_cast %select_n3A_912 : vector<16xi32> to vector<16x1xi32>
        %gather3A_914 = vector.shape_cast %broadcast_in_dim3A_913 : vector<16x1xi32> to vector<16xi32>
        %gather3A_915 = tpu.dynamic_gather %mul3A_837[%gather3A_914] in [0] : vector<16xi32>, vector<16xi32> -> vector<16xi32>
        %add3A_916 = arith.addi %gather3A_915, %iota3A : vector<16xi32>
        tpu.vector_store_idx %arg7[%add3A_916], %max3A_903 {add = true} : memref<80128xf32, #tpu.memory_space<vmem>>[vector<16xi32>], vector<16xf32>,
        %mul3A_917 = arith.constant 16 : i32
        %mul3A_918 = arith.muli %scan3A_823, %mul3A_917 : i32
        %add3A_919 = arith.constant 3 : i32
        %add3A_920 = arith.addi %mul3A_918, %add3A_919 : i32
        %get3A_921 = arith.index_cast %add3A_920 : i32 to index
        %get3A_922 = arith.constant 0 : index
        %get3A_923 = tpu.vector_load %arg8[%get3A_921, %get3A_922] {strides = array<i32>} : memref<640x16xf32, #tpu.memory_space<vmem>>, vector<16xf32>,
        %get3A_924 = arith.index_cast %add3A_920 : i32 to index
        %get3A_925 = arith.constant 0 : index
        %get3A_926 = tpu.vector_load %arg10[%get3A_924, %get3A_925] {strides = array<i32>} : memref<640x16xf32, #tpu.memory_space<vmem>>, vector<16xf32>,
        %add3A_927 = arith.addf %get3A_923, %get3A_926 : vector<16xf32>
        %max3A_928 = arith.constant 0.000000e+00 : f32
        %max3A_929 = vector.broadcast %max3A_928 : f32 to vector<16xf32>
        %max3A_930 = arith.maximumf %add3A_927, %max3A_929 : vector<16xf32>
        %broadcast_in_dim3A_931 = arith.constant 3 : i32
        %broadcast_in_dim3A_932 = vector.broadcast %broadcast_in_dim3A_931 : i32 to vector<16xi32>
        %lt3A_933 = arith.constant 0 : i32
        %lt3A_934 = vector.broadcast %lt3A_933 : i32 to vector<16xi32>
        %lt3A_935 = arith.cmpi slt, %broadcast_in_dim3A_932, %lt3A_934 : vector<16xi32>
        %add3A_936 = arith.constant 16 : i32
        %add3A_937 = vector.broadcast %add3A_936 : i32 to vector<16xi32>
        %add3A_938 = arith.addi %broadcast_in_dim3A_932, %add3A_937 : vector<16xi32>
        %select_n3A_939 = arith.select %lt3A_935, %add3A_938, %broadcast_in_dim3A_932 : vector<16xi1>, vector<16xi32>
        %broadcast_in_dim3A_940 = vector.shape_cast %select_n3A_939 : vector<16xi32> to vector<16x1xi32>
        %gather3A_941 = vector.shape_cast %broadcast_in_dim3A_940 : vector<16x1xi32> to vector<16xi32>
        %gather3A_942 = tpu.dynamic_gather %mul3A_837[%gather3A_941] in [0] : vector<16xi32>, vector<16xi32> -> vector<16xi32>
        %add3A_943 = arith.addi %gather3A_942, %iota3A : vector<16xi32>
        tpu.vector_store_idx %arg7[%add3A_943], %max3A_930 {add = true} : memref<80128xf32, #tpu.memory_space<vmem>>[vector<16xi32>], vector<16xf32>,
        %mul3A_944 = arith.constant 16 : i32
        %mul3A_945 = arith.muli %scan3A_823, %mul3A_944 : i32
        %add3A_946 = arith.constant 4 : i32
        %add3A_947 = arith.addi %mul3A_945, %add3A_946 : i32
        %get3A_948 = arith.index_cast %add3A_947 : i32 to index
        %get3A_949 = arith.constant 0 : index
        %get3A_950 = tpu.vector_load %arg8[%get3A_948, %get3A_949] {strides = array<i32>} : memref<640x16xf32, #tpu.memory_space<vmem>>, vector<16xf32>,
        %get3A_951 = arith.index_cast %add3A_947 : i32 to index
        %get3A_952 = arith.constant 0 : index
        %get3A_953 = tpu.vector_load %arg10[%get3A_951, %get3A_952] {strides = array<i32>} : memref<640x16xf32, #tpu.memory_space<vmem>>, vector<16xf32>,
        %add3A_954 = arith.addf %get3A_950, %get3A_953 : vector<16xf32>
        %max3A_955 = arith.constant 0.000000e+00 : f32
        %max3A_956 = vector.broadcast %max3A_955 : f32 to vector<16xf32>
        %max3A_957 = arith.maximumf %add3A_954, %max3A_956 : vector<16xf32>
        %broadcast_in_dim3A_958 = arith.constant 4 : i32
        %broadcast_in_dim3A_959 = vector.broadcast %broadcast_in_dim3A_958 : i32 to vector<16xi32>
        %lt3A_960 = arith.constant 0 : i32
        %lt3A_961 = vector.broadcast %lt3A_960 : i32 to vector<16xi32>
        %lt3A_962 = arith.cmpi slt, %broadcast_in_dim3A_959, %lt3A_961 : vector<16xi32>
        %add3A_963 = arith.constant 16 : i32
        %add3A_964 = vector.broadcast %add3A_963 : i32 to vector<16xi32>
        %add3A_965 = arith.addi %broadcast_in_dim3A_959, %add3A_964 : vector<16xi32>
        %select_n3A_966 = arith.select %lt3A_962, %add3A_965, %broadcast_in_dim3A_959 : vector<16xi1>, vector<16xi32>
        %broadcast_in_dim3A_967 = vector.shape_cast %select_n3A_966 : vector<16xi32> to vector<16x1xi32>
        %gather3A_968 = vector.shape_cast %broadcast_in_dim3A_967 : vector<16x1xi32> to vector<16xi32>
        %gather3A_969 = tpu.dynamic_gather %mul3A_837[%gather3A_968] in [0] : vector<16xi32>, vector<16xi32> -> vector<16xi32>
        %add3A_970 = arith.addi %gather3A_969, %iota3A : vector<16xi32>
        tpu.vector_store_idx %arg7[%add3A_970], %max3A_957 {add = true} : memref<80128xf32, #tpu.memory_space<vmem>>[vector<16xi32>], vector<16xf32>,
        %mul3A_971 = arith.constant 16 : i32
        %mul3A_972 = arith.muli %scan3A_823, %mul3A_971 : i32
        %add3A_973 = arith.constant 5 : i32
        %add3A_974 = arith.addi %mul3A_972, %add3A_973 : i32
        %get3A_975 = arith.index_cast %add3A_974 : i32 to index
        %get3A_976 = arith.constant 0 : index
        %get3A_977 = tpu.vector_load %arg8[%get3A_975, %get3A_976] {strides = array<i32>} : memref<640x16xf32, #tpu.memory_space<vmem>>, vector<16xf32>,
        %get3A_978 = arith.index_cast %add3A_974 : i32 to index
        %get3A_979 = arith.constant 0 : index
        %get3A_980 = tpu.vector_load %arg10[%get3A_978, %get3A_979] {strides = array<i32>} : memref<640x16xf32, #tpu.memory_space<vmem>>, vector<16xf32>,
        %add3A_981 = arith.addf %get3A_977, %get3A_980 : vector<16xf32>
        %max3A_982 = arith.constant 0.000000e+00 : f32
        %max3A_983 = vector.broadcast %max3A_982 : f32 to vector<16xf32>
        %max3A_984 = arith.maximumf %add3A_981, %max3A_983 : vector<16xf32>
        %broadcast_in_dim3A_985 = arith.constant 5 : i32
        %broadcast_in_dim3A_986 = vector.broadcast %broadcast_in_dim3A_985 : i32 to vector<16xi32>
        %lt3A_987 = arith.constant 0 : i32
        %lt3A_988 = vector.broadcast %lt3A_987 : i32 to vector<16xi32>
        %lt3A_989 = arith.cmpi slt, %broadcast_in_dim3A_986, %lt3A_988 : vector<16xi32>
        %add3A_990 = arith.constant 16 : i32
        %add3A_991 = vector.broadcast %add3A_990 : i32 to vector<16xi32>
        %add3A_992 = arith.addi %broadcast_in_dim3A_986, %add3A_991 : vector<16xi32>
        %select_n3A_993 = arith.select %lt3A_989, %add3A_992, %broadcast_in_dim3A_986 : vector<16xi1>, vector<16xi32>
        %broadcast_in_dim3A_994 = vector.shape_cast %select_n3A_993 : vector<16xi32> to vector<16x1xi32>
        %gather3A_995 = vector.shape_cast %broadcast_in_dim3A_994 : vector<16x1xi32> to vector<16xi32>
        %gather3A_996 = tpu.dynamic_gather %mul3A_837[%gather3A_995] in [0] : vector<16xi32>, vector<16xi32> -> vector<16xi32>
        %add3A_997 = arith.addi %gather3A_996, %iota3A : vector<16xi32>
        tpu.vector_store_idx %arg7[%add3A_997], %max3A_984 {add = true} : memref<80128xf32, #tpu.memory_space<vmem>>[vector<16xi32>], vector<16xf32>,
        %mul3A_998 = arith.constant 16 : i32
        %mul3A_999 = arith.muli %scan3A_823, %mul3A_998 : i32
        %add3A_1000 = arith.constant 6 : i32
        %add3A_1001 = arith.addi %mul3A_999, %add3A_1000 : i32
        %get3A_1002 = arith.index_cast %add3A_1001 : i32 to index
        %get3A_1003 = arith.constant 0 : index
        %get3A_1004 = tpu.vector_load %arg8[%get3A_1002, %get3A_1003] {strides = array<i32>} : memref<640x16xf32, #tpu.memory_space<vmem>>, vector<16xf32>,
        %get3A_1005 = arith.index_cast %add3A_1001 : i32 to index
        %get3A_1006 = arith.constant 0 : index
        %get3A_1007 = tpu.vector_load %arg10[%get3A_1005, %get3A_1006] {strides = array<i32>} : memref<640x16xf32, #tpu.memory_space<vmem>>, vector<16xf32>,
        %add3A_1008 = arith.addf %get3A_1004, %get3A_1007 : vector<16xf32>
        %max3A_1009 = arith.constant 0.000000e+00 : f32
        %max3A_1010 = vector.broadcast %max3A_1009 : f32 to vector<16xf32>
        %max3A_1011 = arith.maximumf %add3A_1008, %max3A_1010 : vector<16xf32>
        %broadcast_in_dim3A_1012 = arith.constant 6 : i32
        %broadcast_in_dim3A_1013 = vector.broadcast %broadcast_in_dim3A_1012 : i32 to vector<16xi32>
        %lt3A_1014 = arith.constant 0 : i32
        %lt3A_1015 = vector.broadcast %lt3A_1014 : i32 to vector<16xi32>
        %lt3A_1016 = arith.cmpi slt, %broadcast_in_dim3A_1013, %lt3A_1015 : vector<16xi32>
        %add3A_1017 = arith.constant 16 : i32
        %add3A_1018 = vector.broadcast %add3A_1017 : i32 to vector<16xi32>
        %add3A_1019 = arith.addi %broadcast_in_dim3A_1013, %add3A_1018 : vector<16xi32>
        %select_n3A_1020 = arith.select %lt3A_1016, %add3A_1019, %broadcast_in_dim3A_1013 : vector<16xi1>, vector<16xi32>
        %broadcast_in_dim3A_1021 = vector.shape_cast %select_n3A_1020 : vector<16xi32> to vector<16x1xi32>
        %gather3A_1022 = vector.shape_cast %broadcast_in_dim3A_1021 : vector<16x1xi32> to vector<16xi32>
        %gather3A_1023 = tpu.dynamic_gather %mul3A_837[%gather3A_1022] in [0] : vector<16xi32>, vector<16xi32> -> vector<16xi32>
        %add3A_1024 = arith.addi %gather3A_1023, %iota3A : vector<16xi32>
        tpu.vector_store_idx %arg7[%add3A_1024], %max3A_1011 {add = true} : memref<80128xf32, #tpu.memory_space<vmem>>[vector<16xi32>], vector<16xf32>,
        %mul3A_1025 = arith.constant 16 : i32
        %mul3A_1026 = arith.muli %scan3A_823, %mul3A_1025 : i32
        %add3A_1027 = arith.constant 7 : i32
        %add3A_1028 = arith.addi %mul3A_1026, %add3A_1027 : i32
        %get3A_1029 = arith.index_cast %add3A_1028 : i32 to index
        %get3A_1030 = arith.constant 0 : index
        %get3A_1031 = tpu.vector_load %arg8[%get3A_1029, %get3A_1030] {strides = array<i32>} : memref<640x16xf32, #tpu.memory_space<vmem>>, vector<16xf32>,
        %get3A_1032 = arith.index_cast %add3A_1028 : i32 to index
        %get3A_1033 = arith.constant 0 : index
        %get3A_1034 = tpu.vector_load %arg10[%get3A_1032, %get3A_1033] {strides = array<i32>} : memref<640x16xf32, #tpu.memory_space<vmem>>, vector<16xf32>,
        %add3A_1035 = arith.addf %get3A_1031, %get3A_1034 : vector<16xf32>
        %max3A_1036 = arith.constant 0.000000e+00 : f32
        %max3A_1037 = vector.broadcast %max3A_1036 : f32 to vector<16xf32>
        %max3A_1038 = arith.maximumf %add3A_1035, %max3A_1037 : vector<16xf32>
        %broadcast_in_dim3A_1039 = arith.constant 7 : i32
        %broadcast_in_dim3A_1040 = vector.broadcast %broadcast_in_dim3A_1039 : i32 to vector<16xi32>
        %lt3A_1041 = arith.constant 0 : i32
        %lt3A_1042 = vector.broadcast %lt3A_1041 : i32 to vector<16xi32>
        %lt3A_1043 = arith.cmpi slt, %broadcast_in_dim3A_1040, %lt3A_1042 : vector<16xi32>
        %add3A_1044 = arith.constant 16 : i32
        %add3A_1045 = vector.broadcast %add3A_1044 : i32 to vector<16xi32>
        %add3A_1046 = arith.addi %broadcast_in_dim3A_1040, %add3A_1045 : vector<16xi32>
        %select_n3A_1047 = arith.select %lt3A_1043, %add3A_1046, %broadcast_in_dim3A_1040 : vector<16xi1>, vector<16xi32>
        %broadcast_in_dim3A_1048 = vector.shape_cast %select_n3A_1047 : vector<16xi32> to vector<16x1xi32>
        %gather3A_1049 = vector.shape_cast %broadcast_in_dim3A_1048 : vector<16x1xi32> to vector<16xi32>
        %gather3A_1050 = tpu.dynamic_gather %mul3A_837[%gather3A_1049] in [0] : vector<16xi32>, vector<16xi32> -> vector<16xi32>
        %add3A_1051 = arith.addi %gather3A_1050, %iota3A : vector<16xi32>
        tpu.vector_store_idx %arg7[%add3A_1051], %max3A_1038 {add = true} : memref<80128xf32, #tpu.memory_space<vmem>>[vector<16xi32>], vector<16xf32>,
        %mul3A_1052 = arith.constant 16 : i32
        %mul3A_1053 = arith.muli %scan3A_823, %mul3A_1052 : i32
        %add3A_1054 = arith.constant 8 : i32
        %add3A_1055 = arith.addi %mul3A_1053, %add3A_1054 : i32
        %get3A_1056 = arith.index_cast %add3A_1055 : i32 to index
        %get3A_1057 = arith.constant 0 : index
        %get3A_1058 = tpu.vector_load %arg8[%get3A_1056, %get3A_1057] {strides = array<i32>} : memref<640x16xf32, #tpu.memory_space<vmem>>, vector<16xf32>,
        %get3A_1059 = arith.index_cast %add3A_1055 : i32 to index
        %get3A_1060 = arith.constant 0 : index
        %get3A_1061 = tpu.vector_load %arg10[%get3A_1059, %get3A_1060] {strides = array<i32>} : memref<640x16xf32, #tpu.memory_space<vmem>>, vector<16xf32>,
        %add3A_1062 = arith.addf %get3A_1058, %get3A_1061 : vector<16xf32>
        %max3A_1063 = arith.constant 0.000000e+00 : f32
        %max3A_1064 = vector.broadcast %max3A_1063 : f32 to vector<16xf32>
        %max3A_1065 = arith.maximumf %add3A_1062, %max3A_1064 : vector<16xf32>
        %broadcast_in_dim3A_1066 = arith.constant 8 : i32
        %broadcast_in_dim3A_1067 = vector.broadcast %broadcast_in_dim3A_1066 : i32 to vector<16xi32>
        %lt3A_1068 = arith.constant 0 : i32
        %lt3A_1069 = vector.broadcast %lt3A_1068 : i32 to vector<16xi32>
        %lt3A_1070 = arith.cmpi slt, %broadcast_in_dim3A_1067, %lt3A_1069 : vector<16xi32>
        %add3A_1071 = arith.constant 16 : i32
        %add3A_1072 = vector.broadcast %add3A_1071 : i32 to vector<16xi32>
        %add3A_1073 = arith.addi %broadcast_in_dim3A_1067, %add3A_1072 : vector<16xi32>
        %select_n3A_1074 = arith.select %lt3A_1070, %add3A_1073, %broadcast_in_dim3A_1067 : vector<16xi1>, vector<16xi32>
        %broadcast_in_dim3A_1075 = vector.shape_cast %select_n3A_1074 : vector<16xi32> to vector<16x1xi32>
        %gather3A_1076 = vector.shape_cast %broadcast_in_dim3A_1075 : vector<16x1xi32> to vector<16xi32>
        %gather3A_1077 = tpu.dynamic_gather %mul3A_837[%gather3A_1076] in [0] : vector<16xi32>, vector<16xi32> -> vector<16xi32>
        %add3A_1078 = arith.addi %gather3A_1077, %iota3A : vector<16xi32>
        tpu.vector_store_idx %arg7[%add3A_1078], %max3A_1065 {add = true} : memref<80128xf32, #tpu.memory_space<vmem>>[vector<16xi32>], vector<16xf32>,
        %mul3A_1079 = arith.constant 16 : i32
        %mul3A_1080 = arith.muli %scan3A_823, %mul3A_1079 : i32
        %add3A_1081 = arith.constant 9 : i32
        %add3A_1082 = arith.addi %mul3A_1080, %add3A_1081 : i32
        %get3A_1083 = arith.index_cast %add3A_1082 : i32 to index
        %get3A_1084 = arith.constant 0 : index
        %get3A_1085 = tpu.vector_load %arg8[%get3A_1083, %get3A_1084] {strides = array<i32>} : memref<640x16xf32, #tpu.memory_space<vmem>>, vector<16xf32>,
        %get3A_1086 = arith.index_cast %add3A_1082 : i32 to index
        %get3A_1087 = arith.constant 0 : index
        %get3A_1088 = tpu.vector_load %arg10[%get3A_1086, %get3A_1087] {strides = array<i32>} : memref<640x16xf32, #tpu.memory_space<vmem>>, vector<16xf32>,
        %add3A_1089 = arith.addf %get3A_1085, %get3A_1088 : vector<16xf32>
        %max3A_1090 = arith.constant 0.000000e+00 : f32
        %max3A_1091 = vector.broadcast %max3A_1090 : f32 to vector<16xf32>
        %max3A_1092 = arith.maximumf %add3A_1089, %max3A_1091 : vector<16xf32>
        %broadcast_in_dim3A_1093 = arith.constant 9 : i32
        %broadcast_in_dim3A_1094 = vector.broadcast %broadcast_in_dim3A_1093 : i32 to vector<16xi32>
        %lt3A_1095 = arith.constant 0 : i32
        %lt3A_1096 = vector.broadcast %lt3A_1095 : i32 to vector<16xi32>
        %lt3A_1097 = arith.cmpi slt, %broadcast_in_dim3A_1094, %lt3A_1096 : vector<16xi32>
        %add3A_1098 = arith.constant 16 : i32
        %add3A_1099 = vector.broadcast %add3A_1098 : i32 to vector<16xi32>
        %add3A_1100 = arith.addi %broadcast_in_dim3A_1094, %add3A_1099 : vector<16xi32>
        %select_n3A_1101 = arith.select %lt3A_1097, %add3A_1100, %broadcast_in_dim3A_1094 : vector<16xi1>, vector<16xi32>
        %broadcast_in_dim3A_1102 = vector.shape_cast %select_n3A_1101 : vector<16xi32> to vector<16x1xi32>
        %gather3A_1103 = vector.shape_cast %broadcast_in_dim3A_1102 : vector<16x1xi32> to vector<16xi32>
        %gather3A_1104 = tpu.dynamic_gather %mul3A_837[%gather3A_1103] in [0] : vector<16xi32>, vector<16xi32> -> vector<16xi32>
        %add3A_1105 = arith.addi %gather3A_1104, %iota3A : vector<16xi32>
        tpu.vector_store_idx %arg7[%add3A_1105], %max3A_1092 {add = true} : memref<80128xf32, #tpu.memory_space<vmem>>[vector<16xi32>], vector<16xf32>,
        %mul3A_1106 = arith.constant 16 : i32
        %mul3A_1107 = arith.muli %scan3A_823, %mul3A_1106 : i32
        %add3A_1108 = arith.constant 10 : i32
        %add3A_1109 = arith.addi %mul3A_1107, %add3A_1108 : i32
        %get3A_1110 = arith.index_cast %add3A_1109 : i32 to index
        %get3A_1111 = arith.constant 0 : index
        %get3A_1112 = tpu.vector_load %arg8[%get3A_1110, %get3A_1111] {strides = array<i32>} : memref<640x16xf32, #tpu.memory_space<vmem>>, vector<16xf32>,
        %get3A_1113 = arith.index_cast %add3A_1109 : i32 to index
        %get3A_1114 = arith.constant 0 : index
        %get3A_1115 = tpu.vector_load %arg10[%get3A_1113, %get3A_1114] {strides = array<i32>} : memref<640x16xf32, #tpu.memory_space<vmem>>, vector<16xf32>,
        %add3A_1116 = arith.addf %get3A_1112, %get3A_1115 : vector<16xf32>
        %max3A_1117 = arith.constant 0.000000e+00 : f32
        %max3A_1118 = vector.broadcast %max3A_1117 : f32 to vector<16xf32>
        %max3A_1119 = arith.maximumf %add3A_1116, %max3A_1118 : vector<16xf32>
        %broadcast_in_dim3A_1120 = arith.constant 10 : i32
        %broadcast_in_dim3A_1121 = vector.broadcast %broadcast_in_dim3A_1120 : i32 to vector<16xi32>
        %lt3A_1122 = arith.constant 0 : i32
        %lt3A_1123 = vector.broadcast %lt3A_1122 : i32 to vector<16xi32>
        %lt3A_1124 = arith.cmpi slt, %broadcast_in_dim3A_1121, %lt3A_1123 : vector<16xi32>
        %add3A_1125 = arith.constant 16 : i32
        %add3A_1126 = vector.broadcast %add3A_1125 : i32 to vector<16xi32>
        %add3A_1127 = arith.addi %broadcast_in_dim3A_1121, %add3A_1126 : vector<16xi32>
        %select_n3A_1128 = arith.select %lt3A_1124, %add3A_1127, %broadcast_in_dim3A_1121 : vector<16xi1>, vector<16xi32>
        %broadcast_in_dim3A_1129 = vector.shape_cast %select_n3A_1128 : vector<16xi32> to vector<16x1xi32>
        %gather3A_1130 = vector.shape_cast %broadcast_in_dim3A_1129 : vector<16x1xi32> to vector<16xi32>
        %gather3A_1131 = tpu.dynamic_gather %mul3A_837[%gather3A_1130] in [0] : vector<16xi32>, vector<16xi32> -> vector<16xi32>
        %add3A_1132 = arith.addi %gather3A_1131, %iota3A : vector<16xi32>
        tpu.vector_store_idx %arg7[%add3A_1132], %max3A_1119 {add = true} : memref<80128xf32, #tpu.memory_space<vmem>>[vector<16xi32>], vector<16xf32>,
        %mul3A_1133 = arith.constant 16 : i32
        %mul3A_1134 = arith.muli %scan3A_823, %mul3A_1133 : i32
        %add3A_1135 = arith.constant 11 : i32
        %add3A_1136 = arith.addi %mul3A_1134, %add3A_1135 : i32
        %get3A_1137 = arith.index_cast %add3A_1136 : i32 to index
        %get3A_1138 = arith.constant 0 : index
        %get3A_1139 = tpu.vector_load %arg8[%get3A_1137, %get3A_1138] {strides = array<i32>} : memref<640x16xf32, #tpu.memory_space<vmem>>, vector<16xf32>,
        %get3A_1140 = arith.index_cast %add3A_1136 : i32 to index
        %get3A_1141 = arith.constant 0 : index
        %get3A_1142 = tpu.vector_load %arg10[%get3A_1140, %get3A_1141] {strides = array<i32>} : memref<640x16xf32, #tpu.memory_space<vmem>>, vector<16xf32>,
        %add3A_1143 = arith.addf %get3A_1139, %get3A_1142 : vector<16xf32>
        %max3A_1144 = arith.constant 0.000000e+00 : f32
        %max3A_1145 = vector.broadcast %max3A_1144 : f32 to vector<16xf32>
        %max3A_1146 = arith.maximumf %add3A_1143, %max3A_1145 : vector<16xf32>
        %broadcast_in_dim3A_1147 = arith.constant 11 : i32
        %broadcast_in_dim3A_1148 = vector.broadcast %broadcast_in_dim3A_1147 : i32 to vector<16xi32>
        %lt3A_1149 = arith.constant 0 : i32
        %lt3A_1150 = vector.broadcast %lt3A_1149 : i32 to vector<16xi32>
        %lt3A_1151 = arith.cmpi slt, %broadcast_in_dim3A_1148, %lt3A_1150 : vector<16xi32>
        %add3A_1152 = arith.constant 16 : i32
        %add3A_1153 = vector.broadcast %add3A_1152 : i32 to vector<16xi32>
        %add3A_1154 = arith.addi %broadcast_in_dim3A_1148, %add3A_1153 : vector<16xi32>
        %select_n3A_1155 = arith.select %lt3A_1151, %add3A_1154, %broadcast_in_dim3A_1148 : vector<16xi1>, vector<16xi32>
        %broadcast_in_dim3A_1156 = vector.shape_cast %select_n3A_1155 : vector<16xi32> to vector<16x1xi32>
        %gather3A_1157 = vector.shape_cast %broadcast_in_dim3A_1156 : vector<16x1xi32> to vector<16xi32>
        %gather3A_1158 = tpu.dynamic_gather %mul3A_837[%gather3A_1157] in [0] : vector<16xi32>, vector<16xi32> -> vector<16xi32>
        %add3A_1159 = arith.addi %gather3A_1158, %iota3A : vector<16xi32>
        tpu.vector_store_idx %arg7[%add3A_1159], %max3A_1146 {add = true} : memref<80128xf32, #tpu.memory_space<vmem>>[vector<16xi32>], vector<16xf32>,
        %mul3A_1160 = arith.constant 16 : i32
        %mul3A_1161 = arith.muli %scan3A_823, %mul3A_1160 : i32
        %add3A_1162 = arith.constant 12 : i32
        %add3A_1163 = arith.addi %mul3A_1161, %add3A_1162 : i32
        %get3A_1164 = arith.index_cast %add3A_1163 : i32 to index
        %get3A_1165 = arith.constant 0 : index
        %get3A_1166 = tpu.vector_load %arg8[%get3A_1164, %get3A_1165] {strides = array<i32>} : memref<640x16xf32, #tpu.memory_space<vmem>>, vector<16xf32>,
        %get3A_1167 = arith.index_cast %add3A_1163 : i32 to index
        %get3A_1168 = arith.constant 0 : index
        %get3A_1169 = tpu.vector_load %arg10[%get3A_1167, %get3A_1168] {strides = array<i32>} : memref<640x16xf32, #tpu.memory_space<vmem>>, vector<16xf32>,
        %add3A_1170 = arith.addf %get3A_1166, %get3A_1169 : vector<16xf32>
        %max3A_1171 = arith.constant 0.000000e+00 : f32
        %max3A_1172 = vector.broadcast %max3A_1171 : f32 to vector<16xf32>
        %max3A_1173 = arith.maximumf %add3A_1170, %max3A_1172 : vector<16xf32>
        %broadcast_in_dim3A_1174 = arith.constant 12 : i32
        %broadcast_in_dim3A_1175 = vector.broadcast %broadcast_in_dim3A_1174 : i32 to vector<16xi32>
        %lt3A_1176 = arith.constant 0 : i32
        %lt3A_1177 = vector.broadcast %lt3A_1176 : i32 to vector<16xi32>
        %lt3A_1178 = arith.cmpi slt, %broadcast_in_dim3A_1175, %lt3A_1177 : vector<16xi32>
        %add3A_1179 = arith.constant 16 : i32
        %add3A_1180 = vector.broadcast %add3A_1179 : i32 to vector<16xi32>
        %add3A_1181 = arith.addi %broadcast_in_dim3A_1175, %add3A_1180 : vector<16xi32>
        %select_n3A_1182 = arith.select %lt3A_1178, %add3A_1181, %broadcast_in_dim3A_1175 : vector<16xi1>, vector<16xi32>
        %broadcast_in_dim3A_1183 = vector.shape_cast %select_n3A_1182 : vector<16xi32> to vector<16x1xi32>
        %gather3A_1184 = vector.shape_cast %broadcast_in_dim3A_1183 : vector<16x1xi32> to vector<16xi32>
        %gather3A_1185 = tpu.dynamic_gather %mul3A_837[%gather3A_1184] in [0] : vector<16xi32>, vector<16xi32> -> vector<16xi32>
        %add3A_1186 = arith.addi %gather3A_1185, %iota3A : vector<16xi32>
        tpu.vector_store_idx %arg7[%add3A_1186], %max3A_1173 {add = true} : memref<80128xf32, #tpu.memory_space<vmem>>[vector<16xi32>], vector<16xf32>,
        %mul3A_1187 = arith.constant 16 : i32
        %mul3A_1188 = arith.muli %scan3A_823, %mul3A_1187 : i32
        %add3A_1189 = arith.constant 13 : i32
        %add3A_1190 = arith.addi %mul3A_1188, %add3A_1189 : i32
        %get3A_1191 = arith.index_cast %add3A_1190 : i32 to index
        %get3A_1192 = arith.constant 0 : index
        %get3A_1193 = tpu.vector_load %arg8[%get3A_1191, %get3A_1192] {strides = array<i32>} : memref<640x16xf32, #tpu.memory_space<vmem>>, vector<16xf32>,
        %get3A_1194 = arith.index_cast %add3A_1190 : i32 to index
        %get3A_1195 = arith.constant 0 : index
        %get3A_1196 = tpu.vector_load %arg10[%get3A_1194, %get3A_1195] {strides = array<i32>} : memref<640x16xf32, #tpu.memory_space<vmem>>, vector<16xf32>,
        %add3A_1197 = arith.addf %get3A_1193, %get3A_1196 : vector<16xf32>
        %max3A_1198 = arith.constant 0.000000e+00 : f32
        %max3A_1199 = vector.broadcast %max3A_1198 : f32 to vector<16xf32>
        %max3A_1200 = arith.maximumf %add3A_1197, %max3A_1199 : vector<16xf32>
        %broadcast_in_dim3A_1201 = arith.constant 13 : i32
        %broadcast_in_dim3A_1202 = vector.broadcast %broadcast_in_dim3A_1201 : i32 to vector<16xi32>
        %lt3A_1203 = arith.constant 0 : i32
        %lt3A_1204 = vector.broadcast %lt3A_1203 : i32 to vector<16xi32>
        %lt3A_1205 = arith.cmpi slt, %broadcast_in_dim3A_1202, %lt3A_1204 : vector<16xi32>
        %add3A_1206 = arith.constant 16 : i32
        %add3A_1207 = vector.broadcast %add3A_1206 : i32 to vector<16xi32>
        %add3A_1208 = arith.addi %broadcast_in_dim3A_1202, %add3A_1207 : vector<16xi32>
        %select_n3A_1209 = arith.select %lt3A_1205, %add3A_1208, %broadcast_in_dim3A_1202 : vector<16xi1>, vector<16xi32>
        %broadcast_in_dim3A_1210 = vector.shape_cast %select_n3A_1209 : vector<16xi32> to vector<16x1xi32>
        %gather3A_1211 = vector.shape_cast %broadcast_in_dim3A_1210 : vector<16x1xi32> to vector<16xi32>
        %gather3A_1212 = tpu.dynamic_gather %mul3A_837[%gather3A_1211] in [0] : vector<16xi32>, vector<16xi32> -> vector<16xi32>
        %add3A_1213 = arith.addi %gather3A_1212, %iota3A : vector<16xi32>
        tpu.vector_store_idx %arg7[%add3A_1213], %max3A_1200 {add = true} : memref<80128xf32, #tpu.memory_space<vmem>>[vector<16xi32>], vector<16xf32>,
        %mul3A_1214 = arith.constant 16 : i32
        %mul3A_1215 = arith.muli %scan3A_823, %mul3A_1214 : i32
        %add3A_1216 = arith.constant 14 : i32
        %add3A_1217 = arith.addi %mul3A_1215, %add3A_1216 : i32
        %get3A_1218 = arith.index_cast %add3A_1217 : i32 to index
        %get3A_1219 = arith.constant 0 : index
        %get3A_1220 = tpu.vector_load %arg8[%get3A_1218, %get3A_1219] {strides = array<i32>} : memref<640x16xf32, #tpu.memory_space<vmem>>, vector<16xf32>,
        %get3A_1221 = arith.index_cast %add3A_1217 : i32 to index
        %get3A_1222 = arith.constant 0 : index
        %get3A_1223 = tpu.vector_load %arg10[%get3A_1221, %get3A_1222] {strides = array<i32>} : memref<640x16xf32, #tpu.memory_space<vmem>>, vector<16xf32>,
        %add3A_1224 = arith.addf %get3A_1220, %get3A_1223 : vector<16xf32>
        %max3A_1225 = arith.constant 0.000000e+00 : f32
        %max3A_1226 = vector.broadcast %max3A_1225 : f32 to vector<16xf32>
        %max3A_1227 = arith.maximumf %add3A_1224, %max3A_1226 : vector<16xf32>
        %broadcast_in_dim3A_1228 = arith.constant 14 : i32
        %broadcast_in_dim3A_1229 = vector.broadcast %broadcast_in_dim3A_1228 : i32 to vector<16xi32>
        %lt3A_1230 = arith.constant 0 : i32
        %lt3A_1231 = vector.broadcast %lt3A_1230 : i32 to vector<16xi32>
        %lt3A_1232 = arith.cmpi slt, %broadcast_in_dim3A_1229, %lt3A_1231 : vector<16xi32>
        %add3A_1233 = arith.constant 16 : i32
        %add3A_1234 = vector.broadcast %add3A_1233 : i32 to vector<16xi32>
        %add3A_1235 = arith.addi %broadcast_in_dim3A_1229, %add3A_1234 : vector<16xi32>
        %select_n3A_1236 = arith.select %lt3A_1232, %add3A_1235, %broadcast_in_dim3A_1229 : vector<16xi1>, vector<16xi32>
        %broadcast_in_dim3A_1237 = vector.shape_cast %select_n3A_1236 : vector<16xi32> to vector<16x1xi32>
        %gather3A_1238 = vector.shape_cast %broadcast_in_dim3A_1237 : vector<16x1xi32> to vector<16xi32>
        %gather3A_1239 = tpu.dynamic_gather %mul3A_837[%gather3A_1238] in [0] : vector<16xi32>, vector<16xi32> -> vector<16xi32>
        %add3A_1240 = arith.addi %gather3A_1239, %iota3A : vector<16xi32>
        tpu.vector_store_idx %arg7[%add3A_1240], %max3A_1227 {add = true} : memref<80128xf32, #tpu.memory_space<vmem>>[vector<16xi32>], vector<16xf32>,
        %mul3A_1241 = arith.constant 16 : i32
        %mul3A_1242 = arith.muli %scan3A_823, %mul3A_1241 : i32
        %add3A_1243 = arith.constant 15 : i32
        %add3A_1244 = arith.addi %mul3A_1242, %add3A_1243 : i32
        %get3A_1245 = arith.index_cast %add3A_1244 : i32 to index
        %get3A_1246 = arith.constant 0 : index
        %get3A_1247 = tpu.vector_load %arg8[%get3A_1245, %get3A_1246] {strides = array<i32>} : memref<640x16xf32, #tpu.memory_space<vmem>>, vector<16xf32>,
        %get3A_1248 = arith.index_cast %add3A_1244 : i32 to index
        %get3A_1249 = arith.constant 0 : index
        %get3A_1250 = tpu.vector_load %arg10[%get3A_1248, %get3A_1249] {strides = array<i32>} : memref<640x16xf32, #tpu.memory_space<vmem>>, vector<16xf32>,
        %add3A_1251 = arith.addf %get3A_1247, %get3A_1250 : vector<16xf32>
        %max3A_1252 = arith.constant 0.000000e+00 : f32
        %max3A_1253 = vector.broadcast %max3A_1252 : f32 to vector<16xf32>
        %max3A_1254 = arith.maximumf %add3A_1251, %max3A_1253 : vector<16xf32>
        %broadcast_in_dim3A_1255 = arith.constant 15 : i32
        %broadcast_in_dim3A_1256 = vector.broadcast %broadcast_in_dim3A_1255 : i32 to vector<16xi32>
        %lt3A_1257 = arith.constant 0 : i32
        %lt3A_1258 = vector.broadcast %lt3A_1257 : i32 to vector<16xi32>
        %lt3A_1259 = arith.cmpi slt, %broadcast_in_dim3A_1256, %lt3A_1258 : vector<16xi32>
        %add3A_1260 = arith.constant 16 : i32
        %add3A_1261 = vector.broadcast %add3A_1260 : i32 to vector<16xi32>
        %add3A_1262 = arith.addi %broadcast_in_dim3A_1256, %add3A_1261 : vector<16xi32>
        %select_n3A_1263 = arith.select %lt3A_1259, %add3A_1262, %broadcast_in_dim3A_1256 : vector<16xi1>, vector<16xi32>
        %broadcast_in_dim3A_1264 = vector.shape_cast %select_n3A_1263 : vector<16xi32> to vector<16x1xi32>
        %gather3A_1265 = vector.shape_cast %broadcast_in_dim3A_1264 : vector<16x1xi32> to vector<16xi32>
        %gather3A_1266 = tpu.dynamic_gather %mul3A_837[%gather3A_1265] in [0] : vector<16xi32>, vector<16xi32> -> vector<16xi32>
        %add3A_1267 = arith.addi %gather3A_1266, %iota3A : vector<16xi32>
        tpu.vector_store_idx %arg7[%add3A_1267], %max3A_1254 {add = true} : memref<80128xf32, #tpu.memory_space<vmem>>[vector<16xi32>], vector<16xf32>,
        %scan3A_1268 = arith.constant 1 : i32
        %scan3A_1269 = arith.addi %scan3A_823, %scan3A_1268 : i32
        %mul3A_1270 = arith.constant 16 : i32
        %mul3A_1271 = arith.muli %scan3A_1269, %mul3A_1270 : i32
        %get3A_1272 = arith.index_cast %mul3A_1271 : i32 to index
        %get3A_1273 = tpu.vector_load %arg14[%get3A_1272] {strides = array<i32>} : memref<640xi32, #tpu.memory_space<vmem>>, vector<16xi32>,
        %sub3A_1274 = vector.broadcast %mul3A_6 : i32 to vector<16xi32>
        %sub3A_1275 = arith.subi %get3A_1273, %sub3A_1274 : vector<16xi32>
        %ge3A_1276 = arith.constant 0 : i32
        %ge3A_1277 = vector.broadcast %ge3A_1276 : i32 to vector<16xi32>
        %ge3A_1278 = arith.cmpi sge, %sub3A_1275, %ge3A_1277 : vector<16xi32>
        %lt3A_1279 = arith.constant 5000 : i32
        %lt3A_1280 = vector.broadcast %lt3A_1279 : i32 to vector<16xi32>
        %lt3A_1281 = arith.cmpi slt, %sub3A_1275, %lt3A_1280 : vector<16xi32>
        %and3A_1282 = arith.andi %ge3A_1278, %lt3A_1281 : vector<16xi1>
        %jit3A_1283 = arith.constant 5000 : i32
        %broadcast_in_dim3A_1284 = vector.broadcast %jit3A_1283 : i32 to vector<16xi32>
        %select_n3A_1285 = arith.select %and3A_1282, %sub3A_1275, %broadcast_in_dim3A_1284 : vector<16xi1>, vector<16xi32>
        %mul3A_1286 = arith.constant 16 : i32
        %mul3A_1287 = vector.broadcast %mul3A_1286 : i32 to vector<16xi32>
        %mul3A_1288 = arith.muli %select_n3A_1285, %mul3A_1287 : vector<16xi32>
        %mul3A_1289 = arith.constant 16 : i32
        %mul3A_1290 = arith.muli %scan3A_1269, %mul3A_1289 : i32
        %add3A_1291 = arith.constant 0 : i32
        %add3A_1292 = arith.addi %mul3A_1290, %add3A_1291 : i32
        %get3A_1293 = arith.index_cast %add3A_1292 : i32 to index
        %get3A_1294 = arith.constant 0 : index
        %get3A_1295 = tpu.vector_load %arg8[%get3A_1293, %get3A_1294] {strides = array<i32>} : memref<640x16xf32, #tpu.memory_space<vmem>>, vector<16xf32>,
        %get3A_1296 = arith.index_cast %add3A_1292 : i32 to index
        %get3A_1297 = arith.constant 0 : index
        %get3A_1298 = tpu.vector_load %arg10[%get3A_1296, %get3A_1297] {strides = array<i32>} : memref<640x16xf32, #tpu.memory_space<vmem>>, vector<16xf32>,
        %add3A_1299 = arith.addf %get3A_1295, %get3A_1298 : vector<16xf32>
        %max3A_1300 = arith.constant 0.000000e+00 : f32
        %max3A_1301 = vector.broadcast %max3A_1300 : f32 to vector<16xf32>
        %max3A_1302 = arith.maximumf %add3A_1299, %max3A_1301 : vector<16xf32>
        %broadcast_in_dim3A_1303 = arith.constant 0 : i32
        %broadcast_in_dim3A_1304 = vector.broadcast %broadcast_in_dim3A_1303 : i32 to vector<16xi32>
        %lt3A_1305 = arith.constant 0 : i32
        %lt3A_1306 = vector.broadcast %lt3A_1305 : i32 to vector<16xi32>
        %lt3A_1307 = arith.cmpi slt, %broadcast_in_dim3A_1304, %lt3A_1306 : vector<16xi32>
        %add3A_1308 = arith.constant 16 : i32
        %add3A_1309 = vector.broadcast %add3A_1308 : i32 to vector<16xi32>
        %add3A_1310 = arith.addi %broadcast_in_dim3A_1304, %add3A_1309 : vector<16xi32>
        %select_n3A_1311 = arith.select %lt3A_1307, %add3A_1310, %broadcast_in_dim3A_1304 : vector<16xi1>, vector<16xi32>
        %broadcast_in_dim3A_1312 = vector.shape_cast %select_n3A_1311 : vector<16xi32> to vector<16x1xi32>
        %gather3A_1313 = vector.shape_cast %broadcast_in_dim3A_1312 : vector<16x1xi32> to vector<16xi32>
        %gather3A_1314 = tpu.dynamic_gather %mul3A_1288[%gather3A_1313] in [0] : vector<16xi32>, vector<16xi32> -> vector<16xi32>
        %add3A_1315 = arith.addi %gather3A_1314, %iota3A : vector<16xi32>
        tpu.vector_store_idx %arg7[%add3A_1315], %max3A_1302 {add = true} : memref<80128xf32, #tpu.memory_space<vmem>>[vector<16xi32>], vector<16xf32>,
        %mul3A_1316 = arith.constant 16 : i32
        %mul3A_1317 = arith.muli %scan3A_1269, %mul3A_1316 : i32
        %add3A_1318 = arith.constant 1 : i32
        %add3A_1319 = arith.addi %mul3A_1317, %add3A_1318 : i32
        %get3A_1320 = arith.index_cast %add3A_1319 : i32 to index
        %get3A_1321 = arith.constant 0 : index
        %get3A_1322 = tpu.vector_load %arg8[%get3A_1320, %get3A_1321] {strides = array<i32>} : memref<640x16xf32, #tpu.memory_space<vmem>>, vector<16xf32>,
        %get3A_1323 = arith.index_cast %add3A_1319 : i32 to index
        %get3A_1324 = arith.constant 0 : index
        %get3A_1325 = tpu.vector_load %arg10[%get3A_1323, %get3A_1324] {strides = array<i32>} : memref<640x16xf32, #tpu.memory_space<vmem>>, vector<16xf32>,
        %add3A_1326 = arith.addf %get3A_1322, %get3A_1325 : vector<16xf32>
        %max3A_1327 = arith.constant 0.000000e+00 : f32
        %max3A_1328 = vector.broadcast %max3A_1327 : f32 to vector<16xf32>
        %max3A_1329 = arith.maximumf %add3A_1326, %max3A_1328 : vector<16xf32>
        %broadcast_in_dim3A_1330 = arith.constant 1 : i32
        %broadcast_in_dim3A_1331 = vector.broadcast %broadcast_in_dim3A_1330 : i32 to vector<16xi32>
        %lt3A_1332 = arith.constant 0 : i32
        %lt3A_1333 = vector.broadcast %lt3A_1332 : i32 to vector<16xi32>
        %lt3A_1334 = arith.cmpi slt, %broadcast_in_dim3A_1331, %lt3A_1333 : vector<16xi32>
        %add3A_1335 = arith.constant 16 : i32
        %add3A_1336 = vector.broadcast %add3A_1335 : i32 to vector<16xi32>
        %add3A_1337 = arith.addi %broadcast_in_dim3A_1331, %add3A_1336 : vector<16xi32>
        %select_n3A_1338 = arith.select %lt3A_1334, %add3A_1337, %broadcast_in_dim3A_1331 : vector<16xi1>, vector<16xi32>
        %broadcast_in_dim3A_1339 = vector.shape_cast %select_n3A_1338 : vector<16xi32> to vector<16x1xi32>
        %gather3A_1340 = vector.shape_cast %broadcast_in_dim3A_1339 : vector<16x1xi32> to vector<16xi32>
        %gather3A_1341 = tpu.dynamic_gather %mul3A_1288[%gather3A_1340] in [0] : vector<16xi32>, vector<16xi32> -> vector<16xi32>
        %add3A_1342 = arith.addi %gather3A_1341, %iota3A : vector<16xi32>
        tpu.vector_store_idx %arg7[%add3A_1342], %max3A_1329 {add = true} : memref<80128xf32, #tpu.memory_space<vmem>>[vector<16xi32>], vector<16xf32>,
        %mul3A_1343 = arith.constant 16 : i32
        %mul3A_1344 = arith.muli %scan3A_1269, %mul3A_1343 : i32
        %add3A_1345 = arith.constant 2 : i32
        %add3A_1346 = arith.addi %mul3A_1344, %add3A_1345 : i32
        %get3A_1347 = arith.index_cast %add3A_1346 : i32 to index
        %get3A_1348 = arith.constant 0 : index
        %get3A_1349 = tpu.vector_load %arg8[%get3A_1347, %get3A_1348] {strides = array<i32>} : memref<640x16xf32, #tpu.memory_space<vmem>>, vector<16xf32>,
        %get3A_1350 = arith.index_cast %add3A_1346 : i32 to index
        %get3A_1351 = arith.constant 0 : index
        %get3A_1352 = tpu.vector_load %arg10[%get3A_1350, %get3A_1351] {strides = array<i32>} : memref<640x16xf32, #tpu.memory_space<vmem>>, vector<16xf32>,
        %add3A_1353 = arith.addf %get3A_1349, %get3A_1352 : vector<16xf32>
        %max3A_1354 = arith.constant 0.000000e+00 : f32
        %max3A_1355 = vector.broadcast %max3A_1354 : f32 to vector<16xf32>
        %max3A_1356 = arith.maximumf %add3A_1353, %max3A_1355 : vector<16xf32>
        %broadcast_in_dim3A_1357 = arith.constant 2 : i32
        %broadcast_in_dim3A_1358 = vector.broadcast %broadcast_in_dim3A_1357 : i32 to vector<16xi32>
        %lt3A_1359 = arith.constant 0 : i32
        %lt3A_1360 = vector.broadcast %lt3A_1359 : i32 to vector<16xi32>
        %lt3A_1361 = arith.cmpi slt, %broadcast_in_dim3A_1358, %lt3A_1360 : vector<16xi32>
        %add3A_1362 = arith.constant 16 : i32
        %add3A_1363 = vector.broadcast %add3A_1362 : i32 to vector<16xi32>
        %add3A_1364 = arith.addi %broadcast_in_dim3A_1358, %add3A_1363 : vector<16xi32>
        %select_n3A_1365 = arith.select %lt3A_1361, %add3A_1364, %broadcast_in_dim3A_1358 : vector<16xi1>, vector<16xi32>
        %broadcast_in_dim3A_1366 = vector.shape_cast %select_n3A_1365 : vector<16xi32> to vector<16x1xi32>
        %gather3A_1367 = vector.shape_cast %broadcast_in_dim3A_1366 : vector<16x1xi32> to vector<16xi32>
        %gather3A_1368 = tpu.dynamic_gather %mul3A_1288[%gather3A_1367] in [0] : vector<16xi32>, vector<16xi32> -> vector<16xi32>
        %add3A_1369 = arith.addi %gather3A_1368, %iota3A : vector<16xi32>
        tpu.vector_store_idx %arg7[%add3A_1369], %max3A_1356 {add = true} : memref<80128xf32, #tpu.memory_space<vmem>>[vector<16xi32>], vector<16xf32>,
        %mul3A_1370 = arith.constant 16 : i32
        %mul3A_1371 = arith.muli %scan3A_1269, %mul3A_1370 : i32
        %add3A_1372 = arith.constant 3 : i32
        %add3A_1373 = arith.addi %mul3A_1371, %add3A_1372 : i32
        %get3A_1374 = arith.index_cast %add3A_1373 : i32 to index
        %get3A_1375 = arith.constant 0 : index
        %get3A_1376 = tpu.vector_load %arg8[%get3A_1374, %get3A_1375] {strides = array<i32>} : memref<640x16xf32, #tpu.memory_space<vmem>>, vector<16xf32>,
        %get3A_1377 = arith.index_cast %add3A_1373 : i32 to index
        %get3A_1378 = arith.constant 0 : index
        %get3A_1379 = tpu.vector_load %arg10[%get3A_1377, %get3A_1378] {strides = array<i32>} : memref<640x16xf32, #tpu.memory_space<vmem>>, vector<16xf32>,
        %add3A_1380 = arith.addf %get3A_1376, %get3A_1379 : vector<16xf32>
        %max3A_1381 = arith.constant 0.000000e+00 : f32
        %max3A_1382 = vector.broadcast %max3A_1381 : f32 to vector<16xf32>
        %max3A_1383 = arith.maximumf %add3A_1380, %max3A_1382 : vector<16xf32>
        %broadcast_in_dim3A_1384 = arith.constant 3 : i32
        %broadcast_in_dim3A_1385 = vector.broadcast %broadcast_in_dim3A_1384 : i32 to vector<16xi32>
        %lt3A_1386 = arith.constant 0 : i32
        %lt3A_1387 = vector.broadcast %lt3A_1386 : i32 to vector<16xi32>
        %lt3A_1388 = arith.cmpi slt, %broadcast_in_dim3A_1385, %lt3A_1387 : vector<16xi32>
        %add3A_1389 = arith.constant 16 : i32
        %add3A_1390 = vector.broadcast %add3A_1389 : i32 to vector<16xi32>
        %add3A_1391 = arith.addi %broadcast_in_dim3A_1385, %add3A_1390 : vector<16xi32>
        %select_n3A_1392 = arith.select %lt3A_1388, %add3A_1391, %broadcast_in_dim3A_1385 : vector<16xi1>, vector<16xi32>
        %broadcast_in_dim3A_1393 = vector.shape_cast %select_n3A_1392 : vector<16xi32> to vector<16x1xi32>
        %gather3A_1394 = vector.shape_cast %broadcast_in_dim3A_1393 : vector<16x1xi32> to vector<16xi32>
        %gather3A_1395 = tpu.dynamic_gather %mul3A_1288[%gather3A_1394] in [0] : vector<16xi32>, vector<16xi32> -> vector<16xi32>
        %add3A_1396 = arith.addi %gather3A_1395, %iota3A : vector<16xi32>
        tpu.vector_store_idx %arg7[%add3A_1396], %max3A_1383 {add = true} : memref<80128xf32, #tpu.memory_space<vmem>>[vector<16xi32>], vector<16xf32>,
        %mul3A_1397 = arith.constant 16 : i32
        %mul3A_1398 = arith.muli %scan3A_1269, %mul3A_1397 : i32
        %add3A_1399 = arith.constant 4 : i32
        %add3A_1400 = arith.addi %mul3A_1398, %add3A_1399 : i32
        %get3A_1401 = arith.index_cast %add3A_1400 : i32 to index
        %get3A_1402 = arith.constant 0 : index
        %get3A_1403 = tpu.vector_load %arg8[%get3A_1401, %get3A_1402] {strides = array<i32>} : memref<640x16xf32, #tpu.memory_space<vmem>>, vector<16xf32>,
        %get3A_1404 = arith.index_cast %add3A_1400 : i32 to index
        %get3A_1405 = arith.constant 0 : index
        %get3A_1406 = tpu.vector_load %arg10[%get3A_1404, %get3A_1405] {strides = array<i32>} : memref<640x16xf32, #tpu.memory_space<vmem>>, vector<16xf32>,
        %add3A_1407 = arith.addf %get3A_1403, %get3A_1406 : vector<16xf32>
        %max3A_1408 = arith.constant 0.000000e+00 : f32
        %max3A_1409 = vector.broadcast %max3A_1408 : f32 to vector<16xf32>
        %max3A_1410 = arith.maximumf %add3A_1407, %max3A_1409 : vector<16xf32>
        %broadcast_in_dim3A_1411 = arith.constant 4 : i32
        %broadcast_in_dim3A_1412 = vector.broadcast %broadcast_in_dim3A_1411 : i32 to vector<16xi32>
        %lt3A_1413 = arith.constant 0 : i32
        %lt3A_1414 = vector.broadcast %lt3A_1413 : i32 to vector<16xi32>
        %lt3A_1415 = arith.cmpi slt, %broadcast_in_dim3A_1412, %lt3A_1414 : vector<16xi32>
        %add3A_1416 = arith.constant 16 : i32
        %add3A_1417 = vector.broadcast %add3A_1416 : i32 to vector<16xi32>
        %add3A_1418 = arith.addi %broadcast_in_dim3A_1412, %add3A_1417 : vector<16xi32>
        %select_n3A_1419 = arith.select %lt3A_1415, %add3A_1418, %broadcast_in_dim3A_1412 : vector<16xi1>, vector<16xi32>
        %broadcast_in_dim3A_1420 = vector.shape_cast %select_n3A_1419 : vector<16xi32> to vector<16x1xi32>
        %gather3A_1421 = vector.shape_cast %broadcast_in_dim3A_1420 : vector<16x1xi32> to vector<16xi32>
        %gather3A_1422 = tpu.dynamic_gather %mul3A_1288[%gather3A_1421] in [0] : vector<16xi32>, vector<16xi32> -> vector<16xi32>
        %add3A_1423 = arith.addi %gather3A_1422, %iota3A : vector<16xi32>
        tpu.vector_store_idx %arg7[%add3A_1423], %max3A_1410 {add = true} : memref<80128xf32, #tpu.memory_space<vmem>>[vector<16xi32>], vector<16xf32>,
        %mul3A_1424 = arith.constant 16 : i32
        %mul3A_1425 = arith.muli %scan3A_1269, %mul3A_1424 : i32
        %add3A_1426 = arith.constant 5 : i32
        %add3A_1427 = arith.addi %mul3A_1425, %add3A_1426 : i32
        %get3A_1428 = arith.index_cast %add3A_1427 : i32 to index
        %get3A_1429 = arith.constant 0 : index
        %get3A_1430 = tpu.vector_load %arg8[%get3A_1428, %get3A_1429] {strides = array<i32>} : memref<640x16xf32, #tpu.memory_space<vmem>>, vector<16xf32>,
        %get3A_1431 = arith.index_cast %add3A_1427 : i32 to index
        %get3A_1432 = arith.constant 0 : index
        %get3A_1433 = tpu.vector_load %arg10[%get3A_1431, %get3A_1432] {strides = array<i32>} : memref<640x16xf32, #tpu.memory_space<vmem>>, vector<16xf32>,
        %add3A_1434 = arith.addf %get3A_1430, %get3A_1433 : vector<16xf32>
        %max3A_1435 = arith.constant 0.000000e+00 : f32
        %max3A_1436 = vector.broadcast %max3A_1435 : f32 to vector<16xf32>
        %max3A_1437 = arith.maximumf %add3A_1434, %max3A_1436 : vector<16xf32>
        %broadcast_in_dim3A_1438 = arith.constant 5 : i32
        %broadcast_in_dim3A_1439 = vector.broadcast %broadcast_in_dim3A_1438 : i32 to vector<16xi32>
        %lt3A_1440 = arith.constant 0 : i32
        %lt3A_1441 = vector.broadcast %lt3A_1440 : i32 to vector<16xi32>
        %lt3A_1442 = arith.cmpi slt, %broadcast_in_dim3A_1439, %lt3A_1441 : vector<16xi32>
        %add3A_1443 = arith.constant 16 : i32
        %add3A_1444 = vector.broadcast %add3A_1443 : i32 to vector<16xi32>
        %add3A_1445 = arith.addi %broadcast_in_dim3A_1439, %add3A_1444 : vector<16xi32>
        %select_n3A_1446 = arith.select %lt3A_1442, %add3A_1445, %broadcast_in_dim3A_1439 : vector<16xi1>, vector<16xi32>
        %broadcast_in_dim3A_1447 = vector.shape_cast %select_n3A_1446 : vector<16xi32> to vector<16x1xi32>
        %gather3A_1448 = vector.shape_cast %broadcast_in_dim3A_1447 : vector<16x1xi32> to vector<16xi32>
        %gather3A_1449 = tpu.dynamic_gather %mul3A_1288[%gather3A_1448] in [0] : vector<16xi32>, vector<16xi32> -> vector<16xi32>
        %add3A_1450 = arith.addi %gather3A_1449, %iota3A : vector<16xi32>
        tpu.vector_store_idx %arg7[%add3A_1450], %max3A_1437 {add = true} : memref<80128xf32, #tpu.memory_space<vmem>>[vector<16xi32>], vector<16xf32>,
        %mul3A_1451 = arith.constant 16 : i32
        %mul3A_1452 = arith.muli %scan3A_1269, %mul3A_1451 : i32
        %add3A_1453 = arith.constant 6 : i32
        %add3A_1454 = arith.addi %mul3A_1452, %add3A_1453 : i32
        %get3A_1455 = arith.index_cast %add3A_1454 : i32 to index
        %get3A_1456 = arith.constant 0 : index
        %get3A_1457 = tpu.vector_load %arg8[%get3A_1455, %get3A_1456] {strides = array<i32>} : memref<640x16xf32, #tpu.memory_space<vmem>>, vector<16xf32>,
        %get3A_1458 = arith.index_cast %add3A_1454 : i32 to index
        %get3A_1459 = arith.constant 0 : index
        %get3A_1460 = tpu.vector_load %arg10[%get3A_1458, %get3A_1459] {strides = array<i32>} : memref<640x16xf32, #tpu.memory_space<vmem>>, vector<16xf32>,
        %add3A_1461 = arith.addf %get3A_1457, %get3A_1460 : vector<16xf32>
        %max3A_1462 = arith.constant 0.000000e+00 : f32
        %max3A_1463 = vector.broadcast %max3A_1462 : f32 to vector<16xf32>
        %max3A_1464 = arith.maximumf %add3A_1461, %max3A_1463 : vector<16xf32>
        %broadcast_in_dim3A_1465 = arith.constant 6 : i32
        %broadcast_in_dim3A_1466 = vector.broadcast %broadcast_in_dim3A_1465 : i32 to vector<16xi32>
        %lt3A_1467 = arith.constant 0 : i32
        %lt3A_1468 = vector.broadcast %lt3A_1467 : i32 to vector<16xi32>
        %lt3A_1469 = arith.cmpi slt, %broadcast_in_dim3A_1466, %lt3A_1468 : vector<16xi32>
        %add3A_1470 = arith.constant 16 : i32
        %add3A_1471 = vector.broadcast %add3A_1470 : i32 to vector<16xi32>
        %add3A_1472 = arith.addi %broadcast_in_dim3A_1466, %add3A_1471 : vector<16xi32>
        %select_n3A_1473 = arith.select %lt3A_1469, %add3A_1472, %broadcast_in_dim3A_1466 : vector<16xi1>, vector<16xi32>
        %broadcast_in_dim3A_1474 = vector.shape_cast %select_n3A_1473 : vector<16xi32> to vector<16x1xi32>
        %gather3A_1475 = vector.shape_cast %broadcast_in_dim3A_1474 : vector<16x1xi32> to vector<16xi32>
        %gather3A_1476 = tpu.dynamic_gather %mul3A_1288[%gather3A_1475] in [0] : vector<16xi32>, vector<16xi32> -> vector<16xi32>
        %add3A_1477 = arith.addi %gather3A_1476, %iota3A : vector<16xi32>
        tpu.vector_store_idx %arg7[%add3A_1477], %max3A_1464 {add = true} : memref<80128xf32, #tpu.memory_space<vmem>>[vector<16xi32>], vector<16xf32>,
        %mul3A_1478 = arith.constant 16 : i32
        %mul3A_1479 = arith.muli %scan3A_1269, %mul3A_1478 : i32
        %add3A_1480 = arith.constant 7 : i32
        %add3A_1481 = arith.addi %mul3A_1479, %add3A_1480 : i32
        %get3A_1482 = arith.index_cast %add3A_1481 : i32 to index
        %get3A_1483 = arith.constant 0 : index
        %get3A_1484 = tpu.vector_load %arg8[%get3A_1482, %get3A_1483] {strides = array<i32>} : memref<640x16xf32, #tpu.memory_space<vmem>>, vector<16xf32>,
        %get3A_1485 = arith.index_cast %add3A_1481 : i32 to index
        %get3A_1486 = arith.constant 0 : index
        %get3A_1487 = tpu.vector_load %arg10[%get3A_1485, %get3A_1486] {strides = array<i32>} : memref<640x16xf32, #tpu.memory_space<vmem>>, vector<16xf32>,
        %add3A_1488 = arith.addf %get3A_1484, %get3A_1487 : vector<16xf32>
        %max3A_1489 = arith.constant 0.000000e+00 : f32
        %max3A_1490 = vector.broadcast %max3A_1489 : f32 to vector<16xf32>
        %max3A_1491 = arith.maximumf %add3A_1488, %max3A_1490 : vector<16xf32>
        %broadcast_in_dim3A_1492 = arith.constant 7 : i32
        %broadcast_in_dim3A_1493 = vector.broadcast %broadcast_in_dim3A_1492 : i32 to vector<16xi32>
        %lt3A_1494 = arith.constant 0 : i32
        %lt3A_1495 = vector.broadcast %lt3A_1494 : i32 to vector<16xi32>
        %lt3A_1496 = arith.cmpi slt, %broadcast_in_dim3A_1493, %lt3A_1495 : vector<16xi32>
        %add3A_1497 = arith.constant 16 : i32
        %add3A_1498 = vector.broadcast %add3A_1497 : i32 to vector<16xi32>
        %add3A_1499 = arith.addi %broadcast_in_dim3A_1493, %add3A_1498 : vector<16xi32>
        %select_n3A_1500 = arith.select %lt3A_1496, %add3A_1499, %broadcast_in_dim3A_1493 : vector<16xi1>, vector<16xi32>
        %broadcast_in_dim3A_1501 = vector.shape_cast %select_n3A_1500 : vector<16xi32> to vector<16x1xi32>
        %gather3A_1502 = vector.shape_cast %broadcast_in_dim3A_1501 : vector<16x1xi32> to vector<16xi32>
        %gather3A_1503 = tpu.dynamic_gather %mul3A_1288[%gather3A_1502] in [0] : vector<16xi32>, vector<16xi32> -> vector<16xi32>
        %add3A_1504 = arith.addi %gather3A_1503, %iota3A : vector<16xi32>
        tpu.vector_store_idx %arg7[%add3A_1504], %max3A_1491 {add = true} : memref<80128xf32, #tpu.memory_space<vmem>>[vector<16xi32>], vector<16xf32>,
        %mul3A_1505 = arith.constant 16 : i32
        %mul3A_1506 = arith.muli %scan3A_1269, %mul3A_1505 : i32
        %add3A_1507 = arith.constant 8 : i32
        %add3A_1508 = arith.addi %mul3A_1506, %add3A_1507 : i32
        %get3A_1509 = arith.index_cast %add3A_1508 : i32 to index
        %get3A_1510 = arith.constant 0 : index
        %get3A_1511 = tpu.vector_load %arg8[%get3A_1509, %get3A_1510] {strides = array<i32>} : memref<640x16xf32, #tpu.memory_space<vmem>>, vector<16xf32>,
        %get3A_1512 = arith.index_cast %add3A_1508 : i32 to index
        %get3A_1513 = arith.constant 0 : index
        %get3A_1514 = tpu.vector_load %arg10[%get3A_1512, %get3A_1513] {strides = array<i32>} : memref<640x16xf32, #tpu.memory_space<vmem>>, vector<16xf32>,
        %add3A_1515 = arith.addf %get3A_1511, %get3A_1514 : vector<16xf32>
        %max3A_1516 = arith.constant 0.000000e+00 : f32
        %max3A_1517 = vector.broadcast %max3A_1516 : f32 to vector<16xf32>
        %max3A_1518 = arith.maximumf %add3A_1515, %max3A_1517 : vector<16xf32>
        %broadcast_in_dim3A_1519 = arith.constant 8 : i32
        %broadcast_in_dim3A_1520 = vector.broadcast %broadcast_in_dim3A_1519 : i32 to vector<16xi32>
        %lt3A_1521 = arith.constant 0 : i32
        %lt3A_1522 = vector.broadcast %lt3A_1521 : i32 to vector<16xi32>
        %lt3A_1523 = arith.cmpi slt, %broadcast_in_dim3A_1520, %lt3A_1522 : vector<16xi32>
        %add3A_1524 = arith.constant 16 : i32
        %add3A_1525 = vector.broadcast %add3A_1524 : i32 to vector<16xi32>
        %add3A_1526 = arith.addi %broadcast_in_dim3A_1520, %add3A_1525 : vector<16xi32>
        %select_n3A_1527 = arith.select %lt3A_1523, %add3A_1526, %broadcast_in_dim3A_1520 : vector<16xi1>, vector<16xi32>
        %broadcast_in_dim3A_1528 = vector.shape_cast %select_n3A_1527 : vector<16xi32> to vector<16x1xi32>
        %gather3A_1529 = vector.shape_cast %broadcast_in_dim3A_1528 : vector<16x1xi32> to vector<16xi32>
        %gather3A_1530 = tpu.dynamic_gather %mul3A_1288[%gather3A_1529] in [0] : vector<16xi32>, vector<16xi32> -> vector<16xi32>
        %add3A_1531 = arith.addi %gather3A_1530, %iota3A : vector<16xi32>
        tpu.vector_store_idx %arg7[%add3A_1531], %max3A_1518 {add = true} : memref<80128xf32, #tpu.memory_space<vmem>>[vector<16xi32>], vector<16xf32>,
        %mul3A_1532 = arith.constant 16 : i32
        %mul3A_1533 = arith.muli %scan3A_1269, %mul3A_1532 : i32
        %add3A_1534 = arith.constant 9 : i32
        %add3A_1535 = arith.addi %mul3A_1533, %add3A_1534 : i32
        %get3A_1536 = arith.index_cast %add3A_1535 : i32 to index
        %get3A_1537 = arith.constant 0 : index
        %get3A_1538 = tpu.vector_load %arg8[%get3A_1536, %get3A_1537] {strides = array<i32>} : memref<640x16xf32, #tpu.memory_space<vmem>>, vector<16xf32>,
        %get3A_1539 = arith.index_cast %add3A_1535 : i32 to index
        %get3A_1540 = arith.constant 0 : index
        %get3A_1541 = tpu.vector_load %arg10[%get3A_1539, %get3A_1540] {strides = array<i32>} : memref<640x16xf32, #tpu.memory_space<vmem>>, vector<16xf32>,
        %add3A_1542 = arith.addf %get3A_1538, %get3A_1541 : vector<16xf32>
        %max3A_1543 = arith.constant 0.000000e+00 : f32
        %max3A_1544 = vector.broadcast %max3A_1543 : f32 to vector<16xf32>
        %max3A_1545 = arith.maximumf %add3A_1542, %max3A_1544 : vector<16xf32>
        %broadcast_in_dim3A_1546 = arith.constant 9 : i32
        %broadcast_in_dim3A_1547 = vector.broadcast %broadcast_in_dim3A_1546 : i32 to vector<16xi32>
        %lt3A_1548 = arith.constant 0 : i32
        %lt3A_1549 = vector.broadcast %lt3A_1548 : i32 to vector<16xi32>
        %lt3A_1550 = arith.cmpi slt, %broadcast_in_dim3A_1547, %lt3A_1549 : vector<16xi32>
        %add3A_1551 = arith.constant 16 : i32
        %add3A_1552 = vector.broadcast %add3A_1551 : i32 to vector<16xi32>
        %add3A_1553 = arith.addi %broadcast_in_dim3A_1547, %add3A_1552 : vector<16xi32>
        %select_n3A_1554 = arith.select %lt3A_1550, %add3A_1553, %broadcast_in_dim3A_1547 : vector<16xi1>, vector<16xi32>
        %broadcast_in_dim3A_1555 = vector.shape_cast %select_n3A_1554 : vector<16xi32> to vector<16x1xi32>
        %gather3A_1556 = vector.shape_cast %broadcast_in_dim3A_1555 : vector<16x1xi32> to vector<16xi32>
        %gather3A_1557 = tpu.dynamic_gather %mul3A_1288[%gather3A_1556] in [0] : vector<16xi32>, vector<16xi32> -> vector<16xi32>
        %add3A_1558 = arith.addi %gather3A_1557, %iota3A : vector<16xi32>
        tpu.vector_store_idx %arg7[%add3A_1558], %max3A_1545 {add = true} : memref<80128xf32, #tpu.memory_space<vmem>>[vector<16xi32>], vector<16xf32>,
        %mul3A_1559 = arith.constant 16 : i32
        %mul3A_1560 = arith.muli %scan3A_1269, %mul3A_1559 : i32
        %add3A_1561 = arith.constant 10 : i32
        %add3A_1562 = arith.addi %mul3A_1560, %add3A_1561 : i32
        %get3A_1563 = arith.index_cast %add3A_1562 : i32 to index
        %get3A_1564 = arith.constant 0 : index
        %get3A_1565 = tpu.vector_load %arg8[%get3A_1563, %get3A_1564] {strides = array<i32>} : memref<640x16xf32, #tpu.memory_space<vmem>>, vector<16xf32>,
        %get3A_1566 = arith.index_cast %add3A_1562 : i32 to index
        %get3A_1567 = arith.constant 0 : index
        %get3A_1568 = tpu.vector_load %arg10[%get3A_1566, %get3A_1567] {strides = array<i32>} : memref<640x16xf32, #tpu.memory_space<vmem>>, vector<16xf32>,
        %add3A_1569 = arith.addf %get3A_1565, %get3A_1568 : vector<16xf32>
        %max3A_1570 = arith.constant 0.000000e+00 : f32
        %max3A_1571 = vector.broadcast %max3A_1570 : f32 to vector<16xf32>
        %max3A_1572 = arith.maximumf %add3A_1569, %max3A_1571 : vector<16xf32>
        %broadcast_in_dim3A_1573 = arith.constant 10 : i32
        %broadcast_in_dim3A_1574 = vector.broadcast %broadcast_in_dim3A_1573 : i32 to vector<16xi32>
        %lt3A_1575 = arith.constant 0 : i32
        %lt3A_1576 = vector.broadcast %lt3A_1575 : i32 to vector<16xi32>
        %lt3A_1577 = arith.cmpi slt, %broadcast_in_dim3A_1574, %lt3A_1576 : vector<16xi32>
        %add3A_1578 = arith.constant 16 : i32
        %add3A_1579 = vector.broadcast %add3A_1578 : i32 to vector<16xi32>
        %add3A_1580 = arith.addi %broadcast_in_dim3A_1574, %add3A_1579 : vector<16xi32>
        %select_n3A_1581 = arith.select %lt3A_1577, %add3A_1580, %broadcast_in_dim3A_1574 : vector<16xi1>, vector<16xi32>
        %broadcast_in_dim3A_1582 = vector.shape_cast %select_n3A_1581 : vector<16xi32> to vector<16x1xi32>
        %gather3A_1583 = vector.shape_cast %broadcast_in_dim3A_1582 : vector<16x1xi32> to vector<16xi32>
        %gather3A_1584 = tpu.dynamic_gather %mul3A_1288[%gather3A_1583] in [0] : vector<16xi32>, vector<16xi32> -> vector<16xi32>
        %add3A_1585 = arith.addi %gather3A_1584, %iota3A : vector<16xi32>
        tpu.vector_store_idx %arg7[%add3A_1585], %max3A_1572 {add = true} : memref<80128xf32, #tpu.memory_space<vmem>>[vector<16xi32>], vector<16xf32>,
        %mul3A_1586 = arith.constant 16 : i32
        %mul3A_1587 = arith.muli %scan3A_1269, %mul3A_1586 : i32
        %add3A_1588 = arith.constant 11 : i32
        %add3A_1589 = arith.addi %mul3A_1587, %add3A_1588 : i32
        %get3A_1590 = arith.index_cast %add3A_1589 : i32 to index
        %get3A_1591 = arith.constant 0 : index
        %get3A_1592 = tpu.vector_load %arg8[%get3A_1590, %get3A_1591] {strides = array<i32>} : memref<640x16xf32, #tpu.memory_space<vmem>>, vector<16xf32>,
        %get3A_1593 = arith.index_cast %add3A_1589 : i32 to index
        %get3A_1594 = arith.constant 0 : index
        %get3A_1595 = tpu.vector_load %arg10[%get3A_1593, %get3A_1594] {strides = array<i32>} : memref<640x16xf32, #tpu.memory_space<vmem>>, vector<16xf32>,
        %add3A_1596 = arith.addf %get3A_1592, %get3A_1595 : vector<16xf32>
        %max3A_1597 = arith.constant 0.000000e+00 : f32
        %max3A_1598 = vector.broadcast %max3A_1597 : f32 to vector<16xf32>
        %max3A_1599 = arith.maximumf %add3A_1596, %max3A_1598 : vector<16xf32>
        %broadcast_in_dim3A_1600 = arith.constant 11 : i32
        %broadcast_in_dim3A_1601 = vector.broadcast %broadcast_in_dim3A_1600 : i32 to vector<16xi32>
        %lt3A_1602 = arith.constant 0 : i32
        %lt3A_1603 = vector.broadcast %lt3A_1602 : i32 to vector<16xi32>
        %lt3A_1604 = arith.cmpi slt, %broadcast_in_dim3A_1601, %lt3A_1603 : vector<16xi32>
        %add3A_1605 = arith.constant 16 : i32
        %add3A_1606 = vector.broadcast %add3A_1605 : i32 to vector<16xi32>
        %add3A_1607 = arith.addi %broadcast_in_dim3A_1601, %add3A_1606 : vector<16xi32>
        %select_n3A_1608 = arith.select %lt3A_1604, %add3A_1607, %broadcast_in_dim3A_1601 : vector<16xi1>, vector<16xi32>
        %broadcast_in_dim3A_1609 = vector.shape_cast %select_n3A_1608 : vector<16xi32> to vector<16x1xi32>
        %gather3A_1610 = vector.shape_cast %broadcast_in_dim3A_1609 : vector<16x1xi32> to vector<16xi32>
        %gather3A_1611 = tpu.dynamic_gather %mul3A_1288[%gather3A_1610] in [0] : vector<16xi32>, vector<16xi32> -> vector<16xi32>
        %add3A_1612 = arith.addi %gather3A_1611, %iota3A : vector<16xi32>
        tpu.vector_store_idx %arg7[%add3A_1612], %max3A_1599 {add = true} : memref<80128xf32, #tpu.memory_space<vmem>>[vector<16xi32>], vector<16xf32>,
        %mul3A_1613 = arith.constant 16 : i32
        %mul3A_1614 = arith.muli %scan3A_1269, %mul3A_1613 : i32
        %add3A_1615 = arith.constant 12 : i32
        %add3A_1616 = arith.addi %mul3A_1614, %add3A_1615 : i32
        %get3A_1617 = arith.index_cast %add3A_1616 : i32 to index
        %get3A_1618 = arith.constant 0 : index
        %get3A_1619 = tpu.vector_load %arg8[%get3A_1617, %get3A_1618] {strides = array<i32>} : memref<640x16xf32, #tpu.memory_space<vmem>>, vector<16xf32>,
        %get3A_1620 = arith.index_cast %add3A_1616 : i32 to index
        %get3A_1621 = arith.constant 0 : index
        %get3A_1622 = tpu.vector_load %arg10[%get3A_1620, %get3A_1621] {strides = array<i32>} : memref<640x16xf32, #tpu.memory_space<vmem>>, vector<16xf32>,
        %add3A_1623 = arith.addf %get3A_1619, %get3A_1622 : vector<16xf32>
        %max3A_1624 = arith.constant 0.000000e+00 : f32
        %max3A_1625 = vector.broadcast %max3A_1624 : f32 to vector<16xf32>
        %max3A_1626 = arith.maximumf %add3A_1623, %max3A_1625 : vector<16xf32>
        %broadcast_in_dim3A_1627 = arith.constant 12 : i32
        %broadcast_in_dim3A_1628 = vector.broadcast %broadcast_in_dim3A_1627 : i32 to vector<16xi32>
        %lt3A_1629 = arith.constant 0 : i32
        %lt3A_1630 = vector.broadcast %lt3A_1629 : i32 to vector<16xi32>
        %lt3A_1631 = arith.cmpi slt, %broadcast_in_dim3A_1628, %lt3A_1630 : vector<16xi32>
        %add3A_1632 = arith.constant 16 : i32
        %add3A_1633 = vector.broadcast %add3A_1632 : i32 to vector<16xi32>
        %add3A_1634 = arith.addi %broadcast_in_dim3A_1628, %add3A_1633 : vector<16xi32>
        %select_n3A_1635 = arith.select %lt3A_1631, %add3A_1634, %broadcast_in_dim3A_1628 : vector<16xi1>, vector<16xi32>
        %broadcast_in_dim3A_1636 = vector.shape_cast %select_n3A_1635 : vector<16xi32> to vector<16x1xi32>
        %gather3A_1637 = vector.shape_cast %broadcast_in_dim3A_1636 : vector<16x1xi32> to vector<16xi32>
        %gather3A_1638 = tpu.dynamic_gather %mul3A_1288[%gather3A_1637] in [0] : vector<16xi32>, vector<16xi32> -> vector<16xi32>
        %add3A_1639 = arith.addi %gather3A_1638, %iota3A : vector<16xi32>
        tpu.vector_store_idx %arg7[%add3A_1639], %max3A_1626 {add = true} : memref<80128xf32, #tpu.memory_space<vmem>>[vector<16xi32>], vector<16xf32>,
        %mul3A_1640 = arith.constant 16 : i32
        %mul3A_1641 = arith.muli %scan3A_1269, %mul3A_1640 : i32
        %add3A_1642 = arith.constant 13 : i32
        %add3A_1643 = arith.addi %mul3A_1641, %add3A_1642 : i32
        %get3A_1644 = arith.index_cast %add3A_1643 : i32 to index
        %get3A_1645 = arith.constant 0 : index
        %get3A_1646 = tpu.vector_load %arg8[%get3A_1644, %get3A_1645] {strides = array<i32>} : memref<640x16xf32, #tpu.memory_space<vmem>>, vector<16xf32>,
        %get3A_1647 = arith.index_cast %add3A_1643 : i32 to index
        %get3A_1648 = arith.constant 0 : index
        %get3A_1649 = tpu.vector_load %arg10[%get3A_1647, %get3A_1648] {strides = array<i32>} : memref<640x16xf32, #tpu.memory_space<vmem>>, vector<16xf32>,
        %add3A_1650 = arith.addf %get3A_1646, %get3A_1649 : vector<16xf32>
        %max3A_1651 = arith.constant 0.000000e+00 : f32
        %max3A_1652 = vector.broadcast %max3A_1651 : f32 to vector<16xf32>
        %max3A_1653 = arith.maximumf %add3A_1650, %max3A_1652 : vector<16xf32>
        %broadcast_in_dim3A_1654 = arith.constant 13 : i32
        %broadcast_in_dim3A_1655 = vector.broadcast %broadcast_in_dim3A_1654 : i32 to vector<16xi32>
        %lt3A_1656 = arith.constant 0 : i32
        %lt3A_1657 = vector.broadcast %lt3A_1656 : i32 to vector<16xi32>
        %lt3A_1658 = arith.cmpi slt, %broadcast_in_dim3A_1655, %lt3A_1657 : vector<16xi32>
        %add3A_1659 = arith.constant 16 : i32
        %add3A_1660 = vector.broadcast %add3A_1659 : i32 to vector<16xi32>
        %add3A_1661 = arith.addi %broadcast_in_dim3A_1655, %add3A_1660 : vector<16xi32>
        %select_n3A_1662 = arith.select %lt3A_1658, %add3A_1661, %broadcast_in_dim3A_1655 : vector<16xi1>, vector<16xi32>
        %broadcast_in_dim3A_1663 = vector.shape_cast %select_n3A_1662 : vector<16xi32> to vector<16x1xi32>
        %gather3A_1664 = vector.shape_cast %broadcast_in_dim3A_1663 : vector<16x1xi32> to vector<16xi32>
        %gather3A_1665 = tpu.dynamic_gather %mul3A_1288[%gather3A_1664] in [0] : vector<16xi32>, vector<16xi32> -> vector<16xi32>
        %add3A_1666 = arith.addi %gather3A_1665, %iota3A : vector<16xi32>
        tpu.vector_store_idx %arg7[%add3A_1666], %max3A_1653 {add = true} : memref<80128xf32, #tpu.memory_space<vmem>>[vector<16xi32>], vector<16xf32>,
        %mul3A_1667 = arith.constant 16 : i32
        %mul3A_1668 = arith.muli %scan3A_1269, %mul3A_1667 : i32
        %add3A_1669 = arith.constant 14 : i32
        %add3A_1670 = arith.addi %mul3A_1668, %add3A_1669 : i32
        %get3A_1671 = arith.index_cast %add3A_1670 : i32 to index
        %get3A_1672 = arith.constant 0 : index
        %get3A_1673 = tpu.vector_load %arg8[%get3A_1671, %get3A_1672] {strides = array<i32>} : memref<640x16xf32, #tpu.memory_space<vmem>>, vector<16xf32>,
        %get3A_1674 = arith.index_cast %add3A_1670 : i32 to index
        %get3A_1675 = arith.constant 0 : index
        %get3A_1676 = tpu.vector_load %arg10[%get3A_1674, %get3A_1675] {strides = array<i32>} : memref<640x16xf32, #tpu.memory_space<vmem>>, vector<16xf32>,
        %add3A_1677 = arith.addf %get3A_1673, %get3A_1676 : vector<16xf32>
        %max3A_1678 = arith.constant 0.000000e+00 : f32
        %max3A_1679 = vector.broadcast %max3A_1678 : f32 to vector<16xf32>
        %max3A_1680 = arith.maximumf %add3A_1677, %max3A_1679 : vector<16xf32>
        %broadcast_in_dim3A_1681 = arith.constant 14 : i32
        %broadcast_in_dim3A_1682 = vector.broadcast %broadcast_in_dim3A_1681 : i32 to vector<16xi32>
        %lt3A_1683 = arith.constant 0 : i32
        %lt3A_1684 = vector.broadcast %lt3A_1683 : i32 to vector<16xi32>
        %lt3A_1685 = arith.cmpi slt, %broadcast_in_dim3A_1682, %lt3A_1684 : vector<16xi32>
        %add3A_1686 = arith.constant 16 : i32
        %add3A_1687 = vector.broadcast %add3A_1686 : i32 to vector<16xi32>
        %add3A_1688 = arith.addi %broadcast_in_dim3A_1682, %add3A_1687 : vector<16xi32>
        %select_n3A_1689 = arith.select %lt3A_1685, %add3A_1688, %broadcast_in_dim3A_1682 : vector<16xi1>, vector<16xi32>
        %broadcast_in_dim3A_1690 = vector.shape_cast %select_n3A_1689 : vector<16xi32> to vector<16x1xi32>
        %gather3A_1691 = vector.shape_cast %broadcast_in_dim3A_1690 : vector<16x1xi32> to vector<16xi32>
        %gather3A_1692 = tpu.dynamic_gather %mul3A_1288[%gather3A_1691] in [0] : vector<16xi32>, vector<16xi32> -> vector<16xi32>
        %add3A_1693 = arith.addi %gather3A_1692, %iota3A : vector<16xi32>
        tpu.vector_store_idx %arg7[%add3A_1693], %max3A_1680 {add = true} : memref<80128xf32, #tpu.memory_space<vmem>>[vector<16xi32>], vector<16xf32>,
        %mul3A_1694 = arith.constant 16 : i32
        %mul3A_1695 = arith.muli %scan3A_1269, %mul3A_1694 : i32
        %add3A_1696 = arith.constant 15 : i32
        %add3A_1697 = arith.addi %mul3A_1695, %add3A_1696 : i32
        %get3A_1698 = arith.index_cast %add3A_1697 : i32 to index
        %get3A_1699 = arith.constant 0 : index
        %get3A_1700 = tpu.vector_load %arg8[%get3A_1698, %get3A_1699] {strides = array<i32>} : memref<640x16xf32, #tpu.memory_space<vmem>>, vector<16xf32>,
        %get3A_1701 = arith.index_cast %add3A_1697 : i32 to index
        %get3A_1702 = arith.constant 0 : index
        %get3A_1703 = tpu.vector_load %arg10[%get3A_1701, %get3A_1702] {strides = array<i32>} : memref<640x16xf32, #tpu.memory_space<vmem>>, vector<16xf32>,
        %add3A_1704 = arith.addf %get3A_1700, %get3A_1703 : vector<16xf32>
        %max3A_1705 = arith.constant 0.000000e+00 : f32
        %max3A_1706 = vector.broadcast %max3A_1705 : f32 to vector<16xf32>
        %max3A_1707 = arith.maximumf %add3A_1704, %max3A_1706 : vector<16xf32>
        %broadcast_in_dim3A_1708 = arith.constant 15 : i32
        %broadcast_in_dim3A_1709 = vector.broadcast %broadcast_in_dim3A_1708 : i32 to vector<16xi32>
        %lt3A_1710 = arith.constant 0 : i32
        %lt3A_1711 = vector.broadcast %lt3A_1710 : i32 to vector<16xi32>
        %lt3A_1712 = arith.cmpi slt, %broadcast_in_dim3A_1709, %lt3A_1711 : vector<16xi32>
        %add3A_1713 = arith.constant 16 : i32
        %add3A_1714 = vector.broadcast %add3A_1713 : i32 to vector<16xi32>
        %add3A_1715 = arith.addi %broadcast_in_dim3A_1709, %add3A_1714 : vector<16xi32>
        %select_n3A_1716 = arith.select %lt3A_1712, %add3A_1715, %broadcast_in_dim3A_1709 : vector<16xi1>, vector<16xi32>
        %broadcast_in_dim3A_1717 = vector.shape_cast %select_n3A_1716 : vector<16xi32> to vector<16x1xi32>
        %gather3A_1718 = vector.shape_cast %broadcast_in_dim3A_1717 : vector<16x1xi32> to vector<16xi32>
        %gather3A_1719 = tpu.dynamic_gather %mul3A_1288[%gather3A_1718] in [0] : vector<16xi32>, vector<16xi32> -> vector<16xi32>
        %add3A_1720 = arith.addi %gather3A_1719, %iota3A : vector<16xi32>
        tpu.vector_store_idx %arg7[%add3A_1720], %max3A_1707 {add = true} : memref<80128xf32, #tpu.memory_space<vmem>>[vector<16xi32>], vector<16xf32>,
      }
      %scan3A_791 = arith.constant 40 : i32
      %add3A_792 = arith.constant 2 : i32
      %add3A_793 = arith.addi %mul3A_403, %add3A_792 : i32
      %lt3A = arith.constant 250 : i32
      %lt3A_794 = arith.cmpi slt, %add3A_793, %lt3A : i32
      %convert_element_type3A = arith.extui %lt3A_794 : i1 to i32
      %cond3A = arith.constant 0 : i32
      %cond3A_795 = arith.cmpi ne, %convert_element_type3A, %cond3A : i32
      scf.if %cond3A_795 {
        %add3A_823 = arith.constant 2 : i32
        %add3A_824 = arith.addi %mul3A_403, %add3A_823 : i32
        %mul3A_825 = arith.constant 640 : i32
        %mul3A_826 = arith.muli %add3A_824, %mul3A_825 : i32
        %dma_start3A_827 = tpu.memref_slice %arg3[%mul3A_826] : memref<160000xi32, #tpu.memory_space<hbm>> -> memref<640xi32, #tpu.memory_space<hbm>>
        %dma_start3A_828 = tpu.memref_slice %arg3[%mul3A_826] : memref<160000xi32, #tpu.memory_space<hbm>> -> memref<640xi32, #tpu.memory_space<hbm>>
        tpu.enqueue_dma source(%dma_start3A_828 : memref<640xi32, #tpu.memory_space<hbm>>) target(%arg12 : memref<640xi32, #tpu.memory_space<vmem>>) target_semaphore(%arg18 : memref<!tpu.dma_semaphore, #tpu.memory_space<semaphore_mem>>)
        %dma_start3A_829 = tpu.memref_slice %arg4[%mul3A_826] : memref<160000xi32, #tpu.memory_space<hbm>> -> memref<640xi32, #tpu.memory_space<hbm>>
        %dma_start3A_830 = tpu.memref_slice %arg4[%mul3A_826] : memref<160000xi32, #tpu.memory_space<hbm>> -> memref<640xi32, #tpu.memory_space<hbm>>
        tpu.enqueue_dma source(%dma_start3A_830 : memref<640xi32, #tpu.memory_space<hbm>>) target(%arg14 : memref<640xi32, #tpu.memory_space<vmem>>) target_semaphore(%arg18 : memref<!tpu.dma_semaphore, #tpu.memory_space<semaphore_mem>>)
      } else {
      }
      %add3A_796 = arith.constant 2 : i32
      %add3A_797 = arith.addi %mul3A_403, %add3A_796 : i32
      %lt3A_798 = arith.constant 250 : i32
      %lt3A_799 = arith.cmpi slt, %add3A_797, %lt3A_798 : i32
      %convert_element_type3A_800 = arith.extui %lt3A_799 : i1 to i32
      %cond3A_801 = arith.constant 0 : i32
      %cond3A_802 = arith.cmpi ne, %convert_element_type3A_800, %cond3A_801 : i32
      scf.if %cond3A_802 {
        %add3A_823 = arith.constant 2 : i32
        %add3A_824 = arith.addi %mul3A_403, %add3A_823 : i32
        %mul3A_825 = arith.constant 640 : i32
        %mul3A_826 = arith.muli %add3A_824, %mul3A_825 : i32
        %dma_wait3A_827 = tpu.memref_slice %arg3[%mul3A_826] : memref<160000xi32, #tpu.memory_space<hbm>> -> memref<640xi32, #tpu.memory_space<hbm>>
        %dma_wait3A_828 = tpu.memref_slice %arg3[%mul3A_826] : memref<160000xi32, #tpu.memory_space<hbm>> -> memref<640xi32, #tpu.memory_space<hbm>>
        tpu.wait_dma2 semaphore(%arg18 : memref<!tpu.dma_semaphore, #tpu.memory_space<semaphore_mem>>) src(%dma_wait3A_828 : memref<640xi32, #tpu.memory_space<hbm>>) dst(%arg12 : memref<640xi32, #tpu.memory_space<vmem>>)
        %dma_wait3A_829 = tpu.memref_slice %arg4[%mul3A_826] : memref<160000xi32, #tpu.memory_space<hbm>> -> memref<640xi32, #tpu.memory_space<hbm>>
        %dma_wait3A_830 = tpu.memref_slice %arg4[%mul3A_826] : memref<160000xi32, #tpu.memory_space<hbm>> -> memref<640xi32, #tpu.memory_space<hbm>>
        tpu.wait_dma2 semaphore(%arg18 : memref<!tpu.dma_semaphore, #tpu.memory_space<semaphore_mem>>) src(%dma_wait3A_830 : memref<640xi32, #tpu.memory_space<hbm>>) dst(%arg14 : memref<640xi32, #tpu.memory_space<vmem>>)
        %add3A_831 = arith.constant 2 : i32
        %add3A_832 = arith.addi %mul3A_403, %add3A_831 : i32
        %get3A_833 = arith.constant 0 : index
        %get3A_834 = tpu.vector_load %arg12[%get3A_833] {strides = array<i32>} : memref<640xi32, #tpu.memory_space<vmem>>, vector<16xi32>,
        %mul3A_835 = arith.constant 16 : i32
        %mul3A_836 = vector.broadcast %mul3A_835 : i32 to vector<16xi32>
        %mul3A_837 = arith.muli %get3A_834, %mul3A_836 : vector<16xi32>
        %add3A_838 = vector.broadcast %arg1 : i32 to vector<16xi32>
        %add3A_839 = arith.addi %mul3A_837, %add3A_838 : vector<16xi32>
        %swap3A_840 = arith.constant 0 : index
        %swap3A_841 = tpu.vector_load %arg16[%swap3A_840] {strides = array<i32>} : memref<640xi32, #tpu.memory_space<vmem>>, vector<16xi32>,
        tpu.vector_store %arg16[%swap3A_840], %add3A_839 {strides = array<i32>} : memref<640xi32, #tpu.memory_space<vmem>>, vector<16xi32>,
        %get3A_842 = arith.constant 16 : index
        %get3A_843 = tpu.vector_load %arg12[%get3A_842] {strides = array<i32>} : memref<640xi32, #tpu.memory_space<vmem>>, vector<16xi32>,
        %mul3A_844 = arith.constant 16 : i32
        %mul3A_845 = vector.broadcast %mul3A_844 : i32 to vector<16xi32>
        %mul3A_846 = arith.muli %get3A_843, %mul3A_845 : vector<16xi32>
        %add3A_847 = vector.broadcast %arg1 : i32 to vector<16xi32>
        %add3A_848 = arith.addi %mul3A_846, %add3A_847 : vector<16xi32>
        %swap3A_849 = arith.constant 16 : index
        %swap3A_850 = tpu.vector_load %arg16[%swap3A_849] {strides = array<i32>} : memref<640xi32, #tpu.memory_space<vmem>>, vector<16xi32>,
        tpu.vector_store %arg16[%swap3A_849], %add3A_848 {strides = array<i32>} : memref<640xi32, #tpu.memory_space<vmem>>, vector<16xi32>,
        %get3A_851 = arith.constant 32 : index
        %get3A_852 = tpu.vector_load %arg12[%get3A_851] {strides = array<i32>} : memref<640xi32, #tpu.memory_space<vmem>>, vector<16xi32>,
        %mul3A_853 = arith.constant 16 : i32
        %mul3A_854 = vector.broadcast %mul3A_853 : i32 to vector<16xi32>
        %mul3A_855 = arith.muli %get3A_852, %mul3A_854 : vector<16xi32>
        %add3A_856 = vector.broadcast %arg1 : i32 to vector<16xi32>
        %add3A_857 = arith.addi %mul3A_855, %add3A_856 : vector<16xi32>
        %swap3A_858 = arith.constant 32 : index
        %swap3A_859 = tpu.vector_load %arg16[%swap3A_858] {strides = array<i32>} : memref<640xi32, #tpu.memory_space<vmem>>, vector<16xi32>,
        tpu.vector_store %arg16[%swap3A_858], %add3A_857 {strides = array<i32>} : memref<640xi32, #tpu.memory_space<vmem>>, vector<16xi32>,
        %get3A_860 = arith.constant 48 : index
        %get3A_861 = tpu.vector_load %arg12[%get3A_860] {strides = array<i32>} : memref<640xi32, #tpu.memory_space<vmem>>, vector<16xi32>,
        %mul3A_862 = arith.constant 16 : i32
        %mul3A_863 = vector.broadcast %mul3A_862 : i32 to vector<16xi32>
        %mul3A_864 = arith.muli %get3A_861, %mul3A_863 : vector<16xi32>
        %add3A_865 = vector.broadcast %arg1 : i32 to vector<16xi32>
        %add3A_866 = arith.addi %mul3A_864, %add3A_865 : vector<16xi32>
        %swap3A_867 = arith.constant 48 : index
        %swap3A_868 = tpu.vector_load %arg16[%swap3A_867] {strides = array<i32>} : memref<640xi32, #tpu.memory_space<vmem>>, vector<16xi32>,
        tpu.vector_store %arg16[%swap3A_867], %add3A_866 {strides = array<i32>} : memref<640xi32, #tpu.memory_space<vmem>>, vector<16xi32>,
        %get3A_869 = arith.constant 64 : index
        %get3A_870 = tpu.vector_load %arg12[%get3A_869] {strides = array<i32>} : memref<640xi32, #tpu.memory_space<vmem>>, vector<16xi32>,
        %mul3A_871 = arith.constant 16 : i32
        %mul3A_872 = vector.broadcast %mul3A_871 : i32 to vector<16xi32>
        %mul3A_873 = arith.muli %get3A_870, %mul3A_872 : vector<16xi32>
        %add3A_874 = vector.broadcast %arg1 : i32 to vector<16xi32>
        %add3A_875 = arith.addi %mul3A_873, %add3A_874 : vector<16xi32>
        %swap3A_876 = arith.constant 64 : index
        %swap3A_877 = tpu.vector_load %arg16[%swap3A_876] {strides = array<i32>} : memref<640xi32, #tpu.memory_space<vmem>>, vector<16xi32>,
        tpu.vector_store %arg16[%swap3A_876], %add3A_875 {strides = array<i32>} : memref<640xi32, #tpu.memory_space<vmem>>, vector<16xi32>,
        %get3A_878 = arith.constant 80 : index
        %get3A_879 = tpu.vector_load %arg12[%get3A_878] {strides = array<i32>} : memref<640xi32, #tpu.memory_space<vmem>>, vector<16xi32>,
        %mul3A_880 = arith.constant 16 : i32
        %mul3A_881 = vector.broadcast %mul3A_880 : i32 to vector<16xi32>
        %mul3A_882 = arith.muli %get3A_879, %mul3A_881 : vector<16xi32>
        %add3A_883 = vector.broadcast %arg1 : i32 to vector<16xi32>
        %add3A_884 = arith.addi %mul3A_882, %add3A_883 : vector<16xi32>
        %swap3A_885 = arith.constant 80 : index
        %swap3A_886 = tpu.vector_load %arg16[%swap3A_885] {strides = array<i32>} : memref<640xi32, #tpu.memory_space<vmem>>, vector<16xi32>,
        tpu.vector_store %arg16[%swap3A_885], %add3A_884 {strides = array<i32>} : memref<640xi32, #tpu.memory_space<vmem>>, vector<16xi32>,
        %get3A_887 = arith.constant 96 : index
        %get3A_888 = tpu.vector_load %arg12[%get3A_887] {strides = array<i32>} : memref<640xi32, #tpu.memory_space<vmem>>, vector<16xi32>,
        %mul3A_889 = arith.constant 16 : i32
        %mul3A_890 = vector.broadcast %mul3A_889 : i32 to vector<16xi32>
        %mul3A_891 = arith.muli %get3A_888, %mul3A_890 : vector<16xi32>
        %add3A_892 = vector.broadcast %arg1 : i32 to vector<16xi32>
        %add3A_893 = arith.addi %mul3A_891, %add3A_892 : vector<16xi32>
        %swap3A_894 = arith.constant 96 : index
        %swap3A_895 = tpu.vector_load %arg16[%swap3A_894] {strides = array<i32>} : memref<640xi32, #tpu.memory_space<vmem>>, vector<16xi32>,
        tpu.vector_store %arg16[%swap3A_894], %add3A_893 {strides = array<i32>} : memref<640xi32, #tpu.memory_space<vmem>>, vector<16xi32>,
        %get3A_896 = arith.constant 112 : index
        %get3A_897 = tpu.vector_load %arg12[%get3A_896] {strides = array<i32>} : memref<640xi32, #tpu.memory_space<vmem>>, vector<16xi32>,
        %mul3A_898 = arith.constant 16 : i32
        %mul3A_899 = vector.broadcast %mul3A_898 : i32 to vector<16xi32>
        %mul3A_900 = arith.muli %get3A_897, %mul3A_899 : vector<16xi32>
        %add3A_901 = vector.broadcast %arg1 : i32 to vector<16xi32>
        %add3A_902 = arith.addi %mul3A_900, %add3A_901 : vector<16xi32>
        %swap3A_903 = arith.constant 112 : index
        %swap3A_904 = tpu.vector_load %arg16[%swap3A_903] {strides = array<i32>} : memref<640xi32, #tpu.memory_space<vmem>>, vector<16xi32>,
        tpu.vector_store %arg16[%swap3A_903], %add3A_902 {strides = array<i32>} : memref<640xi32, #tpu.memory_space<vmem>>, vector<16xi32>,
        %get3A_905 = arith.constant 128 : index
        %get3A_906 = tpu.vector_load %arg12[%get3A_905] {strides = array<i32>} : memref<640xi32, #tpu.memory_space<vmem>>, vector<16xi32>,
        %mul3A_907 = arith.constant 16 : i32
        %mul3A_908 = vector.broadcast %mul3A_907 : i32 to vector<16xi32>
        %mul3A_909 = arith.muli %get3A_906, %mul3A_908 : vector<16xi32>
        %add3A_910 = vector.broadcast %arg1 : i32 to vector<16xi32>
        %add3A_911 = arith.addi %mul3A_909, %add3A_910 : vector<16xi32>
        %swap3A_912 = arith.constant 128 : index
        %swap3A_913 = tpu.vector_load %arg16[%swap3A_912] {strides = array<i32>} : memref<640xi32, #tpu.memory_space<vmem>>, vector<16xi32>,
        tpu.vector_store %arg16[%swap3A_912], %add3A_911 {strides = array<i32>} : memref<640xi32, #tpu.memory_space<vmem>>, vector<16xi32>,
        %get3A_914 = arith.constant 144 : index
        %get3A_915 = tpu.vector_load %arg12[%get3A_914] {strides = array<i32>} : memref<640xi32, #tpu.memory_space<vmem>>, vector<16xi32>,
        %mul3A_916 = arith.constant 16 : i32
        %mul3A_917 = vector.broadcast %mul3A_916 : i32 to vector<16xi32>
        %mul3A_918 = arith.muli %get3A_915, %mul3A_917 : vector<16xi32>
        %add3A_919 = vector.broadcast %arg1 : i32 to vector<16xi32>
        %add3A_920 = arith.addi %mul3A_918, %add3A_919 : vector<16xi32>
        %swap3A_921 = arith.constant 144 : index
        %swap3A_922 = tpu.vector_load %arg16[%swap3A_921] {strides = array<i32>} : memref<640xi32, #tpu.memory_space<vmem>>, vector<16xi32>,
        tpu.vector_store %arg16[%swap3A_921], %add3A_920 {strides = array<i32>} : memref<640xi32, #tpu.memory_space<vmem>>, vector<16xi32>,
        %get3A_923 = arith.constant 160 : index
        %get3A_924 = tpu.vector_load %arg12[%get3A_923] {strides = array<i32>} : memref<640xi32, #tpu.memory_space<vmem>>, vector<16xi32>,
        %mul3A_925 = arith.constant 16 : i32
        %mul3A_926 = vector.broadcast %mul3A_925 : i32 to vector<16xi32>
        %mul3A_927 = arith.muli %get3A_924, %mul3A_926 : vector<16xi32>
        %add3A_928 = vector.broadcast %arg1 : i32 to vector<16xi32>
        %add3A_929 = arith.addi %mul3A_927, %add3A_928 : vector<16xi32>
        %swap3A_930 = arith.constant 160 : index
        %swap3A_931 = tpu.vector_load %arg16[%swap3A_930] {strides = array<i32>} : memref<640xi32, #tpu.memory_space<vmem>>, vector<16xi32>,
        tpu.vector_store %arg16[%swap3A_930], %add3A_929 {strides = array<i32>} : memref<640xi32, #tpu.memory_space<vmem>>, vector<16xi32>,
        %get3A_932 = arith.constant 176 : index
        %get3A_933 = tpu.vector_load %arg12[%get3A_932] {strides = array<i32>} : memref<640xi32, #tpu.memory_space<vmem>>, vector<16xi32>,
        %mul3A_934 = arith.constant 16 : i32
        %mul3A_935 = vector.broadcast %mul3A_934 : i32 to vector<16xi32>
        %mul3A_936 = arith.muli %get3A_933, %mul3A_935 : vector<16xi32>
        %add3A_937 = vector.broadcast %arg1 : i32 to vector<16xi32>
        %add3A_938 = arith.addi %mul3A_936, %add3A_937 : vector<16xi32>
        %swap3A_939 = arith.constant 176 : index
        %swap3A_940 = tpu.vector_load %arg16[%swap3A_939] {strides = array<i32>} : memref<640xi32, #tpu.memory_space<vmem>>, vector<16xi32>,
        tpu.vector_store %arg16[%swap3A_939], %add3A_938 {strides = array<i32>} : memref<640xi32, #tpu.memory_space<vmem>>, vector<16xi32>,
        %get3A_941 = arith.constant 192 : index
        %get3A_942 = tpu.vector_load %arg12[%get3A_941] {strides = array<i32>} : memref<640xi32, #tpu.memory_space<vmem>>, vector<16xi32>,
        %mul3A_943 = arith.constant 16 : i32
        %mul3A_944 = vector.broadcast %mul3A_943 : i32 to vector<16xi32>
        %mul3A_945 = arith.muli %get3A_942, %mul3A_944 : vector<16xi32>
        %add3A_946 = vector.broadcast %arg1 : i32 to vector<16xi32>
        %add3A_947 = arith.addi %mul3A_945, %add3A_946 : vector<16xi32>
        %swap3A_948 = arith.constant 192 : index
        %swap3A_949 = tpu.vector_load %arg16[%swap3A_948] {strides = array<i32>} : memref<640xi32, #tpu.memory_space<vmem>>, vector<16xi32>,
        tpu.vector_store %arg16[%swap3A_948], %add3A_947 {strides = array<i32>} : memref<640xi32, #tpu.memory_space<vmem>>, vector<16xi32>,
        %get3A_950 = arith.constant 208 : index
        %get3A_951 = tpu.vector_load %arg12[%get3A_950] {strides = array<i32>} : memref<640xi32, #tpu.memory_space<vmem>>, vector<16xi32>,
        %mul3A_952 = arith.constant 16 : i32
        %mul3A_953 = vector.broadcast %mul3A_952 : i32 to vector<16xi32>
        %mul3A_954 = arith.muli %get3A_951, %mul3A_953 : vector<16xi32>
        %add3A_955 = vector.broadcast %arg1 : i32 to vector<16xi32>
        %add3A_956 = arith.addi %mul3A_954, %add3A_955 : vector<16xi32>
        %swap3A_957 = arith.constant 208 : index
        %swap3A_958 = tpu.vector_load %arg16[%swap3A_957] {strides = array<i32>} : memref<640xi32, #tpu.memory_space<vmem>>, vector<16xi32>,
        tpu.vector_store %arg16[%swap3A_957], %add3A_956 {strides = array<i32>} : memref<640xi32, #tpu.memory_space<vmem>>, vector<16xi32>,
        %get3A_959 = arith.constant 224 : index
        %get3A_960 = tpu.vector_load %arg12[%get3A_959] {strides = array<i32>} : memref<640xi32, #tpu.memory_space<vmem>>, vector<16xi32>,
        %mul3A_961 = arith.constant 16 : i32
        %mul3A_962 = vector.broadcast %mul3A_961 : i32 to vector<16xi32>
        %mul3A_963 = arith.muli %get3A_960, %mul3A_962 : vector<16xi32>
        %add3A_964 = vector.broadcast %arg1 : i32 to vector<16xi32>
        %add3A_965 = arith.addi %mul3A_963, %add3A_964 : vector<16xi32>
        %swap3A_966 = arith.constant 224 : index
        %swap3A_967 = tpu.vector_load %arg16[%swap3A_966] {strides = array<i32>} : memref<640xi32, #tpu.memory_space<vmem>>, vector<16xi32>,
        tpu.vector_store %arg16[%swap3A_966], %add3A_965 {strides = array<i32>} : memref<640xi32, #tpu.memory_space<vmem>>, vector<16xi32>,
        %get3A_968 = arith.constant 240 : index
        %get3A_969 = tpu.vector_load %arg12[%get3A_968] {strides = array<i32>} : memref<640xi32, #tpu.memory_space<vmem>>, vector<16xi32>,
        %mul3A_970 = arith.constant 16 : i32
        %mul3A_971 = vector.broadcast %mul3A_970 : i32 to vector<16xi32>
        %mul3A_972 = arith.muli %get3A_969, %mul3A_971 : vector<16xi32>
        %add3A_973 = vector.broadcast %arg1 : i32 to vector<16xi32>
        %add3A_974 = arith.addi %mul3A_972, %add3A_973 : vector<16xi32>
        %swap3A_975 = arith.constant 240 : index
        %swap3A_976 = tpu.vector_load %arg16[%swap3A_975] {strides = array<i32>} : memref<640xi32, #tpu.memory_space<vmem>>, vector<16xi32>,
        tpu.vector_store %arg16[%swap3A_975], %add3A_974 {strides = array<i32>} : memref<640xi32, #tpu.memory_space<vmem>>, vector<16xi32>,
        %get3A_977 = arith.constant 256 : index
        %get3A_978 = tpu.vector_load %arg12[%get3A_977] {strides = array<i32>} : memref<640xi32, #tpu.memory_space<vmem>>, vector<16xi32>,
        %mul3A_979 = arith.constant 16 : i32
        %mul3A_980 = vector.broadcast %mul3A_979 : i32 to vector<16xi32>
        %mul3A_981 = arith.muli %get3A_978, %mul3A_980 : vector<16xi32>
        %add3A_982 = vector.broadcast %arg1 : i32 to vector<16xi32>
        %add3A_983 = arith.addi %mul3A_981, %add3A_982 : vector<16xi32>
        %swap3A_984 = arith.constant 256 : index
        %swap3A_985 = tpu.vector_load %arg16[%swap3A_984] {strides = array<i32>} : memref<640xi32, #tpu.memory_space<vmem>>, vector<16xi32>,
        tpu.vector_store %arg16[%swap3A_984], %add3A_983 {strides = array<i32>} : memref<640xi32, #tpu.memory_space<vmem>>, vector<16xi32>,
        %get3A_986 = arith.constant 272 : index
        %get3A_987 = tpu.vector_load %arg12[%get3A_986] {strides = array<i32>} : memref<640xi32, #tpu.memory_space<vmem>>, vector<16xi32>,
        %mul3A_988 = arith.constant 16 : i32
        %mul3A_989 = vector.broadcast %mul3A_988 : i32 to vector<16xi32>
        %mul3A_990 = arith.muli %get3A_987, %mul3A_989 : vector<16xi32>
        %add3A_991 = vector.broadcast %arg1 : i32 to vector<16xi32>
        %add3A_992 = arith.addi %mul3A_990, %add3A_991 : vector<16xi32>
        %swap3A_993 = arith.constant 272 : index
        %swap3A_994 = tpu.vector_load %arg16[%swap3A_993] {strides = array<i32>} : memref<640xi32, #tpu.memory_space<vmem>>, vector<16xi32>,
        tpu.vector_store %arg16[%swap3A_993], %add3A_992 {strides = array<i32>} : memref<640xi32, #tpu.memory_space<vmem>>, vector<16xi32>,
        %get3A_995 = arith.constant 288 : index
        %get3A_996 = tpu.vector_load %arg12[%get3A_995] {strides = array<i32>} : memref<640xi32, #tpu.memory_space<vmem>>, vector<16xi32>,
        %mul3A_997 = arith.constant 16 : i32
        %mul3A_998 = vector.broadcast %mul3A_997 : i32 to vector<16xi32>
        %mul3A_999 = arith.muli %get3A_996, %mul3A_998 : vector<16xi32>
        %add3A_1000 = vector.broadcast %arg1 : i32 to vector<16xi32>
        %add3A_1001 = arith.addi %mul3A_999, %add3A_1000 : vector<16xi32>
        %swap3A_1002 = arith.constant 288 : index
        %swap3A_1003 = tpu.vector_load %arg16[%swap3A_1002] {strides = array<i32>} : memref<640xi32, #tpu.memory_space<vmem>>, vector<16xi32>,
        tpu.vector_store %arg16[%swap3A_1002], %add3A_1001 {strides = array<i32>} : memref<640xi32, #tpu.memory_space<vmem>>, vector<16xi32>,
        %get3A_1004 = arith.constant 304 : index
        %get3A_1005 = tpu.vector_load %arg12[%get3A_1004] {strides = array<i32>} : memref<640xi32, #tpu.memory_space<vmem>>, vector<16xi32>,
        %mul3A_1006 = arith.constant 16 : i32
        %mul3A_1007 = vector.broadcast %mul3A_1006 : i32 to vector<16xi32>
        %mul3A_1008 = arith.muli %get3A_1005, %mul3A_1007 : vector<16xi32>
        %add3A_1009 = vector.broadcast %arg1 : i32 to vector<16xi32>
        %add3A_1010 = arith.addi %mul3A_1008, %add3A_1009 : vector<16xi32>
        %swap3A_1011 = arith.constant 304 : index
        %swap3A_1012 = tpu.vector_load %arg16[%swap3A_1011] {strides = array<i32>} : memref<640xi32, #tpu.memory_space<vmem>>, vector<16xi32>,
        tpu.vector_store %arg16[%swap3A_1011], %add3A_1010 {strides = array<i32>} : memref<640xi32, #tpu.memory_space<vmem>>, vector<16xi32>,
        %get3A_1013 = arith.constant 320 : index
        %get3A_1014 = tpu.vector_load %arg12[%get3A_1013] {strides = array<i32>} : memref<640xi32, #tpu.memory_space<vmem>>, vector<16xi32>,
        %mul3A_1015 = arith.constant 16 : i32
        %mul3A_1016 = vector.broadcast %mul3A_1015 : i32 to vector<16xi32>
        %mul3A_1017 = arith.muli %get3A_1014, %mul3A_1016 : vector<16xi32>
        %add3A_1018 = vector.broadcast %arg1 : i32 to vector<16xi32>
        %add3A_1019 = arith.addi %mul3A_1017, %add3A_1018 : vector<16xi32>
        %swap3A_1020 = arith.constant 320 : index
        %swap3A_1021 = tpu.vector_load %arg16[%swap3A_1020] {strides = array<i32>} : memref<640xi32, #tpu.memory_space<vmem>>, vector<16xi32>,
        tpu.vector_store %arg16[%swap3A_1020], %add3A_1019 {strides = array<i32>} : memref<640xi32, #tpu.memory_space<vmem>>, vector<16xi32>,
        %get3A_1022 = arith.constant 336 : index
        %get3A_1023 = tpu.vector_load %arg12[%get3A_1022] {strides = array<i32>} : memref<640xi32, #tpu.memory_space<vmem>>, vector<16xi32>,
        %mul3A_1024 = arith.constant 16 : i32
        %mul3A_1025 = vector.broadcast %mul3A_1024 : i32 to vector<16xi32>
        %mul3A_1026 = arith.muli %get3A_1023, %mul3A_1025 : vector<16xi32>
        %add3A_1027 = vector.broadcast %arg1 : i32 to vector<16xi32>
        %add3A_1028 = arith.addi %mul3A_1026, %add3A_1027 : vector<16xi32>
        %swap3A_1029 = arith.constant 336 : index
        %swap3A_1030 = tpu.vector_load %arg16[%swap3A_1029] {strides = array<i32>} : memref<640xi32, #tpu.memory_space<vmem>>, vector<16xi32>,
        tpu.vector_store %arg16[%swap3A_1029], %add3A_1028 {strides = array<i32>} : memref<640xi32, #tpu.memory_space<vmem>>, vector<16xi32>,
        %get3A_1031 = arith.constant 352 : index
        %get3A_1032 = tpu.vector_load %arg12[%get3A_1031] {strides = array<i32>} : memref<640xi32, #tpu.memory_space<vmem>>, vector<16xi32>,
        %mul3A_1033 = arith.constant 16 : i32
        %mul3A_1034 = vector.broadcast %mul3A_1033 : i32 to vector<16xi32>
        %mul3A_1035 = arith.muli %get3A_1032, %mul3A_1034 : vector<16xi32>
        %add3A_1036 = vector.broadcast %arg1 : i32 to vector<16xi32>
        %add3A_1037 = arith.addi %mul3A_1035, %add3A_1036 : vector<16xi32>
        %swap3A_1038 = arith.constant 352 : index
        %swap3A_1039 = tpu.vector_load %arg16[%swap3A_1038] {strides = array<i32>} : memref<640xi32, #tpu.memory_space<vmem>>, vector<16xi32>,
        tpu.vector_store %arg16[%swap3A_1038], %add3A_1037 {strides = array<i32>} : memref<640xi32, #tpu.memory_space<vmem>>, vector<16xi32>,
        %get3A_1040 = arith.constant 368 : index
        %get3A_1041 = tpu.vector_load %arg12[%get3A_1040] {strides = array<i32>} : memref<640xi32, #tpu.memory_space<vmem>>, vector<16xi32>,
        %mul3A_1042 = arith.constant 16 : i32
        %mul3A_1043 = vector.broadcast %mul3A_1042 : i32 to vector<16xi32>
        %mul3A_1044 = arith.muli %get3A_1041, %mul3A_1043 : vector<16xi32>
        %add3A_1045 = vector.broadcast %arg1 : i32 to vector<16xi32>
        %add3A_1046 = arith.addi %mul3A_1044, %add3A_1045 : vector<16xi32>
        %swap3A_1047 = arith.constant 368 : index
        %swap3A_1048 = tpu.vector_load %arg16[%swap3A_1047] {strides = array<i32>} : memref<640xi32, #tpu.memory_space<vmem>>, vector<16xi32>,
        tpu.vector_store %arg16[%swap3A_1047], %add3A_1046 {strides = array<i32>} : memref<640xi32, #tpu.memory_space<vmem>>, vector<16xi32>,
        %get3A_1049 = arith.constant 384 : index
        %get3A_1050 = tpu.vector_load %arg12[%get3A_1049] {strides = array<i32>} : memref<640xi32, #tpu.memory_space<vmem>>, vector<16xi32>,
        %mul3A_1051 = arith.constant 16 : i32
        %mul3A_1052 = vector.broadcast %mul3A_1051 : i32 to vector<16xi32>
        %mul3A_1053 = arith.muli %get3A_1050, %mul3A_1052 : vector<16xi32>
        %add3A_1054 = vector.broadcast %arg1 : i32 to vector<16xi32>
        %add3A_1055 = arith.addi %mul3A_1053, %add3A_1054 : vector<16xi32>
        %swap3A_1056 = arith.constant 384 : index
        %swap3A_1057 = tpu.vector_load %arg16[%swap3A_1056] {strides = array<i32>} : memref<640xi32, #tpu.memory_space<vmem>>, vector<16xi32>,
        tpu.vector_store %arg16[%swap3A_1056], %add3A_1055 {strides = array<i32>} : memref<640xi32, #tpu.memory_space<vmem>>, vector<16xi32>,
        %get3A_1058 = arith.constant 400 : index
        %get3A_1059 = tpu.vector_load %arg12[%get3A_1058] {strides = array<i32>} : memref<640xi32, #tpu.memory_space<vmem>>, vector<16xi32>,
        %mul3A_1060 = arith.constant 16 : i32
        %mul3A_1061 = vector.broadcast %mul3A_1060 : i32 to vector<16xi32>
        %mul3A_1062 = arith.muli %get3A_1059, %mul3A_1061 : vector<16xi32>
        %add3A_1063 = vector.broadcast %arg1 : i32 to vector<16xi32>
        %add3A_1064 = arith.addi %mul3A_1062, %add3A_1063 : vector<16xi32>
        %swap3A_1065 = arith.constant 400 : index
        %swap3A_1066 = tpu.vector_load %arg16[%swap3A_1065] {strides = array<i32>} : memref<640xi32, #tpu.memory_space<vmem>>, vector<16xi32>,
        tpu.vector_store %arg16[%swap3A_1065], %add3A_1064 {strides = array<i32>} : memref<640xi32, #tpu.memory_space<vmem>>, vector<16xi32>,
        %get3A_1067 = arith.constant 416 : index
        %get3A_1068 = tpu.vector_load %arg12[%get3A_1067] {strides = array<i32>} : memref<640xi32, #tpu.memory_space<vmem>>, vector<16xi32>,
        %mul3A_1069 = arith.constant 16 : i32
        %mul3A_1070 = vector.broadcast %mul3A_1069 : i32 to vector<16xi32>
        %mul3A_1071 = arith.muli %get3A_1068, %mul3A_1070 : vector<16xi32>
        %add3A_1072 = vector.broadcast %arg1 : i32 to vector<16xi32>
        %add3A_1073 = arith.addi %mul3A_1071, %add3A_1072 : vector<16xi32>
        %swap3A_1074 = arith.constant 416 : index
        %swap3A_1075 = tpu.vector_load %arg16[%swap3A_1074] {strides = array<i32>} : memref<640xi32, #tpu.memory_space<vmem>>, vector<16xi32>,
        tpu.vector_store %arg16[%swap3A_1074], %add3A_1073 {strides = array<i32>} : memref<640xi32, #tpu.memory_space<vmem>>, vector<16xi32>,
        %get3A_1076 = arith.constant 432 : index
        %get3A_1077 = tpu.vector_load %arg12[%get3A_1076] {strides = array<i32>} : memref<640xi32, #tpu.memory_space<vmem>>, vector<16xi32>,
        %mul3A_1078 = arith.constant 16 : i32
        %mul3A_1079 = vector.broadcast %mul3A_1078 : i32 to vector<16xi32>
        %mul3A_1080 = arith.muli %get3A_1077, %mul3A_1079 : vector<16xi32>
        %add3A_1081 = vector.broadcast %arg1 : i32 to vector<16xi32>
        %add3A_1082 = arith.addi %mul3A_1080, %add3A_1081 : vector<16xi32>
        %swap3A_1083 = arith.constant 432 : index
        %swap3A_1084 = tpu.vector_load %arg16[%swap3A_1083] {strides = array<i32>} : memref<640xi32, #tpu.memory_space<vmem>>, vector<16xi32>,
        tpu.vector_store %arg16[%swap3A_1083], %add3A_1082 {strides = array<i32>} : memref<640xi32, #tpu.memory_space<vmem>>, vector<16xi32>,
        %get3A_1085 = arith.constant 448 : index
        %get3A_1086 = tpu.vector_load %arg12[%get3A_1085] {strides = array<i32>} : memref<640xi32, #tpu.memory_space<vmem>>, vector<16xi32>,
        %mul3A_1087 = arith.constant 16 : i32
        %mul3A_1088 = vector.broadcast %mul3A_1087 : i32 to vector<16xi32>
        %mul3A_1089 = arith.muli %get3A_1086, %mul3A_1088 : vector<16xi32>
        %add3A_1090 = vector.broadcast %arg1 : i32 to vector<16xi32>
        %add3A_1091 = arith.addi %mul3A_1089, %add3A_1090 : vector<16xi32>
        %swap3A_1092 = arith.constant 448 : index
        %swap3A_1093 = tpu.vector_load %arg16[%swap3A_1092] {strides = array<i32>} : memref<640xi32, #tpu.memory_space<vmem>>, vector<16xi32>,
        tpu.vector_store %arg16[%swap3A_1092], %add3A_1091 {strides = array<i32>} : memref<640xi32, #tpu.memory_space<vmem>>, vector<16xi32>,
        %get3A_1094 = arith.constant 464 : index
        %get3A_1095 = tpu.vector_load %arg12[%get3A_1094] {strides = array<i32>} : memref<640xi32, #tpu.memory_space<vmem>>, vector<16xi32>,
        %mul3A_1096 = arith.constant 16 : i32
        %mul3A_1097 = vector.broadcast %mul3A_1096 : i32 to vector<16xi32>
        %mul3A_1098 = arith.muli %get3A_1095, %mul3A_1097 : vector<16xi32>
        %add3A_1099 = vector.broadcast %arg1 : i32 to vector<16xi32>
        %add3A_1100 = arith.addi %mul3A_1098, %add3A_1099 : vector<16xi32>
        %swap3A_1101 = arith.constant 464 : index
        %swap3A_1102 = tpu.vector_load %arg16[%swap3A_1101] {strides = array<i32>} : memref<640xi32, #tpu.memory_space<vmem>>, vector<16xi32>,
        tpu.vector_store %arg16[%swap3A_1101], %add3A_1100 {strides = array<i32>} : memref<640xi32, #tpu.memory_space<vmem>>, vector<16xi32>,
        %get3A_1103 = arith.constant 480 : index
        %get3A_1104 = tpu.vector_load %arg12[%get3A_1103] {strides = array<i32>} : memref<640xi32, #tpu.memory_space<vmem>>, vector<16xi32>,
        %mul3A_1105 = arith.constant 16 : i32
        %mul3A_1106 = vector.broadcast %mul3A_1105 : i32 to vector<16xi32>
        %mul3A_1107 = arith.muli %get3A_1104, %mul3A_1106 : vector<16xi32>
        %add3A_1108 = vector.broadcast %arg1 : i32 to vector<16xi32>
        %add3A_1109 = arith.addi %mul3A_1107, %add3A_1108 : vector<16xi32>
        %swap3A_1110 = arith.constant 480 : index
        %swap3A_1111 = tpu.vector_load %arg16[%swap3A_1110] {strides = array<i32>} : memref<640xi32, #tpu.memory_space<vmem>>, vector<16xi32>,
        tpu.vector_store %arg16[%swap3A_1110], %add3A_1109 {strides = array<i32>} : memref<640xi32, #tpu.memory_space<vmem>>, vector<16xi32>,
        %get3A_1112 = arith.constant 496 : index
        %get3A_1113 = tpu.vector_load %arg12[%get3A_1112] {strides = array<i32>} : memref<640xi32, #tpu.memory_space<vmem>>, vector<16xi32>,
        %mul3A_1114 = arith.constant 16 : i32
        %mul3A_1115 = vector.broadcast %mul3A_1114 : i32 to vector<16xi32>
        %mul3A_1116 = arith.muli %get3A_1113, %mul3A_1115 : vector<16xi32>
        %add3A_1117 = vector.broadcast %arg1 : i32 to vector<16xi32>
        %add3A_1118 = arith.addi %mul3A_1116, %add3A_1117 : vector<16xi32>
        %swap3A_1119 = arith.constant 496 : index
        %swap3A_1120 = tpu.vector_load %arg16[%swap3A_1119] {strides = array<i32>} : memref<640xi32, #tpu.memory_space<vmem>>, vector<16xi32>,
        tpu.vector_store %arg16[%swap3A_1119], %add3A_1118 {strides = array<i32>} : memref<640xi32, #tpu.memory_space<vmem>>, vector<16xi32>,
        %get3A_1121 = arith.constant 512 : index
        %get3A_1122 = tpu.vector_load %arg12[%get3A_1121] {strides = array<i32>} : memref<640xi32, #tpu.memory_space<vmem>>, vector<16xi32>,
        %mul3A_1123 = arith.constant 16 : i32
        %mul3A_1124 = vector.broadcast %mul3A_1123 : i32 to vector<16xi32>
        %mul3A_1125 = arith.muli %get3A_1122, %mul3A_1124 : vector<16xi32>
        %add3A_1126 = vector.broadcast %arg1 : i32 to vector<16xi32>
        %add3A_1127 = arith.addi %mul3A_1125, %add3A_1126 : vector<16xi32>
        %swap3A_1128 = arith.constant 512 : index
        %swap3A_1129 = tpu.vector_load %arg16[%swap3A_1128] {strides = array<i32>} : memref<640xi32, #tpu.memory_space<vmem>>, vector<16xi32>,
        tpu.vector_store %arg16[%swap3A_1128], %add3A_1127 {strides = array<i32>} : memref<640xi32, #tpu.memory_space<vmem>>, vector<16xi32>,
        %get3A_1130 = arith.constant 528 : index
        %get3A_1131 = tpu.vector_load %arg12[%get3A_1130] {strides = array<i32>} : memref<640xi32, #tpu.memory_space<vmem>>, vector<16xi32>,
        %mul3A_1132 = arith.constant 16 : i32
        %mul3A_1133 = vector.broadcast %mul3A_1132 : i32 to vector<16xi32>
        %mul3A_1134 = arith.muli %get3A_1131, %mul3A_1133 : vector<16xi32>
        %add3A_1135 = vector.broadcast %arg1 : i32 to vector<16xi32>
        %add3A_1136 = arith.addi %mul3A_1134, %add3A_1135 : vector<16xi32>
        %swap3A_1137 = arith.constant 528 : index
        %swap3A_1138 = tpu.vector_load %arg16[%swap3A_1137] {strides = array<i32>} : memref<640xi32, #tpu.memory_space<vmem>>, vector<16xi32>,
        tpu.vector_store %arg16[%swap3A_1137], %add3A_1136 {strides = array<i32>} : memref<640xi32, #tpu.memory_space<vmem>>, vector<16xi32>,
        %get3A_1139 = arith.constant 544 : index
        %get3A_1140 = tpu.vector_load %arg12[%get3A_1139] {strides = array<i32>} : memref<640xi32, #tpu.memory_space<vmem>>, vector<16xi32>,
        %mul3A_1141 = arith.constant 16 : i32
        %mul3A_1142 = vector.broadcast %mul3A_1141 : i32 to vector<16xi32>
        %mul3A_1143 = arith.muli %get3A_1140, %mul3A_1142 : vector<16xi32>
        %add3A_1144 = vector.broadcast %arg1 : i32 to vector<16xi32>
        %add3A_1145 = arith.addi %mul3A_1143, %add3A_1144 : vector<16xi32>
        %swap3A_1146 = arith.constant 544 : index
        %swap3A_1147 = tpu.vector_load %arg16[%swap3A_1146] {strides = array<i32>} : memref<640xi32, #tpu.memory_space<vmem>>, vector<16xi32>,
        tpu.vector_store %arg16[%swap3A_1146], %add3A_1145 {strides = array<i32>} : memref<640xi32, #tpu.memory_space<vmem>>, vector<16xi32>,
        %get3A_1148 = arith.constant 560 : index
        %get3A_1149 = tpu.vector_load %arg12[%get3A_1148] {strides = array<i32>} : memref<640xi32, #tpu.memory_space<vmem>>, vector<16xi32>,
        %mul3A_1150 = arith.constant 16 : i32
        %mul3A_1151 = vector.broadcast %mul3A_1150 : i32 to vector<16xi32>
        %mul3A_1152 = arith.muli %get3A_1149, %mul3A_1151 : vector<16xi32>
        %add3A_1153 = vector.broadcast %arg1 : i32 to vector<16xi32>
        %add3A_1154 = arith.addi %mul3A_1152, %add3A_1153 : vector<16xi32>
        %swap3A_1155 = arith.constant 560 : index
        %swap3A_1156 = tpu.vector_load %arg16[%swap3A_1155] {strides = array<i32>} : memref<640xi32, #tpu.memory_space<vmem>>, vector<16xi32>,
        tpu.vector_store %arg16[%swap3A_1155], %add3A_1154 {strides = array<i32>} : memref<640xi32, #tpu.memory_space<vmem>>, vector<16xi32>,
        %get3A_1157 = arith.constant 576 : index
        %get3A_1158 = tpu.vector_load %arg12[%get3A_1157] {strides = array<i32>} : memref<640xi32, #tpu.memory_space<vmem>>, vector<16xi32>,
        %mul3A_1159 = arith.constant 16 : i32
        %mul3A_1160 = vector.broadcast %mul3A_1159 : i32 to vector<16xi32>
        %mul3A_1161 = arith.muli %get3A_1158, %mul3A_1160 : vector<16xi32>
        %add3A_1162 = vector.broadcast %arg1 : i32 to vector<16xi32>
        %add3A_1163 = arith.addi %mul3A_1161, %add3A_1162 : vector<16xi32>
        %swap3A_1164 = arith.constant 576 : index
        %swap3A_1165 = tpu.vector_load %arg16[%swap3A_1164] {strides = array<i32>} : memref<640xi32, #tpu.memory_space<vmem>>, vector<16xi32>,
        tpu.vector_store %arg16[%swap3A_1164], %add3A_1163 {strides = array<i32>} : memref<640xi32, #tpu.memory_space<vmem>>, vector<16xi32>,
        %get3A_1166 = arith.constant 592 : index
        %get3A_1167 = tpu.vector_load %arg12[%get3A_1166] {strides = array<i32>} : memref<640xi32, #tpu.memory_space<vmem>>, vector<16xi32>,
        %mul3A_1168 = arith.constant 16 : i32
        %mul3A_1169 = vector.broadcast %mul3A_1168 : i32 to vector<16xi32>
        %mul3A_1170 = arith.muli %get3A_1167, %mul3A_1169 : vector<16xi32>
        %add3A_1171 = vector.broadcast %arg1 : i32 to vector<16xi32>
        %add3A_1172 = arith.addi %mul3A_1170, %add3A_1171 : vector<16xi32>
        %swap3A_1173 = arith.constant 592 : index
        %swap3A_1174 = tpu.vector_load %arg16[%swap3A_1173] {strides = array<i32>} : memref<640xi32, #tpu.memory_space<vmem>>, vector<16xi32>,
        tpu.vector_store %arg16[%swap3A_1173], %add3A_1172 {strides = array<i32>} : memref<640xi32, #tpu.memory_space<vmem>>, vector<16xi32>,
        %get3A_1175 = arith.constant 608 : index
        %get3A_1176 = tpu.vector_load %arg12[%get3A_1175] {strides = array<i32>} : memref<640xi32, #tpu.memory_space<vmem>>, vector<16xi32>,
        %mul3A_1177 = arith.constant 16 : i32
        %mul3A_1178 = vector.broadcast %mul3A_1177 : i32 to vector<16xi32>
        %mul3A_1179 = arith.muli %get3A_1176, %mul3A_1178 : vector<16xi32>
        %add3A_1180 = vector.broadcast %arg1 : i32 to vector<16xi32>
        %add3A_1181 = arith.addi %mul3A_1179, %add3A_1180 : vector<16xi32>
        %swap3A_1182 = arith.constant 608 : index
        %swap3A_1183 = tpu.vector_load %arg16[%swap3A_1182] {strides = array<i32>} : memref<640xi32, #tpu.memory_space<vmem>>, vector<16xi32>,
        tpu.vector_store %arg16[%swap3A_1182], %add3A_1181 {strides = array<i32>} : memref<640xi32, #tpu.memory_space<vmem>>, vector<16xi32>,
        %get3A_1184 = arith.constant 624 : index
        %get3A_1185 = tpu.vector_load %arg12[%get3A_1184] {strides = array<i32>} : memref<640xi32, #tpu.memory_space<vmem>>, vector<16xi32>,
        %mul3A_1186 = arith.constant 16 : i32
        %mul3A_1187 = vector.broadcast %mul3A_1186 : i32 to vector<16xi32>
        %mul3A_1188 = arith.muli %get3A_1185, %mul3A_1187 : vector<16xi32>
        %add3A_1189 = vector.broadcast %arg1 : i32 to vector<16xi32>
        %add3A_1190 = arith.addi %mul3A_1188, %add3A_1189 : vector<16xi32>
        %swap3A_1191 = arith.constant 624 : index
        %swap3A_1192 = tpu.vector_load %arg16[%swap3A_1191] {strides = array<i32>} : memref<640xi32, #tpu.memory_space<vmem>>, vector<16xi32>,
        tpu.vector_store %arg16[%swap3A_1191], %add3A_1190 {strides = array<i32>} : memref<640xi32, #tpu.memory_space<vmem>>, vector<16xi32>,
        %dma_start3A_1193 = arith.constant 0 : i32
        %dma_start3A_1194 = arith.constant 0 : i32
        %dma_start3A_1195 = tpu.memref_slice %arg2[%dma_start3A_1193, %dma_start3A_1194] : memref<160000x16xf32, #tpu.memory_space<hbm>> -> memref<160000x16xf32, #tpu.memory_space<hbm>>
        tpu.enqueue_indirect_dma source(%dma_start3A_1195 : memref<160000x16xf32, #tpu.memory_space<hbm>>) target(%arg8 : memref<640x16xf32, #tpu.memory_space<vmem>>) offsets(%arg16 : memref<640xi32, #tpu.memory_space<vmem>>) semaphore(%arg20 : memref<!tpu.dma_semaphore, #tpu.memory_space<semaphore_mem>>)
        %mul3A_1196 = arith.constant 640 : i32
        %mul3A_1197 = arith.muli %add3A_832, %mul3A_1196 : i32
        %dma_start3A_1198 = tpu.memref_slice %arg5[%mul3A_1197, %mul3A_8] : memref<160000x256xf32, #tpu.memory_space<hbm>> -> memref<640x16xf32, #tpu.memory_space<hbm>>
        %dma_start3A_1199 = tpu.memref_slice %arg5[%mul3A_1197, %mul3A_8] : memref<160000x256xf32, #tpu.memory_space<hbm>> -> memref<640x16xf32, #tpu.memory_space<hbm>>
        tpu.enqueue_dma source(%dma_start3A_1199 : memref<640x16xf32, #tpu.memory_space<hbm>>) target(%arg10 : memref<640x16xf32, #tpu.memory_space<vmem>>) target_semaphore(%arg20 : memref<!tpu.dma_semaphore, #tpu.memory_space<semaphore_mem>>)
      } else {
      }
      %mul3A_803 = arith.constant 640 : i32
      %mul3A_804 = arith.muli %add3A_405, %mul3A_803 : i32
      %dma_wait3A_805 = arith.constant 0 : i32
      %dma_wait3A_806 = arith.constant 0 : i32
      %dma_wait3A_807 = tpu.memref_slice %arg2[%dma_wait3A_805, %dma_wait3A_806] : memref<160000x16xf32, #tpu.memory_space<hbm>> -> memref<160000x16xf32, #tpu.memory_space<hbm>>
      tpu.wait_indirect_dma semaphore(%arg21 : memref<!tpu.dma_semaphore, #tpu.memory_space<semaphore_mem>>) src(%dma_wait3A_807 : memref<160000x16xf32, #tpu.memory_space<hbm>>) dst(%arg9 : memref<640x16xf32, #tpu.memory_space<vmem>>)
      %dma_wait3A_808 = tpu.memref_slice %arg5[%mul3A_804, %mul3A_8] : memref<160000x256xf32, #tpu.memory_space<hbm>> -> memref<640x16xf32, #tpu.memory_space<hbm>>
      %dma_wait3A_809 = tpu.memref_slice %arg5[%mul3A_804, %mul3A_8] : memref<160000x256xf32, #tpu.memory_space<hbm>> -> memref<640x16xf32, #tpu.memory_space<hbm>>
      tpu.wait_dma2 semaphore(%arg21 : memref<!tpu.dma_semaphore, #tpu.memory_space<semaphore_mem>>) src(%dma_wait3A_809 : memref<640x16xf32, #tpu.memory_space<hbm>>) dst(%arg11 : memref<640x16xf32, #tpu.memory_space<vmem>>)
      %scan3A_810 = arith.constant 0 : i32
      %scan3A_811 = arith.constant 0 : i32
      %scan3A_812 = arith.constant 40 : i32
      %scan3A_813 = arith.addi %scan3A_811, %scan3A_812 : i32
      %scan3A_814 = arith.constant 2 : i32
      scf.for %scan3A_823 = %scan3A_811 to %scan3A_813 step %scan3A_814  : i32 {
        %mul3A_824 = arith.constant 16 : i32
        %mul3A_825 = arith.muli %scan3A_823, %mul3A_824 : i32
        %get3A_826 = arith.index_cast %mul3A_825 : i32 to index
        %get3A_827 = tpu.vector_load %arg15[%get3A_826] {strides = array<i32>} : memref<640xi32, #tpu.memory_space<vmem>>, vector<16xi32>,
        %sub3A = vector.broadcast %mul3A_6 : i32 to vector<16xi32>
        %sub3A_828 = arith.subi %get3A_827, %sub3A : vector<16xi32>
        %ge3A = arith.constant 0 : i32
        %ge3A_829 = vector.broadcast %ge3A : i32 to vector<16xi32>
        %ge3A_830 = arith.cmpi sge, %sub3A_828, %ge3A_829 : vector<16xi32>
        %lt3A_831 = arith.constant 5000 : i32
        %lt3A_832 = vector.broadcast %lt3A_831 : i32 to vector<16xi32>
        %lt3A_833 = arith.cmpi slt, %sub3A_828, %lt3A_832 : vector<16xi32>
        %and3A = arith.andi %ge3A_830, %lt3A_833 : vector<16xi1>
        %jit3A = arith.constant 5000 : i32
        %broadcast_in_dim3A_834 = vector.broadcast %jit3A : i32 to vector<16xi32>
        %select_n3A = arith.select %and3A, %sub3A_828, %broadcast_in_dim3A_834 : vector<16xi1>, vector<16xi32>
        %mul3A_835 = arith.constant 16 : i32
        %mul3A_836 = vector.broadcast %mul3A_835 : i32 to vector<16xi32>
        %mul3A_837 = arith.muli %select_n3A, %mul3A_836 : vector<16xi32>
        %mul3A_838 = arith.constant 16 : i32
        %mul3A_839 = arith.muli %scan3A_823, %mul3A_838 : i32
        %add3A_840 = arith.constant 0 : i32
        %add3A_841 = arith.addi %mul3A_839, %add3A_840 : i32
        %get3A_842 = arith.index_cast %add3A_841 : i32 to index
        %get3A_843 = arith.constant 0 : index
        %get3A_844 = tpu.vector_load %arg9[%get3A_842, %get3A_843] {strides = array<i32>} : memref<640x16xf32, #tpu.memory_space<vmem>>, vector<16xf32>,
        %get3A_845 = arith.index_cast %add3A_841 : i32 to index
        %get3A_846 = arith.constant 0 : index
        %get3A_847 = tpu.vector_load %arg11[%get3A_845, %get3A_846] {strides = array<i32>} : memref<640x16xf32, #tpu.memory_space<vmem>>, vector<16xf32>,
        %add3A_848 = arith.addf %get3A_844, %get3A_847 : vector<16xf32>
        %max3A = arith.constant 0.000000e+00 : f32
        %max3A_849 = vector.broadcast %max3A : f32 to vector<16xf32>
        %max3A_850 = arith.maximumf %add3A_848, %max3A_849 : vector<16xf32>
        %broadcast_in_dim3A_851 = arith.constant 0 : i32
        %broadcast_in_dim3A_852 = vector.broadcast %broadcast_in_dim3A_851 : i32 to vector<16xi32>
        %lt3A_853 = arith.constant 0 : i32
        %lt3A_854 = vector.broadcast %lt3A_853 : i32 to vector<16xi32>
        %lt3A_855 = arith.cmpi slt, %broadcast_in_dim3A_852, %lt3A_854 : vector<16xi32>
        %add3A_856 = arith.constant 16 : i32
        %add3A_857 = vector.broadcast %add3A_856 : i32 to vector<16xi32>
        %add3A_858 = arith.addi %broadcast_in_dim3A_852, %add3A_857 : vector<16xi32>
        %select_n3A_859 = arith.select %lt3A_855, %add3A_858, %broadcast_in_dim3A_852 : vector<16xi1>, vector<16xi32>
        %broadcast_in_dim3A_860 = vector.shape_cast %select_n3A_859 : vector<16xi32> to vector<16x1xi32>
        %gather3A = vector.shape_cast %broadcast_in_dim3A_860 : vector<16x1xi32> to vector<16xi32>
        %gather3A_861 = tpu.dynamic_gather %mul3A_837[%gather3A] in [0] : vector<16xi32>, vector<16xi32> -> vector<16xi32>
        %add3A_862 = arith.addi %gather3A_861, %iota3A : vector<16xi32>
        tpu.vector_store_idx %arg7[%add3A_862], %max3A_850 {add = true} : memref<80128xf32, #tpu.memory_space<vmem>>[vector<16xi32>], vector<16xf32>,
        %mul3A_863 = arith.constant 16 : i32
        %mul3A_864 = arith.muli %scan3A_823, %mul3A_863 : i32
        %add3A_865 = arith.constant 1 : i32
        %add3A_866 = arith.addi %mul3A_864, %add3A_865 : i32
        %get3A_867 = arith.index_cast %add3A_866 : i32 to index
        %get3A_868 = arith.constant 0 : index
        %get3A_869 = tpu.vector_load %arg9[%get3A_867, %get3A_868] {strides = array<i32>} : memref<640x16xf32, #tpu.memory_space<vmem>>, vector<16xf32>,
        %get3A_870 = arith.index_cast %add3A_866 : i32 to index
        %get3A_871 = arith.constant 0 : index
        %get3A_872 = tpu.vector_load %arg11[%get3A_870, %get3A_871] {strides = array<i32>} : memref<640x16xf32, #tpu.memory_space<vmem>>, vector<16xf32>,
        %add3A_873 = arith.addf %get3A_869, %get3A_872 : vector<16xf32>
        %max3A_874 = arith.constant 0.000000e+00 : f32
        %max3A_875 = vector.broadcast %max3A_874 : f32 to vector<16xf32>
        %max3A_876 = arith.maximumf %add3A_873, %max3A_875 : vector<16xf32>
        %broadcast_in_dim3A_877 = arith.constant 1 : i32
        %broadcast_in_dim3A_878 = vector.broadcast %broadcast_in_dim3A_877 : i32 to vector<16xi32>
        %lt3A_879 = arith.constant 0 : i32
        %lt3A_880 = vector.broadcast %lt3A_879 : i32 to vector<16xi32>
        %lt3A_881 = arith.cmpi slt, %broadcast_in_dim3A_878, %lt3A_880 : vector<16xi32>
        %add3A_882 = arith.constant 16 : i32
        %add3A_883 = vector.broadcast %add3A_882 : i32 to vector<16xi32>
        %add3A_884 = arith.addi %broadcast_in_dim3A_878, %add3A_883 : vector<16xi32>
        %select_n3A_885 = arith.select %lt3A_881, %add3A_884, %broadcast_in_dim3A_878 : vector<16xi1>, vector<16xi32>
        %broadcast_in_dim3A_886 = vector.shape_cast %select_n3A_885 : vector<16xi32> to vector<16x1xi32>
        %gather3A_887 = vector.shape_cast %broadcast_in_dim3A_886 : vector<16x1xi32> to vector<16xi32>
        %gather3A_888 = tpu.dynamic_gather %mul3A_837[%gather3A_887] in [0] : vector<16xi32>, vector<16xi32> -> vector<16xi32>
        %add3A_889 = arith.addi %gather3A_888, %iota3A : vector<16xi32>
        tpu.vector_store_idx %arg7[%add3A_889], %max3A_876 {add = true} : memref<80128xf32, #tpu.memory_space<vmem>>[vector<16xi32>], vector<16xf32>,
        %mul3A_890 = arith.constant 16 : i32
        %mul3A_891 = arith.muli %scan3A_823, %mul3A_890 : i32
        %add3A_892 = arith.constant 2 : i32
        %add3A_893 = arith.addi %mul3A_891, %add3A_892 : i32
        %get3A_894 = arith.index_cast %add3A_893 : i32 to index
        %get3A_895 = arith.constant 0 : index
        %get3A_896 = tpu.vector_load %arg9[%get3A_894, %get3A_895] {strides = array<i32>} : memref<640x16xf32, #tpu.memory_space<vmem>>, vector<16xf32>,
        %get3A_897 = arith.index_cast %add3A_893 : i32 to index
        %get3A_898 = arith.constant 0 : index
        %get3A_899 = tpu.vector_load %arg11[%get3A_897, %get3A_898] {strides = array<i32>} : memref<640x16xf32, #tpu.memory_space<vmem>>, vector<16xf32>,
        %add3A_900 = arith.addf %get3A_896, %get3A_899 : vector<16xf32>
        %max3A_901 = arith.constant 0.000000e+00 : f32
        %max3A_902 = vector.broadcast %max3A_901 : f32 to vector<16xf32>
        %max3A_903 = arith.maximumf %add3A_900, %max3A_902 : vector<16xf32>
        %broadcast_in_dim3A_904 = arith.constant 2 : i32
        %broadcast_in_dim3A_905 = vector.broadcast %broadcast_in_dim3A_904 : i32 to vector<16xi32>
        %lt3A_906 = arith.constant 0 : i32
        %lt3A_907 = vector.broadcast %lt3A_906 : i32 to vector<16xi32>
        %lt3A_908 = arith.cmpi slt, %broadcast_in_dim3A_905, %lt3A_907 : vector<16xi32>
        %add3A_909 = arith.constant 16 : i32
        %add3A_910 = vector.broadcast %add3A_909 : i32 to vector<16xi32>
        %add3A_911 = arith.addi %broadcast_in_dim3A_905, %add3A_910 : vector<16xi32>
        %select_n3A_912 = arith.select %lt3A_908, %add3A_911, %broadcast_in_dim3A_905 : vector<16xi1>, vector<16xi32>
        %broadcast_in_dim3A_913 = vector.shape_cast %select_n3A_912 : vector<16xi32> to vector<16x1xi32>
        %gather3A_914 = vector.shape_cast %broadcast_in_dim3A_913 : vector<16x1xi32> to vector<16xi32>
        %gather3A_915 = tpu.dynamic_gather %mul3A_837[%gather3A_914] in [0] : vector<16xi32>, vector<16xi32> -> vector<16xi32>
        %add3A_916 = arith.addi %gather3A_915, %iota3A : vector<16xi32>
        tpu.vector_store_idx %arg7[%add3A_916], %max3A_903 {add = true} : memref<80128xf32, #tpu.memory_space<vmem>>[vector<16xi32>], vector<16xf32>,
        %mul3A_917 = arith.constant 16 : i32
        %mul3A_918 = arith.muli %scan3A_823, %mul3A_917 : i32
        %add3A_919 = arith.constant 3 : i32
        %add3A_920 = arith.addi %mul3A_918, %add3A_919 : i32
        %get3A_921 = arith.index_cast %add3A_920 : i32 to index
        %get3A_922 = arith.constant 0 : index
        %get3A_923 = tpu.vector_load %arg9[%get3A_921, %get3A_922] {strides = array<i32>} : memref<640x16xf32, #tpu.memory_space<vmem>>, vector<16xf32>,
        %get3A_924 = arith.index_cast %add3A_920 : i32 to index
        %get3A_925 = arith.constant 0 : index
        %get3A_926 = tpu.vector_load %arg11[%get3A_924, %get3A_925] {strides = array<i32>} : memref<640x16xf32, #tpu.memory_space<vmem>>, vector<16xf32>,
        %add3A_927 = arith.addf %get3A_923, %get3A_926 : vector<16xf32>
        %max3A_928 = arith.constant 0.000000e+00 : f32
        %max3A_929 = vector.broadcast %max3A_928 : f32 to vector<16xf32>
        %max3A_930 = arith.maximumf %add3A_927, %max3A_929 : vector<16xf32>
        %broadcast_in_dim3A_931 = arith.constant 3 : i32
        %broadcast_in_dim3A_932 = vector.broadcast %broadcast_in_dim3A_931 : i32 to vector<16xi32>
        %lt3A_933 = arith.constant 0 : i32
        %lt3A_934 = vector.broadcast %lt3A_933 : i32 to vector<16xi32>
        %lt3A_935 = arith.cmpi slt, %broadcast_in_dim3A_932, %lt3A_934 : vector<16xi32>
        %add3A_936 = arith.constant 16 : i32
        %add3A_937 = vector.broadcast %add3A_936 : i32 to vector<16xi32>
        %add3A_938 = arith.addi %broadcast_in_dim3A_932, %add3A_937 : vector<16xi32>
        %select_n3A_939 = arith.select %lt3A_935, %add3A_938, %broadcast_in_dim3A_932 : vector<16xi1>, vector<16xi32>
        %broadcast_in_dim3A_940 = vector.shape_cast %select_n3A_939 : vector<16xi32> to vector<16x1xi32>
        %gather3A_941 = vector.shape_cast %broadcast_in_dim3A_940 : vector<16x1xi32> to vector<16xi32>
        %gather3A_942 = tpu.dynamic_gather %mul3A_837[%gather3A_941] in [0] : vector<16xi32>, vector<16xi32> -> vector<16xi32>
        %add3A_943 = arith.addi %gather3A_942, %iota3A : vector<16xi32>
        tpu.vector_store_idx %arg7[%add3A_943], %max3A_930 {add = true} : memref<80128xf32, #tpu.memory_space<vmem>>[vector<16xi32>], vector<16xf32>,
        %mul3A_944 = arith.constant 16 : i32
        %mul3A_945 = arith.muli %scan3A_823, %mul3A_944 : i32
        %add3A_946 = arith.constant 4 : i32
        %add3A_947 = arith.addi %mul3A_945, %add3A_946 : i32
        %get3A_948 = arith.index_cast %add3A_947 : i32 to index
        %get3A_949 = arith.constant 0 : index
        %get3A_950 = tpu.vector_load %arg9[%get3A_948, %get3A_949] {strides = array<i32>} : memref<640x16xf32, #tpu.memory_space<vmem>>, vector<16xf32>,
        %get3A_951 = arith.index_cast %add3A_947 : i32 to index
        %get3A_952 = arith.constant 0 : index
        %get3A_953 = tpu.vector_load %arg11[%get3A_951, %get3A_952] {strides = array<i32>} : memref<640x16xf32, #tpu.memory_space<vmem>>, vector<16xf32>,
        %add3A_954 = arith.addf %get3A_950, %get3A_953 : vector<16xf32>
        %max3A_955 = arith.constant 0.000000e+00 : f32
        %max3A_956 = vector.broadcast %max3A_955 : f32 to vector<16xf32>
        %max3A_957 = arith.maximumf %add3A_954, %max3A_956 : vector<16xf32>
        %broadcast_in_dim3A_958 = arith.constant 4 : i32
        %broadcast_in_dim3A_959 = vector.broadcast %broadcast_in_dim3A_958 : i32 to vector<16xi32>
        %lt3A_960 = arith.constant 0 : i32
        %lt3A_961 = vector.broadcast %lt3A_960 : i32 to vector<16xi32>
        %lt3A_962 = arith.cmpi slt, %broadcast_in_dim3A_959, %lt3A_961 : vector<16xi32>
        %add3A_963 = arith.constant 16 : i32
        %add3A_964 = vector.broadcast %add3A_963 : i32 to vector<16xi32>
        %add3A_965 = arith.addi %broadcast_in_dim3A_959, %add3A_964 : vector<16xi32>
        %select_n3A_966 = arith.select %lt3A_962, %add3A_965, %broadcast_in_dim3A_959 : vector<16xi1>, vector<16xi32>
        %broadcast_in_dim3A_967 = vector.shape_cast %select_n3A_966 : vector<16xi32> to vector<16x1xi32>
        %gather3A_968 = vector.shape_cast %broadcast_in_dim3A_967 : vector<16x1xi32> to vector<16xi32>
        %gather3A_969 = tpu.dynamic_gather %mul3A_837[%gather3A_968] in [0] : vector<16xi32>, vector<16xi32> -> vector<16xi32>
        %add3A_970 = arith.addi %gather3A_969, %iota3A : vector<16xi32>
        tpu.vector_store_idx %arg7[%add3A_970], %max3A_957 {add = true} : memref<80128xf32, #tpu.memory_space<vmem>>[vector<16xi32>], vector<16xf32>,
        %mul3A_971 = arith.constant 16 : i32
        %mul3A_972 = arith.muli %scan3A_823, %mul3A_971 : i32
        %add3A_973 = arith.constant 5 : i32
        %add3A_974 = arith.addi %mul3A_972, %add3A_973 : i32
        %get3A_975 = arith.index_cast %add3A_974 : i32 to index
        %get3A_976 = arith.constant 0 : index
        %get3A_977 = tpu.vector_load %arg9[%get3A_975, %get3A_976] {strides = array<i32>} : memref<640x16xf32, #tpu.memory_space<vmem>>, vector<16xf32>,
        %get3A_978 = arith.index_cast %add3A_974 : i32 to index
        %get3A_979 = arith.constant 0 : index
        %get3A_980 = tpu.vector_load %arg11[%get3A_978, %get3A_979] {strides = array<i32>} : memref<640x16xf32, #tpu.memory_space<vmem>>, vector<16xf32>,
        %add3A_981 = arith.addf %get3A_977, %get3A_980 : vector<16xf32>
        %max3A_982 = arith.constant 0.000000e+00 : f32
        %max3A_983 = vector.broadcast %max3A_982 : f32 to vector<16xf32>
        %max3A_984 = arith.maximumf %add3A_981, %max3A_983 : vector<16xf32>
        %broadcast_in_dim3A_985 = arith.constant 5 : i32
        %broadcast_in_dim3A_986 = vector.broadcast %broadcast_in_dim3A_985 : i32 to vector<16xi32>
        %lt3A_987 = arith.constant 0 : i32
        %lt3A_988 = vector.broadcast %lt3A_987 : i32 to vector<16xi32>
        %lt3A_989 = arith.cmpi slt, %broadcast_in_dim3A_986, %lt3A_988 : vector<16xi32>
        %add3A_990 = arith.constant 16 : i32
        %add3A_991 = vector.broadcast %add3A_990 : i32 to vector<16xi32>
        %add3A_992 = arith.addi %broadcast_in_dim3A_986, %add3A_991 : vector<16xi32>
        %select_n3A_993 = arith.select %lt3A_989, %add3A_992, %broadcast_in_dim3A_986 : vector<16xi1>, vector<16xi32>
        %broadcast_in_dim3A_994 = vector.shape_cast %select_n3A_993 : vector<16xi32> to vector<16x1xi32>
        %gather3A_995 = vector.shape_cast %broadcast_in_dim3A_994 : vector<16x1xi32> to vector<16xi32>
        %gather3A_996 = tpu.dynamic_gather %mul3A_837[%gather3A_995] in [0] : vector<16xi32>, vector<16xi32> -> vector<16xi32>
        %add3A_997 = arith.addi %gather3A_996, %iota3A : vector<16xi32>
        tpu.vector_store_idx %arg7[%add3A_997], %max3A_984 {add = true} : memref<80128xf32, #tpu.memory_space<vmem>>[vector<16xi32>], vector<16xf32>,
        %mul3A_998 = arith.constant 16 : i32
        %mul3A_999 = arith.muli %scan3A_823, %mul3A_998 : i32
        %add3A_1000 = arith.constant 6 : i32
        %add3A_1001 = arith.addi %mul3A_999, %add3A_1000 : i32
        %get3A_1002 = arith.index_cast %add3A_1001 : i32 to index
        %get3A_1003 = arith.constant 0 : index
        %get3A_1004 = tpu.vector_load %arg9[%get3A_1002, %get3A_1003] {strides = array<i32>} : memref<640x16xf32, #tpu.memory_space<vmem>>, vector<16xf32>,
        %get3A_1005 = arith.index_cast %add3A_1001 : i32 to index
        %get3A_1006 = arith.constant 0 : index
        %get3A_1007 = tpu.vector_load %arg11[%get3A_1005, %get3A_1006] {strides = array<i32>} : memref<640x16xf32, #tpu.memory_space<vmem>>, vector<16xf32>,
        %add3A_1008 = arith.addf %get3A_1004, %get3A_1007 : vector<16xf32>
        %max3A_1009 = arith.constant 0.000000e+00 : f32
        %max3A_1010 = vector.broadcast %max3A_1009 : f32 to vector<16xf32>
        %max3A_1011 = arith.maximumf %add3A_1008, %max3A_1010 : vector<16xf32>
        %broadcast_in_dim3A_1012 = arith.constant 6 : i32
        %broadcast_in_dim3A_1013 = vector.broadcast %broadcast_in_dim3A_1012 : i32 to vector<16xi32>
        %lt3A_1014 = arith.constant 0 : i32
        %lt3A_1015 = vector.broadcast %lt3A_1014 : i32 to vector<16xi32>
        %lt3A_1016 = arith.cmpi slt, %broadcast_in_dim3A_1013, %lt3A_1015 : vector<16xi32>
        %add3A_1017 = arith.constant 16 : i32
        %add3A_1018 = vector.broadcast %add3A_1017 : i32 to vector<16xi32>
        %add3A_1019 = arith.addi %broadcast_in_dim3A_1013, %add3A_1018 : vector<16xi32>
        %select_n3A_1020 = arith.select %lt3A_1016, %add3A_1019, %broadcast_in_dim3A_1013 : vector<16xi1>, vector<16xi32>
        %broadcast_in_dim3A_1021 = vector.shape_cast %select_n3A_1020 : vector<16xi32> to vector<16x1xi32>
        %gather3A_1022 = vector.shape_cast %broadcast_in_dim3A_1021 : vector<16x1xi32> to vector<16xi32>
        %gather3A_1023 = tpu.dynamic_gather %mul3A_837[%gather3A_1022] in [0] : vector<16xi32>, vector<16xi32> -> vector<16xi32>
        %add3A_1024 = arith.addi %gather3A_1023, %iota3A : vector<16xi32>
        tpu.vector_store_idx %arg7[%add3A_1024], %max3A_1011 {add = true} : memref<80128xf32, #tpu.memory_space<vmem>>[vector<16xi32>], vector<16xf32>,
        %mul3A_1025 = arith.constant 16 : i32
        %mul3A_1026 = arith.muli %scan3A_823, %mul3A_1025 : i32
        %add3A_1027 = arith.constant 7 : i32
        %add3A_1028 = arith.addi %mul3A_1026, %add3A_1027 : i32
        %get3A_1029 = arith.index_cast %add3A_1028 : i32 to index
        %get3A_1030 = arith.constant 0 : index
        %get3A_1031 = tpu.vector_load %arg9[%get3A_1029, %get3A_1030] {strides = array<i32>} : memref<640x16xf32, #tpu.memory_space<vmem>>, vector<16xf32>,
        %get3A_1032 = arith.index_cast %add3A_1028 : i32 to index
        %get3A_1033 = arith.constant 0 : index
        %get3A_1034 = tpu.vector_load %arg11[%get3A_1032, %get3A_1033] {strides = array<i32>} : memref<640x16xf32, #tpu.memory_space<vmem>>, vector<16xf32>,
        %add3A_1035 = arith.addf %get3A_1031, %get3A_1034 : vector<16xf32>
        %max3A_1036 = arith.constant 0.000000e+00 : f32
        %max3A_1037 = vector.broadcast %max3A_1036 : f32 to vector<16xf32>
        %max3A_1038 = arith.maximumf %add3A_1035, %max3A_1037 : vector<16xf32>
        %broadcast_in_dim3A_1039 = arith.constant 7 : i32
        %broadcast_in_dim3A_1040 = vector.broadcast %broadcast_in_dim3A_1039 : i32 to vector<16xi32>
        %lt3A_1041 = arith.constant 0 : i32
        %lt3A_1042 = vector.broadcast %lt3A_1041 : i32 to vector<16xi32>
        %lt3A_1043 = arith.cmpi slt, %broadcast_in_dim3A_1040, %lt3A_1042 : vector<16xi32>
        %add3A_1044 = arith.constant 16 : i32
        %add3A_1045 = vector.broadcast %add3A_1044 : i32 to vector<16xi32>
        %add3A_1046 = arith.addi %broadcast_in_dim3A_1040, %add3A_1045 : vector<16xi32>
        %select_n3A_1047 = arith.select %lt3A_1043, %add3A_1046, %broadcast_in_dim3A_1040 : vector<16xi1>, vector<16xi32>
        %broadcast_in_dim3A_1048 = vector.shape_cast %select_n3A_1047 : vector<16xi32> to vector<16x1xi32>
        %gather3A_1049 = vector.shape_cast %broadcast_in_dim3A_1048 : vector<16x1xi32> to vector<16xi32>
        %gather3A_1050 = tpu.dynamic_gather %mul3A_837[%gather3A_1049] in [0] : vector<16xi32>, vector<16xi32> -> vector<16xi32>
        %add3A_1051 = arith.addi %gather3A_1050, %iota3A : vector<16xi32>
        tpu.vector_store_idx %arg7[%add3A_1051], %max3A_1038 {add = true} : memref<80128xf32, #tpu.memory_space<vmem>>[vector<16xi32>], vector<16xf32>,
        %mul3A_1052 = arith.constant 16 : i32
        %mul3A_1053 = arith.muli %scan3A_823, %mul3A_1052 : i32
        %add3A_1054 = arith.constant 8 : i32
        %add3A_1055 = arith.addi %mul3A_1053, %add3A_1054 : i32
        %get3A_1056 = arith.index_cast %add3A_1055 : i32 to index
        %get3A_1057 = arith.constant 0 : index
        %get3A_1058 = tpu.vector_load %arg9[%get3A_1056, %get3A_1057] {strides = array<i32>} : memref<640x16xf32, #tpu.memory_space<vmem>>, vector<16xf32>,
        %get3A_1059 = arith.index_cast %add3A_1055 : i32 to index
        %get3A_1060 = arith.constant 0 : index
        %get3A_1061 = tpu.vector_load %arg11[%get3A_1059, %get3A_1060] {strides = array<i32>} : memref<640x16xf32, #tpu.memory_space<vmem>>, vector<16xf32>,
        %add3A_1062 = arith.addf %get3A_1058, %get3A_1061 : vector<16xf32>
        %max3A_1063 = arith.constant 0.000000e+00 : f32
        %max3A_1064 = vector.broadcast %max3A_1063 : f32 to vector<16xf32>
        %max3A_1065 = arith.maximumf %add3A_1062, %max3A_1064 : vector<16xf32>
        %broadcast_in_dim3A_1066 = arith.constant 8 : i32
        %broadcast_in_dim3A_1067 = vector.broadcast %broadcast_in_dim3A_1066 : i32 to vector<16xi32>
        %lt3A_1068 = arith.constant 0 : i32
        %lt3A_1069 = vector.broadcast %lt3A_1068 : i32 to vector<16xi32>
        %lt3A_1070 = arith.cmpi slt, %broadcast_in_dim3A_1067, %lt3A_1069 : vector<16xi32>
        %add3A_1071 = arith.constant 16 : i32
        %add3A_1072 = vector.broadcast %add3A_1071 : i32 to vector<16xi32>
        %add3A_1073 = arith.addi %broadcast_in_dim3A_1067, %add3A_1072 : vector<16xi32>
        %select_n3A_1074 = arith.select %lt3A_1070, %add3A_1073, %broadcast_in_dim3A_1067 : vector<16xi1>, vector<16xi32>
        %broadcast_in_dim3A_1075 = vector.shape_cast %select_n3A_1074 : vector<16xi32> to vector<16x1xi32>
        %gather3A_1076 = vector.shape_cast %broadcast_in_dim3A_1075 : vector<16x1xi32> to vector<16xi32>
        %gather3A_1077 = tpu.dynamic_gather %mul3A_837[%gather3A_1076] in [0] : vector<16xi32>, vector<16xi32> -> vector<16xi32>
        %add3A_1078 = arith.addi %gather3A_1077, %iota3A : vector<16xi32>
        tpu.vector_store_idx %arg7[%add3A_1078], %max3A_1065 {add = true} : memref<80128xf32, #tpu.memory_space<vmem>>[vector<16xi32>], vector<16xf32>,
        %mul3A_1079 = arith.constant 16 : i32
        %mul3A_1080 = arith.muli %scan3A_823, %mul3A_1079 : i32
        %add3A_1081 = arith.constant 9 : i32
        %add3A_1082 = arith.addi %mul3A_1080, %add3A_1081 : i32
        %get3A_1083 = arith.index_cast %add3A_1082 : i32 to index
        %get3A_1084 = arith.constant 0 : index
        %get3A_1085 = tpu.vector_load %arg9[%get3A_1083, %get3A_1084] {strides = array<i32>} : memref<640x16xf32, #tpu.memory_space<vmem>>, vector<16xf32>,
        %get3A_1086 = arith.index_cast %add3A_1082 : i32 to index
        %get3A_1087 = arith.constant 0 : index
        %get3A_1088 = tpu.vector_load %arg11[%get3A_1086, %get3A_1087] {strides = array<i32>} : memref<640x16xf32, #tpu.memory_space<vmem>>, vector<16xf32>,
        %add3A_1089 = arith.addf %get3A_1085, %get3A_1088 : vector<16xf32>
        %max3A_1090 = arith.constant 0.000000e+00 : f32
        %max3A_1091 = vector.broadcast %max3A_1090 : f32 to vector<16xf32>
        %max3A_1092 = arith.maximumf %add3A_1089, %max3A_1091 : vector<16xf32>
        %broadcast_in_dim3A_1093 = arith.constant 9 : i32
        %broadcast_in_dim3A_1094 = vector.broadcast %broadcast_in_dim3A_1093 : i32 to vector<16xi32>
        %lt3A_1095 = arith.constant 0 : i32
        %lt3A_1096 = vector.broadcast %lt3A_1095 : i32 to vector<16xi32>
        %lt3A_1097 = arith.cmpi slt, %broadcast_in_dim3A_1094, %lt3A_1096 : vector<16xi32>
        %add3A_1098 = arith.constant 16 : i32
        %add3A_1099 = vector.broadcast %add3A_1098 : i32 to vector<16xi32>
        %add3A_1100 = arith.addi %broadcast_in_dim3A_1094, %add3A_1099 : vector<16xi32>
        %select_n3A_1101 = arith.select %lt3A_1097, %add3A_1100, %broadcast_in_dim3A_1094 : vector<16xi1>, vector<16xi32>
        %broadcast_in_dim3A_1102 = vector.shape_cast %select_n3A_1101 : vector<16xi32> to vector<16x1xi32>
        %gather3A_1103 = vector.shape_cast %broadcast_in_dim3A_1102 : vector<16x1xi32> to vector<16xi32>
        %gather3A_1104 = tpu.dynamic_gather %mul3A_837[%gather3A_1103] in [0] : vector<16xi32>, vector<16xi32> -> vector<16xi32>
        %add3A_1105 = arith.addi %gather3A_1104, %iota3A : vector<16xi32>
        tpu.vector_store_idx %arg7[%add3A_1105], %max3A_1092 {add = true} : memref<80128xf32, #tpu.memory_space<vmem>>[vector<16xi32>], vector<16xf32>,
        %mul3A_1106 = arith.constant 16 : i32
        %mul3A_1107 = arith.muli %scan3A_823, %mul3A_1106 : i32
        %add3A_1108 = arith.constant 10 : i32
        %add3A_1109 = arith.addi %mul3A_1107, %add3A_1108 : i32
        %get3A_1110 = arith.index_cast %add3A_1109 : i32 to index
        %get3A_1111 = arith.constant 0 : index
        %get3A_1112 = tpu.vector_load %arg9[%get3A_1110, %get3A_1111] {strides = array<i32>} : memref<640x16xf32, #tpu.memory_space<vmem>>, vector<16xf32>,
        %get3A_1113 = arith.index_cast %add3A_1109 : i32 to index
        %get3A_1114 = arith.constant 0 : index
        %get3A_1115 = tpu.vector_load %arg11[%get3A_1113, %get3A_1114] {strides = array<i32>} : memref<640x16xf32, #tpu.memory_space<vmem>>, vector<16xf32>,
        %add3A_1116 = arith.addf %get3A_1112, %get3A_1115 : vector<16xf32>
        %max3A_1117 = arith.constant 0.000000e+00 : f32
        %max3A_1118 = vector.broadcast %max3A_1117 : f32 to vector<16xf32>
        %max3A_1119 = arith.maximumf %add3A_1116, %max3A_1118 : vector<16xf32>
        %broadcast_in_dim3A_1120 = arith.constant 10 : i32
        %broadcast_in_dim3A_1121 = vector.broadcast %broadcast_in_dim3A_1120 : i32 to vector<16xi32>
        %lt3A_1122 = arith.constant 0 : i32
        %lt3A_1123 = vector.broadcast %lt3A_1122 : i32 to vector<16xi32>
        %lt3A_1124 = arith.cmpi slt, %broadcast_in_dim3A_1121, %lt3A_1123 : vector<16xi32>
        %add3A_1125 = arith.constant 16 : i32
        %add3A_1126 = vector.broadcast %add3A_1125 : i32 to vector<16xi32>
        %add3A_1127 = arith.addi %broadcast_in_dim3A_1121, %add3A_1126 : vector<16xi32>
        %select_n3A_1128 = arith.select %lt3A_1124, %add3A_1127, %broadcast_in_dim3A_1121 : vector<16xi1>, vector<16xi32>
        %broadcast_in_dim3A_1129 = vector.shape_cast %select_n3A_1128 : vector<16xi32> to vector<16x1xi32>
        %gather3A_1130 = vector.shape_cast %broadcast_in_dim3A_1129 : vector<16x1xi32> to vector<16xi32>
        %gather3A_1131 = tpu.dynamic_gather %mul3A_837[%gather3A_1130] in [0] : vector<16xi32>, vector<16xi32> -> vector<16xi32>
        %add3A_1132 = arith.addi %gather3A_1131, %iota3A : vector<16xi32>
        tpu.vector_store_idx %arg7[%add3A_1132], %max3A_1119 {add = true} : memref<80128xf32, #tpu.memory_space<vmem>>[vector<16xi32>], vector<16xf32>,
        %mul3A_1133 = arith.constant 16 : i32
        %mul3A_1134 = arith.muli %scan3A_823, %mul3A_1133 : i32
        %add3A_1135 = arith.constant 11 : i32
        %add3A_1136 = arith.addi %mul3A_1134, %add3A_1135 : i32
        %get3A_1137 = arith.index_cast %add3A_1136 : i32 to index
        %get3A_1138 = arith.constant 0 : index
        %get3A_1139 = tpu.vector_load %arg9[%get3A_1137, %get3A_1138] {strides = array<i32>} : memref<640x16xf32, #tpu.memory_space<vmem>>, vector<16xf32>,
        %get3A_1140 = arith.index_cast %add3A_1136 : i32 to index
        %get3A_1141 = arith.constant 0 : index
        %get3A_1142 = tpu.vector_load %arg11[%get3A_1140, %get3A_1141] {strides = array<i32>} : memref<640x16xf32, #tpu.memory_space<vmem>>, vector<16xf32>,
        %add3A_1143 = arith.addf %get3A_1139, %get3A_1142 : vector<16xf32>
        %max3A_1144 = arith.constant 0.000000e+00 : f32
        %max3A_1145 = vector.broadcast %max3A_1144 : f32 to vector<16xf32>
        %max3A_1146 = arith.maximumf %add3A_1143, %max3A_1145 : vector<16xf32>
        %broadcast_in_dim3A_1147 = arith.constant 11 : i32
        %broadcast_in_dim3A_1148 = vector.broadcast %broadcast_in_dim3A_1147 : i32 to vector<16xi32>
        %lt3A_1149 = arith.constant 0 : i32
        %lt3A_1150 = vector.broadcast %lt3A_1149 : i32 to vector<16xi32>
        %lt3A_1151 = arith.cmpi slt, %broadcast_in_dim3A_1148, %lt3A_1150 : vector<16xi32>
        %add3A_1152 = arith.constant 16 : i32
        %add3A_1153 = vector.broadcast %add3A_1152 : i32 to vector<16xi32>
        %add3A_1154 = arith.addi %broadcast_in_dim3A_1148, %add3A_1153 : vector<16xi32>
        %select_n3A_1155 = arith.select %lt3A_1151, %add3A_1154, %broadcast_in_dim3A_1148 : vector<16xi1>, vector<16xi32>
        %broadcast_in_dim3A_1156 = vector.shape_cast %select_n3A_1155 : vector<16xi32> to vector<16x1xi32>
        %gather3A_1157 = vector.shape_cast %broadcast_in_dim3A_1156 : vector<16x1xi32> to vector<16xi32>
        %gather3A_1158 = tpu.dynamic_gather %mul3A_837[%gather3A_1157] in [0] : vector<16xi32>, vector<16xi32> -> vector<16xi32>
        %add3A_1159 = arith.addi %gather3A_1158, %iota3A : vector<16xi32>
        tpu.vector_store_idx %arg7[%add3A_1159], %max3A_1146 {add = true} : memref<80128xf32, #tpu.memory_space<vmem>>[vector<16xi32>], vector<16xf32>,
        %mul3A_1160 = arith.constant 16 : i32
        %mul3A_1161 = arith.muli %scan3A_823, %mul3A_1160 : i32
        %add3A_1162 = arith.constant 12 : i32
        %add3A_1163 = arith.addi %mul3A_1161, %add3A_1162 : i32
        %get3A_1164 = arith.index_cast %add3A_1163 : i32 to index
        %get3A_1165 = arith.constant 0 : index
        %get3A_1166 = tpu.vector_load %arg9[%get3A_1164, %get3A_1165] {strides = array<i32>} : memref<640x16xf32, #tpu.memory_space<vmem>>, vector<16xf32>,
        %get3A_1167 = arith.index_cast %add3A_1163 : i32 to index
        %get3A_1168 = arith.constant 0 : index
        %get3A_1169 = tpu.vector_load %arg11[%get3A_1167, %get3A_1168] {strides = array<i32>} : memref<640x16xf32, #tpu.memory_space<vmem>>, vector<16xf32>,
        %add3A_1170 = arith.addf %get3A_1166, %get3A_1169 : vector<16xf32>
        %max3A_1171 = arith.constant 0.000000e+00 : f32
        %max3A_1172 = vector.broadcast %max3A_1171 : f32 to vector<16xf32>
        %max3A_1173 = arith.maximumf %add3A_1170, %max3A_1172 : vector<16xf32>
        %broadcast_in_dim3A_1174 = arith.constant 12 : i32
        %broadcast_in_dim3A_1175 = vector.broadcast %broadcast_in_dim3A_1174 : i32 to vector<16xi32>
        %lt3A_1176 = arith.constant 0 : i32
        %lt3A_1177 = vector.broadcast %lt3A_1176 : i32 to vector<16xi32>
        %lt3A_1178 = arith.cmpi slt, %broadcast_in_dim3A_1175, %lt3A_1177 : vector<16xi32>
        %add3A_1179 = arith.constant 16 : i32
        %add3A_1180 = vector.broadcast %add3A_1179 : i32 to vector<16xi32>
        %add3A_1181 = arith.addi %broadcast_in_dim3A_1175, %add3A_1180 : vector<16xi32>
        %select_n3A_1182 = arith.select %lt3A_1178, %add3A_1181, %broadcast_in_dim3A_1175 : vector<16xi1>, vector<16xi32>
        %broadcast_in_dim3A_1183 = vector.shape_cast %select_n3A_1182 : vector<16xi32> to vector<16x1xi32>
        %gather3A_1184 = vector.shape_cast %broadcast_in_dim3A_1183 : vector<16x1xi32> to vector<16xi32>
        %gather3A_1185 = tpu.dynamic_gather %mul3A_837[%gather3A_1184] in [0] : vector<16xi32>, vector<16xi32> -> vector<16xi32>
        %add3A_1186 = arith.addi %gather3A_1185, %iota3A : vector<16xi32>
        tpu.vector_store_idx %arg7[%add3A_1186], %max3A_1173 {add = true} : memref<80128xf32, #tpu.memory_space<vmem>>[vector<16xi32>], vector<16xf32>,
        %mul3A_1187 = arith.constant 16 : i32
        %mul3A_1188 = arith.muli %scan3A_823, %mul3A_1187 : i32
        %add3A_1189 = arith.constant 13 : i32
        %add3A_1190 = arith.addi %mul3A_1188, %add3A_1189 : i32
        %get3A_1191 = arith.index_cast %add3A_1190 : i32 to index
        %get3A_1192 = arith.constant 0 : index
        %get3A_1193 = tpu.vector_load %arg9[%get3A_1191, %get3A_1192] {strides = array<i32>} : memref<640x16xf32, #tpu.memory_space<vmem>>, vector<16xf32>,
        %get3A_1194 = arith.index_cast %add3A_1190 : i32 to index
        %get3A_1195 = arith.constant 0 : index
        %get3A_1196 = tpu.vector_load %arg11[%get3A_1194, %get3A_1195] {strides = array<i32>} : memref<640x16xf32, #tpu.memory_space<vmem>>, vector<16xf32>,
        %add3A_1197 = arith.addf %get3A_1193, %get3A_1196 : vector<16xf32>
        %max3A_1198 = arith.constant 0.000000e+00 : f32
        %max3A_1199 = vector.broadcast %max3A_1198 : f32 to vector<16xf32>
        %max3A_1200 = arith.maximumf %add3A_1197, %max3A_1199 : vector<16xf32>
        %broadcast_in_dim3A_1201 = arith.constant 13 : i32
        %broadcast_in_dim3A_1202 = vector.broadcast %broadcast_in_dim3A_1201 : i32 to vector<16xi32>
        %lt3A_1203 = arith.constant 0 : i32
        %lt3A_1204 = vector.broadcast %lt3A_1203 : i32 to vector<16xi32>
        %lt3A_1205 = arith.cmpi slt, %broadcast_in_dim3A_1202, %lt3A_1204 : vector<16xi32>
        %add3A_1206 = arith.constant 16 : i32
        %add3A_1207 = vector.broadcast %add3A_1206 : i32 to vector<16xi32>
        %add3A_1208 = arith.addi %broadcast_in_dim3A_1202, %add3A_1207 : vector<16xi32>
        %select_n3A_1209 = arith.select %lt3A_1205, %add3A_1208, %broadcast_in_dim3A_1202 : vector<16xi1>, vector<16xi32>
        %broadcast_in_dim3A_1210 = vector.shape_cast %select_n3A_1209 : vector<16xi32> to vector<16x1xi32>
        %gather3A_1211 = vector.shape_cast %broadcast_in_dim3A_1210 : vector<16x1xi32> to vector<16xi32>
        %gather3A_1212 = tpu.dynamic_gather %mul3A_837[%gather3A_1211] in [0] : vector<16xi32>, vector<16xi32> -> vector<16xi32>
        %add3A_1213 = arith.addi %gather3A_1212, %iota3A : vector<16xi32>
        tpu.vector_store_idx %arg7[%add3A_1213], %max3A_1200 {add = true} : memref<80128xf32, #tpu.memory_space<vmem>>[vector<16xi32>], vector<16xf32>,
        %mul3A_1214 = arith.constant 16 : i32
        %mul3A_1215 = arith.muli %scan3A_823, %mul3A_1214 : i32
        %add3A_1216 = arith.constant 14 : i32
        %add3A_1217 = arith.addi %mul3A_1215, %add3A_1216 : i32
        %get3A_1218 = arith.index_cast %add3A_1217 : i32 to index
        %get3A_1219 = arith.constant 0 : index
        %get3A_1220 = tpu.vector_load %arg9[%get3A_1218, %get3A_1219] {strides = array<i32>} : memref<640x16xf32, #tpu.memory_space<vmem>>, vector<16xf32>,
        %get3A_1221 = arith.index_cast %add3A_1217 : i32 to index
        %get3A_1222 = arith.constant 0 : index
        %get3A_1223 = tpu.vector_load %arg11[%get3A_1221, %get3A_1222] {strides = array<i32>} : memref<640x16xf32, #tpu.memory_space<vmem>>, vector<16xf32>,
        %add3A_1224 = arith.addf %get3A_1220, %get3A_1223 : vector<16xf32>
        %max3A_1225 = arith.constant 0.000000e+00 : f32
        %max3A_1226 = vector.broadcast %max3A_1225 : f32 to vector<16xf32>
        %max3A_1227 = arith.maximumf %add3A_1224, %max3A_1226 : vector<16xf32>
        %broadcast_in_dim3A_1228 = arith.constant 14 : i32
        %broadcast_in_dim3A_1229 = vector.broadcast %broadcast_in_dim3A_1228 : i32 to vector<16xi32>
        %lt3A_1230 = arith.constant 0 : i32
        %lt3A_1231 = vector.broadcast %lt3A_1230 : i32 to vector<16xi32>
        %lt3A_1232 = arith.cmpi slt, %broadcast_in_dim3A_1229, %lt3A_1231 : vector<16xi32>
        %add3A_1233 = arith.constant 16 : i32
        %add3A_1234 = vector.broadcast %add3A_1233 : i32 to vector<16xi32>
        %add3A_1235 = arith.addi %broadcast_in_dim3A_1229, %add3A_1234 : vector<16xi32>
        %select_n3A_1236 = arith.select %lt3A_1232, %add3A_1235, %broadcast_in_dim3A_1229 : vector<16xi1>, vector<16xi32>
        %broadcast_in_dim3A_1237 = vector.shape_cast %select_n3A_1236 : vector<16xi32> to vector<16x1xi32>
        %gather3A_1238 = vector.shape_cast %broadcast_in_dim3A_1237 : vector<16x1xi32> to vector<16xi32>
        %gather3A_1239 = tpu.dynamic_gather %mul3A_837[%gather3A_1238] in [0] : vector<16xi32>, vector<16xi32> -> vector<16xi32>
        %add3A_1240 = arith.addi %gather3A_1239, %iota3A : vector<16xi32>
        tpu.vector_store_idx %arg7[%add3A_1240], %max3A_1227 {add = true} : memref<80128xf32, #tpu.memory_space<vmem>>[vector<16xi32>], vector<16xf32>,
        %mul3A_1241 = arith.constant 16 : i32
        %mul3A_1242 = arith.muli %scan3A_823, %mul3A_1241 : i32
        %add3A_1243 = arith.constant 15 : i32
        %add3A_1244 = arith.addi %mul3A_1242, %add3A_1243 : i32
        %get3A_1245 = arith.index_cast %add3A_1244 : i32 to index
        %get3A_1246 = arith.constant 0 : index
        %get3A_1247 = tpu.vector_load %arg9[%get3A_1245, %get3A_1246] {strides = array<i32>} : memref<640x16xf32, #tpu.memory_space<vmem>>, vector<16xf32>,
        %get3A_1248 = arith.index_cast %add3A_1244 : i32 to index
        %get3A_1249 = arith.constant 0 : index
        %get3A_1250 = tpu.vector_load %arg11[%get3A_1248, %get3A_1249] {strides = array<i32>} : memref<640x16xf32, #tpu.memory_space<vmem>>, vector<16xf32>,
        %add3A_1251 = arith.addf %get3A_1247, %get3A_1250 : vector<16xf32>
        %max3A_1252 = arith.constant 0.000000e+00 : f32
        %max3A_1253 = vector.broadcast %max3A_1252 : f32 to vector<16xf32>
        %max3A_1254 = arith.maximumf %add3A_1251, %max3A_1253 : vector<16xf32>
        %broadcast_in_dim3A_1255 = arith.constant 15 : i32
        %broadcast_in_dim3A_1256 = vector.broadcast %broadcast_in_dim3A_1255 : i32 to vector<16xi32>
        %lt3A_1257 = arith.constant 0 : i32
        %lt3A_1258 = vector.broadcast %lt3A_1257 : i32 to vector<16xi32>
        %lt3A_1259 = arith.cmpi slt, %broadcast_in_dim3A_1256, %lt3A_1258 : vector<16xi32>
        %add3A_1260 = arith.constant 16 : i32
        %add3A_1261 = vector.broadcast %add3A_1260 : i32 to vector<16xi32>
        %add3A_1262 = arith.addi %broadcast_in_dim3A_1256, %add3A_1261 : vector<16xi32>
        %select_n3A_1263 = arith.select %lt3A_1259, %add3A_1262, %broadcast_in_dim3A_1256 : vector<16xi1>, vector<16xi32>
        %broadcast_in_dim3A_1264 = vector.shape_cast %select_n3A_1263 : vector<16xi32> to vector<16x1xi32>
        %gather3A_1265 = vector.shape_cast %broadcast_in_dim3A_1264 : vector<16x1xi32> to vector<16xi32>
        %gather3A_1266 = tpu.dynamic_gather %mul3A_837[%gather3A_1265] in [0] : vector<16xi32>, vector<16xi32> -> vector<16xi32>
        %add3A_1267 = arith.addi %gather3A_1266, %iota3A : vector<16xi32>
        tpu.vector_store_idx %arg7[%add3A_1267], %max3A_1254 {add = true} : memref<80128xf32, #tpu.memory_space<vmem>>[vector<16xi32>], vector<16xf32>,
        %scan3A_1268 = arith.constant 1 : i32
        %scan3A_1269 = arith.addi %scan3A_823, %scan3A_1268 : i32
        %mul3A_1270 = arith.constant 16 : i32
        %mul3A_1271 = arith.muli %scan3A_1269, %mul3A_1270 : i32
        %get3A_1272 = arith.index_cast %mul3A_1271 : i32 to index
        %get3A_1273 = tpu.vector_load %arg15[%get3A_1272] {strides = array<i32>} : memref<640xi32, #tpu.memory_space<vmem>>, vector<16xi32>,
        %sub3A_1274 = vector.broadcast %mul3A_6 : i32 to vector<16xi32>
        %sub3A_1275 = arith.subi %get3A_1273, %sub3A_1274 : vector<16xi32>
        %ge3A_1276 = arith.constant 0 : i32
        %ge3A_1277 = vector.broadcast %ge3A_1276 : i32 to vector<16xi32>
        %ge3A_1278 = arith.cmpi sge, %sub3A_1275, %ge3A_1277 : vector<16xi32>
        %lt3A_1279 = arith.constant 5000 : i32
        %lt3A_1280 = vector.broadcast %lt3A_1279 : i32 to vector<16xi32>
        %lt3A_1281 = arith.cmpi slt, %sub3A_1275, %lt3A_1280 : vector<16xi32>
        %and3A_1282 = arith.andi %ge3A_1278, %lt3A_1281 : vector<16xi1>
        %jit3A_1283 = arith.constant 5000 : i32
        %broadcast_in_dim3A_1284 = vector.broadcast %jit3A_1283 : i32 to vector<16xi32>
        %select_n3A_1285 = arith.select %and3A_1282, %sub3A_1275, %broadcast_in_dim3A_1284 : vector<16xi1>, vector<16xi32>
        %mul3A_1286 = arith.constant 16 : i32
        %mul3A_1287 = vector.broadcast %mul3A_1286 : i32 to vector<16xi32>
        %mul3A_1288 = arith.muli %select_n3A_1285, %mul3A_1287 : vector<16xi32>
        %mul3A_1289 = arith.constant 16 : i32
        %mul3A_1290 = arith.muli %scan3A_1269, %mul3A_1289 : i32
        %add3A_1291 = arith.constant 0 : i32
        %add3A_1292 = arith.addi %mul3A_1290, %add3A_1291 : i32
        %get3A_1293 = arith.index_cast %add3A_1292 : i32 to index
        %get3A_1294 = arith.constant 0 : index
        %get3A_1295 = tpu.vector_load %arg9[%get3A_1293, %get3A_1294] {strides = array<i32>} : memref<640x16xf32, #tpu.memory_space<vmem>>, vector<16xf32>,
        %get3A_1296 = arith.index_cast %add3A_1292 : i32 to index
        %get3A_1297 = arith.constant 0 : index
        %get3A_1298 = tpu.vector_load %arg11[%get3A_1296, %get3A_1297] {strides = array<i32>} : memref<640x16xf32, #tpu.memory_space<vmem>>, vector<16xf32>,
        %add3A_1299 = arith.addf %get3A_1295, %get3A_1298 : vector<16xf32>
        %max3A_1300 = arith.constant 0.000000e+00 : f32
        %max3A_1301 = vector.broadcast %max3A_1300 : f32 to vector<16xf32>
        %max3A_1302 = arith.maximumf %add3A_1299, %max3A_1301 : vector<16xf32>
        %broadcast_in_dim3A_1303 = arith.constant 0 : i32
        %broadcast_in_dim3A_1304 = vector.broadcast %broadcast_in_dim3A_1303 : i32 to vector<16xi32>
        %lt3A_1305 = arith.constant 0 : i32
        %lt3A_1306 = vector.broadcast %lt3A_1305 : i32 to vector<16xi32>
        %lt3A_1307 = arith.cmpi slt, %broadcast_in_dim3A_1304, %lt3A_1306 : vector<16xi32>
        %add3A_1308 = arith.constant 16 : i32
        %add3A_1309 = vector.broadcast %add3A_1308 : i32 to vector<16xi32>
        %add3A_1310 = arith.addi %broadcast_in_dim3A_1304, %add3A_1309 : vector<16xi32>
        %select_n3A_1311 = arith.select %lt3A_1307, %add3A_1310, %broadcast_in_dim3A_1304 : vector<16xi1>, vector<16xi32>
        %broadcast_in_dim3A_1312 = vector.shape_cast %select_n3A_1311 : vector<16xi32> to vector<16x1xi32>
        %gather3A_1313 = vector.shape_cast %broadcast_in_dim3A_1312 : vector<16x1xi32> to vector<16xi32>
        %gather3A_1314 = tpu.dynamic_gather %mul3A_1288[%gather3A_1313] in [0] : vector<16xi32>, vector<16xi32> -> vector<16xi32>
        %add3A_1315 = arith.addi %gather3A_1314, %iota3A : vector<16xi32>
        tpu.vector_store_idx %arg7[%add3A_1315], %max3A_1302 {add = true} : memref<80128xf32, #tpu.memory_space<vmem>>[vector<16xi32>], vector<16xf32>,
        %mul3A_1316 = arith.constant 16 : i32
        %mul3A_1317 = arith.muli %scan3A_1269, %mul3A_1316 : i32
        %add3A_1318 = arith.constant 1 : i32
        %add3A_1319 = arith.addi %mul3A_1317, %add3A_1318 : i32
        %get3A_1320 = arith.index_cast %add3A_1319 : i32 to index
        %get3A_1321 = arith.constant 0 : index
        %get3A_1322 = tpu.vector_load %arg9[%get3A_1320, %get3A_1321] {strides = array<i32>} : memref<640x16xf32, #tpu.memory_space<vmem>>, vector<16xf32>,
        %get3A_1323 = arith.index_cast %add3A_1319 : i32 to index
        %get3A_1324 = arith.constant 0 : index
        %get3A_1325 = tpu.vector_load %arg11[%get3A_1323, %get3A_1324] {strides = array<i32>} : memref<640x16xf32, #tpu.memory_space<vmem>>, vector<16xf32>,
        %add3A_1326 = arith.addf %get3A_1322, %get3A_1325 : vector<16xf32>
        %max3A_1327 = arith.constant 0.000000e+00 : f32
        %max3A_1328 = vector.broadcast %max3A_1327 : f32 to vector<16xf32>
        %max3A_1329 = arith.maximumf %add3A_1326, %max3A_1328 : vector<16xf32>
        %broadcast_in_dim3A_1330 = arith.constant 1 : i32
        %broadcast_in_dim3A_1331 = vector.broadcast %broadcast_in_dim3A_1330 : i32 to vector<16xi32>
        %lt3A_1332 = arith.constant 0 : i32
        %lt3A_1333 = vector.broadcast %lt3A_1332 : i32 to vector<16xi32>
        %lt3A_1334 = arith.cmpi slt, %broadcast_in_dim3A_1331, %lt3A_1333 : vector<16xi32>
        %add3A_1335 = arith.constant 16 : i32
        %add3A_1336 = vector.broadcast %add3A_1335 : i32 to vector<16xi32>
        %add3A_1337 = arith.addi %broadcast_in_dim3A_1331, %add3A_1336 : vector<16xi32>
        %select_n3A_1338 = arith.select %lt3A_1334, %add3A_1337, %broadcast_in_dim3A_1331 : vector<16xi1>, vector<16xi32>
        %broadcast_in_dim3A_1339 = vector.shape_cast %select_n3A_1338 : vector<16xi32> to vector<16x1xi32>
        %gather3A_1340 = vector.shape_cast %broadcast_in_dim3A_1339 : vector<16x1xi32> to vector<16xi32>
        %gather3A_1341 = tpu.dynamic_gather %mul3A_1288[%gather3A_1340] in [0] : vector<16xi32>, vector<16xi32> -> vector<16xi32>
        %add3A_1342 = arith.addi %gather3A_1341, %iota3A : vector<16xi32>
        tpu.vector_store_idx %arg7[%add3A_1342], %max3A_1329 {add = true} : memref<80128xf32, #tpu.memory_space<vmem>>[vector<16xi32>], vector<16xf32>,
        %mul3A_1343 = arith.constant 16 : i32
        %mul3A_1344 = arith.muli %scan3A_1269, %mul3A_1343 : i32
        %add3A_1345 = arith.constant 2 : i32
        %add3A_1346 = arith.addi %mul3A_1344, %add3A_1345 : i32
        %get3A_1347 = arith.index_cast %add3A_1346 : i32 to index
        %get3A_1348 = arith.constant 0 : index
        %get3A_1349 = tpu.vector_load %arg9[%get3A_1347, %get3A_1348] {strides = array<i32>} : memref<640x16xf32, #tpu.memory_space<vmem>>, vector<16xf32>,
        %get3A_1350 = arith.index_cast %add3A_1346 : i32 to index
        %get3A_1351 = arith.constant 0 : index
        %get3A_1352 = tpu.vector_load %arg11[%get3A_1350, %get3A_1351] {strides = array<i32>} : memref<640x16xf32, #tpu.memory_space<vmem>>, vector<16xf32>,
        %add3A_1353 = arith.addf %get3A_1349, %get3A_1352 : vector<16xf32>
        %max3A_1354 = arith.constant 0.000000e+00 : f32
        %max3A_1355 = vector.broadcast %max3A_1354 : f32 to vector<16xf32>
        %max3A_1356 = arith.maximumf %add3A_1353, %max3A_1355 : vector<16xf32>
        %broadcast_in_dim3A_1357 = arith.constant 2 : i32
        %broadcast_in_dim3A_1358 = vector.broadcast %broadcast_in_dim3A_1357 : i32 to vector<16xi32>
        %lt3A_1359 = arith.constant 0 : i32
        %lt3A_1360 = vector.broadcast %lt3A_1359 : i32 to vector<16xi32>
        %lt3A_1361 = arith.cmpi slt, %broadcast_in_dim3A_1358, %lt3A_1360 : vector<16xi32>
        %add3A_1362 = arith.constant 16 : i32
        %add3A_1363 = vector.broadcast %add3A_1362 : i32 to vector<16xi32>
        %add3A_1364 = arith.addi %broadcast_in_dim3A_1358, %add3A_1363 : vector<16xi32>
        %select_n3A_1365 = arith.select %lt3A_1361, %add3A_1364, %broadcast_in_dim3A_1358 : vector<16xi1>, vector<16xi32>
        %broadcast_in_dim3A_1366 = vector.shape_cast %select_n3A_1365 : vector<16xi32> to vector<16x1xi32>
        %gather3A_1367 = vector.shape_cast %broadcast_in_dim3A_1366 : vector<16x1xi32> to vector<16xi32>
        %gather3A_1368 = tpu.dynamic_gather %mul3A_1288[%gather3A_1367] in [0] : vector<16xi32>, vector<16xi32> -> vector<16xi32>
        %add3A_1369 = arith.addi %gather3A_1368, %iota3A : vector<16xi32>
        tpu.vector_store_idx %arg7[%add3A_1369], %max3A_1356 {add = true} : memref<80128xf32, #tpu.memory_space<vmem>>[vector<16xi32>], vector<16xf32>,
        %mul3A_1370 = arith.constant 16 : i32
        %mul3A_1371 = arith.muli %scan3A_1269, %mul3A_1370 : i32
        %add3A_1372 = arith.constant 3 : i32
        %add3A_1373 = arith.addi %mul3A_1371, %add3A_1372 : i32
        %get3A_1374 = arith.index_cast %add3A_1373 : i32 to index
        %get3A_1375 = arith.constant 0 : index
        %get3A_1376 = tpu.vector_load %arg9[%get3A_1374, %get3A_1375] {strides = array<i32>} : memref<640x16xf32, #tpu.memory_space<vmem>>, vector<16xf32>,
        %get3A_1377 = arith.index_cast %add3A_1373 : i32 to index
        %get3A_1378 = arith.constant 0 : index
        %get3A_1379 = tpu.vector_load %arg11[%get3A_1377, %get3A_1378] {strides = array<i32>} : memref<640x16xf32, #tpu.memory_space<vmem>>, vector<16xf32>,
        %add3A_1380 = arith.addf %get3A_1376, %get3A_1379 : vector<16xf32>
        %max3A_1381 = arith.constant 0.000000e+00 : f32
        %max3A_1382 = vector.broadcast %max3A_1381 : f32 to vector<16xf32>
        %max3A_1383 = arith.maximumf %add3A_1380, %max3A_1382 : vector<16xf32>
        %broadcast_in_dim3A_1384 = arith.constant 3 : i32
        %broadcast_in_dim3A_1385 = vector.broadcast %broadcast_in_dim3A_1384 : i32 to vector<16xi32>
        %lt3A_1386 = arith.constant 0 : i32
        %lt3A_1387 = vector.broadcast %lt3A_1386 : i32 to vector<16xi32>
        %lt3A_1388 = arith.cmpi slt, %broadcast_in_dim3A_1385, %lt3A_1387 : vector<16xi32>
        %add3A_1389 = arith.constant 16 : i32
        %add3A_1390 = vector.broadcast %add3A_1389 : i32 to vector<16xi32>
        %add3A_1391 = arith.addi %broadcast_in_dim3A_1385, %add3A_1390 : vector<16xi32>
        %select_n3A_1392 = arith.select %lt3A_1388, %add3A_1391, %broadcast_in_dim3A_1385 : vector<16xi1>, vector<16xi32>
        %broadcast_in_dim3A_1393 = vector.shape_cast %select_n3A_1392 : vector<16xi32> to vector<16x1xi32>
        %gather3A_1394 = vector.shape_cast %broadcast_in_dim3A_1393 : vector<16x1xi32> to vector<16xi32>
        %gather3A_1395 = tpu.dynamic_gather %mul3A_1288[%gather3A_1394] in [0] : vector<16xi32>, vector<16xi32> -> vector<16xi32>
        %add3A_1396 = arith.addi %gather3A_1395, %iota3A : vector<16xi32>
        tpu.vector_store_idx %arg7[%add3A_1396], %max3A_1383 {add = true} : memref<80128xf32, #tpu.memory_space<vmem>>[vector<16xi32>], vector<16xf32>,
        %mul3A_1397 = arith.constant 16 : i32
        %mul3A_1398 = arith.muli %scan3A_1269, %mul3A_1397 : i32
        %add3A_1399 = arith.constant 4 : i32
        %add3A_1400 = arith.addi %mul3A_1398, %add3A_1399 : i32
        %get3A_1401 = arith.index_cast %add3A_1400 : i32 to index
        %get3A_1402 = arith.constant 0 : index
        %get3A_1403 = tpu.vector_load %arg9[%get3A_1401, %get3A_1402] {strides = array<i32>} : memref<640x16xf32, #tpu.memory_space<vmem>>, vector<16xf32>,
        %get3A_1404 = arith.index_cast %add3A_1400 : i32 to index
        %get3A_1405 = arith.constant 0 : index
        %get3A_1406 = tpu.vector_load %arg11[%get3A_1404, %get3A_1405] {strides = array<i32>} : memref<640x16xf32, #tpu.memory_space<vmem>>, vector<16xf32>,
        %add3A_1407 = arith.addf %get3A_1403, %get3A_1406 : vector<16xf32>
        %max3A_1408 = arith.constant 0.000000e+00 : f32
        %max3A_1409 = vector.broadcast %max3A_1408 : f32 to vector<16xf32>
        %max3A_1410 = arith.maximumf %add3A_1407, %max3A_1409 : vector<16xf32>
        %broadcast_in_dim3A_1411 = arith.constant 4 : i32
        %broadcast_in_dim3A_1412 = vector.broadcast %broadcast_in_dim3A_1411 : i32 to vector<16xi32>
        %lt3A_1413 = arith.constant 0 : i32
        %lt3A_1414 = vector.broadcast %lt3A_1413 : i32 to vector<16xi32>
        %lt3A_1415 = arith.cmpi slt, %broadcast_in_dim3A_1412, %lt3A_1414 : vector<16xi32>
        %add3A_1416 = arith.constant 16 : i32
        %add3A_1417 = vector.broadcast %add3A_1416 : i32 to vector<16xi32>
        %add3A_1418 = arith.addi %broadcast_in_dim3A_1412, %add3A_1417 : vector<16xi32>
        %select_n3A_1419 = arith.select %lt3A_1415, %add3A_1418, %broadcast_in_dim3A_1412 : vector<16xi1>, vector<16xi32>
        %broadcast_in_dim3A_1420 = vector.shape_cast %select_n3A_1419 : vector<16xi32> to vector<16x1xi32>
        %gather3A_1421 = vector.shape_cast %broadcast_in_dim3A_1420 : vector<16x1xi32> to vector<16xi32>
        %gather3A_1422 = tpu.dynamic_gather %mul3A_1288[%gather3A_1421] in [0] : vector<16xi32>, vector<16xi32> -> vector<16xi32>
        %add3A_1423 = arith.addi %gather3A_1422, %iota3A : vector<16xi32>
        tpu.vector_store_idx %arg7[%add3A_1423], %max3A_1410 {add = true} : memref<80128xf32, #tpu.memory_space<vmem>>[vector<16xi32>], vector<16xf32>,
        %mul3A_1424 = arith.constant 16 : i32
        %mul3A_1425 = arith.muli %scan3A_1269, %mul3A_1424 : i32
        %add3A_1426 = arith.constant 5 : i32
        %add3A_1427 = arith.addi %mul3A_1425, %add3A_1426 : i32
        %get3A_1428 = arith.index_cast %add3A_1427 : i32 to index
        %get3A_1429 = arith.constant 0 : index
        %get3A_1430 = tpu.vector_load %arg9[%get3A_1428, %get3A_1429] {strides = array<i32>} : memref<640x16xf32, #tpu.memory_space<vmem>>, vector<16xf32>,
        %get3A_1431 = arith.index_cast %add3A_1427 : i32 to index
        %get3A_1432 = arith.constant 0 : index
        %get3A_1433 = tpu.vector_load %arg11[%get3A_1431, %get3A_1432] {strides = array<i32>} : memref<640x16xf32, #tpu.memory_space<vmem>>, vector<16xf32>,
        %add3A_1434 = arith.addf %get3A_1430, %get3A_1433 : vector<16xf32>
        %max3A_1435 = arith.constant 0.000000e+00 : f32
        %max3A_1436 = vector.broadcast %max3A_1435 : f32 to vector<16xf32>
        %max3A_1437 = arith.maximumf %add3A_1434, %max3A_1436 : vector<16xf32>
        %broadcast_in_dim3A_1438 = arith.constant 5 : i32
        %broadcast_in_dim3A_1439 = vector.broadcast %broadcast_in_dim3A_1438 : i32 to vector<16xi32>
        %lt3A_1440 = arith.constant 0 : i32
        %lt3A_1441 = vector.broadcast %lt3A_1440 : i32 to vector<16xi32>
        %lt3A_1442 = arith.cmpi slt, %broadcast_in_dim3A_1439, %lt3A_1441 : vector<16xi32>
        %add3A_1443 = arith.constant 16 : i32
        %add3A_1444 = vector.broadcast %add3A_1443 : i32 to vector<16xi32>
        %add3A_1445 = arith.addi %broadcast_in_dim3A_1439, %add3A_1444 : vector<16xi32>
        %select_n3A_1446 = arith.select %lt3A_1442, %add3A_1445, %broadcast_in_dim3A_1439 : vector<16xi1>, vector<16xi32>
        %broadcast_in_dim3A_1447 = vector.shape_cast %select_n3A_1446 : vector<16xi32> to vector<16x1xi32>
        %gather3A_1448 = vector.shape_cast %broadcast_in_dim3A_1447 : vector<16x1xi32> to vector<16xi32>
        %gather3A_1449 = tpu.dynamic_gather %mul3A_1288[%gather3A_1448] in [0] : vector<16xi32>, vector<16xi32> -> vector<16xi32>
        %add3A_1450 = arith.addi %gather3A_1449, %iota3A : vector<16xi32>
        tpu.vector_store_idx %arg7[%add3A_1450], %max3A_1437 {add = true} : memref<80128xf32, #tpu.memory_space<vmem>>[vector<16xi32>], vector<16xf32>,
        %mul3A_1451 = arith.constant 16 : i32
        %mul3A_1452 = arith.muli %scan3A_1269, %mul3A_1451 : i32
        %add3A_1453 = arith.constant 6 : i32
        %add3A_1454 = arith.addi %mul3A_1452, %add3A_1453 : i32
        %get3A_1455 = arith.index_cast %add3A_1454 : i32 to index
        %get3A_1456 = arith.constant 0 : index
        %get3A_1457 = tpu.vector_load %arg9[%get3A_1455, %get3A_1456] {strides = array<i32>} : memref<640x16xf32, #tpu.memory_space<vmem>>, vector<16xf32>,
        %get3A_1458 = arith.index_cast %add3A_1454 : i32 to index
        %get3A_1459 = arith.constant 0 : index
        %get3A_1460 = tpu.vector_load %arg11[%get3A_1458, %get3A_1459] {strides = array<i32>} : memref<640x16xf32, #tpu.memory_space<vmem>>, vector<16xf32>,
        %add3A_1461 = arith.addf %get3A_1457, %get3A_1460 : vector<16xf32>
        %max3A_1462 = arith.constant 0.000000e+00 : f32
        %max3A_1463 = vector.broadcast %max3A_1462 : f32 to vector<16xf32>
        %max3A_1464 = arith.maximumf %add3A_1461, %max3A_1463 : vector<16xf32>
        %broadcast_in_dim3A_1465 = arith.constant 6 : i32
        %broadcast_in_dim3A_1466 = vector.broadcast %broadcast_in_dim3A_1465 : i32 to vector<16xi32>
        %lt3A_1467 = arith.constant 0 : i32
        %lt3A_1468 = vector.broadcast %lt3A_1467 : i32 to vector<16xi32>
        %lt3A_1469 = arith.cmpi slt, %broadcast_in_dim3A_1466, %lt3A_1468 : vector<16xi32>
        %add3A_1470 = arith.constant 16 : i32
        %add3A_1471 = vector.broadcast %add3A_1470 : i32 to vector<16xi32>
        %add3A_1472 = arith.addi %broadcast_in_dim3A_1466, %add3A_1471 : vector<16xi32>
        %select_n3A_1473 = arith.select %lt3A_1469, %add3A_1472, %broadcast_in_dim3A_1466 : vector<16xi1>, vector<16xi32>
        %broadcast_in_dim3A_1474 = vector.shape_cast %select_n3A_1473 : vector<16xi32> to vector<16x1xi32>
        %gather3A_1475 = vector.shape_cast %broadcast_in_dim3A_1474 : vector<16x1xi32> to vector<16xi32>
        %gather3A_1476 = tpu.dynamic_gather %mul3A_1288[%gather3A_1475] in [0] : vector<16xi32>, vector<16xi32> -> vector<16xi32>
        %add3A_1477 = arith.addi %gather3A_1476, %iota3A : vector<16xi32>
        tpu.vector_store_idx %arg7[%add3A_1477], %max3A_1464 {add = true} : memref<80128xf32, #tpu.memory_space<vmem>>[vector<16xi32>], vector<16xf32>,
        %mul3A_1478 = arith.constant 16 : i32
        %mul3A_1479 = arith.muli %scan3A_1269, %mul3A_1478 : i32
        %add3A_1480 = arith.constant 7 : i32
        %add3A_1481 = arith.addi %mul3A_1479, %add3A_1480 : i32
        %get3A_1482 = arith.index_cast %add3A_1481 : i32 to index
        %get3A_1483 = arith.constant 0 : index
        %get3A_1484 = tpu.vector_load %arg9[%get3A_1482, %get3A_1483] {strides = array<i32>} : memref<640x16xf32, #tpu.memory_space<vmem>>, vector<16xf32>,
        %get3A_1485 = arith.index_cast %add3A_1481 : i32 to index
        %get3A_1486 = arith.constant 0 : index
        %get3A_1487 = tpu.vector_load %arg11[%get3A_1485, %get3A_1486] {strides = array<i32>} : memref<640x16xf32, #tpu.memory_space<vmem>>, vector<16xf32>,
        %add3A_1488 = arith.addf %get3A_1484, %get3A_1487 : vector<16xf32>
        %max3A_1489 = arith.constant 0.000000e+00 : f32
        %max3A_1490 = vector.broadcast %max3A_1489 : f32 to vector<16xf32>
        %max3A_1491 = arith.maximumf %add3A_1488, %max3A_1490 : vector<16xf32>
        %broadcast_in_dim3A_1492 = arith.constant 7 : i32
        %broadcast_in_dim3A_1493 = vector.broadcast %broadcast_in_dim3A_1492 : i32 to vector<16xi32>
        %lt3A_1494 = arith.constant 0 : i32
        %lt3A_1495 = vector.broadcast %lt3A_1494 : i32 to vector<16xi32>
        %lt3A_1496 = arith.cmpi slt, %broadcast_in_dim3A_1493, %lt3A_1495 : vector<16xi32>
        %add3A_1497 = arith.constant 16 : i32
        %add3A_1498 = vector.broadcast %add3A_1497 : i32 to vector<16xi32>
        %add3A_1499 = arith.addi %broadcast_in_dim3A_1493, %add3A_1498 : vector<16xi32>
        %select_n3A_1500 = arith.select %lt3A_1496, %add3A_1499, %broadcast_in_dim3A_1493 : vector<16xi1>, vector<16xi32>
        %broadcast_in_dim3A_1501 = vector.shape_cast %select_n3A_1500 : vector<16xi32> to vector<16x1xi32>
        %gather3A_1502 = vector.shape_cast %broadcast_in_dim3A_1501 : vector<16x1xi32> to vector<16xi32>
        %gather3A_1503 = tpu.dynamic_gather %mul3A_1288[%gather3A_1502] in [0] : vector<16xi32>, vector<16xi32> -> vector<16xi32>
        %add3A_1504 = arith.addi %gather3A_1503, %iota3A : vector<16xi32>
        tpu.vector_store_idx %arg7[%add3A_1504], %max3A_1491 {add = true} : memref<80128xf32, #tpu.memory_space<vmem>>[vector<16xi32>], vector<16xf32>,
        %mul3A_1505 = arith.constant 16 : i32
        %mul3A_1506 = arith.muli %scan3A_1269, %mul3A_1505 : i32
        %add3A_1507 = arith.constant 8 : i32
        %add3A_1508 = arith.addi %mul3A_1506, %add3A_1507 : i32
        %get3A_1509 = arith.index_cast %add3A_1508 : i32 to index
        %get3A_1510 = arith.constant 0 : index
        %get3A_1511 = tpu.vector_load %arg9[%get3A_1509, %get3A_1510] {strides = array<i32>} : memref<640x16xf32, #tpu.memory_space<vmem>>, vector<16xf32>,
        %get3A_1512 = arith.index_cast %add3A_1508 : i32 to index
        %get3A_1513 = arith.constant 0 : index
        %get3A_1514 = tpu.vector_load %arg11[%get3A_1512, %get3A_1513] {strides = array<i32>} : memref<640x16xf32, #tpu.memory_space<vmem>>, vector<16xf32>,
        %add3A_1515 = arith.addf %get3A_1511, %get3A_1514 : vector<16xf32>
        %max3A_1516 = arith.constant 0.000000e+00 : f32
        %max3A_1517 = vector.broadcast %max3A_1516 : f32 to vector<16xf32>
        %max3A_1518 = arith.maximumf %add3A_1515, %max3A_1517 : vector<16xf32>
        %broadcast_in_dim3A_1519 = arith.constant 8 : i32
        %broadcast_in_dim3A_1520 = vector.broadcast %broadcast_in_dim3A_1519 : i32 to vector<16xi32>
        %lt3A_1521 = arith.constant 0 : i32
        %lt3A_1522 = vector.broadcast %lt3A_1521 : i32 to vector<16xi32>
        %lt3A_1523 = arith.cmpi slt, %broadcast_in_dim3A_1520, %lt3A_1522 : vector<16xi32>
        %add3A_1524 = arith.constant 16 : i32
        %add3A_1525 = vector.broadcast %add3A_1524 : i32 to vector<16xi32>
        %add3A_1526 = arith.addi %broadcast_in_dim3A_1520, %add3A_1525 : vector<16xi32>
        %select_n3A_1527 = arith.select %lt3A_1523, %add3A_1526, %broadcast_in_dim3A_1520 : vector<16xi1>, vector<16xi32>
        %broadcast_in_dim3A_1528 = vector.shape_cast %select_n3A_1527 : vector<16xi32> to vector<16x1xi32>
        %gather3A_1529 = vector.shape_cast %broadcast_in_dim3A_1528 : vector<16x1xi32> to vector<16xi32>
        %gather3A_1530 = tpu.dynamic_gather %mul3A_1288[%gather3A_1529] in [0] : vector<16xi32>, vector<16xi32> -> vector<16xi32>
        %add3A_1531 = arith.addi %gather3A_1530, %iota3A : vector<16xi32>
        tpu.vector_store_idx %arg7[%add3A_1531], %max3A_1518 {add = true} : memref<80128xf32, #tpu.memory_space<vmem>>[vector<16xi32>], vector<16xf32>,
        %mul3A_1532 = arith.constant 16 : i32
        %mul3A_1533 = arith.muli %scan3A_1269, %mul3A_1532 : i32
        %add3A_1534 = arith.constant 9 : i32
        %add3A_1535 = arith.addi %mul3A_1533, %add3A_1534 : i32
        %get3A_1536 = arith.index_cast %add3A_1535 : i32 to index
        %get3A_1537 = arith.constant 0 : index
        %get3A_1538 = tpu.vector_load %arg9[%get3A_1536, %get3A_1537] {strides = array<i32>} : memref<640x16xf32, #tpu.memory_space<vmem>>, vector<16xf32>,
        %get3A_1539 = arith.index_cast %add3A_1535 : i32 to index
        %get3A_1540 = arith.constant 0 : index
        %get3A_1541 = tpu.vector_load %arg11[%get3A_1539, %get3A_1540] {strides = array<i32>} : memref<640x16xf32, #tpu.memory_space<vmem>>, vector<16xf32>,
        %add3A_1542 = arith.addf %get3A_1538, %get3A_1541 : vector<16xf32>
        %max3A_1543 = arith.constant 0.000000e+00 : f32
        %max3A_1544 = vector.broadcast %max3A_1543 : f32 to vector<16xf32>
        %max3A_1545 = arith.maximumf %add3A_1542, %max3A_1544 : vector<16xf32>
        %broadcast_in_dim3A_1546 = arith.constant 9 : i32
        %broadcast_in_dim3A_1547 = vector.broadcast %broadcast_in_dim3A_1546 : i32 to vector<16xi32>
        %lt3A_1548 = arith.constant 0 : i32
        %lt3A_1549 = vector.broadcast %lt3A_1548 : i32 to vector<16xi32>
        %lt3A_1550 = arith.cmpi slt, %broadcast_in_dim3A_1547, %lt3A_1549 : vector<16xi32>
        %add3A_1551 = arith.constant 16 : i32
        %add3A_1552 = vector.broadcast %add3A_1551 : i32 to vector<16xi32>
        %add3A_1553 = arith.addi %broadcast_in_dim3A_1547, %add3A_1552 : vector<16xi32>
        %select_n3A_1554 = arith.select %lt3A_1550, %add3A_1553, %broadcast_in_dim3A_1547 : vector<16xi1>, vector<16xi32>
        %broadcast_in_dim3A_1555 = vector.shape_cast %select_n3A_1554 : vector<16xi32> to vector<16x1xi32>
        %gather3A_1556 = vector.shape_cast %broadcast_in_dim3A_1555 : vector<16x1xi32> to vector<16xi32>
        %gather3A_1557 = tpu.dynamic_gather %mul3A_1288[%gather3A_1556] in [0] : vector<16xi32>, vector<16xi32> -> vector<16xi32>
        %add3A_1558 = arith.addi %gather3A_1557, %iota3A : vector<16xi32>
        tpu.vector_store_idx %arg7[%add3A_1558], %max3A_1545 {add = true} : memref<80128xf32, #tpu.memory_space<vmem>>[vector<16xi32>], vector<16xf32>,
        %mul3A_1559 = arith.constant 16 : i32
        %mul3A_1560 = arith.muli %scan3A_1269, %mul3A_1559 : i32
        %add3A_1561 = arith.constant 10 : i32
        %add3A_1562 = arith.addi %mul3A_1560, %add3A_1561 : i32
        %get3A_1563 = arith.index_cast %add3A_1562 : i32 to index
        %get3A_1564 = arith.constant 0 : index
        %get3A_1565 = tpu.vector_load %arg9[%get3A_1563, %get3A_1564] {strides = array<i32>} : memref<640x16xf32, #tpu.memory_space<vmem>>, vector<16xf32>,
        %get3A_1566 = arith.index_cast %add3A_1562 : i32 to index
        %get3A_1567 = arith.constant 0 : index
        %get3A_1568 = tpu.vector_load %arg11[%get3A_1566, %get3A_1567] {strides = array<i32>} : memref<640x16xf32, #tpu.memory_space<vmem>>, vector<16xf32>,
        %add3A_1569 = arith.addf %get3A_1565, %get3A_1568 : vector<16xf32>
        %max3A_1570 = arith.constant 0.000000e+00 : f32
        %max3A_1571 = vector.broadcast %max3A_1570 : f32 to vector<16xf32>
        %max3A_1572 = arith.maximumf %add3A_1569, %max3A_1571 : vector<16xf32>
        %broadcast_in_dim3A_1573 = arith.constant 10 : i32
        %broadcast_in_dim3A_1574 = vector.broadcast %broadcast_in_dim3A_1573 : i32 to vector<16xi32>
        %lt3A_1575 = arith.constant 0 : i32
        %lt3A_1576 = vector.broadcast %lt3A_1575 : i32 to vector<16xi32>
        %lt3A_1577 = arith.cmpi slt, %broadcast_in_dim3A_1574, %lt3A_1576 : vector<16xi32>
        %add3A_1578 = arith.constant 16 : i32
        %add3A_1579 = vector.broadcast %add3A_1578 : i32 to vector<16xi32>
        %add3A_1580 = arith.addi %broadcast_in_dim3A_1574, %add3A_1579 : vector<16xi32>
        %select_n3A_1581 = arith.select %lt3A_1577, %add3A_1580, %broadcast_in_dim3A_1574 : vector<16xi1>, vector<16xi32>
        %broadcast_in_dim3A_1582 = vector.shape_cast %select_n3A_1581 : vector<16xi32> to vector<16x1xi32>
        %gather3A_1583 = vector.shape_cast %broadcast_in_dim3A_1582 : vector<16x1xi32> to vector<16xi32>
        %gather3A_1584 = tpu.dynamic_gather %mul3A_1288[%gather3A_1583] in [0] : vector<16xi32>, vector<16xi32> -> vector<16xi32>
        %add3A_1585 = arith.addi %gather3A_1584, %iota3A : vector<16xi32>
        tpu.vector_store_idx %arg7[%add3A_1585], %max3A_1572 {add = true} : memref<80128xf32, #tpu.memory_space<vmem>>[vector<16xi32>], vector<16xf32>,
        %mul3A_1586 = arith.constant 16 : i32
        %mul3A_1587 = arith.muli %scan3A_1269, %mul3A_1586 : i32
        %add3A_1588 = arith.constant 11 : i32
        %add3A_1589 = arith.addi %mul3A_1587, %add3A_1588 : i32
        %get3A_1590 = arith.index_cast %add3A_1589 : i32 to index
        %get3A_1591 = arith.constant 0 : index
        %get3A_1592 = tpu.vector_load %arg9[%get3A_1590, %get3A_1591] {strides = array<i32>} : memref<640x16xf32, #tpu.memory_space<vmem>>, vector<16xf32>,
        %get3A_1593 = arith.index_cast %add3A_1589 : i32 to index
        %get3A_1594 = arith.constant 0 : index
        %get3A_1595 = tpu.vector_load %arg11[%get3A_1593, %get3A_1594] {strides = array<i32>} : memref<640x16xf32, #tpu.memory_space<vmem>>, vector<16xf32>,
        %add3A_1596 = arith.addf %get3A_1592, %get3A_1595 : vector<16xf32>
        %max3A_1597 = arith.constant 0.000000e+00 : f32
        %max3A_1598 = vector.broadcast %max3A_1597 : f32 to vector<16xf32>
        %max3A_1599 = arith.maximumf %add3A_1596, %max3A_1598 : vector<16xf32>
        %broadcast_in_dim3A_1600 = arith.constant 11 : i32
        %broadcast_in_dim3A_1601 = vector.broadcast %broadcast_in_dim3A_1600 : i32 to vector<16xi32>
        %lt3A_1602 = arith.constant 0 : i32
        %lt3A_1603 = vector.broadcast %lt3A_1602 : i32 to vector<16xi32>
        %lt3A_1604 = arith.cmpi slt, %broadcast_in_dim3A_1601, %lt3A_1603 : vector<16xi32>
        %add3A_1605 = arith.constant 16 : i32
        %add3A_1606 = vector.broadcast %add3A_1605 : i32 to vector<16xi32>
        %add3A_1607 = arith.addi %broadcast_in_dim3A_1601, %add3A_1606 : vector<16xi32>
        %select_n3A_1608 = arith.select %lt3A_1604, %add3A_1607, %broadcast_in_dim3A_1601 : vector<16xi1>, vector<16xi32>
        %broadcast_in_dim3A_1609 = vector.shape_cast %select_n3A_1608 : vector<16xi32> to vector<16x1xi32>
        %gather3A_1610 = vector.shape_cast %broadcast_in_dim3A_1609 : vector<16x1xi32> to vector<16xi32>
        %gather3A_1611 = tpu.dynamic_gather %mul3A_1288[%gather3A_1610] in [0] : vector<16xi32>, vector<16xi32> -> vector<16xi32>
        %add3A_1612 = arith.addi %gather3A_1611, %iota3A : vector<16xi32>
        tpu.vector_store_idx %arg7[%add3A_1612], %max3A_1599 {add = true} : memref<80128xf32, #tpu.memory_space<vmem>>[vector<16xi32>], vector<16xf32>,
        %mul3A_1613 = arith.constant 16 : i32
        %mul3A_1614 = arith.muli %scan3A_1269, %mul3A_1613 : i32
        %add3A_1615 = arith.constant 12 : i32
        %add3A_1616 = arith.addi %mul3A_1614, %add3A_1615 : i32
        %get3A_1617 = arith.index_cast %add3A_1616 : i32 to index
        %get3A_1618 = arith.constant 0 : index
        %get3A_1619 = tpu.vector_load %arg9[%get3A_1617, %get3A_1618] {strides = array<i32>} : memref<640x16xf32, #tpu.memory_space<vmem>>, vector<16xf32>,
        %get3A_1620 = arith.index_cast %add3A_1616 : i32 to index
        %get3A_1621 = arith.constant 0 : index
        %get3A_1622 = tpu.vector_load %arg11[%get3A_1620, %get3A_1621] {strides = array<i32>} : memref<640x16xf32, #tpu.memory_space<vmem>>, vector<16xf32>,
        %add3A_1623 = arith.addf %get3A_1619, %get3A_1622 : vector<16xf32>
        %max3A_1624 = arith.constant 0.000000e+00 : f32
        %max3A_1625 = vector.broadcast %max3A_1624 : f32 to vector<16xf32>
        %max3A_1626 = arith.maximumf %add3A_1623, %max3A_1625 : vector<16xf32>
        %broadcast_in_dim3A_1627 = arith.constant 12 : i32
        %broadcast_in_dim3A_1628 = vector.broadcast %broadcast_in_dim3A_1627 : i32 to vector<16xi32>
        %lt3A_1629 = arith.constant 0 : i32
        %lt3A_1630 = vector.broadcast %lt3A_1629 : i32 to vector<16xi32>
        %lt3A_1631 = arith.cmpi slt, %broadcast_in_dim3A_1628, %lt3A_1630 : vector<16xi32>
        %add3A_1632 = arith.constant 16 : i32
        %add3A_1633 = vector.broadcast %add3A_1632 : i32 to vector<16xi32>
        %add3A_1634 = arith.addi %broadcast_in_dim3A_1628, %add3A_1633 : vector<16xi32>
        %select_n3A_1635 = arith.select %lt3A_1631, %add3A_1634, %broadcast_in_dim3A_1628 : vector<16xi1>, vector<16xi32>
        %broadcast_in_dim3A_1636 = vector.shape_cast %select_n3A_1635 : vector<16xi32> to vector<16x1xi32>
        %gather3A_1637 = vector.shape_cast %broadcast_in_dim3A_1636 : vector<16x1xi32> to vector<16xi32>
        %gather3A_1638 = tpu.dynamic_gather %mul3A_1288[%gather3A_1637] in [0] : vector<16xi32>, vector<16xi32> -> vector<16xi32>
        %add3A_1639 = arith.addi %gather3A_1638, %iota3A : vector<16xi32>
        tpu.vector_store_idx %arg7[%add3A_1639], %max3A_1626 {add = true} : memref<80128xf32, #tpu.memory_space<vmem>>[vector<16xi32>], vector<16xf32>,
        %mul3A_1640 = arith.constant 16 : i32
        %mul3A_1641 = arith.muli %scan3A_1269, %mul3A_1640 : i32
        %add3A_1642 = arith.constant 13 : i32
        %add3A_1643 = arith.addi %mul3A_1641, %add3A_1642 : i32
        %get3A_1644 = arith.index_cast %add3A_1643 : i32 to index
        %get3A_1645 = arith.constant 0 : index
        %get3A_1646 = tpu.vector_load %arg9[%get3A_1644, %get3A_1645] {strides = array<i32>} : memref<640x16xf32, #tpu.memory_space<vmem>>, vector<16xf32>,
        %get3A_1647 = arith.index_cast %add3A_1643 : i32 to index
        %get3A_1648 = arith.constant 0 : index
        %get3A_1649 = tpu.vector_load %arg11[%get3A_1647, %get3A_1648] {strides = array<i32>} : memref<640x16xf32, #tpu.memory_space<vmem>>, vector<16xf32>,
        %add3A_1650 = arith.addf %get3A_1646, %get3A_1649 : vector<16xf32>
        %max3A_1651 = arith.constant 0.000000e+00 : f32
        %max3A_1652 = vector.broadcast %max3A_1651 : f32 to vector<16xf32>
        %max3A_1653 = arith.maximumf %add3A_1650, %max3A_1652 : vector<16xf32>
        %broadcast_in_dim3A_1654 = arith.constant 13 : i32
        %broadcast_in_dim3A_1655 = vector.broadcast %broadcast_in_dim3A_1654 : i32 to vector<16xi32>
        %lt3A_1656 = arith.constant 0 : i32
        %lt3A_1657 = vector.broadcast %lt3A_1656 : i32 to vector<16xi32>
        %lt3A_1658 = arith.cmpi slt, %broadcast_in_dim3A_1655, %lt3A_1657 : vector<16xi32>
        %add3A_1659 = arith.constant 16 : i32
        %add3A_1660 = vector.broadcast %add3A_1659 : i32 to vector<16xi32>
        %add3A_1661 = arith.addi %broadcast_in_dim3A_1655, %add3A_1660 : vector<16xi32>
        %select_n3A_1662 = arith.select %lt3A_1658, %add3A_1661, %broadcast_in_dim3A_1655 : vector<16xi1>, vector<16xi32>
        %broadcast_in_dim3A_1663 = vector.shape_cast %select_n3A_1662 : vector<16xi32> to vector<16x1xi32>
        %gather3A_1664 = vector.shape_cast %broadcast_in_dim3A_1663 : vector<16x1xi32> to vector<16xi32>
        %gather3A_1665 = tpu.dynamic_gather %mul3A_1288[%gather3A_1664] in [0] : vector<16xi32>, vector<16xi32> -> vector<16xi32>
        %add3A_1666 = arith.addi %gather3A_1665, %iota3A : vector<16xi32>
        tpu.vector_store_idx %arg7[%add3A_1666], %max3A_1653 {add = true} : memref<80128xf32, #tpu.memory_space<vmem>>[vector<16xi32>], vector<16xf32>,
        %mul3A_1667 = arith.constant 16 : i32
        %mul3A_1668 = arith.muli %scan3A_1269, %mul3A_1667 : i32
        %add3A_1669 = arith.constant 14 : i32
        %add3A_1670 = arith.addi %mul3A_1668, %add3A_1669 : i32
        %get3A_1671 = arith.index_cast %add3A_1670 : i32 to index
        %get3A_1672 = arith.constant 0 : index
        %get3A_1673 = tpu.vector_load %arg9[%get3A_1671, %get3A_1672] {strides = array<i32>} : memref<640x16xf32, #tpu.memory_space<vmem>>, vector<16xf32>,
        %get3A_1674 = arith.index_cast %add3A_1670 : i32 to index
        %get3A_1675 = arith.constant 0 : index
        %get3A_1676 = tpu.vector_load %arg11[%get3A_1674, %get3A_1675] {strides = array<i32>} : memref<640x16xf32, #tpu.memory_space<vmem>>, vector<16xf32>,
        %add3A_1677 = arith.addf %get3A_1673, %get3A_1676 : vector<16xf32>
        %max3A_1678 = arith.constant 0.000000e+00 : f32
        %max3A_1679 = vector.broadcast %max3A_1678 : f32 to vector<16xf32>
        %max3A_1680 = arith.maximumf %add3A_1677, %max3A_1679 : vector<16xf32>
        %broadcast_in_dim3A_1681 = arith.constant 14 : i32
        %broadcast_in_dim3A_1682 = vector.broadcast %broadcast_in_dim3A_1681 : i32 to vector<16xi32>
        %lt3A_1683 = arith.constant 0 : i32
        %lt3A_1684 = vector.broadcast %lt3A_1683 : i32 to vector<16xi32>
        %lt3A_1685 = arith.cmpi slt, %broadcast_in_dim3A_1682, %lt3A_1684 : vector<16xi32>
        %add3A_1686 = arith.constant 16 : i32
        %add3A_1687 = vector.broadcast %add3A_1686 : i32 to vector<16xi32>
        %add3A_1688 = arith.addi %broadcast_in_dim3A_1682, %add3A_1687 : vector<16xi32>
        %select_n3A_1689 = arith.select %lt3A_1685, %add3A_1688, %broadcast_in_dim3A_1682 : vector<16xi1>, vector<16xi32>
        %broadcast_in_dim3A_1690 = vector.shape_cast %select_n3A_1689 : vector<16xi32> to vector<16x1xi32>
        %gather3A_1691 = vector.shape_cast %broadcast_in_dim3A_1690 : vector<16x1xi32> to vector<16xi32>
        %gather3A_1692 = tpu.dynamic_gather %mul3A_1288[%gather3A_1691] in [0] : vector<16xi32>, vector<16xi32> -> vector<16xi32>
        %add3A_1693 = arith.addi %gather3A_1692, %iota3A : vector<16xi32>
        tpu.vector_store_idx %arg7[%add3A_1693], %max3A_1680 {add = true} : memref<80128xf32, #tpu.memory_space<vmem>>[vector<16xi32>], vector<16xf32>,
        %mul3A_1694 = arith.constant 16 : i32
        %mul3A_1695 = arith.muli %scan3A_1269, %mul3A_1694 : i32
        %add3A_1696 = arith.constant 15 : i32
        %add3A_1697 = arith.addi %mul3A_1695, %add3A_1696 : i32
        %get3A_1698 = arith.index_cast %add3A_1697 : i32 to index
        %get3A_1699 = arith.constant 0 : index
        %get3A_1700 = tpu.vector_load %arg9[%get3A_1698, %get3A_1699] {strides = array<i32>} : memref<640x16xf32, #tpu.memory_space<vmem>>, vector<16xf32>,
        %get3A_1701 = arith.index_cast %add3A_1697 : i32 to index
        %get3A_1702 = arith.constant 0 : index
        %get3A_1703 = tpu.vector_load %arg11[%get3A_1701, %get3A_1702] {strides = array<i32>} : memref<640x16xf32, #tpu.memory_space<vmem>>, vector<16xf32>,
        %add3A_1704 = arith.addf %get3A_1700, %get3A_1703 : vector<16xf32>
        %max3A_1705 = arith.constant 0.000000e+00 : f32
        %max3A_1706 = vector.broadcast %max3A_1705 : f32 to vector<16xf32>
        %max3A_1707 = arith.maximumf %add3A_1704, %max3A_1706 : vector<16xf32>
        %broadcast_in_dim3A_1708 = arith.constant 15 : i32
        %broadcast_in_dim3A_1709 = vector.broadcast %broadcast_in_dim3A_1708 : i32 to vector<16xi32>
        %lt3A_1710 = arith.constant 0 : i32
        %lt3A_1711 = vector.broadcast %lt3A_1710 : i32 to vector<16xi32>
        %lt3A_1712 = arith.cmpi slt, %broadcast_in_dim3A_1709, %lt3A_1711 : vector<16xi32>
        %add3A_1713 = arith.constant 16 : i32
        %add3A_1714 = vector.broadcast %add3A_1713 : i32 to vector<16xi32>
        %add3A_1715 = arith.addi %broadcast_in_dim3A_1709, %add3A_1714 : vector<16xi32>
        %select_n3A_1716 = arith.select %lt3A_1712, %add3A_1715, %broadcast_in_dim3A_1709 : vector<16xi1>, vector<16xi32>
        %broadcast_in_dim3A_1717 = vector.shape_cast %select_n3A_1716 : vector<16xi32> to vector<16x1xi32>
        %gather3A_1718 = vector.shape_cast %broadcast_in_dim3A_1717 : vector<16x1xi32> to vector<16xi32>
        %gather3A_1719 = tpu.dynamic_gather %mul3A_1288[%gather3A_1718] in [0] : vector<16xi32>, vector<16xi32> -> vector<16xi32>
        %add3A_1720 = arith.addi %gather3A_1719, %iota3A : vector<16xi32>
        tpu.vector_store_idx %arg7[%add3A_1720], %max3A_1707 {add = true} : memref<80128xf32, #tpu.memory_space<vmem>>[vector<16xi32>], vector<16xf32>,
      }
      %scan3A_815 = arith.constant 40 : i32
      %add3A_816 = arith.constant 2 : i32
      %add3A_817 = arith.addi %add3A_405, %add3A_816 : i32
      %lt3A_818 = arith.constant 250 : i32
      %lt3A_819 = arith.cmpi slt, %add3A_817, %lt3A_818 : i32
      %convert_element_type3A_820 = arith.extui %lt3A_819 : i1 to i32
      %cond3A_821 = arith.constant 0 : i32
      %cond3A_822 = arith.cmpi ne, %convert_element_type3A_820, %cond3A_821 : i32
      scf.if %cond3A_822 {
        %add3A_823 = arith.constant 2 : i32
        %add3A_824 = arith.addi %add3A_405, %add3A_823 : i32
        %mul3A_825 = arith.constant 640 : i32
        %mul3A_826 = arith.muli %add3A_824, %mul3A_825 : i32
        %dma_start3A_827 = tpu.memref_slice %arg3[%mul3A_826] : memref<160000xi32, #tpu.memory_space<hbm>> -> memref<640xi32, #tpu.memory_space<hbm>>
        %dma_start3A_828 = tpu.memref_slice %arg3[%mul3A_826] : memref<160000xi32, #tpu.memory_space<hbm>> -> memref<640xi32, #tpu.memory_space<hbm>>
        tpu.enqueue_dma source(%dma_start3A_828 : memref<640xi32, #tpu.memory_space<hbm>>) target(%arg13 : memref<640xi32, #tpu.memory_space<vmem>>) target_semaphore(%arg19 : memref<!tpu.dma_semaphore, #tpu.memory_space<semaphore_mem>>)
        %dma_start3A_829 = tpu.memref_slice %arg4[%mul3A_826] : memref<160000xi32, #tpu.memory_space<hbm>> -> memref<640xi32, #tpu.memory_space<hbm>>
        %dma_start3A_830 = tpu.memref_slice %arg4[%mul3A_826] : memref<160000xi32, #tpu.memory_space<hbm>> -> memref<640xi32, #tpu.memory_space<hbm>>
        tpu.enqueue_dma source(%dma_start3A_830 : memref<640xi32, #tpu.memory_space<hbm>>) target(%arg15 : memref<640xi32, #tpu.memory_space<vmem>>) target_semaphore(%arg19 : memref<!tpu.dma_semaphore, #tpu.memory_space<semaphore_mem>>)
      } else {
      }
    }
    %scan3A_400 = arith.constant 125 : i32
    "tpu.region"() ({
      %run_scoped3A = tpu.sem_alloc : memref<!tpu.dma_semaphore, #tpu.memory_space<semaphore_mem>>
      %dma_start3A_401 = arith.constant 0 : i32
      %dma_start3A_402 = tpu.memref_slice %arg7[%dma_start3A_401] : memref<80128xf32, #tpu.memory_space<vmem>> -> memref<80000xf32, #tpu.memory_space<vmem>>
      %dma_start3A_403 = arith.constant 0 : i32
      %dma_start3A_404 = tpu.memref_slice %arg6[%arg0, %arg1, %dma_start3A_403] : memref<2x16x80000xf32, #tpu.memory_space<hbm>> -> memref<1x1x80000xf32, #tpu.memory_space<hbm>>
      %dma_start3A_405 = tpu.memref_squeeze %dma_start3A_404 : memref<1x1x80000xf32, #tpu.memory_space<hbm>> -> memref<80000xf32, #tpu.memory_space<hbm>>
      %dma_start3A_406 = arith.constant 0 : i32
      %dma_start3A_407 = tpu.memref_slice %arg6[%arg0, %arg1, %dma_start3A_406] : memref<2x16x80000xf32, #tpu.memory_space<hbm>> -> memref<1x1x80000xf32, #tpu.memory_space<hbm>>
      %dma_start3A_408 = tpu.memref_squeeze %dma_start3A_407 : memref<1x1x80000xf32, #tpu.memory_space<hbm>> -> memref<80000xf32, #tpu.memory_space<hbm>>
      %dma_start3A_409 = arith.constant 0 : i32
      %dma_start3A_410 = tpu.memref_slice %arg7[%dma_start3A_409] : memref<80128xf32, #tpu.memory_space<vmem>> -> memref<80000xf32, #tpu.memory_space<vmem>>
      tpu.enqueue_dma source(%dma_start3A_410 : memref<80000xf32, #tpu.memory_space<vmem>>) target(%dma_start3A_408 : memref<80000xf32, #tpu.memory_space<hbm>>) target_semaphore(%run_scoped3A : memref<!tpu.dma_semaphore, #tpu.memory_space<semaphore_mem>>)
      %dma_wait3A_411 = arith.constant 0 : i32
      %dma_wait3A_412 = tpu.memref_slice %arg7[%dma_wait3A_411] : memref<80128xf32, #tpu.memory_space<vmem>> -> memref<80000xf32, #tpu.memory_space<vmem>>
      %dma_wait3A_413 = arith.constant 0 : i32
      %dma_wait3A_414 = tpu.memref_slice %arg6[%arg0, %arg1, %dma_wait3A_413] : memref<2x16x80000xf32, #tpu.memory_space<hbm>> -> memref<1x1x80000xf32, #tpu.memory_space<hbm>>
      %dma_wait3A_415 = tpu.memref_squeeze %dma_wait3A_414 : memref<1x1x80000xf32, #tpu.memory_space<hbm>> -> memref<80000xf32, #tpu.memory_space<hbm>>
      %dma_wait3A_416 = arith.constant 0 : i32
      %dma_wait3A_417 = tpu.memref_slice %arg6[%arg0, %arg1, %dma_wait3A_416] : memref<2x16x80000xf32, #tpu.memory_space<hbm>> -> memref<1x1x80000xf32, #tpu.memory_space<hbm>>
      %dma_wait3A_418 = tpu.memref_squeeze %dma_wait3A_417 : memref<1x1x80000xf32, #tpu.memory_space<hbm>> -> memref<80000xf32, #tpu.memory_space<hbm>>
      %dma_wait3A_419 = arith.constant 0 : i32
      %dma_wait3A_420 = tpu.memref_slice %arg7[%dma_wait3A_419] : memref<80128xf32, #tpu.memory_space<vmem>> -> memref<80000xf32, #tpu.memory_space<vmem>>
      tpu.wait_dma2 semaphore(%run_scoped3A : memref<!tpu.dma_semaphore, #tpu.memory_space<semaphore_mem>>) src(%dma_wait3A_420 : memref<80000xf32, #tpu.memory_space<vmem>>) dst(%dma_wait3A_418 : memref<80000xf32, #tpu.memory_space<hbm>>)
      tpu.yield
    }) : () -> ()
    return
  }
}

module attributes {stable_mosaic.version = 14 : i64} {
  func.func @_ln_body(%arg0: i32, %arg1: memref<1000x256xf32, #tpu.memory_space<vmem>>, %arg2: memref<1x256xf32, #tpu.memory_space<vmem>>, %arg3: memref<1x256xf32, #tpu.memory_space<vmem>>, %arg4: memref<1000x256xf32, #tpu.memory_space<vmem>>) attributes {dimension_semantics = [#tpu.dimension_semantics<arbitrary>], iteration_bounds = array<i64: 10>, scalar_prefetch = 0 : i64, scratch_operands = 0 : i64, tpu.core_type = #tpu.core_type<tc>, window_params = [{transform_indices = @transform_0, window_bounds = array<i64: 1000, 256>}, {pipeline_mode = #tpu.pipeline_mode<synchronous>, transform_indices = @transform_1, window_bounds = array<i64: 1, 256>}, {pipeline_mode = #tpu.pipeline_mode<synchronous>, transform_indices = @transform_2, window_bounds = array<i64: 1, 256>}, {transform_indices = @transform_3, window_bounds = array<i64: 1000, 256>}]} {
    %get3A = arith.constant 0 : index
    %get3A_0 = arith.constant 0 : index
    %get3A_1 = vector.load %arg1[%get3A, %get3A_0] : memref<1000x256xf32, #tpu.memory_space<vmem>>, vector<1000x256xf32>
    %get3A_2 = arith.constant 0 : index
    %get3A_3 = arith.constant 0 : index
    %get3A_4 = vector.load %arg2[%get3A_2, %get3A_3] : memref<1x256xf32, #tpu.memory_space<vmem>>, vector<1x256xf32>
    %get3A_5 = arith.constant 0 : index
    %get3A_6 = arith.constant 0 : index
    %get3A_7 = vector.load %arg3[%get3A_5, %get3A_6] : memref<1x256xf32, #tpu.memory_space<vmem>>, vector<1x256xf32>
    %reduce_sum3A = arith.constant dense<0.000000e+00> : vector<1000xf32>
    %reduce_sum3A_8 = vector.multi_reduction <add>, %get3A_1, %reduce_sum3A [1] : vector<1000x256xf32> to vector<1000xf32>
    %broadcast_in_dim3A = vector.shape_cast %reduce_sum3A_8 : vector<1000xf32> to vector<1000x1xf32>
    %div3A = arith.constant 2.560000e+02 : f32
    %div3A_9 = vector.broadcast %div3A : f32 to vector<1000x1xf32>
    %div3A_10 = arith.divf %broadcast_in_dim3A, %div3A_9 : vector<1000x1xf32>
    %sub3A = vector.broadcast %div3A_10 : vector<1000x1xf32> to vector<1000x256xf32>
    %sub3A_11 = arith.subf %get3A_1, %sub3A : vector<1000x256xf32>
    %integer_pow3A = arith.mulf %sub3A_11, %sub3A_11 : vector<1000x256xf32>
    %reduce_sum3A_12 = arith.constant dense<0.000000e+00> : vector<1000xf32>
    %reduce_sum3A_13 = vector.multi_reduction <add>, %integer_pow3A, %reduce_sum3A_12 [1] : vector<1000x256xf32> to vector<1000xf32>
    %broadcast_in_dim3A_14 = vector.shape_cast %reduce_sum3A_13 : vector<1000xf32> to vector<1000x1xf32>
    %div3A_15 = arith.constant 2.560000e+02 : f32
    %div3A_16 = vector.broadcast %div3A_15 : f32 to vector<1000x1xf32>
    %div3A_17 = arith.divf %broadcast_in_dim3A_14, %div3A_16 : vector<1000x1xf32>
    %sub3A_18 = vector.broadcast %div3A_10 : vector<1000x1xf32> to vector<1000x256xf32>
    %sub3A_19 = arith.subf %get3A_1, %sub3A_18 : vector<1000x256xf32>
    %add3A = arith.constant 9.99999974E-6 : f32
    %add3A_20 = vector.broadcast %add3A : f32 to vector<1000x1xf32>
    %add3A_21 = arith.addf %div3A_17, %add3A_20 : vector<1000x1xf32>
    %sqrt3A = math.sqrt %add3A_21 : vector<1000x1xf32>
    %div3A_22 = vector.broadcast %sqrt3A : vector<1000x1xf32> to vector<1000x256xf32>
    %div3A_23 = arith.divf %sub3A_19, %div3A_22 : vector<1000x256xf32>
    %mul3A = vector.broadcast %get3A_4 : vector<1x256xf32> to vector<1000x256xf32>
    %mul3A_24 = arith.mulf %div3A_23, %mul3A : vector<1000x256xf32>
    %add3A_25 = vector.broadcast %get3A_7 : vector<1x256xf32> to vector<1000x256xf32>
    %add3A_26 = arith.addf %mul3A_24, %add3A_25 : vector<1000x256xf32>
    %swap3A = arith.constant 0 : index
    %swap3A_27 = arith.constant 0 : index
    %swap3A_28 = vector.load %arg4[%swap3A, %swap3A_27] : memref<1000x256xf32, #tpu.memory_space<vmem>>, vector<1000x256xf32>
    tpu.vector_store %arg4[%swap3A, %swap3A_27], %add3A_26 {strides = array<i32>} : memref<1000x256xf32, #tpu.memory_space<vmem>>, vector<1000x256xf32>,
    return
  }
  func.func @transform_0(%arg0: i32) -> (i32, i32) {
    %c0_i32 = arith.constant 0 : i32
    %c0_i32_0 = arith.constant 0 : i32
    return %arg0, %c0_i32 : i32, i32
  }
  func.func @transform_1(%arg0: i32) -> (i32, i32) {
    %c0_i32 = arith.constant 0 : i32
    %c0_i32_0 = arith.constant 0 : i32
    %c0_i32_1 = arith.constant 0 : i32
    return %c0_i32, %c0_i32_0 : i32, i32
  }
  func.func @transform_2(%arg0: i32) -> (i32, i32) {
    %c0_i32 = arith.constant 0 : i32
    %c0_i32_0 = arith.constant 0 : i32
    %c0_i32_1 = arith.constant 0 : i32
    return %c0_i32, %c0_i32_0 : i32, i32
  }
  func.func @transform_3(%arg0: i32) -> (i32, i32) {
    %c0_i32 = arith.constant 0 : i32
    %c0_i32_0 = arith.constant 0 : i32
    return %arg0, %c0_i32 : i32, i32
  }
}

module attributes {stable_mosaic.version = 14 : i64} {
  func.func @_mlp_body(%arg0: i32, %arg1: memref<1xf32, #tpu.memory_space<smem>>, %arg2: memref<1000x256xf32, #tpu.memory_space<vmem>>, %arg3: memref<1000x256xf32, #tpu.memory_space<vmem>>, %arg4: memref<1000x256xf32, #tpu.memory_space<vmem>>, %arg5: memref<1x1x1000xi32, #tpu.memory_space<vmem>>, %arg6: memref<256x512xf32, #tpu.memory_space<vmem>>, %arg7: memref<1x512xf32, #tpu.memory_space<vmem>>, %arg8: memref<1x512xf32, #tpu.memory_space<vmem>>, %arg9: memref<1x512xf32, #tpu.memory_space<vmem>>, %arg10: memref<512x256xf32, #tpu.memory_space<vmem>>, %arg11: memref<1x256xf32, #tpu.memory_space<vmem>>, %arg12: memref<1x256xf32, #tpu.memory_space<vmem>>, %arg13: memref<1000x256xf32, #tpu.memory_space<vmem>>, %arg14: memref<16x256xf32, #tpu.memory_space<vmem>>, %arg15: memref<16x256xf32, #tpu.memory_space<vmem>>) attributes {dimension_semantics = [#tpu.dimension_semantics<arbitrary>], iteration_bounds = array<i64: 10>, scalar_prefetch = 0 : i64, scratch_operands = 0 : i64, tpu.core_type = #tpu.core_type<tc>, window_params = [{transform_indices = @transform_0, window_bounds = array<i64: 1>}, {transform_indices = @transform_1, window_bounds = array<i64: 1000, 256>}, {transform_indices = @transform_2, window_bounds = array<i64: 1000, 256>}, {transform_indices = @transform_3, window_bounds = array<i64: 1000, 256>}, {transform_indices = @transform_4, window_bounds = array<i64: 1, 1, 1000>}, {pipeline_mode = #tpu.pipeline_mode<synchronous>, transform_indices = @transform_5, window_bounds = array<i64: 256, 512>}, {pipeline_mode = #tpu.pipeline_mode<synchronous>, transform_indices = @transform_6, window_bounds = array<i64: 1, 512>}, {pipeline_mode = #tpu.pipeline_mode<synchronous>, transform_indices = @transform_7, window_bounds = array<i64: 1, 512>}, {pipeline_mode = #tpu.pipeline_mode<synchronous>, transform_indices = @transform_8, window_bounds = array<i64: 1, 512>}, {pipeline_mode = #tpu.pipeline_mode<synchronous>, transform_indices = @transform_9, window_bounds = array<i64: 512, 256>}, {pipeline_mode = #tpu.pipeline_mode<synchronous>, transform_indices = @transform_10, window_bounds = array<i64: 1, 256>}, {pipeline_mode = #tpu.pipeline_mode<synchronous>, transform_indices = @transform_11, window_bounds = array<i64: 1, 256>}, {transform_indices = @transform_12, window_bounds = array<i64: 1000, 256>}, {pipeline_mode = #tpu.pipeline_mode<synchronous>, transform_indices = @transform_13, window_bounds = array<i64: 16, 256>}, {pipeline_mode = #tpu.pipeline_mode<synchronous>, transform_indices = @transform_14, window_bounds = array<i64: 16, 256>}]} {
    %get3A = arith.constant 0 : index
    %get3A_0 = memref.load %arg1[%get3A] : memref<1xf32, #tpu.memory_space<smem>>
    %add3A = arith.constant 1.000000e+00 : f32
    %add3A_1 = arith.addf %add3A, %get3A_0 : f32
    %get3A_2 = arith.constant 0 : index
    %get3A_3 = arith.constant 0 : index
    %get3A_4 = vector.load %arg3[%get3A_2, %get3A_3] : memref<1000x256xf32, #tpu.memory_space<vmem>>, vector<1000x256xf32>
    %mul3A = vector.broadcast %add3A_1 : f32 to vector<1000x256xf32>
    %mul3A_5 = arith.mulf %mul3A, %get3A_4 : vector<1000x256xf32>
    %get3A_6 = arith.constant 0 : index
    %get3A_7 = arith.constant 0 : index
    %get3A_8 = vector.load %arg4[%get3A_6, %get3A_7] : memref<1000x256xf32, #tpu.memory_space<vmem>>, vector<1000x256xf32>
    %add3A_9 = arith.addf %mul3A_5, %get3A_8 : vector<1000x256xf32>
    %get3A_10 = arith.constant 0 : index
    %get3A_11 = arith.constant 0 : index
    %get3A_12 = vector.load %arg6[%get3A_10, %get3A_11] : memref<256x512xf32, #tpu.memory_space<vmem>>, vector<256x512xf32>
    %dot_general3A = arith.constant dense<0.000000e+00> : vector<1000x512xf32>
    %dot_general3A_13 = tpu.matmul %add3A_9, %get3A_12, %dot_general3A {dimension_numbers = #tpu.dot_dimension_numbers<[1], [0], [0], [1], [0, 0, 1, 1], [], []>, transpose_lhs_hint = false} : vector<1000x256xf32>, vector<256x512xf32>, vector<1000x512xf32> -> vector<1000x512xf32>
    %get3A_14 = arith.constant 0 : index
    %get3A_15 = arith.constant 0 : index
    %get3A_16 = vector.load %arg7[%get3A_14, %get3A_15] : memref<1x512xf32, #tpu.memory_space<vmem>>, vector<1x512xf32>
    %add3A_17 = vector.broadcast %get3A_16 : vector<1x512xf32> to vector<1000x512xf32>
    %add3A_18 = arith.addf %dot_general3A_13, %add3A_17 : vector<1000x512xf32>
    %get3A_19 = arith.constant 0 : index
    %get3A_20 = arith.constant 0 : index
    %get3A_21 = vector.load %arg8[%get3A_19, %get3A_20] : memref<1x512xf32, #tpu.memory_space<vmem>>, vector<1x512xf32>
    %get3A_22 = arith.constant 0 : index
    %get3A_23 = arith.constant 0 : index
    %get3A_24 = vector.load %arg9[%get3A_22, %get3A_23] : memref<1x512xf32, #tpu.memory_space<vmem>>, vector<1x512xf32>
    %reduce_sum3A = arith.constant dense<0.000000e+00> : vector<1000xf32>
    %reduce_sum3A_25 = vector.multi_reduction <add>, %add3A_18, %reduce_sum3A [1] : vector<1000x512xf32> to vector<1000xf32>
    %broadcast_in_dim3A = vector.shape_cast %reduce_sum3A_25 : vector<1000xf32> to vector<1000x1xf32>
    %div3A = arith.constant 5.120000e+02 : f32
    %div3A_26 = vector.broadcast %div3A : f32 to vector<1000x1xf32>
    %div3A_27 = arith.divf %broadcast_in_dim3A, %div3A_26 : vector<1000x1xf32>
    %sub3A = vector.broadcast %div3A_27 : vector<1000x1xf32> to vector<1000x512xf32>
    %sub3A_28 = arith.subf %add3A_18, %sub3A : vector<1000x512xf32>
    %integer_pow3A = arith.mulf %sub3A_28, %sub3A_28 : vector<1000x512xf32>
    %reduce_sum3A_29 = arith.constant dense<0.000000e+00> : vector<1000xf32>
    %reduce_sum3A_30 = vector.multi_reduction <add>, %integer_pow3A, %reduce_sum3A_29 [1] : vector<1000x512xf32> to vector<1000xf32>
    %broadcast_in_dim3A_31 = vector.shape_cast %reduce_sum3A_30 : vector<1000xf32> to vector<1000x1xf32>
    %div3A_32 = arith.constant 5.120000e+02 : f32
    %div3A_33 = vector.broadcast %div3A_32 : f32 to vector<1000x1xf32>
    %div3A_34 = arith.divf %broadcast_in_dim3A_31, %div3A_33 : vector<1000x1xf32>
    %sub3A_35 = vector.broadcast %div3A_27 : vector<1000x1xf32> to vector<1000x512xf32>
    %sub3A_36 = arith.subf %add3A_18, %sub3A_35 : vector<1000x512xf32>
    %add3A_37 = arith.constant 9.99999974E-6 : f32
    %add3A_38 = vector.broadcast %add3A_37 : f32 to vector<1000x1xf32>
    %add3A_39 = arith.addf %div3A_34, %add3A_38 : vector<1000x1xf32>
    %sqrt3A = math.sqrt %add3A_39 : vector<1000x1xf32>
    %div3A_40 = vector.broadcast %sqrt3A : vector<1000x1xf32> to vector<1000x512xf32>
    %div3A_41 = arith.divf %sub3A_36, %div3A_40 : vector<1000x512xf32>
    %mul3A_42 = vector.broadcast %get3A_21 : vector<1x512xf32> to vector<1000x512xf32>
    %mul3A_43 = arith.mulf %div3A_41, %mul3A_42 : vector<1000x512xf32>
    %add3A_44 = vector.broadcast %get3A_24 : vector<1x512xf32> to vector<1000x512xf32>
    %add3A_45 = arith.addf %mul3A_43, %add3A_44 : vector<1000x512xf32>
    %mul3A_46 = arith.constant 5.000000e-01 : f32
    %mul3A_47 = vector.broadcast %mul3A_46 : f32 to vector<1000x512xf32>
    %mul3A_48 = arith.mulf %mul3A_47, %add3A_45 : vector<1000x512xf32>
    %mul3A_49 = arith.constant 0.707106769 : f32
    %mul3A_50 = vector.broadcast %mul3A_49 : f32 to vector<1000x512xf32>
    %mul3A_51 = arith.mulf %add3A_45, %mul3A_50 : vector<1000x512xf32>
    %erf3A = math.erf %mul3A_51 : vector<1000x512xf32>
    %add3A_52 = arith.constant 1.000000e+00 : f32
    %add3A_53 = vector.broadcast %add3A_52 : f32 to vector<1000x512xf32>
    %add3A_54 = arith.addf %add3A_53, %erf3A : vector<1000x512xf32>
    %mul3A_55 = arith.mulf %mul3A_48, %add3A_54 : vector<1000x512xf32>
    %get3A_56 = arith.constant 0 : index
    %get3A_57 = arith.constant 0 : index
    %get3A_58 = vector.load %arg10[%get3A_56, %get3A_57] : memref<512x256xf32, #tpu.memory_space<vmem>>, vector<512x256xf32>
    %dot_general3A_59 = arith.constant dense<0.000000e+00> : vector<1000x256xf32>
    %dot_general3A_60 = tpu.matmul %mul3A_55, %get3A_58, %dot_general3A_59 {dimension_numbers = #tpu.dot_dimension_numbers<[1], [0], [0], [1], [0, 0, 1, 1], [], []>, transpose_lhs_hint = false} : vector<1000x512xf32>, vector<512x256xf32>, vector<1000x256xf32> -> vector<1000x256xf32>
    %get3A_61 = arith.constant 0 : index
    %get3A_62 = arith.constant 0 : index
    %get3A_63 = vector.load %arg11[%get3A_61, %get3A_62] : memref<1x256xf32, #tpu.memory_space<vmem>>, vector<1x256xf32>
    %add3A_64 = vector.broadcast %get3A_63 : vector<1x256xf32> to vector<1000x256xf32>
    %add3A_65 = arith.addf %dot_general3A_60, %add3A_64 : vector<1000x256xf32>
    %get3A_66 = arith.constant 0 : index
    %get3A_67 = arith.constant 0 : index
    %get3A_68 = vector.load %arg2[%get3A_66, %get3A_67] : memref<1000x256xf32, #tpu.memory_space<vmem>>, vector<1000x256xf32>
    %get3A_69 = arith.constant 0 : index
    %get3A_70 = arith.constant 0 : index
    %get3A_71 = vector.load %arg12[%get3A_69, %get3A_70] : memref<1x256xf32, #tpu.memory_space<vmem>>, vector<1x256xf32>
    %mul3A_72 = vector.broadcast %get3A_71 : vector<1x256xf32> to vector<1000x256xf32>
    %mul3A_73 = arith.mulf %mul3A_72, %add3A_65 : vector<1000x256xf32>
    %add3A_74 = arith.addf %get3A_68, %mul3A_73 : vector<1000x256xf32>
    %swap3A = arith.constant 0 : index
    %swap3A_75 = arith.constant 0 : index
    %swap3A_76 = vector.load %arg13[%swap3A, %swap3A_75] : memref<1000x256xf32, #tpu.memory_space<vmem>>, vector<1000x256xf32>
    tpu.vector_store %arg13[%swap3A, %swap3A_75], %add3A_74 {strides = array<i32>} : memref<1000x256xf32, #tpu.memory_space<vmem>>, vector<1000x256xf32>,
    %get3A_77 = arith.constant 0 : index
    %get3A_78 = arith.constant 0 : index
    %get3A_79 = arith.constant 0 : index
    %get3A_80 = vector.load %arg5[%get3A_77, %get3A_78, %get3A_79] : memref<1x1x1000xi32, #tpu.memory_space<vmem>>, vector<1x1x1000xi32>
    %get3A_81 = vector.shape_cast %get3A_80 : vector<1x1x1000xi32> to vector<1x1000xi32>
    %iota3A = tpu.iota {dimensions = array<i32: 0>} : vector<16x1000xi32>
    %eq3A = vector.broadcast %get3A_81 : vector<1x1000xi32> to vector<16x1000xi32>
    %eq3A_82 = arith.cmpi eq, %iota3A, %eq3A : vector<16x1000xi32>
    %convert_element_type3A = arith.extui %eq3A_82 : vector<16x1000xi1> to vector<16x1000xi32>
    %convert_element_type3A_83 = arith.sitofp %convert_element_type3A : vector<16x1000xi32> to vector<16x1000xf32>
    %eq3A_84 = arith.constant 0 : i32
    %eq3A_85 = arith.cmpi eq, %arg0, %eq3A_84 : i32
    %convert_element_type3A_86 = arith.extui %eq3A_85 : i1 to i32
    %cond3A = arith.constant 0 : i32
    %cond3A_87 = arith.cmpi ne, %convert_element_type3A_86, %cond3A : i32
    scf.if %cond3A_87 {
      %broadcast_in_dim3A_108 = arith.constant 0.000000e+00 : f32
      %broadcast_in_dim3A_109 = vector.broadcast %broadcast_in_dim3A_108 : f32 to vector<16x256xf32>
      %swap3A_110 = arith.constant 0 : index
      %swap3A_111 = arith.constant 0 : index
      %swap3A_112 = vector.load %arg14[%swap3A_110, %swap3A_111] : memref<16x256xf32, #tpu.memory_space<vmem>>, vector<16x256xf32>
      tpu.vector_store %arg14[%swap3A_110, %swap3A_111], %broadcast_in_dim3A_109 {strides = array<i32>} : memref<16x256xf32, #tpu.memory_space<vmem>>, vector<16x256xf32>,
      %broadcast_in_dim3A_113 = arith.constant 0.000000e+00 : f32
      %broadcast_in_dim3A_114 = vector.broadcast %broadcast_in_dim3A_113 : f32 to vector<16x256xf32>
      %swap3A_115 = arith.constant 0 : index
      %swap3A_116 = arith.constant 0 : index
      %swap3A_117 = vector.load %arg15[%swap3A_115, %swap3A_116] : memref<16x256xf32, #tpu.memory_space<vmem>>, vector<16x256xf32>
      tpu.vector_store %arg15[%swap3A_115, %swap3A_116], %broadcast_in_dim3A_114 {strides = array<i32>} : memref<16x256xf32, #tpu.memory_space<vmem>>, vector<16x256xf32>,
    } else {
    }
    %get3A_88 = arith.constant 0 : index
    %get3A_89 = arith.constant 0 : index
    %get3A_90 = vector.load %arg14[%get3A_88, %get3A_89] : memref<16x256xf32, #tpu.memory_space<vmem>>, vector<16x256xf32>
    %dot_general3A_91 = arith.constant dense<0.000000e+00> : vector<16x256xf32>
    %dot_general3A_92 = tpu.matmul %convert_element_type3A_83, %add3A_74, %dot_general3A_91 {dimension_numbers = #tpu.dot_dimension_numbers<[1], [0], [0], [1], [0, 0, 1, 1], [], []>, transpose_lhs_hint = false} : vector<16x1000xf32>, vector<1000x256xf32>, vector<16x256xf32> -> vector<16x256xf32>
    %add3A_93 = arith.addf %get3A_90, %dot_general3A_92 : vector<16x256xf32>
    %swap3A_94 = arith.constant 0 : index
    %swap3A_95 = arith.constant 0 : index
    %swap3A_96 = vector.load %arg14[%swap3A_94, %swap3A_95] : memref<16x256xf32, #tpu.memory_space<vmem>>, vector<16x256xf32>
    tpu.vector_store %arg14[%swap3A_94, %swap3A_95], %add3A_93 {strides = array<i32>} : memref<16x256xf32, #tpu.memory_space<vmem>>, vector<16x256xf32>,
    %get3A_97 = arith.constant 0 : index
    %get3A_98 = arith.constant 0 : index
    %get3A_99 = vector.load %arg15[%get3A_97, %get3A_98] : memref<16x256xf32, #tpu.memory_space<vmem>>, vector<16x256xf32>
    %broadcast_in_dim3A_100 = arith.constant 1.000000e+00 : f32
    %broadcast_in_dim3A_101 = vector.broadcast %broadcast_in_dim3A_100 : f32 to vector<1000x256xf32>
    %dot_general3A_102 = arith.constant dense<0.000000e+00> : vector<16x256xf32>
    %dot_general3A_103 = tpu.matmul %convert_element_type3A_83, %broadcast_in_dim3A_101, %dot_general3A_102 {dimension_numbers = #tpu.dot_dimension_numbers<[1], [0], [0], [1], [0, 0, 1, 1], [], []>, transpose_lhs_hint = false} : vector<16x1000xf32>, vector<1000x256xf32>, vector<16x256xf32> -> vector<16x256xf32>
    %add3A_104 = arith.addf %get3A_99, %dot_general3A_103 : vector<16x256xf32>
    %swap3A_105 = arith.constant 0 : index
    %swap3A_106 = arith.constant 0 : index
    %swap3A_107 = vector.load %arg15[%swap3A_105, %swap3A_106] : memref<16x256xf32, #tpu.memory_space<vmem>>, vector<16x256xf32>
    tpu.vector_store %arg15[%swap3A_105, %swap3A_106], %add3A_104 {strides = array<i32>} : memref<16x256xf32, #tpu.memory_space<vmem>>, vector<16x256xf32>,
    return
  }
  func.func @transform_0(%arg0: i32) -> i32 {
    %c0_i32 = arith.constant 0 : i32
    %c0_i32_0 = arith.constant 0 : i32
    return %c0_i32 : i32
  }
  func.func @transform_1(%arg0: i32) -> (i32, i32) {
    %c0_i32 = arith.constant 0 : i32
    %c0_i32_0 = arith.constant 0 : i32
    return %arg0, %c0_i32 : i32, i32
  }
  func.func @transform_2(%arg0: i32) -> (i32, i32) {
    %c0_i32 = arith.constant 0 : i32
    %c0_i32_0 = arith.constant 0 : i32
    return %arg0, %c0_i32 : i32, i32
  }
  func.func @transform_3(%arg0: i32) -> (i32, i32) {
    %c0_i32 = arith.constant 0 : i32
    %c0_i32_0 = arith.constant 0 : i32
    return %arg0, %c0_i32 : i32, i32
  }
  func.func @transform_4(%arg0: i32) -> (i32, i32, i32) {
    %c0_i32 = arith.constant 0 : i32
    %c0_i32_0 = arith.constant 0 : i32
    %c0_i32_1 = arith.constant 0 : i32
    return %arg0, %c0_i32, %c0_i32_0 : i32, i32, i32
  }
  func.func @transform_5(%arg0: i32) -> (i32, i32) {
    %c0_i32 = arith.constant 0 : i32
    %c0_i32_0 = arith.constant 0 : i32
    %c0_i32_1 = arith.constant 0 : i32
    return %c0_i32, %c0_i32_0 : i32, i32
  }
  func.func @transform_6(%arg0: i32) -> (i32, i32) {
    %c0_i32 = arith.constant 0 : i32
    %c0_i32_0 = arith.constant 0 : i32
    %c0_i32_1 = arith.constant 0 : i32
    return %c0_i32, %c0_i32_0 : i32, i32
  }
  func.func @transform_7(%arg0: i32) -> (i32, i32) {
    %c0_i32 = arith.constant 0 : i32
    %c0_i32_0 = arith.constant 0 : i32
    %c0_i32_1 = arith.constant 0 : i32
    return %c0_i32, %c0_i32_0 : i32, i32
  }
  func.func @transform_8(%arg0: i32) -> (i32, i32) {
    %c0_i32 = arith.constant 0 : i32
    %c0_i32_0 = arith.constant 0 : i32
    %c0_i32_1 = arith.constant 0 : i32
    return %c0_i32, %c0_i32_0 : i32, i32
  }
  func.func @transform_9(%arg0: i32) -> (i32, i32) {
    %c0_i32 = arith.constant 0 : i32
    %c0_i32_0 = arith.constant 0 : i32
    %c0_i32_1 = arith.constant 0 : i32
    return %c0_i32, %c0_i32_0 : i32, i32
  }
  func.func @transform_10(%arg0: i32) -> (i32, i32) {
    %c0_i32 = arith.constant 0 : i32
    %c0_i32_0 = arith.constant 0 : i32
    %c0_i32_1 = arith.constant 0 : i32
    return %c0_i32, %c0_i32_0 : i32, i32
  }
  func.func @transform_11(%arg0: i32) -> (i32, i32) {
    %c0_i32 = arith.constant 0 : i32
    %c0_i32_0 = arith.constant 0 : i32
    %c0_i32_1 = arith.constant 0 : i32
    return %c0_i32, %c0_i32_0 : i32, i32
  }
  func.func @transform_12(%arg0: i32) -> (i32, i32) {
    %c0_i32 = arith.constant 0 : i32
    %c0_i32_0 = arith.constant 0 : i32
    return %arg0, %c0_i32 : i32, i32
  }
  func.func @transform_13(%arg0: i32) -> (i32, i32) {
    %c0_i32 = arith.constant 0 : i32
    %c0_i32_0 = arith.constant 0 : i32
    %c0_i32_1 = arith.constant 0 : i32
    return %c0_i32, %c0_i32_0 : i32, i32
  }
  func.func @transform_14(%arg0: i32) -> (i32, i32) {
    %c0_i32 = arith.constant 0 : i32
    %c0_i32_0 = arith.constant 0 : i32
    %c0_i32_1 = arith.constant 0 : i32
    return %c0_i32, %c0_i32_0 : i32, i32
  }
}

module attributes {stable_mosaic.version = 14 : i64} {
  func.func @_tok_body(%arg0: memref<512x256xf32, #tpu.memory_space<vmem>>, %arg1: memref<16x256xf32, #tpu.memory_space<vmem>>, %arg2: memref<16x256xf32, #tpu.memory_space<vmem>>, %arg3: memref<1x256xf32, #tpu.memory_space<vmem>>, %arg4: memref<1x256xf32, #tpu.memory_space<vmem>>, %arg5: memref<256x256xf32, #tpu.memory_space<vmem>>, %arg6: memref<1x256xf32, #tpu.memory_space<vmem>>, %arg7: memref<256x256xf32, #tpu.memory_space<vmem>>, %arg8: memref<1x256xf32, #tpu.memory_space<vmem>>, %arg9: memref<256x256xf32, #tpu.memory_space<vmem>>, %arg10: memref<1x256xf32, #tpu.memory_space<vmem>>, %arg11: memref<256x256xf32, #tpu.memory_space<vmem>>, %arg12: memref<1x256xf32, #tpu.memory_space<vmem>>, %arg13: memref<1x256xf32, #tpu.memory_space<vmem>>, %arg14: memref<256x512xf32, #tpu.memory_space<vmem>>, %arg15: memref<1x512xf32, #tpu.memory_space<vmem>>, %arg16: memref<512x256xf32, #tpu.memory_space<vmem>>, %arg17: memref<16x256x512xf32, #tpu.memory_space<vmem>>, %arg18: memref<16x512x256xf32, #tpu.memory_space<vmem>>) attributes {dimension_semantics = [], scalar_prefetch = 0 : i64, scratch_operands = 0 : i64, tpu.core_type = #tpu.core_type<tc>} {
    %get3A = arith.constant 0 : index
    %get3A_0 = arith.constant 0 : index
    %get3A_1 = vector.load %arg1[%get3A, %get3A_0] : memref<16x256xf32, #tpu.memory_space<vmem>>, vector<16x256xf32>
    %get3A_2 = arith.constant 0 : index
    %get3A_3 = arith.constant 0 : index
    %get3A_4 = vector.load %arg2[%get3A_2, %get3A_3] : memref<16x256xf32, #tpu.memory_space<vmem>>, vector<16x256xf32>
    %max3A = arith.constant 1.000000e+00 : f32
    %max3A_5 = vector.broadcast %max3A : f32 to vector<16x256xf32>
    %max3A_6 = arith.maximumf %get3A_4, %max3A_5 : vector<16x256xf32>
    %div3A = arith.divf %get3A_1, %max3A_6 : vector<16x256xf32>
    %get3A_7 = arith.constant 0 : index
    %get3A_8 = arith.constant 0 : index
    %get3A_9 = vector.load %arg0[%get3A_7, %get3A_8] : memref<512x256xf32, #tpu.memory_space<vmem>>, vector<512x256xf32>
    %get3A_10 = arith.constant 0 : index
    %get3A_11 = arith.constant 0 : index
    %get3A_12 = vector.load %arg3[%get3A_10, %get3A_11] : memref<1x256xf32, #tpu.memory_space<vmem>>, vector<1x256xf32>
    %get3A_13 = arith.constant 0 : index
    %get3A_14 = arith.constant 0 : index
    %get3A_15 = vector.load %arg4[%get3A_13, %get3A_14] : memref<1x256xf32, #tpu.memory_space<vmem>>, vector<1x256xf32>
    %reduce_sum3A = arith.constant dense<0.000000e+00> : vector<512xf32>
    %reduce_sum3A_16 = vector.multi_reduction <add>, %get3A_9, %reduce_sum3A [1] : vector<512x256xf32> to vector<512xf32>
    %broadcast_in_dim3A = vector.shape_cast %reduce_sum3A_16 : vector<512xf32> to vector<512x1xf32>
    %div3A_17 = arith.constant 2.560000e+02 : f32
    %div3A_18 = vector.broadcast %div3A_17 : f32 to vector<512x1xf32>
    %div3A_19 = arith.divf %broadcast_in_dim3A, %div3A_18 : vector<512x1xf32>
    %sub3A = vector.broadcast %div3A_19 : vector<512x1xf32> to vector<512x256xf32>
    %sub3A_20 = arith.subf %get3A_9, %sub3A : vector<512x256xf32>
    %integer_pow3A = arith.mulf %sub3A_20, %sub3A_20 : vector<512x256xf32>
    %reduce_sum3A_21 = arith.constant dense<0.000000e+00> : vector<512xf32>
    %reduce_sum3A_22 = vector.multi_reduction <add>, %integer_pow3A, %reduce_sum3A_21 [1] : vector<512x256xf32> to vector<512xf32>
    %broadcast_in_dim3A_23 = vector.shape_cast %reduce_sum3A_22 : vector<512xf32> to vector<512x1xf32>
    %div3A_24 = arith.constant 2.560000e+02 : f32
    %div3A_25 = vector.broadcast %div3A_24 : f32 to vector<512x1xf32>
    %div3A_26 = arith.divf %broadcast_in_dim3A_23, %div3A_25 : vector<512x1xf32>
    %sub3A_27 = vector.broadcast %div3A_19 : vector<512x1xf32> to vector<512x256xf32>
    %sub3A_28 = arith.subf %get3A_9, %sub3A_27 : vector<512x256xf32>
    %add3A = arith.constant 9.99999974E-6 : f32
    %add3A_29 = vector.broadcast %add3A : f32 to vector<512x1xf32>
    %add3A_30 = arith.addf %div3A_26, %add3A_29 : vector<512x1xf32>
    %sqrt3A = math.sqrt %add3A_30 : vector<512x1xf32>
    %div3A_31 = vector.broadcast %sqrt3A : vector<512x1xf32> to vector<512x256xf32>
    %div3A_32 = arith.divf %sub3A_28, %div3A_31 : vector<512x256xf32>
    %mul3A = vector.broadcast %get3A_12 : vector<1x256xf32> to vector<512x256xf32>
    %mul3A_33 = arith.mulf %div3A_32, %mul3A : vector<512x256xf32>
    %add3A_34 = vector.broadcast %get3A_15 : vector<1x256xf32> to vector<512x256xf32>
    %add3A_35 = arith.addf %mul3A_33, %add3A_34 : vector<512x256xf32>
    %get3A_36 = arith.constant 0 : index
    %get3A_37 = arith.constant 0 : index
    %get3A_38 = vector.load %arg5[%get3A_36, %get3A_37] : memref<256x256xf32, #tpu.memory_space<vmem>>, vector<256x256xf32>
    %dot_general3A = arith.constant dense<0.000000e+00> : vector<512x256xf32>
    %dot_general3A_39 = tpu.matmul %add3A_35, %get3A_38, %dot_general3A {dimension_numbers = #tpu.dot_dimension_numbers<[1], [0], [0], [1], [0, 0, 1, 1], [], []>, transpose_lhs_hint = false} : vector<512x256xf32>, vector<256x256xf32>, vector<512x256xf32> -> vector<512x256xf32>
    %get3A_40 = arith.constant 0 : index
    %get3A_41 = arith.constant 0 : index
    %get3A_42 = vector.load %arg6[%get3A_40, %get3A_41] : memref<1x256xf32, #tpu.memory_space<vmem>>, vector<1x256xf32>
    %add3A_43 = vector.broadcast %get3A_42 : vector<1x256xf32> to vector<512x256xf32>
    %add3A_44 = arith.addf %dot_general3A_39, %add3A_43 : vector<512x256xf32>
    %get3A_45 = arith.constant 0 : index
    %get3A_46 = arith.constant 0 : index
    %get3A_47 = vector.load %arg7[%get3A_45, %get3A_46] : memref<256x256xf32, #tpu.memory_space<vmem>>, vector<256x256xf32>
    %dot_general3A_48 = arith.constant dense<0.000000e+00> : vector<512x256xf32>
    %dot_general3A_49 = tpu.matmul %add3A_35, %get3A_47, %dot_general3A_48 {dimension_numbers = #tpu.dot_dimension_numbers<[1], [0], [0], [1], [0, 0, 1, 1], [], []>, transpose_lhs_hint = false} : vector<512x256xf32>, vector<256x256xf32>, vector<512x256xf32> -> vector<512x256xf32>
    %get3A_50 = arith.constant 0 : index
    %get3A_51 = arith.constant 0 : index
    %get3A_52 = vector.load %arg8[%get3A_50, %get3A_51] : memref<1x256xf32, #tpu.memory_space<vmem>>, vector<1x256xf32>
    %add3A_53 = vector.broadcast %get3A_52 : vector<1x256xf32> to vector<512x256xf32>
    %add3A_54 = arith.addf %dot_general3A_49, %add3A_53 : vector<512x256xf32>
    %get3A_55 = arith.constant 0 : index
    %get3A_56 = arith.constant 0 : index
    %get3A_57 = vector.load %arg9[%get3A_55, %get3A_56] : memref<256x256xf32, #tpu.memory_space<vmem>>, vector<256x256xf32>
    %dot_general3A_58 = arith.constant dense<0.000000e+00> : vector<512x256xf32>
    %dot_general3A_59 = tpu.matmul %add3A_35, %get3A_57, %dot_general3A_58 {dimension_numbers = #tpu.dot_dimension_numbers<[1], [0], [0], [1], [0, 0, 1, 1], [], []>, transpose_lhs_hint = false} : vector<512x256xf32>, vector<256x256xf32>, vector<512x256xf32> -> vector<512x256xf32>
    %get3A_60 = arith.constant 0 : index
    %get3A_61 = arith.constant 0 : index
    %get3A_62 = vector.load %arg10[%get3A_60, %get3A_61] : memref<1x256xf32, #tpu.memory_space<vmem>>, vector<1x256xf32>
    %add3A_63 = vector.broadcast %get3A_62 : vector<1x256xf32> to vector<512x256xf32>
    %add3A_64 = arith.addf %dot_general3A_59, %add3A_63 : vector<512x256xf32>
    %get3A_65 = arith.constant 0 : index
    %get3A_66 = arith.constant 0 : index
    %get3A_67 = vector.load %arg7[%get3A_65, %get3A_66] : memref<256x256xf32, #tpu.memory_space<vmem>>, vector<256x256xf32>
    %dot_general3A_68 = arith.constant dense<0.000000e+00> : vector<16x256xf32>
    %dot_general3A_69 = tpu.matmul %div3A, %get3A_67, %dot_general3A_68 {dimension_numbers = #tpu.dot_dimension_numbers<[1], [0], [0], [1], [0, 0, 1, 1], [], []>, transpose_lhs_hint = false} : vector<16x256xf32>, vector<256x256xf32>, vector<16x256xf32> -> vector<16x256xf32>
    %get3A_70 = arith.constant 0 : index
    %get3A_71 = arith.constant 0 : index
    %get3A_72 = vector.load %arg8[%get3A_70, %get3A_71] : memref<1x256xf32, #tpu.memory_space<vmem>>, vector<1x256xf32>
    %add3A_73 = vector.broadcast %get3A_72 : vector<1x256xf32> to vector<16x256xf32>
    %add3A_74 = arith.addf %dot_general3A_69, %add3A_73 : vector<16x256xf32>
    %get3A_75 = arith.constant 0 : index
    %get3A_76 = arith.constant 0 : index
    %get3A_77 = vector.load %arg9[%get3A_75, %get3A_76] : memref<256x256xf32, #tpu.memory_space<vmem>>, vector<256x256xf32>
    %dot_general3A_78 = arith.constant dense<0.000000e+00> : vector<16x256xf32>
    %dot_general3A_79 = tpu.matmul %div3A, %get3A_77, %dot_general3A_78 {dimension_numbers = #tpu.dot_dimension_numbers<[1], [0], [0], [1], [0, 0, 1, 1], [], []>, transpose_lhs_hint = false} : vector<16x256xf32>, vector<256x256xf32>, vector<16x256xf32> -> vector<16x256xf32>
    %get3A_80 = arith.constant 0 : index
    %get3A_81 = arith.constant 0 : index
    %get3A_82 = vector.load %arg10[%get3A_80, %get3A_81] : memref<1x256xf32, #tpu.memory_space<vmem>>, vector<1x256xf32>
    %add3A_83 = vector.broadcast %get3A_82 : vector<1x256xf32> to vector<16x256xf32>
    %add3A_84 = arith.addf %dot_general3A_79, %add3A_83 : vector<16x256xf32>
    %reshape3A = vector.shape_cast %add3A_44 : vector<512x256xf32> to vector<16x32x16x16xf32>
    %transpose3A = tpu.transpose %reshape3A, [0, 2, 1, 3] : vector<16x32x16x16xf32> -> vector<16x16x32x16xf32>
    %reshape3A_85 = vector.shape_cast %transpose3A : vector<16x16x32x16xf32> to vector<256x32x16xf32>
    %reshape3A_86 = vector.shape_cast %add3A_54 : vector<512x256xf32> to vector<16x32x16x16xf32>
    %transpose3A_87 = tpu.transpose %reshape3A_86, [0, 2, 1, 3] : vector<16x32x16x16xf32> -> vector<16x16x32x16xf32>
    %reshape3A_88 = vector.shape_cast %transpose3A_87 : vector<16x16x32x16xf32> to vector<256x32x16xf32>
    %reshape3A_89 = vector.shape_cast %add3A_64 : vector<512x256xf32> to vector<16x32x16x16xf32>
    %transpose3A_90 = tpu.transpose %reshape3A_89, [0, 2, 1, 3] : vector<16x32x16x16xf32> -> vector<16x16x32x16xf32>
    %reshape3A_91 = vector.shape_cast %transpose3A_90 : vector<16x16x32x16xf32> to vector<256x32x16xf32>
    %reshape3A_92 = vector.shape_cast %add3A_74 : vector<16x256xf32> to vector<16x1x16x16xf32>
    %transpose3A_93 = tpu.transpose %reshape3A_92, [0, 2, 1, 3] : vector<16x1x16x16xf32> -> vector<16x16x1x16xf32>
    %reshape3A_94 = vector.shape_cast %transpose3A_93 : vector<16x16x1x16xf32> to vector<256x1x16xf32>
    %reshape3A_95 = vector.shape_cast %add3A_84 : vector<16x256xf32> to vector<16x1x16x16xf32>
    %transpose3A_96 = tpu.transpose %reshape3A_95, [0, 2, 1, 3] : vector<16x1x16x16xf32> -> vector<16x16x1x16xf32>
    %reshape3A_97 = vector.shape_cast %transpose3A_96 : vector<16x16x1x16xf32> to vector<256x1x16xf32>
    %concatenate3A = tpu.concatenate %reshape3A_88, %reshape3A_94 in 1 : vector<256x32x16xf32>, vector<256x1x16xf32> -> vector<256x33x16xf32>
    %concatenate3A_98 = tpu.concatenate %reshape3A_91, %reshape3A_97 in 1 : vector<256x32x16xf32>, vector<256x1x16xf32> -> vector<256x33x16xf32>
    "tpu.trace_start"() <{level = 10 : i32, message = "gqd,gkd->gqk"}> : () -> ()
    %dot_general3A_99 = arith.constant dense<0.000000e+00> : vector<256x32x33xf32>
    %dot_general3A_100 = tpu.matmul %reshape3A_85, %concatenate3A, %dot_general3A_99 {dimension_numbers = #tpu.dot_dimension_numbers<[2], [2], [1], [1], [0, 0, 0, 1, 1, 1], [0], [0]>, transpose_lhs_hint = false} : vector<256x32x16xf32>, vector<256x33x16xf32>, vector<256x32x33xf32> -> vector<256x32x33xf32>
    "tpu.trace_stop"() : () -> ()
    %mul3A_101 = arith.constant 2.500000e-01 : f32
    %mul3A_102 = vector.broadcast %mul3A_101 : f32 to vector<256x32x33xf32>
    %mul3A_103 = arith.mulf %dot_general3A_100, %mul3A_102 : vector<256x32x33xf32>
    %reduce_max3A = arith.constant dense<0xFF800000> : vector<256x32xf32>
    %reduce_max3A_104 = vector.multi_reduction <maximumf>, %mul3A_103, %reduce_max3A [2] : vector<256x32x33xf32> to vector<256x32xf32>
    %max3A_105 = arith.constant 0xFF800000 : f32
    %max3A_106 = vector.broadcast %max3A_105 : f32 to vector<256x32xf32>
    %max3A_107 = arith.maximumf %max3A_106, %reduce_max3A_104 : vector<256x32xf32>
    %broadcast_in_dim3A_108 = vector.shape_cast %max3A_107 : vector<256x32xf32> to vector<256x32x1xf32>
    %sub3A_109 = vector.broadcast %broadcast_in_dim3A_108 : vector<256x32x1xf32> to vector<256x32x33xf32>
    %sub3A_110 = arith.subf %mul3A_103, %sub3A_109 : vector<256x32x33xf32>
    %exp3A = math.exp %sub3A_110 : vector<256x32x33xf32>
    %reduce_sum3A_111 = arith.constant dense<0.000000e+00> : vector<256x32xf32>
    %reduce_sum3A_112 = vector.multi_reduction <add>, %exp3A, %reduce_sum3A_111 [2] : vector<256x32x33xf32> to vector<256x32xf32>
    %broadcast_in_dim3A_113 = vector.shape_cast %reduce_sum3A_112 : vector<256x32xf32> to vector<256x32x1xf32>
    %div3A_114 = vector.broadcast %broadcast_in_dim3A_113 : vector<256x32x1xf32> to vector<256x32x33xf32>
    %div3A_115 = arith.divf %exp3A, %div3A_114 : vector<256x32x33xf32>
    "tpu.trace_start"() <{level = 10 : i32, message = "gqk,gkd->gqd"}> : () -> ()
    %dot_general3A_116 = arith.constant dense<0.000000e+00> : vector<256x32x16xf32>
    %dot_general3A_117 = tpu.matmul %div3A_115, %concatenate3A_98, %dot_general3A_116 {dimension_numbers = #tpu.dot_dimension_numbers<[2], [1], [1], [2], [0, 0, 0, 1, 1, 2], [0], [0]>, transpose_lhs_hint = false} : vector<256x32x33xf32>, vector<256x33x16xf32>, vector<256x32x16xf32> -> vector<256x32x16xf32>
    "tpu.trace_stop"() : () -> ()
    %reshape3A_118 = vector.shape_cast %dot_general3A_117 : vector<256x32x16xf32> to vector<16x16x32x16xf32>
    %transpose3A_119 = tpu.transpose %reshape3A_118, [0, 2, 1, 3] : vector<16x16x32x16xf32> -> vector<16x32x16x16xf32>
    %reshape3A_120 = vector.shape_cast %transpose3A_119 : vector<16x32x16x16xf32> to vector<512x256xf32>
    %get3A_121 = arith.constant 0 : index
    %get3A_122 = arith.constant 0 : index
    %get3A_123 = vector.load %arg11[%get3A_121, %get3A_122] : memref<256x256xf32, #tpu.memory_space<vmem>>, vector<256x256xf32>
    %dot_general3A_124 = arith.constant dense<0.000000e+00> : vector<512x256xf32>
    %dot_general3A_125 = tpu.matmul %reshape3A_120, %get3A_123, %dot_general3A_124 {dimension_numbers = #tpu.dot_dimension_numbers<[1], [0], [0], [1], [0, 0, 1, 1], [], []>, transpose_lhs_hint = false} : vector<512x256xf32>, vector<256x256xf32>, vector<512x256xf32> -> vector<512x256xf32>
    %get3A_126 = arith.constant 0 : index
    %get3A_127 = arith.constant 0 : index
    %get3A_128 = vector.load %arg12[%get3A_126, %get3A_127] : memref<1x256xf32, #tpu.memory_space<vmem>>, vector<1x256xf32>
    %add3A_129 = vector.broadcast %get3A_128 : vector<1x256xf32> to vector<512x256xf32>
    %add3A_130 = arith.addf %dot_general3A_125, %add3A_129 : vector<512x256xf32>
    %get3A_131 = arith.constant 0 : index
    %get3A_132 = arith.constant 0 : index
    %get3A_133 = vector.load %arg13[%get3A_131, %get3A_132] : memref<1x256xf32, #tpu.memory_space<vmem>>, vector<1x256xf32>
    %mul3A_134 = vector.broadcast %get3A_133 : vector<1x256xf32> to vector<512x256xf32>
    %mul3A_135 = arith.mulf %mul3A_134, %add3A_130 : vector<512x256xf32>
    %add3A_136 = arith.addf %get3A_9, %mul3A_135 : vector<512x256xf32>
    %swap3A = arith.constant 0 : index
    %swap3A_137 = arith.constant 0 : index
    %swap3A_138 = vector.load %arg16[%swap3A, %swap3A_137] : memref<512x256xf32, #tpu.memory_space<vmem>>, vector<512x256xf32>
    tpu.vector_store %arg16[%swap3A, %swap3A_137], %add3A_136 {strides = array<i32>} : memref<512x256xf32, #tpu.memory_space<vmem>>, vector<512x256xf32>,
    %get3A_139 = arith.constant 0 : index
    %get3A_140 = arith.constant 0 : index
    %get3A_141 = vector.load %arg14[%get3A_139, %get3A_140] : memref<256x512xf32, #tpu.memory_space<vmem>>, vector<256x512xf32>
    %dot_general3A_142 = arith.constant dense<0.000000e+00> : vector<512x512xf32>
    %dot_general3A_143 = tpu.matmul %add3A_136, %get3A_141, %dot_general3A_142 {dimension_numbers = #tpu.dot_dimension_numbers<[1], [0], [0], [1], [0, 0, 1, 1], [], []>, transpose_lhs_hint = false} : vector<512x256xf32>, vector<256x512xf32>, vector<512x512xf32> -> vector<512x512xf32>
    %get3A_144 = arith.constant 0 : index
    %get3A_145 = arith.constant 0 : index
    %get3A_146 = vector.load %arg15[%get3A_144, %get3A_145] : memref<1x512xf32, #tpu.memory_space<vmem>>, vector<1x512xf32>
    %add3A_147 = vector.broadcast %get3A_146 : vector<1x512xf32> to vector<512x512xf32>
    %add3A_148 = arith.addf %dot_general3A_143, %add3A_147 : vector<512x512xf32>
    %slice3A = vector.extract_strided_slice %add3A_148 {offsets = [0, 0], sizes = [512, 256], strides = [1, 1]} : vector<512x512xf32> to vector<512x256xf32>
    %reshape3A_149 = vector.shape_cast %slice3A : vector<512x256xf32> to vector<16x32x256xf32>
    %slice3A_150 = vector.extract_strided_slice %add3A_148 {offsets = [0, 256], sizes = [512, 256], strides = [1, 1]} : vector<512x512xf32> to vector<512x256xf32>
    %reshape3A_151 = vector.shape_cast %slice3A_150 : vector<512x256xf32> to vector<16x32x256xf32>
    %iota3A = tpu.iota {dimensions = array<i32: 0>} : vector<256x512xi32>
    %jit3A = arith.constant 16 : i32
    %div3A_152 = vector.broadcast %jit3A : i32 to vector<256x512xi32>
    %div3A_153 = arith.divsi %iota3A, %div3A_152 : vector<256x512xi32>
    %sign3A = arith.constant 0 : i32
    %sign3A_154 = vector.broadcast %sign3A : i32 to vector<256x512xi32>
    %sign3A_155 = arith.cmpi sgt, %iota3A, %sign3A_154 : vector<256x512xi32>
    %sign3A_156 = arith.extui %sign3A_155 : vector<256x512xi1> to vector<256x512xi32>
    %sign3A_157 = arith.constant 0 : i32
    %sign3A_158 = vector.broadcast %sign3A_157 : i32 to vector<256x512xi32>
    %sign3A_159 = arith.cmpi slt, %iota3A, %sign3A_158 : vector<256x512xi32>
    %sign3A_160 = arith.extui %sign3A_159 : vector<256x512xi1> to vector<256x512xi32>
    %sign3A_161 = arith.subi %sign3A_156, %sign3A_160 : vector<256x512xi32>
    %sign3A_162 = arith.constant 0 : i32
    %sign3A_163 = arith.cmpi sgt, %jit3A, %sign3A_162 : i32
    %sign3A_164 = arith.extui %sign3A_163 : i1 to i32
    %sign3A_165 = arith.constant 0 : i32
    %sign3A_166 = arith.cmpi slt, %jit3A, %sign3A_165 : i32
    %sign3A_167 = arith.extui %sign3A_166 : i1 to i32
    %sign3A_168 = arith.subi %sign3A_164, %sign3A_167 : i32
    %ne3A = vector.broadcast %sign3A_168 : i32 to vector<256x512xi32>
    %ne3A_169 = arith.cmpi ne, %sign3A_161, %ne3A : vector<256x512xi32>
    %rem3A = vector.broadcast %jit3A : i32 to vector<256x512xi32>
    %rem3A_170 = arith.remsi %iota3A, %rem3A : vector<256x512xi32>
    %ne3A_171 = arith.constant 0 : i32
    %ne3A_172 = vector.broadcast %ne3A_171 : i32 to vector<256x512xi32>
    %ne3A_173 = arith.cmpi ne, %rem3A_170, %ne3A_172 : vector<256x512xi32>
    %and3A = arith.andi %ne3A_169, %ne3A_173 : vector<256x512xi1>
    %sub3A_174 = arith.constant 1 : i32
    %sub3A_175 = vector.broadcast %sub3A_174 : i32 to vector<256x512xi32>
    %sub3A_176 = arith.subi %div3A_153, %sub3A_175 : vector<256x512xi32>
    %select_n3A = arith.select %and3A, %sub3A_176, %div3A_153 : vector<256x512xi1>, vector<256x512xi32>
    %iota3A_177 = tpu.iota {dimensions = array<i32: 1>} : vector<256x512xi32>
    %jit3A_178 = arith.constant 32 : i32
    %div3A_179 = vector.broadcast %jit3A_178 : i32 to vector<256x512xi32>
    %div3A_180 = arith.divsi %iota3A_177, %div3A_179 : vector<256x512xi32>
    %sign3A_181 = arith.constant 0 : i32
    %sign3A_182 = vector.broadcast %sign3A_181 : i32 to vector<256x512xi32>
    %sign3A_183 = arith.cmpi sgt, %iota3A_177, %sign3A_182 : vector<256x512xi32>
    %sign3A_184 = arith.extui %sign3A_183 : vector<256x512xi1> to vector<256x512xi32>
    %sign3A_185 = arith.constant 0 : i32
    %sign3A_186 = vector.broadcast %sign3A_185 : i32 to vector<256x512xi32>
    %sign3A_187 = arith.cmpi slt, %iota3A_177, %sign3A_186 : vector<256x512xi32>
    %sign3A_188 = arith.extui %sign3A_187 : vector<256x512xi1> to vector<256x512xi32>
    %sign3A_189 = arith.subi %sign3A_184, %sign3A_188 : vector<256x512xi32>
    %sign3A_190 = arith.constant 0 : i32
    %sign3A_191 = arith.cmpi sgt, %jit3A_178, %sign3A_190 : i32
    %sign3A_192 = arith.extui %sign3A_191 : i1 to i32
    %sign3A_193 = arith.constant 0 : i32
    %sign3A_194 = arith.cmpi slt, %jit3A_178, %sign3A_193 : i32
    %sign3A_195 = arith.extui %sign3A_194 : i1 to i32
    %sign3A_196 = arith.subi %sign3A_192, %sign3A_195 : i32
    %ne3A_197 = vector.broadcast %sign3A_196 : i32 to vector<256x512xi32>
    %ne3A_198 = arith.cmpi ne, %sign3A_189, %ne3A_197 : vector<256x512xi32>
    %rem3A_199 = vector.broadcast %jit3A_178 : i32 to vector<256x512xi32>
    %rem3A_200 = arith.remsi %iota3A_177, %rem3A_199 : vector<256x512xi32>
    %ne3A_201 = arith.constant 0 : i32
    %ne3A_202 = vector.broadcast %ne3A_201 : i32 to vector<256x512xi32>
    %ne3A_203 = arith.cmpi ne, %rem3A_200, %ne3A_202 : vector<256x512xi32>
    %and3A_204 = arith.andi %ne3A_198, %ne3A_203 : vector<256x512xi1>
    %sub3A_205 = arith.constant 1 : i32
    %sub3A_206 = vector.broadcast %sub3A_205 : i32 to vector<256x512xi32>
    %sub3A_207 = arith.subi %div3A_180, %sub3A_206 : vector<256x512xi32>
    %select_n3A_208 = arith.select %and3A_204, %sub3A_207, %div3A_180 : vector<256x512xi1>, vector<256x512xi32>
    %eq3A = arith.cmpi eq, %select_n3A, %select_n3A_208 : vector<256x512xi32>
    %convert_element_type3A = arith.extui %eq3A : vector<256x512xi1> to vector<256x512xi32>
    %convert_element_type3A_209 = arith.sitofp %convert_element_type3A : vector<256x512xi32> to vector<256x512xf32>
    %transpose3A_210 = tpu.transpose %reshape3A_149, [0, 2, 1] : vector<16x32x256xf32> -> vector<16x256x32xf32>
    %tile3A = tpu.concatenate %transpose3A_210, %transpose3A_210, %transpose3A_210, %transpose3A_210, %transpose3A_210, %transpose3A_210, %transpose3A_210, %transpose3A_210, %transpose3A_210, %transpose3A_210, %transpose3A_210, %transpose3A_210, %transpose3A_210, %transpose3A_210, %transpose3A_210, %transpose3A_210 in 2 : vector<16x256x32xf32>, vector<16x256x32xf32>, vector<16x256x32xf32>, vector<16x256x32xf32>, vector<16x256x32xf32>, vector<16x256x32xf32>, vector<16x256x32xf32>, vector<16x256x32xf32>, vector<16x256x32xf32>, vector<16x256x32xf32>, vector<16x256x32xf32>, vector<16x256x32xf32>, vector<16x256x32xf32>, vector<16x256x32xf32>, vector<16x256x32xf32>, vector<16x256x32xf32> -> vector<16x256x512xf32>
    %broadcast_in_dim3A_211 = vector.shape_cast %convert_element_type3A_209 : vector<256x512xf32> to vector<1x256x512xf32>
    %mul3A_212 = vector.broadcast %broadcast_in_dim3A_211 : vector<1x256x512xf32> to vector<16x256x512xf32>
    %mul3A_213 = arith.mulf %tile3A, %mul3A_212 : vector<16x256x512xf32>
    %swap3A_214 = arith.constant 0 : index
    %swap3A_215 = arith.constant 0 : index
    %swap3A_216 = arith.constant 0 : index
    %swap3A_217 = vector.load %arg17[%swap3A_214, %swap3A_215, %swap3A_216] : memref<16x256x512xf32, #tpu.memory_space<vmem>>, vector<16x256x512xf32>
    tpu.vector_store %arg17[%swap3A_214, %swap3A_215, %swap3A_216], %mul3A_213 {strides = array<i32>} : memref<16x256x512xf32, #tpu.memory_space<vmem>>, vector<16x256x512xf32>,
    %iota3A_218 = tpu.iota {dimensions = array<i32: 1>} : vector<512x256xi32>
    %jit3A_219 = arith.constant 16 : i32
    %div3A_220 = vector.broadcast %jit3A_219 : i32 to vector<512x256xi32>
    %div3A_221 = arith.divsi %iota3A_218, %div3A_220 : vector<512x256xi32>
    %sign3A_222 = arith.constant 0 : i32
    %sign3A_223 = vector.broadcast %sign3A_222 : i32 to vector<512x256xi32>
    %sign3A_224 = arith.cmpi sgt, %iota3A_218, %sign3A_223 : vector<512x256xi32>
    %sign3A_225 = arith.extui %sign3A_224 : vector<512x256xi1> to vector<512x256xi32>
    %sign3A_226 = arith.constant 0 : i32
    %sign3A_227 = vector.broadcast %sign3A_226 : i32 to vector<512x256xi32>
    %sign3A_228 = arith.cmpi slt, %iota3A_218, %sign3A_227 : vector<512x256xi32>
    %sign3A_229 = arith.extui %sign3A_228 : vector<512x256xi1> to vector<512x256xi32>
    %sign3A_230 = arith.subi %sign3A_225, %sign3A_229 : vector<512x256xi32>
    %sign3A_231 = arith.constant 0 : i32
    %sign3A_232 = arith.cmpi sgt, %jit3A_219, %sign3A_231 : i32
    %sign3A_233 = arith.extui %sign3A_232 : i1 to i32
    %sign3A_234 = arith.constant 0 : i32
    %sign3A_235 = arith.cmpi slt, %jit3A_219, %sign3A_234 : i32
    %sign3A_236 = arith.extui %sign3A_235 : i1 to i32
    %sign3A_237 = arith.subi %sign3A_233, %sign3A_236 : i32
    %ne3A_238 = vector.broadcast %sign3A_237 : i32 to vector<512x256xi32>
    %ne3A_239 = arith.cmpi ne, %sign3A_230, %ne3A_238 : vector<512x256xi32>
    %rem3A_240 = vector.broadcast %jit3A_219 : i32 to vector<512x256xi32>
    %rem3A_241 = arith.remsi %iota3A_218, %rem3A_240 : vector<512x256xi32>
    %ne3A_242 = arith.constant 0 : i32
    %ne3A_243 = vector.broadcast %ne3A_242 : i32 to vector<512x256xi32>
    %ne3A_244 = arith.cmpi ne, %rem3A_241, %ne3A_243 : vector<512x256xi32>
    %and3A_245 = arith.andi %ne3A_239, %ne3A_244 : vector<512x256xi1>
    %sub3A_246 = arith.constant 1 : i32
    %sub3A_247 = vector.broadcast %sub3A_246 : i32 to vector<512x256xi32>
    %sub3A_248 = arith.subi %div3A_221, %sub3A_247 : vector<512x256xi32>
    %select_n3A_249 = arith.select %and3A_245, %sub3A_248, %div3A_221 : vector<512x256xi1>, vector<512x256xi32>
    %iota3A_250 = tpu.iota {dimensions = array<i32: 0>} : vector<512x256xi32>
    %jit3A_251 = arith.constant 32 : i32
    %div3A_252 = vector.broadcast %jit3A_251 : i32 to vector<512x256xi32>
    %div3A_253 = arith.divsi %iota3A_250, %div3A_252 : vector<512x256xi32>
    %sign3A_254 = arith.constant 0 : i32
    %sign3A_255 = vector.broadcast %sign3A_254 : i32 to vector<512x256xi32>
    %sign3A_256 = arith.cmpi sgt, %iota3A_250, %sign3A_255 : vector<512x256xi32>
    %sign3A_257 = arith.extui %sign3A_256 : vector<512x256xi1> to vector<512x256xi32>
    %sign3A_258 = arith.constant 0 : i32
    %sign3A_259 = vector.broadcast %sign3A_258 : i32 to vector<512x256xi32>
    %sign3A_260 = arith.cmpi slt, %iota3A_250, %sign3A_259 : vector<512x256xi32>
    %sign3A_261 = arith.extui %sign3A_260 : vector<512x256xi1> to vector<512x256xi32>
    %sign3A_262 = arith.subi %sign3A_257, %sign3A_261 : vector<512x256xi32>
    %sign3A_263 = arith.constant 0 : i32
    %sign3A_264 = arith.cmpi sgt, %jit3A_251, %sign3A_263 : i32
    %sign3A_265 = arith.extui %sign3A_264 : i1 to i32
    %sign3A_266 = arith.constant 0 : i32
    %sign3A_267 = arith.cmpi slt, %jit3A_251, %sign3A_266 : i32
    %sign3A_268 = arith.extui %sign3A_267 : i1 to i32
    %sign3A_269 = arith.subi %sign3A_265, %sign3A_268 : i32
    %ne3A_270 = vector.broadcast %sign3A_269 : i32 to vector<512x256xi32>
    %ne3A_271 = arith.cmpi ne, %sign3A_262, %ne3A_270 : vector<512x256xi32>
    %rem3A_272 = vector.broadcast %jit3A_251 : i32 to vector<512x256xi32>
    %rem3A_273 = arith.remsi %iota3A_250, %rem3A_272 : vector<512x256xi32>
    %ne3A_274 = arith.constant 0 : i32
    %ne3A_275 = vector.broadcast %ne3A_274 : i32 to vector<512x256xi32>
    %ne3A_276 = arith.cmpi ne, %rem3A_273, %ne3A_275 : vector<512x256xi32>
    %and3A_277 = arith.andi %ne3A_271, %ne3A_276 : vector<512x256xi1>
    %sub3A_278 = arith.constant 1 : i32
    %sub3A_279 = vector.broadcast %sub3A_278 : i32 to vector<512x256xi32>
    %sub3A_280 = arith.subi %div3A_253, %sub3A_279 : vector<512x256xi32>
    %select_n3A_281 = arith.select %and3A_277, %sub3A_280, %div3A_253 : vector<512x256xi1>, vector<512x256xi32>
    %eq3A_282 = arith.cmpi eq, %select_n3A_249, %select_n3A_281 : vector<512x256xi32>
    %convert_element_type3A_283 = arith.extui %eq3A_282 : vector<512x256xi1> to vector<512x256xi32>
    %convert_element_type3A_284 = arith.sitofp %convert_element_type3A_283 : vector<512x256xi32> to vector<512x256xf32>
    %tile3A_285 = tpu.concatenate %reshape3A_151, %reshape3A_151, %reshape3A_151, %reshape3A_151, %reshape3A_151, %reshape3A_151, %reshape3A_151, %reshape3A_151, %reshape3A_151, %reshape3A_151, %reshape3A_151, %reshape3A_151, %reshape3A_151, %reshape3A_151, %reshape3A_151, %reshape3A_151 in 1 : vector<16x32x256xf32>, vector<16x32x256xf32>, vector<16x32x256xf32>, vector<16x32x256xf32>, vector<16x32x256xf32>, vector<16x32x256xf32>, vector<16x32x256xf32>, vector<16x32x256xf32>, vector<16x32x256xf32>, vector<16x32x256xf32>, vector<16x32x256xf32>, vector<16x32x256xf32>, vector<16x32x256xf32>, vector<16x32x256xf32>, vector<16x32x256xf32>, vector<16x32x256xf32> -> vector<16x512x256xf32>
    %broadcast_in_dim3A_286 = vector.shape_cast %convert_element_type3A_284 : vector<512x256xf32> to vector<1x512x256xf32>
    %mul3A_287 = vector.broadcast %broadcast_in_dim3A_286 : vector<1x512x256xf32> to vector<16x512x256xf32>
    %mul3A_288 = arith.mulf %tile3A_285, %mul3A_287 : vector<16x512x256xf32>
    %swap3A_289 = arith.constant 0 : index
    %swap3A_290 = arith.constant 0 : index
    %swap3A_291 = arith.constant 0 : index
    %swap3A_292 = vector.load %arg18[%swap3A_289, %swap3A_290, %swap3A_291] : memref<16x512x256xf32, #tpu.memory_space<vmem>>, vector<16x512x256xf32>
    tpu.vector_store %arg18[%swap3A_289, %swap3A_290, %swap3A_291], %mul3A_288 {strides = array<i32>} : memref<16x512x256xf32, #tpu.memory_space<vmem>>, vector<16x512x256xf32>,
    return
  }
}

module attributes {stable_mosaic.version = 14 : i64} {
  func.func @_xattn_body(%arg0: i32, %arg1: memref<10x16xi32, #tpu.memory_space<smem>>, %arg2: memref<1000x256xf32, #tpu.memory_space<vmem>>, %arg3: memref<1000x16xf32, #tpu.memory_space<vmem>>, %arg4: memref<16x256x512xf32, #tpu.memory_space<vmem>>, %arg5: memref<16x512x256xf32, #tpu.memory_space<vmem>>, %arg6: memref<1x256xf32, #tpu.memory_space<vmem>>, %arg7: memref<1x256xf32, #tpu.memory_space<vmem>>, %arg8: memref<256x256xf32, #tpu.memory_space<vmem>>, %arg9: memref<1x256xf32, #tpu.memory_space<vmem>>, %arg10: memref<256x256xf32, #tpu.memory_space<vmem>>, %arg11: memref<1x256xf32, #tpu.memory_space<vmem>>, %arg12: memref<1x256xf32, #tpu.memory_space<vmem>>, %arg13: memref<1x256xf32, #tpu.memory_space<vmem>>, %arg14: memref<1x256xf32, #tpu.memory_space<vmem>>, %arg15: memref<256x1024xf32, #tpu.memory_space<vmem>>, %arg16: memref<1x1024xf32, #tpu.memory_space<vmem>>, %arg17: memref<1x1024xf32, #tpu.memory_space<vmem>>, %arg18: memref<1x1024xf32, #tpu.memory_space<vmem>>, %arg19: memref<1024x256xf32, #tpu.memory_space<vmem>>, %arg20: memref<1x256xf32, #tpu.memory_space<vmem>>, %arg21: memref<1000x256xf32, #tpu.memory_space<vmem>>, %arg22: memref<1000x512xf32, #tpu.memory_space<vmem>>, %arg23: memref<1000x256xf32, #tpu.memory_space<vmem>>) attributes {dimension_semantics = [#tpu.dimension_semantics<arbitrary>], iteration_bounds = array<i64: 10>, scalar_prefetch = 0 : i64, scratch_operands = 2 : i64, tpu.core_type = #tpu.core_type<tc>, window_params = [{transform_indices = @transform_0, window_bounds = array<i64: 10, 16>}, {transform_indices = @transform_1, window_bounds = array<i64: 1000, 256>}, {transform_indices = @transform_2, window_bounds = array<i64: 1000, 16>}, {pipeline_mode = #tpu.pipeline_mode<synchronous>, transform_indices = @transform_3, window_bounds = array<i64: 16, 256, 512>}, {pipeline_mode = #tpu.pipeline_mode<synchronous>, transform_indices = @transform_4, window_bounds = array<i64: 16, 512, 256>}, {pipeline_mode = #tpu.pipeline_mode<synchronous>, transform_indices = @transform_5, window_bounds = array<i64: 1, 256>}, {pipeline_mode = #tpu.pipeline_mode<synchronous>, transform_indices = @transform_6, window_bounds = array<i64: 1, 256>}, {pipeline_mode = #tpu.pipeline_mode<synchronous>, transform_indices = @transform_7, window_bounds = array<i64: 256, 256>}, {pipeline_mode = #tpu.pipeline_mode<synchronous>, transform_indices = @transform_8, window_bounds = array<i64: 1, 256>}, {pipeline_mode = #tpu.pipeline_mode<synchronous>, transform_indices = @transform_9, window_bounds = array<i64: 256, 256>}, {pipeline_mode = #tpu.pipeline_mode<synchronous>, transform_indices = @transform_10, window_bounds = array<i64: 1, 256>}, {pipeline_mode = #tpu.pipeline_mode<synchronous>, transform_indices = @transform_11, window_bounds = array<i64: 1, 256>}, {pipeline_mode = #tpu.pipeline_mode<synchronous>, transform_indices = @transform_12, window_bounds = array<i64: 1, 256>}, {pipeline_mode = #tpu.pipeline_mode<synchronous>, transform_indices = @transform_13, window_bounds = array<i64: 1, 256>}, {pipeline_mode = #tpu.pipeline_mode<synchronous>, transform_indices = @transform_14, window_bounds = array<i64: 256, 1024>}, {pipeline_mode = #tpu.pipeline_mode<synchronous>, transform_indices = @transform_15, window_bounds = array<i64: 1, 1024>}, {pipeline_mode = #tpu.pipeline_mode<synchronous>, transform_indices = @transform_16, window_bounds = array<i64: 1, 1024>}, {pipeline_mode = #tpu.pipeline_mode<synchronous>, transform_indices = @transform_17, window_bounds = array<i64: 1, 1024>}, {pipeline_mode = #tpu.pipeline_mode<synchronous>, transform_indices = @transform_18, window_bounds = array<i64: 1024, 256>}, {pipeline_mode = #tpu.pipeline_mode<synchronous>, transform_indices = @transform_19, window_bounds = array<i64: 1, 256>}, {transform_indices = @transform_20, window_bounds = array<i64: 1000, 256>}]} {
    %get3A = arith.constant 0 : index
    %get3A_0 = arith.constant 0 : index
    %get3A_1 = vector.load %arg2[%get3A, %get3A_0] : memref<1000x256xf32, #tpu.memory_space<vmem>>, vector<1000x256xf32>
    %get3A_2 = arith.constant 0 : index
    %get3A_3 = arith.constant 0 : index
    %get3A_4 = vector.load %arg6[%get3A_2, %get3A_3] : memref<1x256xf32, #tpu.memory_space<vmem>>, vector<1x256xf32>
    %get3A_5 = arith.constant 0 : index
    %get3A_6 = arith.constant 0 : index
    %get3A_7 = vector.load %arg7[%get3A_5, %get3A_6] : memref<1x256xf32, #tpu.memory_space<vmem>>, vector<1x256xf32>
    %reduce_sum3A = arith.constant dense<0.000000e+00> : vector<1000xf32>
    %reduce_sum3A_8 = vector.multi_reduction <add>, %get3A_1, %reduce_sum3A [1] : vector<1000x256xf32> to vector<1000xf32>
    %broadcast_in_dim3A = vector.shape_cast %reduce_sum3A_8 : vector<1000xf32> to vector<1000x1xf32>
    %div3A = arith.constant 2.560000e+02 : f32
    %div3A_9 = vector.broadcast %div3A : f32 to vector<1000x1xf32>
    %div3A_10 = arith.divf %broadcast_in_dim3A, %div3A_9 : vector<1000x1xf32>
    %sub3A = vector.broadcast %div3A_10 : vector<1000x1xf32> to vector<1000x256xf32>
    %sub3A_11 = arith.subf %get3A_1, %sub3A : vector<1000x256xf32>
    %integer_pow3A = arith.mulf %sub3A_11, %sub3A_11 : vector<1000x256xf32>
    %reduce_sum3A_12 = arith.constant dense<0.000000e+00> : vector<1000xf32>
    %reduce_sum3A_13 = vector.multi_reduction <add>, %integer_pow3A, %reduce_sum3A_12 [1] : vector<1000x256xf32> to vector<1000xf32>
    %broadcast_in_dim3A_14 = vector.shape_cast %reduce_sum3A_13 : vector<1000xf32> to vector<1000x1xf32>
    %div3A_15 = arith.constant 2.560000e+02 : f32
    %div3A_16 = vector.broadcast %div3A_15 : f32 to vector<1000x1xf32>
    %div3A_17 = arith.divf %broadcast_in_dim3A_14, %div3A_16 : vector<1000x1xf32>
    %sub3A_18 = vector.broadcast %div3A_10 : vector<1000x1xf32> to vector<1000x256xf32>
    %sub3A_19 = arith.subf %get3A_1, %sub3A_18 : vector<1000x256xf32>
    %add3A = arith.constant 9.99999974E-6 : f32
    %add3A_20 = vector.broadcast %add3A : f32 to vector<1000x1xf32>
    %add3A_21 = arith.addf %div3A_17, %add3A_20 : vector<1000x1xf32>
    %sqrt3A = math.sqrt %add3A_21 : vector<1000x1xf32>
    %div3A_22 = vector.broadcast %sqrt3A : vector<1000x1xf32> to vector<1000x256xf32>
    %div3A_23 = arith.divf %sub3A_19, %div3A_22 : vector<1000x256xf32>
    %mul3A = vector.broadcast %get3A_4 : vector<1x256xf32> to vector<1000x256xf32>
    %mul3A_24 = arith.mulf %div3A_23, %mul3A : vector<1000x256xf32>
    %add3A_25 = vector.broadcast %get3A_7 : vector<1x256xf32> to vector<1000x256xf32>
    %add3A_26 = arith.addf %mul3A_24, %add3A_25 : vector<1000x256xf32>
    %get3A_27 = arith.constant 0 : index
    %get3A_28 = arith.constant 0 : index
    %get3A_29 = vector.load %arg8[%get3A_27, %get3A_28] : memref<256x256xf32, #tpu.memory_space<vmem>>, vector<256x256xf32>
    %dot_general3A = arith.constant dense<0.000000e+00> : vector<1000x256xf32>
    %dot_general3A_30 = tpu.matmul %add3A_26, %get3A_29, %dot_general3A {dimension_numbers = #tpu.dot_dimension_numbers<[1], [0], [0], [1], [0, 0, 1, 1], [], []>, transpose_lhs_hint = false} : vector<1000x256xf32>, vector<256x256xf32>, vector<1000x256xf32> -> vector<1000x256xf32>
    %get3A_31 = arith.constant 0 : index
    %get3A_32 = arith.constant 0 : index
    %get3A_33 = vector.load %arg9[%get3A_31, %get3A_32] : memref<1x256xf32, #tpu.memory_space<vmem>>, vector<1x256xf32>
    %add3A_34 = vector.broadcast %get3A_33 : vector<1x256xf32> to vector<1000x256xf32>
    %add3A_35 = arith.addf %dot_general3A_30, %add3A_34 : vector<1000x256xf32>
    %broadcast_in_dim3A_36 = arith.constant 0.000000e+00 : f32
    %broadcast_in_dim3A_37 = vector.broadcast %broadcast_in_dim3A_36 : f32 to vector<1000x512xf32>
    %swap3A = arith.constant 0 : index
    %swap3A_38 = arith.constant 0 : index
    %swap3A_39 = vector.load %arg22[%swap3A, %swap3A_38] : memref<1000x512xf32, #tpu.memory_space<vmem>>, vector<1000x512xf32>
    tpu.vector_store %arg22[%swap3A, %swap3A_38], %broadcast_in_dim3A_37 {strides = array<i32>} : memref<1000x512xf32, #tpu.memory_space<vmem>>, vector<1000x512xf32>,
    %get3A_40 = arith.index_cast %arg0 : i32 to index
    %get3A_41 = arith.constant 0 : index
    %get3A_42 = memref.load %arg1[%get3A_40, %get3A_41] : memref<10x16xi32, #tpu.memory_space<smem>>
    %gt3A = arith.constant 0 : i32
    %gt3A_43 = arith.cmpi sgt, %get3A_42, %gt3A : i32
    %convert_element_type3A = arith.extui %gt3A_43 : i1 to i32
    %cond3A = arith.constant 0 : i32
    %cond3A_44 = arith.cmpi ne, %convert_element_type3A, %cond3A : i32
    scf.if %cond3A_44 {
      %get3A_476 = arith.constant 0 : index
      %get3A_477 = arith.constant 0 : index
      %get3A_478 = vector.load %arg3[%get3A_476, %get3A_477] : memref<1000x16xf32, #tpu.memory_space<vmem>>, vector<1000x1xf32>
      %get3A_479 = arith.constant 0 : index
      %get3A_480 = arith.constant 0 : index
      %get3A_481 = arith.constant 0 : index
      %get3A_482 = vector.load %arg4[%get3A_479, %get3A_480, %get3A_481] : memref<16x256x512xf32, #tpu.memory_space<vmem>>, vector<1x256x512xf32>
      %get3A_483 = vector.shape_cast %get3A_482 : vector<1x256x512xf32> to vector<256x512xf32>
      %dot_general3A_484 = arith.constant dense<0.000000e+00> : vector<1000x512xf32>
      %dot_general3A_485 = tpu.matmul %add3A_35, %get3A_483, %dot_general3A_484 {dimension_numbers = #tpu.dot_dimension_numbers<[1], [0], [0], [1], [0, 0, 1, 1], [], []>, transpose_lhs_hint = false} : vector<1000x256xf32>, vector<256x512xf32>, vector<1000x512xf32> -> vector<1000x512xf32>
      %get3A_486 = arith.constant 0 : index
      %get3A_487 = arith.constant 0 : index
      %get3A_488 = vector.load %arg22[%get3A_486, %get3A_487] : memref<1000x512xf32, #tpu.memory_space<vmem>>, vector<1000x512xf32>
      %mul3A_489 = vector.broadcast %get3A_478 : vector<1000x1xf32> to vector<1000x512xf32>
      %mul3A_490 = arith.mulf %dot_general3A_485, %mul3A_489 : vector<1000x512xf32>
      %add3A_491 = arith.addf %get3A_488, %mul3A_490 : vector<1000x512xf32>
      %swap3A_492 = arith.constant 0 : index
      %swap3A_493 = arith.constant 0 : index
      %swap3A_494 = vector.load %arg22[%swap3A_492, %swap3A_493] : memref<1000x512xf32, #tpu.memory_space<vmem>>, vector<1000x512xf32>
      tpu.vector_store %arg22[%swap3A_492, %swap3A_493], %add3A_491 {strides = array<i32>} : memref<1000x512xf32, #tpu.memory_space<vmem>>, vector<1000x512xf32>,
    } else {
    }
    %get3A_45 = arith.index_cast %arg0 : i32 to index
    %get3A_46 = arith.constant 1 : index
    %get3A_47 = memref.load %arg1[%get3A_45, %get3A_46] : memref<10x16xi32, #tpu.memory_space<smem>>
    %gt3A_48 = arith.constant 0 : i32
    %gt3A_49 = arith.cmpi sgt, %get3A_47, %gt3A_48 : i32
    %convert_element_type3A_50 = arith.extui %gt3A_49 : i1 to i32
    %cond3A_51 = arith.constant 0 : i32
    %cond3A_52 = arith.cmpi ne, %convert_element_type3A_50, %cond3A_51 : i32
    scf.if %cond3A_52 {
      %get3A_476 = arith.constant 0 : index
      %get3A_477 = arith.constant 1 : index
      %get3A_478 = vector.load %arg3[%get3A_476, %get3A_477] : memref<1000x16xf32, #tpu.memory_space<vmem>>, vector<1000x1xf32>
      %get3A_479 = arith.constant 1 : index
      %get3A_480 = arith.constant 0 : index
      %get3A_481 = arith.constant 0 : index
      %get3A_482 = vector.load %arg4[%get3A_479, %get3A_480, %get3A_481] : memref<16x256x512xf32, #tpu.memory_space<vmem>>, vector<1x256x512xf32>
      %get3A_483 = vector.shape_cast %get3A_482 : vector<1x256x512xf32> to vector<256x512xf32>
      %dot_general3A_484 = arith.constant dense<0.000000e+00> : vector<1000x512xf32>
      %dot_general3A_485 = tpu.matmul %add3A_35, %get3A_483, %dot_general3A_484 {dimension_numbers = #tpu.dot_dimension_numbers<[1], [0], [0], [1], [0, 0, 1, 1], [], []>, transpose_lhs_hint = false} : vector<1000x256xf32>, vector<256x512xf32>, vector<1000x512xf32> -> vector<1000x512xf32>
      %get3A_486 = arith.constant 0 : index
      %get3A_487 = arith.constant 0 : index
      %get3A_488 = vector.load %arg22[%get3A_486, %get3A_487] : memref<1000x512xf32, #tpu.memory_space<vmem>>, vector<1000x512xf32>
      %mul3A_489 = vector.broadcast %get3A_478 : vector<1000x1xf32> to vector<1000x512xf32>
      %mul3A_490 = arith.mulf %dot_general3A_485, %mul3A_489 : vector<1000x512xf32>
      %add3A_491 = arith.addf %get3A_488, %mul3A_490 : vector<1000x512xf32>
      %swap3A_492 = arith.constant 0 : index
      %swap3A_493 = arith.constant 0 : index
      %swap3A_494 = vector.load %arg22[%swap3A_492, %swap3A_493] : memref<1000x512xf32, #tpu.memory_space<vmem>>, vector<1000x512xf32>
      tpu.vector_store %arg22[%swap3A_492, %swap3A_493], %add3A_491 {strides = array<i32>} : memref<1000x512xf32, #tpu.memory_space<vmem>>, vector<1000x512xf32>,
    } else {
    }
    %get3A_53 = arith.index_cast %arg0 : i32 to index
    %get3A_54 = arith.constant 2 : index
    %get3A_55 = memref.load %arg1[%get3A_53, %get3A_54] : memref<10x16xi32, #tpu.memory_space<smem>>
    %gt3A_56 = arith.constant 0 : i32
    %gt3A_57 = arith.cmpi sgt, %get3A_55, %gt3A_56 : i32
    %convert_element_type3A_58 = arith.extui %gt3A_57 : i1 to i32
    %cond3A_59 = arith.constant 0 : i32
    %cond3A_60 = arith.cmpi ne, %convert_element_type3A_58, %cond3A_59 : i32
    scf.if %cond3A_60 {
      %get3A_476 = arith.constant 0 : index
      %get3A_477 = arith.constant 2 : index
      %get3A_478 = vector.load %arg3[%get3A_476, %get3A_477] : memref<1000x16xf32, #tpu.memory_space<vmem>>, vector<1000x1xf32>
      %get3A_479 = arith.constant 2 : index
      %get3A_480 = arith.constant 0 : index
      %get3A_481 = arith.constant 0 : index
      %get3A_482 = vector.load %arg4[%get3A_479, %get3A_480, %get3A_481] : memref<16x256x512xf32, #tpu.memory_space<vmem>>, vector<1x256x512xf32>
      %get3A_483 = vector.shape_cast %get3A_482 : vector<1x256x512xf32> to vector<256x512xf32>
      %dot_general3A_484 = arith.constant dense<0.000000e+00> : vector<1000x512xf32>
      %dot_general3A_485 = tpu.matmul %add3A_35, %get3A_483, %dot_general3A_484 {dimension_numbers = #tpu.dot_dimension_numbers<[1], [0], [0], [1], [0, 0, 1, 1], [], []>, transpose_lhs_hint = false} : vector<1000x256xf32>, vector<256x512xf32>, vector<1000x512xf32> -> vector<1000x512xf32>
      %get3A_486 = arith.constant 0 : index
      %get3A_487 = arith.constant 0 : index
      %get3A_488 = vector.load %arg22[%get3A_486, %get3A_487] : memref<1000x512xf32, #tpu.memory_space<vmem>>, vector<1000x512xf32>
      %mul3A_489 = vector.broadcast %get3A_478 : vector<1000x1xf32> to vector<1000x512xf32>
      %mul3A_490 = arith.mulf %dot_general3A_485, %mul3A_489 : vector<1000x512xf32>
      %add3A_491 = arith.addf %get3A_488, %mul3A_490 : vector<1000x512xf32>
      %swap3A_492 = arith.constant 0 : index
      %swap3A_493 = arith.constant 0 : index
      %swap3A_494 = vector.load %arg22[%swap3A_492, %swap3A_493] : memref<1000x512xf32, #tpu.memory_space<vmem>>, vector<1000x512xf32>
      tpu.vector_store %arg22[%swap3A_492, %swap3A_493], %add3A_491 {strides = array<i32>} : memref<1000x512xf32, #tpu.memory_space<vmem>>, vector<1000x512xf32>,
    } else {
    }
    %get3A_61 = arith.index_cast %arg0 : i32 to index
    %get3A_62 = arith.constant 3 : index
    %get3A_63 = memref.load %arg1[%get3A_61, %get3A_62] : memref<10x16xi32, #tpu.memory_space<smem>>
    %gt3A_64 = arith.constant 0 : i32
    %gt3A_65 = arith.cmpi sgt, %get3A_63, %gt3A_64 : i32
    %convert_element_type3A_66 = arith.extui %gt3A_65 : i1 to i32
    %cond3A_67 = arith.constant 0 : i32
    %cond3A_68 = arith.cmpi ne, %convert_element_type3A_66, %cond3A_67 : i32
    scf.if %cond3A_68 {
      %get3A_476 = arith.constant 0 : index
      %get3A_477 = arith.constant 3 : index
      %get3A_478 = vector.load %arg3[%get3A_476, %get3A_477] : memref<1000x16xf32, #tpu.memory_space<vmem>>, vector<1000x1xf32>
      %get3A_479 = arith.constant 3 : index
      %get3A_480 = arith.constant 0 : index
      %get3A_481 = arith.constant 0 : index
      %get3A_482 = vector.load %arg4[%get3A_479, %get3A_480, %get3A_481] : memref<16x256x512xf32, #tpu.memory_space<vmem>>, vector<1x256x512xf32>
      %get3A_483 = vector.shape_cast %get3A_482 : vector<1x256x512xf32> to vector<256x512xf32>
      %dot_general3A_484 = arith.constant dense<0.000000e+00> : vector<1000x512xf32>
      %dot_general3A_485 = tpu.matmul %add3A_35, %get3A_483, %dot_general3A_484 {dimension_numbers = #tpu.dot_dimension_numbers<[1], [0], [0], [1], [0, 0, 1, 1], [], []>, transpose_lhs_hint = false} : vector<1000x256xf32>, vector<256x512xf32>, vector<1000x512xf32> -> vector<1000x512xf32>
      %get3A_486 = arith.constant 0 : index
      %get3A_487 = arith.constant 0 : index
      %get3A_488 = vector.load %arg22[%get3A_486, %get3A_487] : memref<1000x512xf32, #tpu.memory_space<vmem>>, vector<1000x512xf32>
      %mul3A_489 = vector.broadcast %get3A_478 : vector<1000x1xf32> to vector<1000x512xf32>
      %mul3A_490 = arith.mulf %dot_general3A_485, %mul3A_489 : vector<1000x512xf32>
      %add3A_491 = arith.addf %get3A_488, %mul3A_490 : vector<1000x512xf32>
      %swap3A_492 = arith.constant 0 : index
      %swap3A_493 = arith.constant 0 : index
      %swap3A_494 = vector.load %arg22[%swap3A_492, %swap3A_493] : memref<1000x512xf32, #tpu.memory_space<vmem>>, vector<1000x512xf32>
      tpu.vector_store %arg22[%swap3A_492, %swap3A_493], %add3A_491 {strides = array<i32>} : memref<1000x512xf32, #tpu.memory_space<vmem>>, vector<1000x512xf32>,
    } else {
    }
    %get3A_69 = arith.index_cast %arg0 : i32 to index
    %get3A_70 = arith.constant 4 : index
    %get3A_71 = memref.load %arg1[%get3A_69, %get3A_70] : memref<10x16xi32, #tpu.memory_space<smem>>
    %gt3A_72 = arith.constant 0 : i32
    %gt3A_73 = arith.cmpi sgt, %get3A_71, %gt3A_72 : i32
    %convert_element_type3A_74 = arith.extui %gt3A_73 : i1 to i32
    %cond3A_75 = arith.constant 0 : i32
    %cond3A_76 = arith.cmpi ne, %convert_element_type3A_74, %cond3A_75 : i32
    scf.if %cond3A_76 {
      %get3A_476 = arith.constant 0 : index
      %get3A_477 = arith.constant 4 : index
      %get3A_478 = vector.load %arg3[%get3A_476, %get3A_477] : memref<1000x16xf32, #tpu.memory_space<vmem>>, vector<1000x1xf32>
      %get3A_479 = arith.constant 4 : index
      %get3A_480 = arith.constant 0 : index
      %get3A_481 = arith.constant 0 : index
      %get3A_482 = vector.load %arg4[%get3A_479, %get3A_480, %get3A_481] : memref<16x256x512xf32, #tpu.memory_space<vmem>>, vector<1x256x512xf32>
      %get3A_483 = vector.shape_cast %get3A_482 : vector<1x256x512xf32> to vector<256x512xf32>
      %dot_general3A_484 = arith.constant dense<0.000000e+00> : vector<1000x512xf32>
      %dot_general3A_485 = tpu.matmul %add3A_35, %get3A_483, %dot_general3A_484 {dimension_numbers = #tpu.dot_dimension_numbers<[1], [0], [0], [1], [0, 0, 1, 1], [], []>, transpose_lhs_hint = false} : vector<1000x256xf32>, vector<256x512xf32>, vector<1000x512xf32> -> vector<1000x512xf32>
      %get3A_486 = arith.constant 0 : index
      %get3A_487 = arith.constant 0 : index
      %get3A_488 = vector.load %arg22[%get3A_486, %get3A_487] : memref<1000x512xf32, #tpu.memory_space<vmem>>, vector<1000x512xf32>
      %mul3A_489 = vector.broadcast %get3A_478 : vector<1000x1xf32> to vector<1000x512xf32>
      %mul3A_490 = arith.mulf %dot_general3A_485, %mul3A_489 : vector<1000x512xf32>
      %add3A_491 = arith.addf %get3A_488, %mul3A_490 : vector<1000x512xf32>
      %swap3A_492 = arith.constant 0 : index
      %swap3A_493 = arith.constant 0 : index
      %swap3A_494 = vector.load %arg22[%swap3A_492, %swap3A_493] : memref<1000x512xf32, #tpu.memory_space<vmem>>, vector<1000x512xf32>
      tpu.vector_store %arg22[%swap3A_492, %swap3A_493], %add3A_491 {strides = array<i32>} : memref<1000x512xf32, #tpu.memory_space<vmem>>, vector<1000x512xf32>,
    } else {
    }
    %get3A_77 = arith.index_cast %arg0 : i32 to index
    %get3A_78 = arith.constant 5 : index
    %get3A_79 = memref.load %arg1[%get3A_77, %get3A_78] : memref<10x16xi32, #tpu.memory_space<smem>>
    %gt3A_80 = arith.constant 0 : i32
    %gt3A_81 = arith.cmpi sgt, %get3A_79, %gt3A_80 : i32
    %convert_element_type3A_82 = arith.extui %gt3A_81 : i1 to i32
    %cond3A_83 = arith.constant 0 : i32
    %cond3A_84 = arith.cmpi ne, %convert_element_type3A_82, %cond3A_83 : i32
    scf.if %cond3A_84 {
      %get3A_476 = arith.constant 0 : index
      %get3A_477 = arith.constant 5 : index
      %get3A_478 = vector.load %arg3[%get3A_476, %get3A_477] : memref<1000x16xf32, #tpu.memory_space<vmem>>, vector<1000x1xf32>
      %get3A_479 = arith.constant 5 : index
      %get3A_480 = arith.constant 0 : index
      %get3A_481 = arith.constant 0 : index
      %get3A_482 = vector.load %arg4[%get3A_479, %get3A_480, %get3A_481] : memref<16x256x512xf32, #tpu.memory_space<vmem>>, vector<1x256x512xf32>
      %get3A_483 = vector.shape_cast %get3A_482 : vector<1x256x512xf32> to vector<256x512xf32>
      %dot_general3A_484 = arith.constant dense<0.000000e+00> : vector<1000x512xf32>
      %dot_general3A_485 = tpu.matmul %add3A_35, %get3A_483, %dot_general3A_484 {dimension_numbers = #tpu.dot_dimension_numbers<[1], [0], [0], [1], [0, 0, 1, 1], [], []>, transpose_lhs_hint = false} : vector<1000x256xf32>, vector<256x512xf32>, vector<1000x512xf32> -> vector<1000x512xf32>
      %get3A_486 = arith.constant 0 : index
      %get3A_487 = arith.constant 0 : index
      %get3A_488 = vector.load %arg22[%get3A_486, %get3A_487] : memref<1000x512xf32, #tpu.memory_space<vmem>>, vector<1000x512xf32>
      %mul3A_489 = vector.broadcast %get3A_478 : vector<1000x1xf32> to vector<1000x512xf32>
      %mul3A_490 = arith.mulf %dot_general3A_485, %mul3A_489 : vector<1000x512xf32>
      %add3A_491 = arith.addf %get3A_488, %mul3A_490 : vector<1000x512xf32>
      %swap3A_492 = arith.constant 0 : index
      %swap3A_493 = arith.constant 0 : index
      %swap3A_494 = vector.load %arg22[%swap3A_492, %swap3A_493] : memref<1000x512xf32, #tpu.memory_space<vmem>>, vector<1000x512xf32>
      tpu.vector_store %arg22[%swap3A_492, %swap3A_493], %add3A_491 {strides = array<i32>} : memref<1000x512xf32, #tpu.memory_space<vmem>>, vector<1000x512xf32>,
    } else {
    }
    %get3A_85 = arith.index_cast %arg0 : i32 to index
    %get3A_86 = arith.constant 6 : index
    %get3A_87 = memref.load %arg1[%get3A_85, %get3A_86] : memref<10x16xi32, #tpu.memory_space<smem>>
    %gt3A_88 = arith.constant 0 : i32
    %gt3A_89 = arith.cmpi sgt, %get3A_87, %gt3A_88 : i32
    %convert_element_type3A_90 = arith.extui %gt3A_89 : i1 to i32
    %cond3A_91 = arith.constant 0 : i32
    %cond3A_92 = arith.cmpi ne, %convert_element_type3A_90, %cond3A_91 : i32
    scf.if %cond3A_92 {
      %get3A_476 = arith.constant 0 : index
      %get3A_477 = arith.constant 6 : index
      %get3A_478 = vector.load %arg3[%get3A_476, %get3A_477] : memref<1000x16xf32, #tpu.memory_space<vmem>>, vector<1000x1xf32>
      %get3A_479 = arith.constant 6 : index
      %get3A_480 = arith.constant 0 : index
      %get3A_481 = arith.constant 0 : index
      %get3A_482 = vector.load %arg4[%get3A_479, %get3A_480, %get3A_481] : memref<16x256x512xf32, #tpu.memory_space<vmem>>, vector<1x256x512xf32>
      %get3A_483 = vector.shape_cast %get3A_482 : vector<1x256x512xf32> to vector<256x512xf32>
      %dot_general3A_484 = arith.constant dense<0.000000e+00> : vector<1000x512xf32>
      %dot_general3A_485 = tpu.matmul %add3A_35, %get3A_483, %dot_general3A_484 {dimension_numbers = #tpu.dot_dimension_numbers<[1], [0], [0], [1], [0, 0, 1, 1], [], []>, transpose_lhs_hint = false} : vector<1000x256xf32>, vector<256x512xf32>, vector<1000x512xf32> -> vector<1000x512xf32>
      %get3A_486 = arith.constant 0 : index
      %get3A_487 = arith.constant 0 : index
      %get3A_488 = vector.load %arg22[%get3A_486, %get3A_487] : memref<1000x512xf32, #tpu.memory_space<vmem>>, vector<1000x512xf32>
      %mul3A_489 = vector.broadcast %get3A_478 : vector<1000x1xf32> to vector<1000x512xf32>
      %mul3A_490 = arith.mulf %dot_general3A_485, %mul3A_489 : vector<1000x512xf32>
      %add3A_491 = arith.addf %get3A_488, %mul3A_490 : vector<1000x512xf32>
      %swap3A_492 = arith.constant 0 : index
      %swap3A_493 = arith.constant 0 : index
      %swap3A_494 = vector.load %arg22[%swap3A_492, %swap3A_493] : memref<1000x512xf32, #tpu.memory_space<vmem>>, vector<1000x512xf32>
      tpu.vector_store %arg22[%swap3A_492, %swap3A_493], %add3A_491 {strides = array<i32>} : memref<1000x512xf32, #tpu.memory_space<vmem>>, vector<1000x512xf32>,
    } else {
    }
    %get3A_93 = arith.index_cast %arg0 : i32 to index
    %get3A_94 = arith.constant 7 : index
    %get3A_95 = memref.load %arg1[%get3A_93, %get3A_94] : memref<10x16xi32, #tpu.memory_space<smem>>
    %gt3A_96 = arith.constant 0 : i32
    %gt3A_97 = arith.cmpi sgt, %get3A_95, %gt3A_96 : i32
    %convert_element_type3A_98 = arith.extui %gt3A_97 : i1 to i32
    %cond3A_99 = arith.constant 0 : i32
    %cond3A_100 = arith.cmpi ne, %convert_element_type3A_98, %cond3A_99 : i32
    scf.if %cond3A_100 {
      %get3A_476 = arith.constant 0 : index
      %get3A_477 = arith.constant 7 : index
      %get3A_478 = vector.load %arg3[%get3A_476, %get3A_477] : memref<1000x16xf32, #tpu.memory_space<vmem>>, vector<1000x1xf32>
      %get3A_479 = arith.constant 7 : index
      %get3A_480 = arith.constant 0 : index
      %get3A_481 = arith.constant 0 : index
      %get3A_482 = vector.load %arg4[%get3A_479, %get3A_480, %get3A_481] : memref<16x256x512xf32, #tpu.memory_space<vmem>>, vector<1x256x512xf32>
      %get3A_483 = vector.shape_cast %get3A_482 : vector<1x256x512xf32> to vector<256x512xf32>
      %dot_general3A_484 = arith.constant dense<0.000000e+00> : vector<1000x512xf32>
      %dot_general3A_485 = tpu.matmul %add3A_35, %get3A_483, %dot_general3A_484 {dimension_numbers = #tpu.dot_dimension_numbers<[1], [0], [0], [1], [0, 0, 1, 1], [], []>, transpose_lhs_hint = false} : vector<1000x256xf32>, vector<256x512xf32>, vector<1000x512xf32> -> vector<1000x512xf32>
      %get3A_486 = arith.constant 0 : index
      %get3A_487 = arith.constant 0 : index
      %get3A_488 = vector.load %arg22[%get3A_486, %get3A_487] : memref<1000x512xf32, #tpu.memory_space<vmem>>, vector<1000x512xf32>
      %mul3A_489 = vector.broadcast %get3A_478 : vector<1000x1xf32> to vector<1000x512xf32>
      %mul3A_490 = arith.mulf %dot_general3A_485, %mul3A_489 : vector<1000x512xf32>
      %add3A_491 = arith.addf %get3A_488, %mul3A_490 : vector<1000x512xf32>
      %swap3A_492 = arith.constant 0 : index
      %swap3A_493 = arith.constant 0 : index
      %swap3A_494 = vector.load %arg22[%swap3A_492, %swap3A_493] : memref<1000x512xf32, #tpu.memory_space<vmem>>, vector<1000x512xf32>
      tpu.vector_store %arg22[%swap3A_492, %swap3A_493], %add3A_491 {strides = array<i32>} : memref<1000x512xf32, #tpu.memory_space<vmem>>, vector<1000x512xf32>,
    } else {
    }
    %get3A_101 = arith.index_cast %arg0 : i32 to index
    %get3A_102 = arith.constant 8 : index
    %get3A_103 = memref.load %arg1[%get3A_101, %get3A_102] : memref<10x16xi32, #tpu.memory_space<smem>>
    %gt3A_104 = arith.constant 0 : i32
    %gt3A_105 = arith.cmpi sgt, %get3A_103, %gt3A_104 : i32
    %convert_element_type3A_106 = arith.extui %gt3A_105 : i1 to i32
    %cond3A_107 = arith.constant 0 : i32
    %cond3A_108 = arith.cmpi ne, %convert_element_type3A_106, %cond3A_107 : i32
    scf.if %cond3A_108 {
      %get3A_476 = arith.constant 0 : index
      %get3A_477 = arith.constant 8 : index
      %get3A_478 = vector.load %arg3[%get3A_476, %get3A_477] : memref<1000x16xf32, #tpu.memory_space<vmem>>, vector<1000x1xf32>
      %get3A_479 = arith.constant 8 : index
      %get3A_480 = arith.constant 0 : index
      %get3A_481 = arith.constant 0 : index
      %get3A_482 = vector.load %arg4[%get3A_479, %get3A_480, %get3A_481] : memref<16x256x512xf32, #tpu.memory_space<vmem>>, vector<1x256x512xf32>
      %get3A_483 = vector.shape_cast %get3A_482 : vector<1x256x512xf32> to vector<256x512xf32>
      %dot_general3A_484 = arith.constant dense<0.000000e+00> : vector<1000x512xf32>
      %dot_general3A_485 = tpu.matmul %add3A_35, %get3A_483, %dot_general3A_484 {dimension_numbers = #tpu.dot_dimension_numbers<[1], [0], [0], [1], [0, 0, 1, 1], [], []>, transpose_lhs_hint = false} : vector<1000x256xf32>, vector<256x512xf32>, vector<1000x512xf32> -> vector<1000x512xf32>
      %get3A_486 = arith.constant 0 : index
      %get3A_487 = arith.constant 0 : index
      %get3A_488 = vector.load %arg22[%get3A_486, %get3A_487] : memref<1000x512xf32, #tpu.memory_space<vmem>>, vector<1000x512xf32>
      %mul3A_489 = vector.broadcast %get3A_478 : vector<1000x1xf32> to vector<1000x512xf32>
      %mul3A_490 = arith.mulf %dot_general3A_485, %mul3A_489 : vector<1000x512xf32>
      %add3A_491 = arith.addf %get3A_488, %mul3A_490 : vector<1000x512xf32>
      %swap3A_492 = arith.constant 0 : index
      %swap3A_493 = arith.constant 0 : index
      %swap3A_494 = vector.load %arg22[%swap3A_492, %swap3A_493] : memref<1000x512xf32, #tpu.memory_space<vmem>>, vector<1000x512xf32>
      tpu.vector_store %arg22[%swap3A_492, %swap3A_493], %add3A_491 {strides = array<i32>} : memref<1000x512xf32, #tpu.memory_space<vmem>>, vector<1000x512xf32>,
    } else {
    }
    %get3A_109 = arith.index_cast %arg0 : i32 to index
    %get3A_110 = arith.constant 9 : index
    %get3A_111 = memref.load %arg1[%get3A_109, %get3A_110] : memref<10x16xi32, #tpu.memory_space<smem>>
    %gt3A_112 = arith.constant 0 : i32
    %gt3A_113 = arith.cmpi sgt, %get3A_111, %gt3A_112 : i32
    %convert_element_type3A_114 = arith.extui %gt3A_113 : i1 to i32
    %cond3A_115 = arith.constant 0 : i32
    %cond3A_116 = arith.cmpi ne, %convert_element_type3A_114, %cond3A_115 : i32
    scf.if %cond3A_116 {
      %get3A_476 = arith.constant 0 : index
      %get3A_477 = arith.constant 9 : index
      %get3A_478 = vector.load %arg3[%get3A_476, %get3A_477] : memref<1000x16xf32, #tpu.memory_space<vmem>>, vector<1000x1xf32>
      %get3A_479 = arith.constant 9 : index
      %get3A_480 = arith.constant 0 : index
      %get3A_481 = arith.constant 0 : index
      %get3A_482 = vector.load %arg4[%get3A_479, %get3A_480, %get3A_481] : memref<16x256x512xf32, #tpu.memory_space<vmem>>, vector<1x256x512xf32>
      %get3A_483 = vector.shape_cast %get3A_482 : vector<1x256x512xf32> to vector<256x512xf32>
      %dot_general3A_484 = arith.constant dense<0.000000e+00> : vector<1000x512xf32>
      %dot_general3A_485 = tpu.matmul %add3A_35, %get3A_483, %dot_general3A_484 {dimension_numbers = #tpu.dot_dimension_numbers<[1], [0], [0], [1], [0, 0, 1, 1], [], []>, transpose_lhs_hint = false} : vector<1000x256xf32>, vector<256x512xf32>, vector<1000x512xf32> -> vector<1000x512xf32>
      %get3A_486 = arith.constant 0 : index
      %get3A_487 = arith.constant 0 : index
      %get3A_488 = vector.load %arg22[%get3A_486, %get3A_487] : memref<1000x512xf32, #tpu.memory_space<vmem>>, vector<1000x512xf32>
      %mul3A_489 = vector.broadcast %get3A_478 : vector<1000x1xf32> to vector<1000x512xf32>
      %mul3A_490 = arith.mulf %dot_general3A_485, %mul3A_489 : vector<1000x512xf32>
      %add3A_491 = arith.addf %get3A_488, %mul3A_490 : vector<1000x512xf32>
      %swap3A_492 = arith.constant 0 : index
      %swap3A_493 = arith.constant 0 : index
      %swap3A_494 = vector.load %arg22[%swap3A_492, %swap3A_493] : memref<1000x512xf32, #tpu.memory_space<vmem>>, vector<1000x512xf32>
      tpu.vector_store %arg22[%swap3A_492, %swap3A_493], %add3A_491 {strides = array<i32>} : memref<1000x512xf32, #tpu.memory_space<vmem>>, vector<1000x512xf32>,
    } else {
    }
    %get3A_117 = arith.index_cast %arg0 : i32 to index
    %get3A_118 = arith.constant 10 : index
    %get3A_119 = memref.load %arg1[%get3A_117, %get3A_118] : memref<10x16xi32, #tpu.memory_space<smem>>
    %gt3A_120 = arith.constant 0 : i32
    %gt3A_121 = arith.cmpi sgt, %get3A_119, %gt3A_120 : i32
    %convert_element_type3A_122 = arith.extui %gt3A_121 : i1 to i32
    %cond3A_123 = arith.constant 0 : i32
    %cond3A_124 = arith.cmpi ne, %convert_element_type3A_122, %cond3A_123 : i32
    scf.if %cond3A_124 {
      %get3A_476 = arith.constant 0 : index
      %get3A_477 = arith.constant 10 : index
      %get3A_478 = vector.load %arg3[%get3A_476, %get3A_477] : memref<1000x16xf32, #tpu.memory_space<vmem>>, vector<1000x1xf32>
      %get3A_479 = arith.constant 10 : index
      %get3A_480 = arith.constant 0 : index
      %get3A_481 = arith.constant 0 : index
      %get3A_482 = vector.load %arg4[%get3A_479, %get3A_480, %get3A_481] : memref<16x256x512xf32, #tpu.memory_space<vmem>>, vector<1x256x512xf32>
      %get3A_483 = vector.shape_cast %get3A_482 : vector<1x256x512xf32> to vector<256x512xf32>
      %dot_general3A_484 = arith.constant dense<0.000000e+00> : vector<1000x512xf32>
      %dot_general3A_485 = tpu.matmul %add3A_35, %get3A_483, %dot_general3A_484 {dimension_numbers = #tpu.dot_dimension_numbers<[1], [0], [0], [1], [0, 0, 1, 1], [], []>, transpose_lhs_hint = false} : vector<1000x256xf32>, vector<256x512xf32>, vector<1000x512xf32> -> vector<1000x512xf32>
      %get3A_486 = arith.constant 0 : index
      %get3A_487 = arith.constant 0 : index
      %get3A_488 = vector.load %arg22[%get3A_486, %get3A_487] : memref<1000x512xf32, #tpu.memory_space<vmem>>, vector<1000x512xf32>
      %mul3A_489 = vector.broadcast %get3A_478 : vector<1000x1xf32> to vector<1000x512xf32>
      %mul3A_490 = arith.mulf %dot_general3A_485, %mul3A_489 : vector<1000x512xf32>
      %add3A_491 = arith.addf %get3A_488, %mul3A_490 : vector<1000x512xf32>
      %swap3A_492 = arith.constant 0 : index
      %swap3A_493 = arith.constant 0 : index
      %swap3A_494 = vector.load %arg22[%swap3A_492, %swap3A_493] : memref<1000x512xf32, #tpu.memory_space<vmem>>, vector<1000x512xf32>
      tpu.vector_store %arg22[%swap3A_492, %swap3A_493], %add3A_491 {strides = array<i32>} : memref<1000x512xf32, #tpu.memory_space<vmem>>, vector<1000x512xf32>,
    } else {
    }
    %get3A_125 = arith.index_cast %arg0 : i32 to index
    %get3A_126 = arith.constant 11 : index
    %get3A_127 = memref.load %arg1[%get3A_125, %get3A_126] : memref<10x16xi32, #tpu.memory_space<smem>>
    %gt3A_128 = arith.constant 0 : i32
    %gt3A_129 = arith.cmpi sgt, %get3A_127, %gt3A_128 : i32
    %convert_element_type3A_130 = arith.extui %gt3A_129 : i1 to i32
    %cond3A_131 = arith.constant 0 : i32
    %cond3A_132 = arith.cmpi ne, %convert_element_type3A_130, %cond3A_131 : i32
    scf.if %cond3A_132 {
      %get3A_476 = arith.constant 0 : index
      %get3A_477 = arith.constant 11 : index
      %get3A_478 = vector.load %arg3[%get3A_476, %get3A_477] : memref<1000x16xf32, #tpu.memory_space<vmem>>, vector<1000x1xf32>
      %get3A_479 = arith.constant 11 : index
      %get3A_480 = arith.constant 0 : index
      %get3A_481 = arith.constant 0 : index
      %get3A_482 = vector.load %arg4[%get3A_479, %get3A_480, %get3A_481] : memref<16x256x512xf32, #tpu.memory_space<vmem>>, vector<1x256x512xf32>
      %get3A_483 = vector.shape_cast %get3A_482 : vector<1x256x512xf32> to vector<256x512xf32>
      %dot_general3A_484 = arith.constant dense<0.000000e+00> : vector<1000x512xf32>
      %dot_general3A_485 = tpu.matmul %add3A_35, %get3A_483, %dot_general3A_484 {dimension_numbers = #tpu.dot_dimension_numbers<[1], [0], [0], [1], [0, 0, 1, 1], [], []>, transpose_lhs_hint = false} : vector<1000x256xf32>, vector<256x512xf32>, vector<1000x512xf32> -> vector<1000x512xf32>
      %get3A_486 = arith.constant 0 : index
      %get3A_487 = arith.constant 0 : index
      %get3A_488 = vector.load %arg22[%get3A_486, %get3A_487] : memref<1000x512xf32, #tpu.memory_space<vmem>>, vector<1000x512xf32>
      %mul3A_489 = vector.broadcast %get3A_478 : vector<1000x1xf32> to vector<1000x512xf32>
      %mul3A_490 = arith.mulf %dot_general3A_485, %mul3A_489 : vector<1000x512xf32>
      %add3A_491 = arith.addf %get3A_488, %mul3A_490 : vector<1000x512xf32>
      %swap3A_492 = arith.constant 0 : index
      %swap3A_493 = arith.constant 0 : index
      %swap3A_494 = vector.load %arg22[%swap3A_492, %swap3A_493] : memref<1000x512xf32, #tpu.memory_space<vmem>>, vector<1000x512xf32>
      tpu.vector_store %arg22[%swap3A_492, %swap3A_493], %add3A_491 {strides = array<i32>} : memref<1000x512xf32, #tpu.memory_space<vmem>>, vector<1000x512xf32>,
    } else {
    }
    %get3A_133 = arith.index_cast %arg0 : i32 to index
    %get3A_134 = arith.constant 12 : index
    %get3A_135 = memref.load %arg1[%get3A_133, %get3A_134] : memref<10x16xi32, #tpu.memory_space<smem>>
    %gt3A_136 = arith.constant 0 : i32
    %gt3A_137 = arith.cmpi sgt, %get3A_135, %gt3A_136 : i32
    %convert_element_type3A_138 = arith.extui %gt3A_137 : i1 to i32
    %cond3A_139 = arith.constant 0 : i32
    %cond3A_140 = arith.cmpi ne, %convert_element_type3A_138, %cond3A_139 : i32
    scf.if %cond3A_140 {
      %get3A_476 = arith.constant 0 : index
      %get3A_477 = arith.constant 12 : index
      %get3A_478 = vector.load %arg3[%get3A_476, %get3A_477] : memref<1000x16xf32, #tpu.memory_space<vmem>>, vector<1000x1xf32>
      %get3A_479 = arith.constant 12 : index
      %get3A_480 = arith.constant 0 : index
      %get3A_481 = arith.constant 0 : index
      %get3A_482 = vector.load %arg4[%get3A_479, %get3A_480, %get3A_481] : memref<16x256x512xf32, #tpu.memory_space<vmem>>, vector<1x256x512xf32>
      %get3A_483 = vector.shape_cast %get3A_482 : vector<1x256x512xf32> to vector<256x512xf32>
      %dot_general3A_484 = arith.constant dense<0.000000e+00> : vector<1000x512xf32>
      %dot_general3A_485 = tpu.matmul %add3A_35, %get3A_483, %dot_general3A_484 {dimension_numbers = #tpu.dot_dimension_numbers<[1], [0], [0], [1], [0, 0, 1, 1], [], []>, transpose_lhs_hint = false} : vector<1000x256xf32>, vector<256x512xf32>, vector<1000x512xf32> -> vector<1000x512xf32>
      %get3A_486 = arith.constant 0 : index
      %get3A_487 = arith.constant 0 : index
      %get3A_488 = vector.load %arg22[%get3A_486, %get3A_487] : memref<1000x512xf32, #tpu.memory_space<vmem>>, vector<1000x512xf32>
      %mul3A_489 = vector.broadcast %get3A_478 : vector<1000x1xf32> to vector<1000x512xf32>
      %mul3A_490 = arith.mulf %dot_general3A_485, %mul3A_489 : vector<1000x512xf32>
      %add3A_491 = arith.addf %get3A_488, %mul3A_490 : vector<1000x512xf32>
      %swap3A_492 = arith.constant 0 : index
      %swap3A_493 = arith.constant 0 : index
      %swap3A_494 = vector.load %arg22[%swap3A_492, %swap3A_493] : memref<1000x512xf32, #tpu.memory_space<vmem>>, vector<1000x512xf32>
      tpu.vector_store %arg22[%swap3A_492, %swap3A_493], %add3A_491 {strides = array<i32>} : memref<1000x512xf32, #tpu.memory_space<vmem>>, vector<1000x512xf32>,
    } else {
    }
    %get3A_141 = arith.index_cast %arg0 : i32 to index
    %get3A_142 = arith.constant 13 : index
    %get3A_143 = memref.load %arg1[%get3A_141, %get3A_142] : memref<10x16xi32, #tpu.memory_space<smem>>
    %gt3A_144 = arith.constant 0 : i32
    %gt3A_145 = arith.cmpi sgt, %get3A_143, %gt3A_144 : i32
    %convert_element_type3A_146 = arith.extui %gt3A_145 : i1 to i32
    %cond3A_147 = arith.constant 0 : i32
    %cond3A_148 = arith.cmpi ne, %convert_element_type3A_146, %cond3A_147 : i32
    scf.if %cond3A_148 {
      %get3A_476 = arith.constant 0 : index
      %get3A_477 = arith.constant 13 : index
      %get3A_478 = vector.load %arg3[%get3A_476, %get3A_477] : memref<1000x16xf32, #tpu.memory_space<vmem>>, vector<1000x1xf32>
      %get3A_479 = arith.constant 13 : index
      %get3A_480 = arith.constant 0 : index
      %get3A_481 = arith.constant 0 : index
      %get3A_482 = vector.load %arg4[%get3A_479, %get3A_480, %get3A_481] : memref<16x256x512xf32, #tpu.memory_space<vmem>>, vector<1x256x512xf32>
      %get3A_483 = vector.shape_cast %get3A_482 : vector<1x256x512xf32> to vector<256x512xf32>
      %dot_general3A_484 = arith.constant dense<0.000000e+00> : vector<1000x512xf32>
      %dot_general3A_485 = tpu.matmul %add3A_35, %get3A_483, %dot_general3A_484 {dimension_numbers = #tpu.dot_dimension_numbers<[1], [0], [0], [1], [0, 0, 1, 1], [], []>, transpose_lhs_hint = false} : vector<1000x256xf32>, vector<256x512xf32>, vector<1000x512xf32> -> vector<1000x512xf32>
      %get3A_486 = arith.constant 0 : index
      %get3A_487 = arith.constant 0 : index
      %get3A_488 = vector.load %arg22[%get3A_486, %get3A_487] : memref<1000x512xf32, #tpu.memory_space<vmem>>, vector<1000x512xf32>
      %mul3A_489 = vector.broadcast %get3A_478 : vector<1000x1xf32> to vector<1000x512xf32>
      %mul3A_490 = arith.mulf %dot_general3A_485, %mul3A_489 : vector<1000x512xf32>
      %add3A_491 = arith.addf %get3A_488, %mul3A_490 : vector<1000x512xf32>
      %swap3A_492 = arith.constant 0 : index
      %swap3A_493 = arith.constant 0 : index
      %swap3A_494 = vector.load %arg22[%swap3A_492, %swap3A_493] : memref<1000x512xf32, #tpu.memory_space<vmem>>, vector<1000x512xf32>
      tpu.vector_store %arg22[%swap3A_492, %swap3A_493], %add3A_491 {strides = array<i32>} : memref<1000x512xf32, #tpu.memory_space<vmem>>, vector<1000x512xf32>,
    } else {
    }
    %get3A_149 = arith.index_cast %arg0 : i32 to index
    %get3A_150 = arith.constant 14 : index
    %get3A_151 = memref.load %arg1[%get3A_149, %get3A_150] : memref<10x16xi32, #tpu.memory_space<smem>>
    %gt3A_152 = arith.constant 0 : i32
    %gt3A_153 = arith.cmpi sgt, %get3A_151, %gt3A_152 : i32
    %convert_element_type3A_154 = arith.extui %gt3A_153 : i1 to i32
    %cond3A_155 = arith.constant 0 : i32
    %cond3A_156 = arith.cmpi ne, %convert_element_type3A_154, %cond3A_155 : i32
    scf.if %cond3A_156 {
      %get3A_476 = arith.constant 0 : index
      %get3A_477 = arith.constant 14 : index
      %get3A_478 = vector.load %arg3[%get3A_476, %get3A_477] : memref<1000x16xf32, #tpu.memory_space<vmem>>, vector<1000x1xf32>
      %get3A_479 = arith.constant 14 : index
      %get3A_480 = arith.constant 0 : index
      %get3A_481 = arith.constant 0 : index
      %get3A_482 = vector.load %arg4[%get3A_479, %get3A_480, %get3A_481] : memref<16x256x512xf32, #tpu.memory_space<vmem>>, vector<1x256x512xf32>
      %get3A_483 = vector.shape_cast %get3A_482 : vector<1x256x512xf32> to vector<256x512xf32>
      %dot_general3A_484 = arith.constant dense<0.000000e+00> : vector<1000x512xf32>
      %dot_general3A_485 = tpu.matmul %add3A_35, %get3A_483, %dot_general3A_484 {dimension_numbers = #tpu.dot_dimension_numbers<[1], [0], [0], [1], [0, 0, 1, 1], [], []>, transpose_lhs_hint = false} : vector<1000x256xf32>, vector<256x512xf32>, vector<1000x512xf32> -> vector<1000x512xf32>
      %get3A_486 = arith.constant 0 : index
      %get3A_487 = arith.constant 0 : index
      %get3A_488 = vector.load %arg22[%get3A_486, %get3A_487] : memref<1000x512xf32, #tpu.memory_space<vmem>>, vector<1000x512xf32>
      %mul3A_489 = vector.broadcast %get3A_478 : vector<1000x1xf32> to vector<1000x512xf32>
      %mul3A_490 = arith.mulf %dot_general3A_485, %mul3A_489 : vector<1000x512xf32>
      %add3A_491 = arith.addf %get3A_488, %mul3A_490 : vector<1000x512xf32>
      %swap3A_492 = arith.constant 0 : index
      %swap3A_493 = arith.constant 0 : index
      %swap3A_494 = vector.load %arg22[%swap3A_492, %swap3A_493] : memref<1000x512xf32, #tpu.memory_space<vmem>>, vector<1000x512xf32>
      tpu.vector_store %arg22[%swap3A_492, %swap3A_493], %add3A_491 {strides = array<i32>} : memref<1000x512xf32, #tpu.memory_space<vmem>>, vector<1000x512xf32>,
    } else {
    }
    %get3A_157 = arith.index_cast %arg0 : i32 to index
    %get3A_158 = arith.constant 15 : index
    %get3A_159 = memref.load %arg1[%get3A_157, %get3A_158] : memref<10x16xi32, #tpu.memory_space<smem>>
    %gt3A_160 = arith.constant 0 : i32
    %gt3A_161 = arith.cmpi sgt, %get3A_159, %gt3A_160 : i32
    %convert_element_type3A_162 = arith.extui %gt3A_161 : i1 to i32
    %cond3A_163 = arith.constant 0 : i32
    %cond3A_164 = arith.cmpi ne, %convert_element_type3A_162, %cond3A_163 : i32
    scf.if %cond3A_164 {
      %get3A_476 = arith.constant 0 : index
      %get3A_477 = arith.constant 15 : index
      %get3A_478 = vector.load %arg3[%get3A_476, %get3A_477] : memref<1000x16xf32, #tpu.memory_space<vmem>>, vector<1000x1xf32>
      %get3A_479 = arith.constant 15 : index
      %get3A_480 = arith.constant 0 : index
      %get3A_481 = arith.constant 0 : index
      %get3A_482 = vector.load %arg4[%get3A_479, %get3A_480, %get3A_481] : memref<16x256x512xf32, #tpu.memory_space<vmem>>, vector<1x256x512xf32>
      %get3A_483 = vector.shape_cast %get3A_482 : vector<1x256x512xf32> to vector<256x512xf32>
      %dot_general3A_484 = arith.constant dense<0.000000e+00> : vector<1000x512xf32>
      %dot_general3A_485 = tpu.matmul %add3A_35, %get3A_483, %dot_general3A_484 {dimension_numbers = #tpu.dot_dimension_numbers<[1], [0], [0], [1], [0, 0, 1, 1], [], []>, transpose_lhs_hint = false} : vector<1000x256xf32>, vector<256x512xf32>, vector<1000x512xf32> -> vector<1000x512xf32>
      %get3A_486 = arith.constant 0 : index
      %get3A_487 = arith.constant 0 : index
      %get3A_488 = vector.load %arg22[%get3A_486, %get3A_487] : memref<1000x512xf32, #tpu.memory_space<vmem>>, vector<1000x512xf32>
      %mul3A_489 = vector.broadcast %get3A_478 : vector<1000x1xf32> to vector<1000x512xf32>
      %mul3A_490 = arith.mulf %dot_general3A_485, %mul3A_489 : vector<1000x512xf32>
      %add3A_491 = arith.addf %get3A_488, %mul3A_490 : vector<1000x512xf32>
      %swap3A_492 = arith.constant 0 : index
      %swap3A_493 = arith.constant 0 : index
      %swap3A_494 = vector.load %arg22[%swap3A_492, %swap3A_493] : memref<1000x512xf32, #tpu.memory_space<vmem>>, vector<1000x512xf32>
      tpu.vector_store %arg22[%swap3A_492, %swap3A_493], %add3A_491 {strides = array<i32>} : memref<1000x512xf32, #tpu.memory_space<vmem>>, vector<1000x512xf32>,
    } else {
    }
    %get3A_165 = arith.constant 0 : index
    %get3A_166 = arith.constant 0 : index
    %get3A_167 = vector.load %arg22[%get3A_165, %get3A_166] : memref<1000x512xf32, #tpu.memory_space<vmem>>, vector<1000x512xf32>
    %mul3A_168 = arith.constant 2.500000e-01 : f32
    %mul3A_169 = vector.broadcast %mul3A_168 : f32 to vector<1000x512xf32>
    %mul3A_170 = arith.mulf %get3A_167, %mul3A_169 : vector<1000x512xf32>
    %reduce_max3A = arith.constant dense<0xFF800000> : vector<1000xf32>
    %reduce_max3A_171 = vector.multi_reduction <maximumf>, %mul3A_170, %reduce_max3A [1] : vector<1000x512xf32> to vector<1000xf32>
    %broadcast_in_dim3A_172 = vector.shape_cast %reduce_max3A_171 : vector<1000xf32> to vector<1000x1xf32>
    %sub3A_173 = vector.broadcast %broadcast_in_dim3A_172 : vector<1000x1xf32> to vector<1000x512xf32>
    %sub3A_174 = arith.subf %mul3A_170, %sub3A_173 : vector<1000x512xf32>
    %exp3A = math.exp %sub3A_174 : vector<1000x512xf32>
    %iota3A = tpu.iota {dimensions = array<i32: 0>} : vector<512x16xi32>
    %jit3A = arith.constant 32 : i32
    %div3A_175 = vector.broadcast %jit3A : i32 to vector<512x16xi32>
    %div3A_176 = arith.divsi %iota3A, %div3A_175 : vector<512x16xi32>
    %sign3A = arith.constant 0 : i32
    %sign3A_177 = vector.broadcast %sign3A : i32 to vector<512x16xi32>
    %sign3A_178 = arith.cmpi sgt, %iota3A, %sign3A_177 : vector<512x16xi32>
    %sign3A_179 = arith.extui %sign3A_178 : vector<512x16xi1> to vector<512x16xi32>
    %sign3A_180 = arith.constant 0 : i32
    %sign3A_181 = vector.broadcast %sign3A_180 : i32 to vector<512x16xi32>
    %sign3A_182 = arith.cmpi slt, %iota3A, %sign3A_181 : vector<512x16xi32>
    %sign3A_183 = arith.extui %sign3A_182 : vector<512x16xi1> to vector<512x16xi32>
    %sign3A_184 = arith.subi %sign3A_179, %sign3A_183 : vector<512x16xi32>
    %sign3A_185 = arith.constant 0 : i32
    %sign3A_186 = arith.cmpi sgt, %jit3A, %sign3A_185 : i32
    %sign3A_187 = arith.extui %sign3A_186 : i1 to i32
    %sign3A_188 = arith.constant 0 : i32
    %sign3A_189 = arith.cmpi slt, %jit3A, %sign3A_188 : i32
    %sign3A_190 = arith.extui %sign3A_189 : i1 to i32
    %sign3A_191 = arith.subi %sign3A_187, %sign3A_190 : i32
    %ne3A = vector.broadcast %sign3A_191 : i32 to vector<512x16xi32>
    %ne3A_192 = arith.cmpi ne, %sign3A_184, %ne3A : vector<512x16xi32>
    %rem3A = vector.broadcast %jit3A : i32 to vector<512x16xi32>
    %rem3A_193 = arith.remsi %iota3A, %rem3A : vector<512x16xi32>
    %ne3A_194 = arith.constant 0 : i32
    %ne3A_195 = vector.broadcast %ne3A_194 : i32 to vector<512x16xi32>
    %ne3A_196 = arith.cmpi ne, %rem3A_193, %ne3A_195 : vector<512x16xi32>
    %and3A = arith.andi %ne3A_192, %ne3A_196 : vector<512x16xi1>
    %sub3A_197 = arith.constant 1 : i32
    %sub3A_198 = vector.broadcast %sub3A_197 : i32 to vector<512x16xi32>
    %sub3A_199 = arith.subi %div3A_176, %sub3A_198 : vector<512x16xi32>
    %select_n3A = arith.select %and3A, %sub3A_199, %div3A_176 : vector<512x16xi1>, vector<512x16xi32>
    %iota3A_200 = tpu.iota {dimensions = array<i32: 1>} : vector<512x16xi32>
    %eq3A = arith.cmpi eq, %select_n3A, %iota3A_200 : vector<512x16xi32>
    %convert_element_type3A_201 = arith.extui %eq3A : vector<512x16xi1> to vector<512x16xi32>
    %convert_element_type3A_202 = arith.sitofp %convert_element_type3A_201 : vector<512x16xi32> to vector<512x16xf32>
    %iota3A_203 = tpu.iota {dimensions = array<i32: 1>} : vector<16x512xi32>
    %jit3A_204 = arith.constant 32 : i32
    %div3A_205 = vector.broadcast %jit3A_204 : i32 to vector<16x512xi32>
    %div3A_206 = arith.divsi %iota3A_203, %div3A_205 : vector<16x512xi32>
    %sign3A_207 = arith.constant 0 : i32
    %sign3A_208 = vector.broadcast %sign3A_207 : i32 to vector<16x512xi32>
    %sign3A_209 = arith.cmpi sgt, %iota3A_203, %sign3A_208 : vector<16x512xi32>
    %sign3A_210 = arith.extui %sign3A_209 : vector<16x512xi1> to vector<16x512xi32>
    %sign3A_211 = arith.constant 0 : i32
    %sign3A_212 = vector.broadcast %sign3A_211 : i32 to vector<16x512xi32>
    %sign3A_213 = arith.cmpi slt, %iota3A_203, %sign3A_212 : vector<16x512xi32>
    %sign3A_214 = arith.extui %sign3A_213 : vector<16x512xi1> to vector<16x512xi32>
    %sign3A_215 = arith.subi %sign3A_210, %sign3A_214 : vector<16x512xi32>
    %sign3A_216 = arith.constant 0 : i32
    %sign3A_217 = arith.cmpi sgt, %jit3A_204, %sign3A_216 : i32
    %sign3A_218 = arith.extui %sign3A_217 : i1 to i32
    %sign3A_219 = arith.constant 0 : i32
    %sign3A_220 = arith.cmpi slt, %jit3A_204, %sign3A_219 : i32
    %sign3A_221 = arith.extui %sign3A_220 : i1 to i32
    %sign3A_222 = arith.subi %sign3A_218, %sign3A_221 : i32
    %ne3A_223 = vector.broadcast %sign3A_222 : i32 to vector<16x512xi32>
    %ne3A_224 = arith.cmpi ne, %sign3A_215, %ne3A_223 : vector<16x512xi32>
    %rem3A_225 = vector.broadcast %jit3A_204 : i32 to vector<16x512xi32>
    %rem3A_226 = arith.remsi %iota3A_203, %rem3A_225 : vector<16x512xi32>
    %ne3A_227 = arith.constant 0 : i32
    %ne3A_228 = vector.broadcast %ne3A_227 : i32 to vector<16x512xi32>
    %ne3A_229 = arith.cmpi ne, %rem3A_226, %ne3A_228 : vector<16x512xi32>
    %and3A_230 = arith.andi %ne3A_224, %ne3A_229 : vector<16x512xi1>
    %sub3A_231 = arith.constant 1 : i32
    %sub3A_232 = vector.broadcast %sub3A_231 : i32 to vector<16x512xi32>
    %sub3A_233 = arith.subi %div3A_206, %sub3A_232 : vector<16x512xi32>
    %select_n3A_234 = arith.select %and3A_230, %sub3A_233, %div3A_206 : vector<16x512xi1>, vector<16x512xi32>
    %iota3A_235 = tpu.iota {dimensions = array<i32: 0>} : vector<16x512xi32>
    %eq3A_236 = arith.cmpi eq, %select_n3A_234, %iota3A_235 : vector<16x512xi32>
    %convert_element_type3A_237 = arith.extui %eq3A_236 : vector<16x512xi1> to vector<16x512xi32>
    %convert_element_type3A_238 = arith.sitofp %convert_element_type3A_237 : vector<16x512xi32> to vector<16x512xf32>
    %dot_general3A_239 = arith.constant dense<0.000000e+00> : vector<1000x16xf32>
    %dot_general3A_240 = tpu.matmul %exp3A, %convert_element_type3A_202, %dot_general3A_239 {dimension_numbers = #tpu.dot_dimension_numbers<[1], [0], [0], [1], [0, 0, 1, 1], [], []>, transpose_lhs_hint = false} : vector<1000x512xf32>, vector<512x16xf32>, vector<1000x16xf32> -> vector<1000x16xf32>
    %dot_general3A_241 = arith.constant dense<0.000000e+00> : vector<1000x512xf32>
    %dot_general3A_242 = tpu.matmul %dot_general3A_240, %convert_element_type3A_238, %dot_general3A_241 {dimension_numbers = #tpu.dot_dimension_numbers<[1], [0], [0], [1], [0, 0, 1, 1], [], []>, transpose_lhs_hint = false} : vector<1000x16xf32>, vector<16x512xf32>, vector<1000x512xf32> -> vector<1000x512xf32>
    %div3A_243 = arith.divf %exp3A, %dot_general3A_242 : vector<1000x512xf32>
    %broadcast_in_dim3A_244 = arith.constant 0.000000e+00 : f32
    %broadcast_in_dim3A_245 = vector.broadcast %broadcast_in_dim3A_244 : f32 to vector<1000x256xf32>
    %swap3A_246 = arith.constant 0 : index
    %swap3A_247 = arith.constant 0 : index
    %swap3A_248 = vector.load %arg23[%swap3A_246, %swap3A_247] : memref<1000x256xf32, #tpu.memory_space<vmem>>, vector<1000x256xf32>
    tpu.vector_store %arg23[%swap3A_246, %swap3A_247], %broadcast_in_dim3A_245 {strides = array<i32>} : memref<1000x256xf32, #tpu.memory_space<vmem>>, vector<1000x256xf32>,
    %get3A_249 = arith.index_cast %arg0 : i32 to index
    %get3A_250 = arith.constant 0 : index
    %get3A_251 = memref.load %arg1[%get3A_249, %get3A_250] : memref<10x16xi32, #tpu.memory_space<smem>>
    %gt3A_252 = arith.constant 0 : i32
    %gt3A_253 = arith.cmpi sgt, %get3A_251, %gt3A_252 : i32
    %convert_element_type3A_254 = arith.extui %gt3A_253 : i1 to i32
    %cond3A_255 = arith.constant 0 : i32
    %cond3A_256 = arith.cmpi ne, %convert_element_type3A_254, %cond3A_255 : i32
    scf.if %cond3A_256 {
      %get3A_476 = arith.constant 0 : index
      %get3A_477 = arith.constant 0 : index
      %get3A_478 = vector.load %arg3[%get3A_476, %get3A_477] : memref<1000x16xf32, #tpu.memory_space<vmem>>, vector<1000x1xf32>
      %get3A_479 = arith.constant 0 : index
      %get3A_480 = arith.constant 0 : index
      %get3A_481 = vector.load %arg23[%get3A_479, %get3A_480] : memref<1000x256xf32, #tpu.memory_space<vmem>>, vector<1000x256xf32>
      %mul3A_482 = vector.broadcast %get3A_478 : vector<1000x1xf32> to vector<1000x512xf32>
      %mul3A_483 = arith.mulf %div3A_243, %mul3A_482 : vector<1000x512xf32>
      %get3A_484 = arith.constant 0 : index
      %get3A_485 = arith.constant 0 : index
      %get3A_486 = arith.constant 0 : index
      %get3A_487 = vector.load %arg5[%get3A_484, %get3A_485, %get3A_486] : memref<16x512x256xf32, #tpu.memory_space<vmem>>, vector<1x512x256xf32>
      %get3A_488 = vector.shape_cast %get3A_487 : vector<1x512x256xf32> to vector<512x256xf32>
      %dot_general3A_489 = arith.constant dense<0.000000e+00> : vector<1000x256xf32>
      %dot_general3A_490 = tpu.matmul %mul3A_483, %get3A_488, %dot_general3A_489 {dimension_numbers = #tpu.dot_dimension_numbers<[1], [0], [0], [1], [0, 0, 1, 1], [], []>, transpose_lhs_hint = false} : vector<1000x512xf32>, vector<512x256xf32>, vector<1000x256xf32> -> vector<1000x256xf32>
      %add3A_491 = arith.addf %get3A_481, %dot_general3A_490 : vector<1000x256xf32>
      %swap3A_492 = arith.constant 0 : index
      %swap3A_493 = arith.constant 0 : index
      %swap3A_494 = vector.load %arg23[%swap3A_492, %swap3A_493] : memref<1000x256xf32, #tpu.memory_space<vmem>>, vector<1000x256xf32>
      tpu.vector_store %arg23[%swap3A_492, %swap3A_493], %add3A_491 {strides = array<i32>} : memref<1000x256xf32, #tpu.memory_space<vmem>>, vector<1000x256xf32>,
    } else {
    }
    %get3A_257 = arith.index_cast %arg0 : i32 to index
    %get3A_258 = arith.constant 1 : index
    %get3A_259 = memref.load %arg1[%get3A_257, %get3A_258] : memref<10x16xi32, #tpu.memory_space<smem>>
    %gt3A_260 = arith.constant 0 : i32
    %gt3A_261 = arith.cmpi sgt, %get3A_259, %gt3A_260 : i32
    %convert_element_type3A_262 = arith.extui %gt3A_261 : i1 to i32
    %cond3A_263 = arith.constant 0 : i32
    %cond3A_264 = arith.cmpi ne, %convert_element_type3A_262, %cond3A_263 : i32
    scf.if %cond3A_264 {
      %get3A_476 = arith.constant 0 : index
      %get3A_477 = arith.constant 1 : index
      %get3A_478 = vector.load %arg3[%get3A_476, %get3A_477] : memref<1000x16xf32, #tpu.memory_space<vmem>>, vector<1000x1xf32>
      %get3A_479 = arith.constant 0 : index
      %get3A_480 = arith.constant 0 : index
      %get3A_481 = vector.load %arg23[%get3A_479, %get3A_480] : memref<1000x256xf32, #tpu.memory_space<vmem>>, vector<1000x256xf32>
      %mul3A_482 = vector.broadcast %get3A_478 : vector<1000x1xf32> to vector<1000x512xf32>
      %mul3A_483 = arith.mulf %div3A_243, %mul3A_482 : vector<1000x512xf32>
      %get3A_484 = arith.constant 1 : index
      %get3A_485 = arith.constant 0 : index
      %get3A_486 = arith.constant 0 : index
      %get3A_487 = vector.load %arg5[%get3A_484, %get3A_485, %get3A_486] : memref<16x512x256xf32, #tpu.memory_space<vmem>>, vector<1x512x256xf32>
      %get3A_488 = vector.shape_cast %get3A_487 : vector<1x512x256xf32> to vector<512x256xf32>
      %dot_general3A_489 = arith.constant dense<0.000000e+00> : vector<1000x256xf32>
      %dot_general3A_490 = tpu.matmul %mul3A_483, %get3A_488, %dot_general3A_489 {dimension_numbers = #tpu.dot_dimension_numbers<[1], [0], [0], [1], [0, 0, 1, 1], [], []>, transpose_lhs_hint = false} : vector<1000x512xf32>, vector<512x256xf32>, vector<1000x256xf32> -> vector<1000x256xf32>
      %add3A_491 = arith.addf %get3A_481, %dot_general3A_490 : vector<1000x256xf32>
      %swap3A_492 = arith.constant 0 : index
      %swap3A_493 = arith.constant 0 : index
      %swap3A_494 = vector.load %arg23[%swap3A_492, %swap3A_493] : memref<1000x256xf32, #tpu.memory_space<vmem>>, vector<1000x256xf32>
      tpu.vector_store %arg23[%swap3A_492, %swap3A_493], %add3A_491 {strides = array<i32>} : memref<1000x256xf32, #tpu.memory_space<vmem>>, vector<1000x256xf32>,
    } else {
    }
    %get3A_265 = arith.index_cast %arg0 : i32 to index
    %get3A_266 = arith.constant 2 : index
    %get3A_267 = memref.load %arg1[%get3A_265, %get3A_266] : memref<10x16xi32, #tpu.memory_space<smem>>
    %gt3A_268 = arith.constant 0 : i32
    %gt3A_269 = arith.cmpi sgt, %get3A_267, %gt3A_268 : i32
    %convert_element_type3A_270 = arith.extui %gt3A_269 : i1 to i32
    %cond3A_271 = arith.constant 0 : i32
    %cond3A_272 = arith.cmpi ne, %convert_element_type3A_270, %cond3A_271 : i32
    scf.if %cond3A_272 {
      %get3A_476 = arith.constant 0 : index
      %get3A_477 = arith.constant 2 : index
      %get3A_478 = vector.load %arg3[%get3A_476, %get3A_477] : memref<1000x16xf32, #tpu.memory_space<vmem>>, vector<1000x1xf32>
      %get3A_479 = arith.constant 0 : index
      %get3A_480 = arith.constant 0 : index
      %get3A_481 = vector.load %arg23[%get3A_479, %get3A_480] : memref<1000x256xf32, #tpu.memory_space<vmem>>, vector<1000x256xf32>
      %mul3A_482 = vector.broadcast %get3A_478 : vector<1000x1xf32> to vector<1000x512xf32>
      %mul3A_483 = arith.mulf %div3A_243, %mul3A_482 : vector<1000x512xf32>
      %get3A_484 = arith.constant 2 : index
      %get3A_485 = arith.constant 0 : index
      %get3A_486 = arith.constant 0 : index
      %get3A_487 = vector.load %arg5[%get3A_484, %get3A_485, %get3A_486] : memref<16x512x256xf32, #tpu.memory_space<vmem>>, vector<1x512x256xf32>
      %get3A_488 = vector.shape_cast %get3A_487 : vector<1x512x256xf32> to vector<512x256xf32>
      %dot_general3A_489 = arith.constant dense<0.000000e+00> : vector<1000x256xf32>
      %dot_general3A_490 = tpu.matmul %mul3A_483, %get3A_488, %dot_general3A_489 {dimension_numbers = #tpu.dot_dimension_numbers<[1], [0], [0], [1], [0, 0, 1, 1], [], []>, transpose_lhs_hint = false} : vector<1000x512xf32>, vector<512x256xf32>, vector<1000x256xf32> -> vector<1000x256xf32>
      %add3A_491 = arith.addf %get3A_481, %dot_general3A_490 : vector<1000x256xf32>
      %swap3A_492 = arith.constant 0 : index
      %swap3A_493 = arith.constant 0 : index
      %swap3A_494 = vector.load %arg23[%swap3A_492, %swap3A_493] : memref<1000x256xf32, #tpu.memory_space<vmem>>, vector<1000x256xf32>
      tpu.vector_store %arg23[%swap3A_492, %swap3A_493], %add3A_491 {strides = array<i32>} : memref<1000x256xf32, #tpu.memory_space<vmem>>, vector<1000x256xf32>,
    } else {
    }
    %get3A_273 = arith.index_cast %arg0 : i32 to index
    %get3A_274 = arith.constant 3 : index
    %get3A_275 = memref.load %arg1[%get3A_273, %get3A_274] : memref<10x16xi32, #tpu.memory_space<smem>>
    %gt3A_276 = arith.constant 0 : i32
    %gt3A_277 = arith.cmpi sgt, %get3A_275, %gt3A_276 : i32
    %convert_element_type3A_278 = arith.extui %gt3A_277 : i1 to i32
    %cond3A_279 = arith.constant 0 : i32
    %cond3A_280 = arith.cmpi ne, %convert_element_type3A_278, %cond3A_279 : i32
    scf.if %cond3A_280 {
      %get3A_476 = arith.constant 0 : index
      %get3A_477 = arith.constant 3 : index
      %get3A_478 = vector.load %arg3[%get3A_476, %get3A_477] : memref<1000x16xf32, #tpu.memory_space<vmem>>, vector<1000x1xf32>
      %get3A_479 = arith.constant 0 : index
      %get3A_480 = arith.constant 0 : index
      %get3A_481 = vector.load %arg23[%get3A_479, %get3A_480] : memref<1000x256xf32, #tpu.memory_space<vmem>>, vector<1000x256xf32>
      %mul3A_482 = vector.broadcast %get3A_478 : vector<1000x1xf32> to vector<1000x512xf32>
      %mul3A_483 = arith.mulf %div3A_243, %mul3A_482 : vector<1000x512xf32>
      %get3A_484 = arith.constant 3 : index
      %get3A_485 = arith.constant 0 : index
      %get3A_486 = arith.constant 0 : index
      %get3A_487 = vector.load %arg5[%get3A_484, %get3A_485, %get3A_486] : memref<16x512x256xf32, #tpu.memory_space<vmem>>, vector<1x512x256xf32>
      %get3A_488 = vector.shape_cast %get3A_487 : vector<1x512x256xf32> to vector<512x256xf32>
      %dot_general3A_489 = arith.constant dense<0.000000e+00> : vector<1000x256xf32>
      %dot_general3A_490 = tpu.matmul %mul3A_483, %get3A_488, %dot_general3A_489 {dimension_numbers = #tpu.dot_dimension_numbers<[1], [0], [0], [1], [0, 0, 1, 1], [], []>, transpose_lhs_hint = false} : vector<1000x512xf32>, vector<512x256xf32>, vector<1000x256xf32> -> vector<1000x256xf32>
      %add3A_491 = arith.addf %get3A_481, %dot_general3A_490 : vector<1000x256xf32>
      %swap3A_492 = arith.constant 0 : index
      %swap3A_493 = arith.constant 0 : index
      %swap3A_494 = vector.load %arg23[%swap3A_492, %swap3A_493] : memref<1000x256xf32, #tpu.memory_space<vmem>>, vector<1000x256xf32>
      tpu.vector_store %arg23[%swap3A_492, %swap3A_493], %add3A_491 {strides = array<i32>} : memref<1000x256xf32, #tpu.memory_space<vmem>>, vector<1000x256xf32>,
    } else {
    }
    %get3A_281 = arith.index_cast %arg0 : i32 to index
    %get3A_282 = arith.constant 4 : index
    %get3A_283 = memref.load %arg1[%get3A_281, %get3A_282] : memref<10x16xi32, #tpu.memory_space<smem>>
    %gt3A_284 = arith.constant 0 : i32
    %gt3A_285 = arith.cmpi sgt, %get3A_283, %gt3A_284 : i32
    %convert_element_type3A_286 = arith.extui %gt3A_285 : i1 to i32
    %cond3A_287 = arith.constant 0 : i32
    %cond3A_288 = arith.cmpi ne, %convert_element_type3A_286, %cond3A_287 : i32
    scf.if %cond3A_288 {
      %get3A_476 = arith.constant 0 : index
      %get3A_477 = arith.constant 4 : index
      %get3A_478 = vector.load %arg3[%get3A_476, %get3A_477] : memref<1000x16xf32, #tpu.memory_space<vmem>>, vector<1000x1xf32>
      %get3A_479 = arith.constant 0 : index
      %get3A_480 = arith.constant 0 : index
      %get3A_481 = vector.load %arg23[%get3A_479, %get3A_480] : memref<1000x256xf32, #tpu.memory_space<vmem>>, vector<1000x256xf32>
      %mul3A_482 = vector.broadcast %get3A_478 : vector<1000x1xf32> to vector<1000x512xf32>
      %mul3A_483 = arith.mulf %div3A_243, %mul3A_482 : vector<1000x512xf32>
      %get3A_484 = arith.constant 4 : index
      %get3A_485 = arith.constant 0 : index
      %get3A_486 = arith.constant 0 : index
      %get3A_487 = vector.load %arg5[%get3A_484, %get3A_485, %get3A_486] : memref<16x512x256xf32, #tpu.memory_space<vmem>>, vector<1x512x256xf32>
      %get3A_488 = vector.shape_cast %get3A_487 : vector<1x512x256xf32> to vector<512x256xf32>
      %dot_general3A_489 = arith.constant dense<0.000000e+00> : vector<1000x256xf32>
      %dot_general3A_490 = tpu.matmul %mul3A_483, %get3A_488, %dot_general3A_489 {dimension_numbers = #tpu.dot_dimension_numbers<[1], [0], [0], [1], [0, 0, 1, 1], [], []>, transpose_lhs_hint = false} : vector<1000x512xf32>, vector<512x256xf32>, vector<1000x256xf32> -> vector<1000x256xf32>
      %add3A_491 = arith.addf %get3A_481, %dot_general3A_490 : vector<1000x256xf32>
      %swap3A_492 = arith.constant 0 : index
      %swap3A_493 = arith.constant 0 : index
      %swap3A_494 = vector.load %arg23[%swap3A_492, %swap3A_493] : memref<1000x256xf32, #tpu.memory_space<vmem>>, vector<1000x256xf32>
      tpu.vector_store %arg23[%swap3A_492, %swap3A_493], %add3A_491 {strides = array<i32>} : memref<1000x256xf32, #tpu.memory_space<vmem>>, vector<1000x256xf32>,
    } else {
    }
    %get3A_289 = arith.index_cast %arg0 : i32 to index
    %get3A_290 = arith.constant 5 : index
    %get3A_291 = memref.load %arg1[%get3A_289, %get3A_290] : memref<10x16xi32, #tpu.memory_space<smem>>
    %gt3A_292 = arith.constant 0 : i32
    %gt3A_293 = arith.cmpi sgt, %get3A_291, %gt3A_292 : i32
    %convert_element_type3A_294 = arith.extui %gt3A_293 : i1 to i32
    %cond3A_295 = arith.constant 0 : i32
    %cond3A_296 = arith.cmpi ne, %convert_element_type3A_294, %cond3A_295 : i32
    scf.if %cond3A_296 {
      %get3A_476 = arith.constant 0 : index
      %get3A_477 = arith.constant 5 : index
      %get3A_478 = vector.load %arg3[%get3A_476, %get3A_477] : memref<1000x16xf32, #tpu.memory_space<vmem>>, vector<1000x1xf32>
      %get3A_479 = arith.constant 0 : index
      %get3A_480 = arith.constant 0 : index
      %get3A_481 = vector.load %arg23[%get3A_479, %get3A_480] : memref<1000x256xf32, #tpu.memory_space<vmem>>, vector<1000x256xf32>
      %mul3A_482 = vector.broadcast %get3A_478 : vector<1000x1xf32> to vector<1000x512xf32>
      %mul3A_483 = arith.mulf %div3A_243, %mul3A_482 : vector<1000x512xf32>
      %get3A_484 = arith.constant 5 : index
      %get3A_485 = arith.constant 0 : index
      %get3A_486 = arith.constant 0 : index
      %get3A_487 = vector.load %arg5[%get3A_484, %get3A_485, %get3A_486] : memref<16x512x256xf32, #tpu.memory_space<vmem>>, vector<1x512x256xf32>
      %get3A_488 = vector.shape_cast %get3A_487 : vector<1x512x256xf32> to vector<512x256xf32>
      %dot_general3A_489 = arith.constant dense<0.000000e+00> : vector<1000x256xf32>
      %dot_general3A_490 = tpu.matmul %mul3A_483, %get3A_488, %dot_general3A_489 {dimension_numbers = #tpu.dot_dimension_numbers<[1], [0], [0], [1], [0, 0, 1, 1], [], []>, transpose_lhs_hint = false} : vector<1000x512xf32>, vector<512x256xf32>, vector<1000x256xf32> -> vector<1000x256xf32>
      %add3A_491 = arith.addf %get3A_481, %dot_general3A_490 : vector<1000x256xf32>
      %swap3A_492 = arith.constant 0 : index
      %swap3A_493 = arith.constant 0 : index
      %swap3A_494 = vector.load %arg23[%swap3A_492, %swap3A_493] : memref<1000x256xf32, #tpu.memory_space<vmem>>, vector<1000x256xf32>
      tpu.vector_store %arg23[%swap3A_492, %swap3A_493], %add3A_491 {strides = array<i32>} : memref<1000x256xf32, #tpu.memory_space<vmem>>, vector<1000x256xf32>,
    } else {
    }
    %get3A_297 = arith.index_cast %arg0 : i32 to index
    %get3A_298 = arith.constant 6 : index
    %get3A_299 = memref.load %arg1[%get3A_297, %get3A_298] : memref<10x16xi32, #tpu.memory_space<smem>>
    %gt3A_300 = arith.constant 0 : i32
    %gt3A_301 = arith.cmpi sgt, %get3A_299, %gt3A_300 : i32
    %convert_element_type3A_302 = arith.extui %gt3A_301 : i1 to i32
    %cond3A_303 = arith.constant 0 : i32
    %cond3A_304 = arith.cmpi ne, %convert_element_type3A_302, %cond3A_303 : i32
    scf.if %cond3A_304 {
      %get3A_476 = arith.constant 0 : index
      %get3A_477 = arith.constant 6 : index
      %get3A_478 = vector.load %arg3[%get3A_476, %get3A_477] : memref<1000x16xf32, #tpu.memory_space<vmem>>, vector<1000x1xf32>
      %get3A_479 = arith.constant 0 : index
      %get3A_480 = arith.constant 0 : index
      %get3A_481 = vector.load %arg23[%get3A_479, %get3A_480] : memref<1000x256xf32, #tpu.memory_space<vmem>>, vector<1000x256xf32>
      %mul3A_482 = vector.broadcast %get3A_478 : vector<1000x1xf32> to vector<1000x512xf32>
      %mul3A_483 = arith.mulf %div3A_243, %mul3A_482 : vector<1000x512xf32>
      %get3A_484 = arith.constant 6 : index
      %get3A_485 = arith.constant 0 : index
      %get3A_486 = arith.constant 0 : index
      %get3A_487 = vector.load %arg5[%get3A_484, %get3A_485, %get3A_486] : memref<16x512x256xf32, #tpu.memory_space<vmem>>, vector<1x512x256xf32>
      %get3A_488 = vector.shape_cast %get3A_487 : vector<1x512x256xf32> to vector<512x256xf32>
      %dot_general3A_489 = arith.constant dense<0.000000e+00> : vector<1000x256xf32>
      %dot_general3A_490 = tpu.matmul %mul3A_483, %get3A_488, %dot_general3A_489 {dimension_numbers = #tpu.dot_dimension_numbers<[1], [0], [0], [1], [0, 0, 1, 1], [], []>, transpose_lhs_hint = false} : vector<1000x512xf32>, vector<512x256xf32>, vector<1000x256xf32> -> vector<1000x256xf32>
      %add3A_491 = arith.addf %get3A_481, %dot_general3A_490 : vector<1000x256xf32>
      %swap3A_492 = arith.constant 0 : index
      %swap3A_493 = arith.constant 0 : index
      %swap3A_494 = vector.load %arg23[%swap3A_492, %swap3A_493] : memref<1000x256xf32, #tpu.memory_space<vmem>>, vector<1000x256xf32>
      tpu.vector_store %arg23[%swap3A_492, %swap3A_493], %add3A_491 {strides = array<i32>} : memref<1000x256xf32, #tpu.memory_space<vmem>>, vector<1000x256xf32>,
    } else {
    }
    %get3A_305 = arith.index_cast %arg0 : i32 to index
    %get3A_306 = arith.constant 7 : index
    %get3A_307 = memref.load %arg1[%get3A_305, %get3A_306] : memref<10x16xi32, #tpu.memory_space<smem>>
    %gt3A_308 = arith.constant 0 : i32
    %gt3A_309 = arith.cmpi sgt, %get3A_307, %gt3A_308 : i32
    %convert_element_type3A_310 = arith.extui %gt3A_309 : i1 to i32
    %cond3A_311 = arith.constant 0 : i32
    %cond3A_312 = arith.cmpi ne, %convert_element_type3A_310, %cond3A_311 : i32
    scf.if %cond3A_312 {
      %get3A_476 = arith.constant 0 : index
      %get3A_477 = arith.constant 7 : index
      %get3A_478 = vector.load %arg3[%get3A_476, %get3A_477] : memref<1000x16xf32, #tpu.memory_space<vmem>>, vector<1000x1xf32>
      %get3A_479 = arith.constant 0 : index
      %get3A_480 = arith.constant 0 : index
      %get3A_481 = vector.load %arg23[%get3A_479, %get3A_480] : memref<1000x256xf32, #tpu.memory_space<vmem>>, vector<1000x256xf32>
      %mul3A_482 = vector.broadcast %get3A_478 : vector<1000x1xf32> to vector<1000x512xf32>
      %mul3A_483 = arith.mulf %div3A_243, %mul3A_482 : vector<1000x512xf32>
      %get3A_484 = arith.constant 7 : index
      %get3A_485 = arith.constant 0 : index
      %get3A_486 = arith.constant 0 : index
      %get3A_487 = vector.load %arg5[%get3A_484, %get3A_485, %get3A_486] : memref<16x512x256xf32, #tpu.memory_space<vmem>>, vector<1x512x256xf32>
      %get3A_488 = vector.shape_cast %get3A_487 : vector<1x512x256xf32> to vector<512x256xf32>
      %dot_general3A_489 = arith.constant dense<0.000000e+00> : vector<1000x256xf32>
      %dot_general3A_490 = tpu.matmul %mul3A_483, %get3A_488, %dot_general3A_489 {dimension_numbers = #tpu.dot_dimension_numbers<[1], [0], [0], [1], [0, 0, 1, 1], [], []>, transpose_lhs_hint = false} : vector<1000x512xf32>, vector<512x256xf32>, vector<1000x256xf32> -> vector<1000x256xf32>
      %add3A_491 = arith.addf %get3A_481, %dot_general3A_490 : vector<1000x256xf32>
      %swap3A_492 = arith.constant 0 : index
      %swap3A_493 = arith.constant 0 : index
      %swap3A_494 = vector.load %arg23[%swap3A_492, %swap3A_493] : memref<1000x256xf32, #tpu.memory_space<vmem>>, vector<1000x256xf32>
      tpu.vector_store %arg23[%swap3A_492, %swap3A_493], %add3A_491 {strides = array<i32>} : memref<1000x256xf32, #tpu.memory_space<vmem>>, vector<1000x256xf32>,
    } else {
    }
    %get3A_313 = arith.index_cast %arg0 : i32 to index
    %get3A_314 = arith.constant 8 : index
    %get3A_315 = memref.load %arg1[%get3A_313, %get3A_314] : memref<10x16xi32, #tpu.memory_space<smem>>
    %gt3A_316 = arith.constant 0 : i32
    %gt3A_317 = arith.cmpi sgt, %get3A_315, %gt3A_316 : i32
    %convert_element_type3A_318 = arith.extui %gt3A_317 : i1 to i32
    %cond3A_319 = arith.constant 0 : i32
    %cond3A_320 = arith.cmpi ne, %convert_element_type3A_318, %cond3A_319 : i32
    scf.if %cond3A_320 {
      %get3A_476 = arith.constant 0 : index
      %get3A_477 = arith.constant 8 : index
      %get3A_478 = vector.load %arg3[%get3A_476, %get3A_477] : memref<1000x16xf32, #tpu.memory_space<vmem>>, vector<1000x1xf32>
      %get3A_479 = arith.constant 0 : index
      %get3A_480 = arith.constant 0 : index
      %get3A_481 = vector.load %arg23[%get3A_479, %get3A_480] : memref<1000x256xf32, #tpu.memory_space<vmem>>, vector<1000x256xf32>
      %mul3A_482 = vector.broadcast %get3A_478 : vector<1000x1xf32> to vector<1000x512xf32>
      %mul3A_483 = arith.mulf %div3A_243, %mul3A_482 : vector<1000x512xf32>
      %get3A_484 = arith.constant 8 : index
      %get3A_485 = arith.constant 0 : index
      %get3A_486 = arith.constant 0 : index
      %get3A_487 = vector.load %arg5[%get3A_484, %get3A_485, %get3A_486] : memref<16x512x256xf32, #tpu.memory_space<vmem>>, vector<1x512x256xf32>
      %get3A_488 = vector.shape_cast %get3A_487 : vector<1x512x256xf32> to vector<512x256xf32>
      %dot_general3A_489 = arith.constant dense<0.000000e+00> : vector<1000x256xf32>
      %dot_general3A_490 = tpu.matmul %mul3A_483, %get3A_488, %dot_general3A_489 {dimension_numbers = #tpu.dot_dimension_numbers<[1], [0], [0], [1], [0, 0, 1, 1], [], []>, transpose_lhs_hint = false} : vector<1000x512xf32>, vector<512x256xf32>, vector<1000x256xf32> -> vector<1000x256xf32>
      %add3A_491 = arith.addf %get3A_481, %dot_general3A_490 : vector<1000x256xf32>
      %swap3A_492 = arith.constant 0 : index
      %swap3A_493 = arith.constant 0 : index
      %swap3A_494 = vector.load %arg23[%swap3A_492, %swap3A_493] : memref<1000x256xf32, #tpu.memory_space<vmem>>, vector<1000x256xf32>
      tpu.vector_store %arg23[%swap3A_492, %swap3A_493], %add3A_491 {strides = array<i32>} : memref<1000x256xf32, #tpu.memory_space<vmem>>, vector<1000x256xf32>,
    } else {
    }
    %get3A_321 = arith.index_cast %arg0 : i32 to index
    %get3A_322 = arith.constant 9 : index
    %get3A_323 = memref.load %arg1[%get3A_321, %get3A_322] : memref<10x16xi32, #tpu.memory_space<smem>>
    %gt3A_324 = arith.constant 0 : i32
    %gt3A_325 = arith.cmpi sgt, %get3A_323, %gt3A_324 : i32
    %convert_element_type3A_326 = arith.extui %gt3A_325 : i1 to i32
    %cond3A_327 = arith.constant 0 : i32
    %cond3A_328 = arith.cmpi ne, %convert_element_type3A_326, %cond3A_327 : i32
    scf.if %cond3A_328 {
      %get3A_476 = arith.constant 0 : index
      %get3A_477 = arith.constant 9 : index
      %get3A_478 = vector.load %arg3[%get3A_476, %get3A_477] : memref<1000x16xf32, #tpu.memory_space<vmem>>, vector<1000x1xf32>
      %get3A_479 = arith.constant 0 : index
      %get3A_480 = arith.constant 0 : index
      %get3A_481 = vector.load %arg23[%get3A_479, %get3A_480] : memref<1000x256xf32, #tpu.memory_space<vmem>>, vector<1000x256xf32>
      %mul3A_482 = vector.broadcast %get3A_478 : vector<1000x1xf32> to vector<1000x512xf32>
      %mul3A_483 = arith.mulf %div3A_243, %mul3A_482 : vector<1000x512xf32>
      %get3A_484 = arith.constant 9 : index
      %get3A_485 = arith.constant 0 : index
      %get3A_486 = arith.constant 0 : index
      %get3A_487 = vector.load %arg5[%get3A_484, %get3A_485, %get3A_486] : memref<16x512x256xf32, #tpu.memory_space<vmem>>, vector<1x512x256xf32>
      %get3A_488 = vector.shape_cast %get3A_487 : vector<1x512x256xf32> to vector<512x256xf32>
      %dot_general3A_489 = arith.constant dense<0.000000e+00> : vector<1000x256xf32>
      %dot_general3A_490 = tpu.matmul %mul3A_483, %get3A_488, %dot_general3A_489 {dimension_numbers = #tpu.dot_dimension_numbers<[1], [0], [0], [1], [0, 0, 1, 1], [], []>, transpose_lhs_hint = false} : vector<1000x512xf32>, vector<512x256xf32>, vector<1000x256xf32> -> vector<1000x256xf32>
      %add3A_491 = arith.addf %get3A_481, %dot_general3A_490 : vector<1000x256xf32>
      %swap3A_492 = arith.constant 0 : index
      %swap3A_493 = arith.constant 0 : index
      %swap3A_494 = vector.load %arg23[%swap3A_492, %swap3A_493] : memref<1000x256xf32, #tpu.memory_space<vmem>>, vector<1000x256xf32>
      tpu.vector_store %arg23[%swap3A_492, %swap3A_493], %add3A_491 {strides = array<i32>} : memref<1000x256xf32, #tpu.memory_space<vmem>>, vector<1000x256xf32>,
    } else {
    }
    %get3A_329 = arith.index_cast %arg0 : i32 to index
    %get3A_330 = arith.constant 10 : index
    %get3A_331 = memref.load %arg1[%get3A_329, %get3A_330] : memref<10x16xi32, #tpu.memory_space<smem>>
    %gt3A_332 = arith.constant 0 : i32
    %gt3A_333 = arith.cmpi sgt, %get3A_331, %gt3A_332 : i32
    %convert_element_type3A_334 = arith.extui %gt3A_333 : i1 to i32
    %cond3A_335 = arith.constant 0 : i32
    %cond3A_336 = arith.cmpi ne, %convert_element_type3A_334, %cond3A_335 : i32
    scf.if %cond3A_336 {
      %get3A_476 = arith.constant 0 : index
      %get3A_477 = arith.constant 10 : index
      %get3A_478 = vector.load %arg3[%get3A_476, %get3A_477] : memref<1000x16xf32, #tpu.memory_space<vmem>>, vector<1000x1xf32>
      %get3A_479 = arith.constant 0 : index
      %get3A_480 = arith.constant 0 : index
      %get3A_481 = vector.load %arg23[%get3A_479, %get3A_480] : memref<1000x256xf32, #tpu.memory_space<vmem>>, vector<1000x256xf32>
      %mul3A_482 = vector.broadcast %get3A_478 : vector<1000x1xf32> to vector<1000x512xf32>
      %mul3A_483 = arith.mulf %div3A_243, %mul3A_482 : vector<1000x512xf32>
      %get3A_484 = arith.constant 10 : index
      %get3A_485 = arith.constant 0 : index
      %get3A_486 = arith.constant 0 : index
      %get3A_487 = vector.load %arg5[%get3A_484, %get3A_485, %get3A_486] : memref<16x512x256xf32, #tpu.memory_space<vmem>>, vector<1x512x256xf32>
      %get3A_488 = vector.shape_cast %get3A_487 : vector<1x512x256xf32> to vector<512x256xf32>
      %dot_general3A_489 = arith.constant dense<0.000000e+00> : vector<1000x256xf32>
      %dot_general3A_490 = tpu.matmul %mul3A_483, %get3A_488, %dot_general3A_489 {dimension_numbers = #tpu.dot_dimension_numbers<[1], [0], [0], [1], [0, 0, 1, 1], [], []>, transpose_lhs_hint = false} : vector<1000x512xf32>, vector<512x256xf32>, vector<1000x256xf32> -> vector<1000x256xf32>
      %add3A_491 = arith.addf %get3A_481, %dot_general3A_490 : vector<1000x256xf32>
      %swap3A_492 = arith.constant 0 : index
      %swap3A_493 = arith.constant 0 : index
      %swap3A_494 = vector.load %arg23[%swap3A_492, %swap3A_493] : memref<1000x256xf32, #tpu.memory_space<vmem>>, vector<1000x256xf32>
      tpu.vector_store %arg23[%swap3A_492, %swap3A_493], %add3A_491 {strides = array<i32>} : memref<1000x256xf32, #tpu.memory_space<vmem>>, vector<1000x256xf32>,
    } else {
    }
    %get3A_337 = arith.index_cast %arg0 : i32 to index
    %get3A_338 = arith.constant 11 : index
    %get3A_339 = memref.load %arg1[%get3A_337, %get3A_338] : memref<10x16xi32, #tpu.memory_space<smem>>
    %gt3A_340 = arith.constant 0 : i32
    %gt3A_341 = arith.cmpi sgt, %get3A_339, %gt3A_340 : i32
    %convert_element_type3A_342 = arith.extui %gt3A_341 : i1 to i32
    %cond3A_343 = arith.constant 0 : i32
    %cond3A_344 = arith.cmpi ne, %convert_element_type3A_342, %cond3A_343 : i32
    scf.if %cond3A_344 {
      %get3A_476 = arith.constant 0 : index
      %get3A_477 = arith.constant 11 : index
      %get3A_478 = vector.load %arg3[%get3A_476, %get3A_477] : memref<1000x16xf32, #tpu.memory_space<vmem>>, vector<1000x1xf32>
      %get3A_479 = arith.constant 0 : index
      %get3A_480 = arith.constant 0 : index
      %get3A_481 = vector.load %arg23[%get3A_479, %get3A_480] : memref<1000x256xf32, #tpu.memory_space<vmem>>, vector<1000x256xf32>
      %mul3A_482 = vector.broadcast %get3A_478 : vector<1000x1xf32> to vector<1000x512xf32>
      %mul3A_483 = arith.mulf %div3A_243, %mul3A_482 : vector<1000x512xf32>
      %get3A_484 = arith.constant 11 : index
      %get3A_485 = arith.constant 0 : index
      %get3A_486 = arith.constant 0 : index
      %get3A_487 = vector.load %arg5[%get3A_484, %get3A_485, %get3A_486] : memref<16x512x256xf32, #tpu.memory_space<vmem>>, vector<1x512x256xf32>
      %get3A_488 = vector.shape_cast %get3A_487 : vector<1x512x256xf32> to vector<512x256xf32>
      %dot_general3A_489 = arith.constant dense<0.000000e+00> : vector<1000x256xf32>
      %dot_general3A_490 = tpu.matmul %mul3A_483, %get3A_488, %dot_general3A_489 {dimension_numbers = #tpu.dot_dimension_numbers<[1], [0], [0], [1], [0, 0, 1, 1], [], []>, transpose_lhs_hint = false} : vector<1000x512xf32>, vector<512x256xf32>, vector<1000x256xf32> -> vector<1000x256xf32>
      %add3A_491 = arith.addf %get3A_481, %dot_general3A_490 : vector<1000x256xf32>
      %swap3A_492 = arith.constant 0 : index
      %swap3A_493 = arith.constant 0 : index
      %swap3A_494 = vector.load %arg23[%swap3A_492, %swap3A_493] : memref<1000x256xf32, #tpu.memory_space<vmem>>, vector<1000x256xf32>
      tpu.vector_store %arg23[%swap3A_492, %swap3A_493], %add3A_491 {strides = array<i32>} : memref<1000x256xf32, #tpu.memory_space<vmem>>, vector<1000x256xf32>,
    } else {
    }
    %get3A_345 = arith.index_cast %arg0 : i32 to index
    %get3A_346 = arith.constant 12 : index
    %get3A_347 = memref.load %arg1[%get3A_345, %get3A_346] : memref<10x16xi32, #tpu.memory_space<smem>>
    %gt3A_348 = arith.constant 0 : i32
    %gt3A_349 = arith.cmpi sgt, %get3A_347, %gt3A_348 : i32
    %convert_element_type3A_350 = arith.extui %gt3A_349 : i1 to i32
    %cond3A_351 = arith.constant 0 : i32
    %cond3A_352 = arith.cmpi ne, %convert_element_type3A_350, %cond3A_351 : i32
    scf.if %cond3A_352 {
      %get3A_476 = arith.constant 0 : index
      %get3A_477 = arith.constant 12 : index
      %get3A_478 = vector.load %arg3[%get3A_476, %get3A_477] : memref<1000x16xf32, #tpu.memory_space<vmem>>, vector<1000x1xf32>
      %get3A_479 = arith.constant 0 : index
      %get3A_480 = arith.constant 0 : index
      %get3A_481 = vector.load %arg23[%get3A_479, %get3A_480] : memref<1000x256xf32, #tpu.memory_space<vmem>>, vector<1000x256xf32>
      %mul3A_482 = vector.broadcast %get3A_478 : vector<1000x1xf32> to vector<1000x512xf32>
      %mul3A_483 = arith.mulf %div3A_243, %mul3A_482 : vector<1000x512xf32>
      %get3A_484 = arith.constant 12 : index
      %get3A_485 = arith.constant 0 : index
      %get3A_486 = arith.constant 0 : index
      %get3A_487 = vector.load %arg5[%get3A_484, %get3A_485, %get3A_486] : memref<16x512x256xf32, #tpu.memory_space<vmem>>, vector<1x512x256xf32>
      %get3A_488 = vector.shape_cast %get3A_487 : vector<1x512x256xf32> to vector<512x256xf32>
      %dot_general3A_489 = arith.constant dense<0.000000e+00> : vector<1000x256xf32>
      %dot_general3A_490 = tpu.matmul %mul3A_483, %get3A_488, %dot_general3A_489 {dimension_numbers = #tpu.dot_dimension_numbers<[1], [0], [0], [1], [0, 0, 1, 1], [], []>, transpose_lhs_hint = false} : vector<1000x512xf32>, vector<512x256xf32>, vector<1000x256xf32> -> vector<1000x256xf32>
      %add3A_491 = arith.addf %get3A_481, %dot_general3A_490 : vector<1000x256xf32>
      %swap3A_492 = arith.constant 0 : index
      %swap3A_493 = arith.constant 0 : index
      %swap3A_494 = vector.load %arg23[%swap3A_492, %swap3A_493] : memref<1000x256xf32, #tpu.memory_space<vmem>>, vector<1000x256xf32>
      tpu.vector_store %arg23[%swap3A_492, %swap3A_493], %add3A_491 {strides = array<i32>} : memref<1000x256xf32, #tpu.memory_space<vmem>>, vector<1000x256xf32>,
    } else {
    }
    %get3A_353 = arith.index_cast %arg0 : i32 to index
    %get3A_354 = arith.constant 13 : index
    %get3A_355 = memref.load %arg1[%get3A_353, %get3A_354] : memref<10x16xi32, #tpu.memory_space<smem>>
    %gt3A_356 = arith.constant 0 : i32
    %gt3A_357 = arith.cmpi sgt, %get3A_355, %gt3A_356 : i32
    %convert_element_type3A_358 = arith.extui %gt3A_357 : i1 to i32
    %cond3A_359 = arith.constant 0 : i32
    %cond3A_360 = arith.cmpi ne, %convert_element_type3A_358, %cond3A_359 : i32
    scf.if %cond3A_360 {
      %get3A_476 = arith.constant 0 : index
      %get3A_477 = arith.constant 13 : index
      %get3A_478 = vector.load %arg3[%get3A_476, %get3A_477] : memref<1000x16xf32, #tpu.memory_space<vmem>>, vector<1000x1xf32>
      %get3A_479 = arith.constant 0 : index
      %get3A_480 = arith.constant 0 : index
      %get3A_481 = vector.load %arg23[%get3A_479, %get3A_480] : memref<1000x256xf32, #tpu.memory_space<vmem>>, vector<1000x256xf32>
      %mul3A_482 = vector.broadcast %get3A_478 : vector<1000x1xf32> to vector<1000x512xf32>
      %mul3A_483 = arith.mulf %div3A_243, %mul3A_482 : vector<1000x512xf32>
      %get3A_484 = arith.constant 13 : index
      %get3A_485 = arith.constant 0 : index
      %get3A_486 = arith.constant 0 : index
      %get3A_487 = vector.load %arg5[%get3A_484, %get3A_485, %get3A_486] : memref<16x512x256xf32, #tpu.memory_space<vmem>>, vector<1x512x256xf32>
      %get3A_488 = vector.shape_cast %get3A_487 : vector<1x512x256xf32> to vector<512x256xf32>
      %dot_general3A_489 = arith.constant dense<0.000000e+00> : vector<1000x256xf32>
      %dot_general3A_490 = tpu.matmul %mul3A_483, %get3A_488, %dot_general3A_489 {dimension_numbers = #tpu.dot_dimension_numbers<[1], [0], [0], [1], [0, 0, 1, 1], [], []>, transpose_lhs_hint = false} : vector<1000x512xf32>, vector<512x256xf32>, vector<1000x256xf32> -> vector<1000x256xf32>
      %add3A_491 = arith.addf %get3A_481, %dot_general3A_490 : vector<1000x256xf32>
      %swap3A_492 = arith.constant 0 : index
      %swap3A_493 = arith.constant 0 : index
      %swap3A_494 = vector.load %arg23[%swap3A_492, %swap3A_493] : memref<1000x256xf32, #tpu.memory_space<vmem>>, vector<1000x256xf32>
      tpu.vector_store %arg23[%swap3A_492, %swap3A_493], %add3A_491 {strides = array<i32>} : memref<1000x256xf32, #tpu.memory_space<vmem>>, vector<1000x256xf32>,
    } else {
    }
    %get3A_361 = arith.index_cast %arg0 : i32 to index
    %get3A_362 = arith.constant 14 : index
    %get3A_363 = memref.load %arg1[%get3A_361, %get3A_362] : memref<10x16xi32, #tpu.memory_space<smem>>
    %gt3A_364 = arith.constant 0 : i32
    %gt3A_365 = arith.cmpi sgt, %get3A_363, %gt3A_364 : i32
    %convert_element_type3A_366 = arith.extui %gt3A_365 : i1 to i32
    %cond3A_367 = arith.constant 0 : i32
    %cond3A_368 = arith.cmpi ne, %convert_element_type3A_366, %cond3A_367 : i32
    scf.if %cond3A_368 {
      %get3A_476 = arith.constant 0 : index
      %get3A_477 = arith.constant 14 : index
      %get3A_478 = vector.load %arg3[%get3A_476, %get3A_477] : memref<1000x16xf32, #tpu.memory_space<vmem>>, vector<1000x1xf32>
      %get3A_479 = arith.constant 0 : index
      %get3A_480 = arith.constant 0 : index
      %get3A_481 = vector.load %arg23[%get3A_479, %get3A_480] : memref<1000x256xf32, #tpu.memory_space<vmem>>, vector<1000x256xf32>
      %mul3A_482 = vector.broadcast %get3A_478 : vector<1000x1xf32> to vector<1000x512xf32>
      %mul3A_483 = arith.mulf %div3A_243, %mul3A_482 : vector<1000x512xf32>
      %get3A_484 = arith.constant 14 : index
      %get3A_485 = arith.constant 0 : index
      %get3A_486 = arith.constant 0 : index
      %get3A_487 = vector.load %arg5[%get3A_484, %get3A_485, %get3A_486] : memref<16x512x256xf32, #tpu.memory_space<vmem>>, vector<1x512x256xf32>
      %get3A_488 = vector.shape_cast %get3A_487 : vector<1x512x256xf32> to vector<512x256xf32>
      %dot_general3A_489 = arith.constant dense<0.000000e+00> : vector<1000x256xf32>
      %dot_general3A_490 = tpu.matmul %mul3A_483, %get3A_488, %dot_general3A_489 {dimension_numbers = #tpu.dot_dimension_numbers<[1], [0], [0], [1], [0, 0, 1, 1], [], []>, transpose_lhs_hint = false} : vector<1000x512xf32>, vector<512x256xf32>, vector<1000x256xf32> -> vector<1000x256xf32>
      %add3A_491 = arith.addf %get3A_481, %dot_general3A_490 : vector<1000x256xf32>
      %swap3A_492 = arith.constant 0 : index
      %swap3A_493 = arith.constant 0 : index
      %swap3A_494 = vector.load %arg23[%swap3A_492, %swap3A_493] : memref<1000x256xf32, #tpu.memory_space<vmem>>, vector<1000x256xf32>
      tpu.vector_store %arg23[%swap3A_492, %swap3A_493], %add3A_491 {strides = array<i32>} : memref<1000x256xf32, #tpu.memory_space<vmem>>, vector<1000x256xf32>,
    } else {
    }
    %get3A_369 = arith.index_cast %arg0 : i32 to index
    %get3A_370 = arith.constant 15 : index
    %get3A_371 = memref.load %arg1[%get3A_369, %get3A_370] : memref<10x16xi32, #tpu.memory_space<smem>>
    %gt3A_372 = arith.constant 0 : i32
    %gt3A_373 = arith.cmpi sgt, %get3A_371, %gt3A_372 : i32
    %convert_element_type3A_374 = arith.extui %gt3A_373 : i1 to i32
    %cond3A_375 = arith.constant 0 : i32
    %cond3A_376 = arith.cmpi ne, %convert_element_type3A_374, %cond3A_375 : i32
    scf.if %cond3A_376 {
      %get3A_476 = arith.constant 0 : index
      %get3A_477 = arith.constant 15 : index
      %get3A_478 = vector.load %arg3[%get3A_476, %get3A_477] : memref<1000x16xf32, #tpu.memory_space<vmem>>, vector<1000x1xf32>
      %get3A_479 = arith.constant 0 : index
      %get3A_480 = arith.constant 0 : index
      %get3A_481 = vector.load %arg23[%get3A_479, %get3A_480] : memref<1000x256xf32, #tpu.memory_space<vmem>>, vector<1000x256xf32>
      %mul3A_482 = vector.broadcast %get3A_478 : vector<1000x1xf32> to vector<1000x512xf32>
      %mul3A_483 = arith.mulf %div3A_243, %mul3A_482 : vector<1000x512xf32>
      %get3A_484 = arith.constant 15 : index
      %get3A_485 = arith.constant 0 : index
      %get3A_486 = arith.constant 0 : index
      %get3A_487 = vector.load %arg5[%get3A_484, %get3A_485, %get3A_486] : memref<16x512x256xf32, #tpu.memory_space<vmem>>, vector<1x512x256xf32>
      %get3A_488 = vector.shape_cast %get3A_487 : vector<1x512x256xf32> to vector<512x256xf32>
      %dot_general3A_489 = arith.constant dense<0.000000e+00> : vector<1000x256xf32>
      %dot_general3A_490 = tpu.matmul %mul3A_483, %get3A_488, %dot_general3A_489 {dimension_numbers = #tpu.dot_dimension_numbers<[1], [0], [0], [1], [0, 0, 1, 1], [], []>, transpose_lhs_hint = false} : vector<1000x512xf32>, vector<512x256xf32>, vector<1000x256xf32> -> vector<1000x256xf32>
      %add3A_491 = arith.addf %get3A_481, %dot_general3A_490 : vector<1000x256xf32>
      %swap3A_492 = arith.constant 0 : index
      %swap3A_493 = arith.constant 0 : index
      %swap3A_494 = vector.load %arg23[%swap3A_492, %swap3A_493] : memref<1000x256xf32, #tpu.memory_space<vmem>>, vector<1000x256xf32>
      tpu.vector_store %arg23[%swap3A_492, %swap3A_493], %add3A_491 {strides = array<i32>} : memref<1000x256xf32, #tpu.memory_space<vmem>>, vector<1000x256xf32>,
    } else {
    }
    %get3A_377 = arith.constant 0 : index
    %get3A_378 = arith.constant 0 : index
    %get3A_379 = vector.load %arg23[%get3A_377, %get3A_378] : memref<1000x256xf32, #tpu.memory_space<vmem>>, vector<1000x256xf32>
    %get3A_380 = arith.constant 0 : index
    %get3A_381 = arith.constant 0 : index
    %get3A_382 = vector.load %arg10[%get3A_380, %get3A_381] : memref<256x256xf32, #tpu.memory_space<vmem>>, vector<256x256xf32>
    %dot_general3A_383 = arith.constant dense<0.000000e+00> : vector<1000x256xf32>
    %dot_general3A_384 = tpu.matmul %get3A_379, %get3A_382, %dot_general3A_383 {dimension_numbers = #tpu.dot_dimension_numbers<[1], [0], [0], [1], [0, 0, 1, 1], [], []>, transpose_lhs_hint = false} : vector<1000x256xf32>, vector<256x256xf32>, vector<1000x256xf32> -> vector<1000x256xf32>
    %get3A_385 = arith.constant 0 : index
    %get3A_386 = arith.constant 0 : index
    %get3A_387 = vector.load %arg11[%get3A_385, %get3A_386] : memref<1x256xf32, #tpu.memory_space<vmem>>, vector<1x256xf32>
    %add3A_388 = vector.broadcast %get3A_387 : vector<1x256xf32> to vector<1000x256xf32>
    %add3A_389 = arith.addf %dot_general3A_384, %add3A_388 : vector<1000x256xf32>
    %get3A_390 = arith.constant 0 : index
    %get3A_391 = arith.constant 0 : index
    %get3A_392 = vector.load %arg12[%get3A_390, %get3A_391] : memref<1x256xf32, #tpu.memory_space<vmem>>, vector<1x256xf32>
    %mul3A_393 = vector.broadcast %get3A_392 : vector<1x256xf32> to vector<1000x256xf32>
    %mul3A_394 = arith.mulf %mul3A_393, %add3A_389 : vector<1000x256xf32>
    %add3A_395 = arith.addf %get3A_1, %mul3A_394 : vector<1000x256xf32>
    %get3A_396 = arith.constant 0 : index
    %get3A_397 = arith.constant 0 : index
    %get3A_398 = vector.load %arg13[%get3A_396, %get3A_397] : memref<1x256xf32, #tpu.memory_space<vmem>>, vector<1x256xf32>
    %get3A_399 = arith.constant 0 : index
    %get3A_400 = arith.constant 0 : index
    %get3A_401 = vector.load %arg14[%get3A_399, %get3A_400] : memref<1x256xf32, #tpu.memory_space<vmem>>, vector<1x256xf32>
    %reduce_sum3A_402 = arith.constant dense<0.000000e+00> : vector<1000xf32>
    %reduce_sum3A_403 = vector.multi_reduction <add>, %add3A_395, %reduce_sum3A_402 [1] : vector<1000x256xf32> to vector<1000xf32>
    %broadcast_in_dim3A_404 = vector.shape_cast %reduce_sum3A_403 : vector<1000xf32> to vector<1000x1xf32>
    %div3A_405 = arith.constant 2.560000e+02 : f32
    %div3A_406 = vector.broadcast %div3A_405 : f32 to vector<1000x1xf32>
    %div3A_407 = arith.divf %broadcast_in_dim3A_404, %div3A_406 : vector<1000x1xf32>
    %sub3A_408 = vector.broadcast %div3A_407 : vector<1000x1xf32> to vector<1000x256xf32>
    %sub3A_409 = arith.subf %add3A_395, %sub3A_408 : vector<1000x256xf32>
    %integer_pow3A_410 = arith.mulf %sub3A_409, %sub3A_409 : vector<1000x256xf32>
    %reduce_sum3A_411 = arith.constant dense<0.000000e+00> : vector<1000xf32>
    %reduce_sum3A_412 = vector.multi_reduction <add>, %integer_pow3A_410, %reduce_sum3A_411 [1] : vector<1000x256xf32> to vector<1000xf32>
    %broadcast_in_dim3A_413 = vector.shape_cast %reduce_sum3A_412 : vector<1000xf32> to vector<1000x1xf32>
    %div3A_414 = arith.constant 2.560000e+02 : f32
    %div3A_415 = vector.broadcast %div3A_414 : f32 to vector<1000x1xf32>
    %div3A_416 = arith.divf %broadcast_in_dim3A_413, %div3A_415 : vector<1000x1xf32>
    %sub3A_417 = vector.broadcast %div3A_407 : vector<1000x1xf32> to vector<1000x256xf32>
    %sub3A_418 = arith.subf %add3A_395, %sub3A_417 : vector<1000x256xf32>
    %add3A_419 = arith.constant 9.99999974E-6 : f32
    %add3A_420 = vector.broadcast %add3A_419 : f32 to vector<1000x1xf32>
    %add3A_421 = arith.addf %div3A_416, %add3A_420 : vector<1000x1xf32>
    %sqrt3A_422 = math.sqrt %add3A_421 : vector<1000x1xf32>
    %div3A_423 = vector.broadcast %sqrt3A_422 : vector<1000x1xf32> to vector<1000x256xf32>
    %div3A_424 = arith.divf %sub3A_418, %div3A_423 : vector<1000x256xf32>
    %mul3A_425 = vector.broadcast %get3A_398 : vector<1x256xf32> to vector<1000x256xf32>
    %mul3A_426 = arith.mulf %div3A_424, %mul3A_425 : vector<1000x256xf32>
    %add3A_427 = vector.broadcast %get3A_401 : vector<1x256xf32> to vector<1000x256xf32>
    %add3A_428 = arith.addf %mul3A_426, %add3A_427 : vector<1000x256xf32>
    %get3A_429 = arith.constant 0 : index
    %get3A_430 = arith.constant 0 : index
    %get3A_431 = vector.load %arg15[%get3A_429, %get3A_430] : memref<256x1024xf32, #tpu.memory_space<vmem>>, vector<256x1024xf32>
    %dot_general3A_432 = arith.constant dense<0.000000e+00> : vector<1000x1024xf32>
    %dot_general3A_433 = tpu.matmul %add3A_428, %get3A_431, %dot_general3A_432 {dimension_numbers = #tpu.dot_dimension_numbers<[1], [0], [0], [1], [0, 0, 1, 1], [], []>, transpose_lhs_hint = false} : vector<1000x256xf32>, vector<256x1024xf32>, vector<1000x1024xf32> -> vector<1000x1024xf32>
    %get3A_434 = arith.constant 0 : index
    %get3A_435 = arith.constant 0 : index
    %get3A_436 = vector.load %arg16[%get3A_434, %get3A_435] : memref<1x1024xf32, #tpu.memory_space<vmem>>, vector<1x1024xf32>
    %add3A_437 = vector.broadcast %get3A_436 : vector<1x1024xf32> to vector<1000x1024xf32>
    %add3A_438 = arith.addf %dot_general3A_433, %add3A_437 : vector<1000x1024xf32>
    %mul3A_439 = arith.constant 0.999994993 : f32
    %mul3A_440 = vector.broadcast %mul3A_439 : f32 to vector<1000x1024xf32>
    %mul3A_441 = arith.mulf %add3A_438, %mul3A_440 : vector<1000x1024xf32>
    %get3A_442 = arith.constant 0 : index
    %get3A_443 = arith.constant 0 : index
    %get3A_444 = vector.load %arg17[%get3A_442, %get3A_443] : memref<1x1024xf32, #tpu.memory_space<vmem>>, vector<1x1024xf32>
    %mul3A_445 = vector.broadcast %get3A_444 : vector<1x1024xf32> to vector<1000x1024xf32>
    %mul3A_446 = arith.mulf %mul3A_441, %mul3A_445 : vector<1000x1024xf32>
    %get3A_447 = arith.constant 0 : index
    %get3A_448 = arith.constant 0 : index
    %get3A_449 = vector.load %arg18[%get3A_447, %get3A_448] : memref<1x1024xf32, #tpu.memory_space<vmem>>, vector<1x1024xf32>
    %add3A_450 = vector.broadcast %get3A_449 : vector<1x1024xf32> to vector<1000x1024xf32>
    %add3A_451 = arith.addf %mul3A_446, %add3A_450 : vector<1000x1024xf32>
    %mul3A_452 = arith.constant 5.000000e-01 : f32
    %mul3A_453 = vector.broadcast %mul3A_452 : f32 to vector<1000x1024xf32>
    %mul3A_454 = arith.mulf %mul3A_453, %add3A_451 : vector<1000x1024xf32>
    %mul3A_455 = arith.constant 0.707106769 : f32
    %mul3A_456 = vector.broadcast %mul3A_455 : f32 to vector<1000x1024xf32>
    %mul3A_457 = arith.mulf %add3A_451, %mul3A_456 : vector<1000x1024xf32>
    %erf3A = math.erf %mul3A_457 : vector<1000x1024xf32>
    %add3A_458 = arith.constant 1.000000e+00 : f32
    %add3A_459 = vector.broadcast %add3A_458 : f32 to vector<1000x1024xf32>
    %add3A_460 = arith.addf %add3A_459, %erf3A : vector<1000x1024xf32>
    %mul3A_461 = arith.mulf %mul3A_454, %add3A_460 : vector<1000x1024xf32>
    %get3A_462 = arith.constant 0 : index
    %get3A_463 = arith.constant 0 : index
    %get3A_464 = vector.load %arg19[%get3A_462, %get3A_463] : memref<1024x256xf32, #tpu.memory_space<vmem>>, vector<1024x256xf32>
    %dot_general3A_465 = arith.constant dense<0.000000e+00> : vector<1000x256xf32>
    %dot_general3A_466 = tpu.matmul %mul3A_461, %get3A_464, %dot_general3A_465 {dimension_numbers = #tpu.dot_dimension_numbers<[1], [0], [0], [1], [0, 0, 1, 1], [], []>, transpose_lhs_hint = false} : vector<1000x1024xf32>, vector<1024x256xf32>, vector<1000x256xf32> -> vector<1000x256xf32>
    %get3A_467 = arith.constant 0 : index
    %get3A_468 = arith.constant 0 : index
    %get3A_469 = vector.load %arg20[%get3A_467, %get3A_468] : memref<1x256xf32, #tpu.memory_space<vmem>>, vector<1x256xf32>
    %add3A_470 = vector.broadcast %get3A_469 : vector<1x256xf32> to vector<1000x256xf32>
    %add3A_471 = arith.addf %dot_general3A_466, %add3A_470 : vector<1000x256xf32>
    %add3A_472 = arith.addf %add3A_395, %add3A_471 : vector<1000x256xf32>
    %swap3A_473 = arith.constant 0 : index
    %swap3A_474 = arith.constant 0 : index
    %swap3A_475 = vector.load %arg21[%swap3A_473, %swap3A_474] : memref<1000x256xf32, #tpu.memory_space<vmem>>, vector<1000x256xf32>
    tpu.vector_store %arg21[%swap3A_473, %swap3A_474], %add3A_472 {strides = array<i32>} : memref<1000x256xf32, #tpu.memory_space<vmem>>, vector<1000x256xf32>,
    return
  }
  func.func @transform_0(%arg0: i32) -> (i32, i32) {
    %c0_i32 = arith.constant 0 : i32
    %c0_i32_0 = arith.constant 0 : i32
    %c0_i32_1 = arith.constant 0 : i32
    return %c0_i32, %c0_i32_0 : i32, i32
  }
  func.func @transform_1(%arg0: i32) -> (i32, i32) {
    %c0_i32 = arith.constant 0 : i32
    %c0_i32_0 = arith.constant 0 : i32
    return %arg0, %c0_i32 : i32, i32
  }
  func.func @transform_2(%arg0: i32) -> (i32, i32) {
    %c0_i32 = arith.constant 0 : i32
    %c0_i32_0 = arith.constant 0 : i32
    return %arg0, %c0_i32 : i32, i32
  }
  func.func @transform_3(%arg0: i32) -> (i32, i32, i32) {
    %c0_i32 = arith.constant 0 : i32
    %c0_i32_0 = arith.constant 0 : i32
    %c0_i32_1 = arith.constant 0 : i32
    %c0_i32_2 = arith.constant 0 : i32
    return %c0_i32, %c0_i32_0, %c0_i32_1 : i32, i32, i32
  }
  func.func @transform_4(%arg0: i32) -> (i32, i32, i32) {
    %c0_i32 = arith.constant 0 : i32
    %c0_i32_0 = arith.constant 0 : i32
    %c0_i32_1 = arith.constant 0 : i32
    %c0_i32_2 = arith.constant 0 : i32
    return %c0_i32, %c0_i32_0, %c0_i32_1 : i32, i32, i32
  }
  func.func @transform_5(%arg0: i32) -> (i32, i32) {
    %c0_i32 = arith.constant 0 : i32
    %c0_i32_0 = arith.constant 0 : i32
    %c0_i32_1 = arith.constant 0 : i32
    return %c0_i32, %c0_i32_0 : i32, i32
  }
  func.func @transform_6(%arg0: i32) -> (i32, i32) {
    %c0_i32 = arith.constant 0 : i32
    %c0_i32_0 = arith.constant 0 : i32
    %c0_i32_1 = arith.constant 0 : i32
    return %c0_i32, %c0_i32_0 : i32, i32
  }
  func.func @transform_7(%arg0: i32) -> (i32, i32) {
    %c0_i32 = arith.constant 0 : i32
    %c0_i32_0 = arith.constant 0 : i32
    %c0_i32_1 = arith.constant 0 : i32
    return %c0_i32, %c0_i32_0 : i32, i32
  }
  func.func @transform_8(%arg0: i32) -> (i32, i32) {
    %c0_i32 = arith.constant 0 : i32
    %c0_i32_0 = arith.constant 0 : i32
    %c0_i32_1 = arith.constant 0 : i32
    return %c0_i32, %c0_i32_0 : i32, i32
  }
  func.func @transform_9(%arg0: i32) -> (i32, i32) {
    %c0_i32 = arith.constant 0 : i32
    %c0_i32_0 = arith.constant 0 : i32
    %c0_i32_1 = arith.constant 0 : i32
    return %c0_i32, %c0_i32_0 : i32, i32
  }
  func.func @transform_10(%arg0: i32) -> (i32, i32) {
    %c0_i32 = arith.constant 0 : i32
    %c0_i32_0 = arith.constant 0 : i32
    %c0_i32_1 = arith.constant 0 : i32
    return %c0_i32, %c0_i32_0 : i32, i32
  }
  func.func @transform_11(%arg0: i32) -> (i32, i32) {
    %c0_i32 = arith.constant 0 : i32
    %c0_i32_0 = arith.constant 0 : i32
    %c0_i32_1 = arith.constant 0 : i32
    return %c0_i32, %c0_i32_0 : i32, i32
  }
  func.func @transform_12(%arg0: i32) -> (i32, i32) {
    %c0_i32 = arith.constant 0 : i32
    %c0_i32_0 = arith.constant 0 : i32
    %c0_i32_1 = arith.constant 0 : i32
    return %c0_i32, %c0_i32_0 : i32, i32
  }
  func.func @transform_13(%arg0: i32) -> (i32, i32) {
    %c0_i32 = arith.constant 0 : i32
    %c0_i32_0 = arith.constant 0 : i32
    %c0_i32_1 = arith.constant 0 : i32
    return %c0_i32, %c0_i32_0 : i32, i32
  }
  func.func @transform_14(%arg0: i32) -> (i32, i32) {
    %c0_i32 = arith.constant 0 : i32
    %c0_i32_0 = arith.constant 0 : i32
    %c0_i32_1 = arith.constant 0 : i32
    return %c0_i32, %c0_i32_0 : i32, i32
  }
  func.func @transform_15(%arg0: i32) -> (i32, i32) {
    %c0_i32 = arith.constant 0 : i32
    %c0_i32_0 = arith.constant 0 : i32
    %c0_i32_1 = arith.constant 0 : i32
    return %c0_i32, %c0_i32_0 : i32, i32
  }
  func.func @transform_16(%arg0: i32) -> (i32, i32) {
    %c0_i32 = arith.constant 0 : i32
    %c0_i32_0 = arith.constant 0 : i32
    %c0_i32_1 = arith.constant 0 : i32
    return %c0_i32, %c0_i32_0 : i32, i32
  }
  func.func @transform_17(%arg0: i32) -> (i32, i32) {
    %c0_i32 = arith.constant 0 : i32
    %c0_i32_0 = arith.constant 0 : i32
    %c0_i32_1 = arith.constant 0 : i32
    return %c0_i32, %c0_i32_0 : i32, i32
  }
  func.func @transform_18(%arg0: i32) -> (i32, i32) {
    %c0_i32 = arith.constant 0 : i32
    %c0_i32_0 = arith.constant 0 : i32
    %c0_i32_1 = arith.constant 0 : i32
    return %c0_i32, %c0_i32_0 : i32, i32
  }
  func.func @transform_19(%arg0: i32) -> (i32, i32) {
    %c0_i32 = arith.constant 0 : i32
    %c0_i32_0 = arith.constant 0 : i32
    %c0_i32_1 = arith.constant 0 : i32
    return %c0_i32, %c0_i32_0 : i32, i32
  }
  func.func @transform_20(%arg0: i32) -> (i32, i32) {
    %c0_i32 = arith.constant 0 : i32
    %c0_i32_0 = arith.constant 0 : i32
    return %arg0, %c0_i32 : i32, i32
  }
}

</mosaic_0001>

<sc_bundles>
// kernel: kernel.7.cloned.1.call-start
scs
__scs_entry_jumppad:
0x0: {  	(pc) =	sbr.rel $0x88, $3  }
0x1: {  	(tag) =	ssettag $0x0;
	lr =	simm.s32 $0x1  }
0x2: {  	[smem:$0x3F7A] =	sst lr;
	_ =	strace $0xD0000000  }
0x3: {  	_ = 	snop  }
0x4: {  	_ = 	snop  }
0x5: {  	_ = 	snop  }
0x6: {  	_ = 	snop  }
0x7: {  	_ = 	snop  }
__scs_overlays_trampoline_lowered:
0x8: {  	[smem:$0x3F89] =	sst s0  }
0x9: {  	[smem:$0x3F8A] =	sst s1  }
0xa: {  	[smem:$0x3F8B] =	sst s2  }
0xb: {  	[smem:$0x3F8C] =	sst s3  }
0xc: {  	[smem:$0x3F8D] =	sst s4  }
0xd: {  	[smem:$0x3F8E] =	sst s5  }
0xe: {  	[smem:$0x3F8F] =	sst s6  }
0xf: {  	[smem:$0x3F90] =	sst s7  }
0x10: {  	[smem:$0x3F91] =	sst s8  }
0x11: {  	[smem:$0x3F92] =	sst s9;
	s0 =	simm.s32 @!p0 $0x0  }
0x12: {  	s1 =	sld [smem:$0x3F78];
	s0 =	simm.s32 @p0 $0x1  }
0x13: {  	[smem:$0x3F93] =	sst s0;
	s0 =	simm.s32 @!p1 $0x0  }
0x14: {  	s2 =	sld [smem:$0x3F77];
	s0 =	simm.s32 @p1 $0x1  }
0x15: {  	[smem:$0x3F94] =	sst s0;
	s0 =	simm.s32 @!p2 $0x0  }
0x16: {  	s3 =	sld [smem:$0x3FDB];
	s0 =	simm.s32 @p2 $0x1  }
0x17: {  	s4 =	simm.s32 $0x1BF5;
	[smem:$0x3F96] =	sst s0  }
0x18: {  	s0 =	sld [smem:$0x3F79];
	_ =	swait.ge [sflag:s4], $0x0  }
0x19: {  	s7 =	sld [smem:$0x3F7A]  }
0x1a: {  	s8 =	sadd.s32 $0xFFFFE003, lr  }
0x1b: {  	s9 =	sadd.s32 $0xFFFFFEF7, lr;
	s5 =	simm.s32 $0xFFFFFFFF;
	p2 =	slt.u32 s8, $0xFFFFF086  }
0x1c: {  	p1 =	slt.u32 s9, $0xF7A;
	s5 =	simm.s32 @!p2 $0x0  }
0x1d: {  	s5 =	simm.s32 @p1 $0x1;
	p0 =	seq.s32 s7, s2  }
0x1e: {  	s7 =	smul.u32 @!p0 $0xF7A, s2;
	p2 =	seq.s32 @!p0 s5, $0x0  }
0x1f: {  	s9 =	smul.u32 $0xF7A, s1;
	s8 =	simm.s32 @!p0 $0x1BF5;
	p2 =	por !p2, p0  }
0x20: {  	[sflag:s8] =	ssyncset.s32 @!p0 $0xFFFFF086;
	s6 =	sadd.s32 @!p0 s3, s7;
	s7 =	simm.s32 @!p0 $0x108  }
0x21: {  	s3 =	sadd.s32 s3, s9;
	s6 =	sadd.s32 @!p0 $0x88, s6;
	s7 =	simm.s32 @p2 $0x1082  }
0x22: {  	[simem:s7], [sflag:s8] =	dma.local @!p0 [hbm:s6], $0xF7A  }
0x23: {  	s9 =	sor.u32 $0xD0000000, s2;
	s6 =	simm.s32 $0x108;
	_ =	swait.ge @!p0 [sflag:s8], $0x0  }
0x24: {  	s3 =	sadd.s32 $0x88, s3;
	s6 =	simm.s32 @!p1 $0x1082;
	[sflag:s4] =	ssyncset.s32 $0xFFFFF086  }
0x25: {  	[simem:s6], [sflag:s4] =	dma.local [hbm:s3], $0xF7A  }
0x26: {  	[smem:$0x3F7A] =	sst s1;
	(tag) =	ssettag s2;
	_ =	strace s9  }
0x27: {  	s1 =	sld [smem:$0x3F8A]  }
0x28: {  	s2 =	sld [smem:$0x3F8B]  }
0x29: {  	s4 =	sld [smem:$0x3F8D]  }
0x2a: {  	p0 =	seq.s32 s5, $0x0;
	s5 =	sld [smem:$0x3F8E]  }
0x2b: {  	s6 =	sld [smem:$0x3F8F]  }
0x2c: {  	s7 =	sld [smem:$0x3F90]  }
0x2d: {  	s3 =	simm.s32 $0x108;
	s8 =	sld [smem:$0x3F91]  }
0x2e: {  	s3 =	simm.s32 @!p0 $0x1082;
	s9 =	sld [smem:$0x3F92]  }
0x2f: {  	lr =	sadd.s32 s0, s3;
	s0 =	sld [smem:$0x3F89]  }
0x30: {  	s3 =	sld [smem:$0x3F8C]  }
0x31: {  	[smem:$0x3F95] =	sst s10  }
0x32: {  	s10 =	sld [smem:$0x3F93];
	_ =	sdelay $0x3  }
0x33: {  	p0 =	seq.s32 s10, $0x1;
	s10 =	sld [smem:$0x3F95];
	_ =	sdelay $0x3  }
0x34: {  	[smem:$0x3F95] =	sst s10  }
0x35: {  	s10 =	sld [smem:$0x3F94];
	_ =	sdelay $0x3  }
0x36: {  	p1 =	seq.s32 s10, $0x1;
	s10 =	sld [smem:$0x3F95];
	_ =	sdelay $0x3  }
0x37: {  	[smem:$0x3F95] =	sst s10  }
0x38: {  	s10 =	sld [smem:$0x3F96]  }
0x39: {  	_ = 	snop;
	(pc) =	sbr.ind lr, $3  }
0x3a: {  	_ = 	snop  }
0x3b: {  	_ = 	snop  }
0x3c: {  	p2 =	seq.s32 s10, $0x1;
	s10 =	sld [smem:$0x3F95]  }
0x3d: {  	_ =	shalt  }
0x3e: {  	_ =	shalt  }
0x3f: {  	_ =	shalt  }
0x40: {  	_ =	shalt  }
0x41: {  	_ =	shalt  }
0x42: {  	_ =	shalt  }
0x43: {  	_ =	shalt  }
0x44: {  	_ =	shalt  }
0x45: {  	_ =	shalt  }
0x46: {  	_ =	shalt  }
0x47: {  	_ =	shalt  }
0x48: {  	_ =	shalt  }
0x49: {  	_ =	shalt  }
0x4a: {  	_ =	shalt  }
0x4b: {  	_ =	shalt  }
0x4c: {  	_ =	shalt  }
0x4d: {  	_ =	shalt  }
0x4e: {  	_ =	shalt  }
0x4f: {  	_ =	shalt  }
0x50: {  	_ =	shalt  }
0x51: {  	_ =	shalt  }
0x52: {  	_ =	shalt  }
0x53: {  	_ =	shalt  }
0x54: {  	_ =	shalt  }
0x55: {  	_ =	shalt  }
0x56: {  	_ =	shalt  }
0x57: {  	_ =	shalt  }
0x58: {  	_ =	shalt  }
0x59: {  	_ =	shalt  }
0x5a: {  	_ =	shalt  }
0x5b: {  	_ =	shalt  }
0x5c: {  	_ =	shalt  }
0x5d: {  	_ =	shalt  }
0x5e: {  	_ =	shalt  }
0x5f: {  	_ =	shalt  }
0x60: {  	_ =	shalt  }
0x61: {  	_ =	shalt  }
0x62: {  	_ =	shalt  }
0x63: {  	_ =	shalt  }
0x64: {  	_ =	shalt  }
0x65: {  	_ =	shalt  }
0x66: {  	_ =	shalt  }
0x67: {  	_ =	shalt  }
0x68: {  	_ =	shalt  }
0x69: {  	_ =	shalt  }
0x6a: {  	_ =	shalt  }
0x6b: {  	_ =	shalt  }
0x6c: {  	_ =	shalt  }
0x6d: {  	_ =	shalt  }
0x6e: {  	_ =	shalt  }
0x6f: {  	_ =	shalt  }
0x70: {  	_ =	shalt  }
0x71: {  	_ =	shalt  }
0x72: {  	_ =	shalt  }
0x73: {  	_ =	shalt  }
0x74: {  	_ =	shalt  }
0x75: {  	_ =	shalt  }
0x76: {  	_ =	shalt  }
0x77: {  	_ =	shalt  }
0x78: {  	_ =	shalt  }
0x79: {  	_ =	shalt  }
0x7a: {  	_ =	shalt  }
0x7b: {  	_ =	shalt  }
0x7c: {  	_ =	shalt  }
0x7d: {  	_ =	shalt  }
0x7e: {  	_ =	shalt  }
0x7f: {  	_ =	shalt  }
0x80: {  	_ =	shalt  }
0x81: {  	_ =	shalt  }
0x82: {  	_ =	shalt  }
0x83: {  	_ =	shalt  }
0x84: {  	_ =	shalt  }
0x85: {  	_ =	shalt  }
0x86: {  	_ =	shalt  }
0x87: {  	_ =	shalt  }
.Lfunc_end0:
.L_simem_size_0:
called_computation.2_lowered:
.L_overlay_start_0:
0x88: {  	s2 =	sld [smem:$0x3FD9]  }
0x89: {  	s3 =	sld [smem:$0x3FFE];
	_ =	sdelay $0x1  }
0x8a: {  	s1 =	srdreg.scid  }
0x8b: {  	s0 =	sand.u32 $0x1, s1  }
0x8c: {  	s17 =	sshll.u32 s0, $0xA;
	s2 =	sadd.s32 s3, s2  }
0x8d: {  	s2 =	sadd.s32 s2, s17  }
0x8e: {  	[smem:$0x3FA1] =	sst s2  }
0x8f: {  	_ = 	snop  }
0x90: {  	(tm) =	ssettm $0x1  }
0x91: {  	s18 =	sld [smem:$0x3FFB];
	_ =	sdelay $0x3  }
0x92: {  	_ =	strace s18  }
0x93: {  	s2 =	sld [smem:$0x3FFC];
	_ =	sdelay $0x3  }
0x94: {  	_ =	strace s2  }
0x95: {  	s2 =	sld [smem:$0x3FFD];
	_ =	sdelay $0x3  }
0x96: {  	_ =	strace s2  }
0x97: {  	_ =	strace $0x8FFFFFFF  }
0x98: {  	s19 =	sld [smem:$0x3FDB];
	_ =	sdelay $0x1  }
0x99: {  	s20 =	simm.s32 $_scs_section_size  }
0x9a: {  	s4 =	simm.s32 $_size__tile_overlayer_lowered;
	s5 =	simm.s32 $_tile_overlayer_lowered  }
0x9b: {  	s6 =	simm.s32 $0x1BFF;
	s21 =	sshll.u32 s5, $0x1;
	s3 =	sadd.s32 s20, s19  }
0x9c: {  	s22 =	simm.s32 $0x0;
	s4 =	sshll.u32 s4, $0x1;
	s5 =	sadd.s32 s21, s3  }
0x9d: {  	[timem:s22], [sflag:s6] =	dma.local [hbm:s5], s4  }
0x9e: {  	_ =	swait.ge [sflag:s6], s4  }
0x9f: {  	s4 =	ssub.s32 $0x0, s4;
	[sflag:s6] =	ssyncset.done $0x0  }
0xa0: {  	[sflag:s6] =	ssyncadd.s32 s4;
	_ =	sdelay $0x1  }
0xa1: {  	s23 =	simm.s32 $0x1B8B  }
0xa2: {  	_ =	swait.ge [sflag:s23], $0x1  }
0xa3: {  	[sflag:s23] =	ssyncset.done $0x0  }
0xa4: {  	[sflag:s23] =	ssyncadd.s32 $0xFFFFFFFF  }
0xa5: {  	s4 =	sld [smem:$0x0]  }
0xa6: {  	s5 =	sand.u32 $0xFFFFFFFE, s1  }
0xa7: {  	p0 =	sne.s32 s1, s5  }
0xa8: {  	s5 =	sshll.u32 @p0 s5, $0xE  }
0xa9: {  	s5 =	sadd.s32 @p0 $0x11B8D, s5;
	s6 =	sshll.u32 @p0 s4, $0x11  }
0xaa: {  	s5 =	sor.u32 @p0 s6, s5  }
0xab: {  	[sflag:s5] =	ssyncadd.remote.s32 @p0 $0x1;
	_ =	sdelay $0x1  }
0xac: {  	s5 =	simm.s32 @p0 $0x1B8D  }
0xad: {  	_ =	swait.eq @p0 [sflag:s5], $0x1  }
0xae: {  	[sflag:s5] =	ssyncadd.s32 @p0 $0xFFFFFFFF  }
0xaf: {  	s6 =	sshll.u32 @!p0 s1, $0xE  }
0xb0: {  	s6 =	sor.u32 @!p0 $0x4000, s6;
	s5 =	simm.s32 @!p0 $0x1B8D  }
0xb1: {  	s4 =	sshll.u32 @!p0 s4, $0x11;
	s6 =	sadd.s32 @!p0 $0x11B8D, s6;
	_ =	swait.eq @!p0 [sflag:s5], $0x1  }
0xb2: {  	s4 =	sor.u32 @!p0 s4, s6;
	[sflag:s5] =	ssyncadd.s32 @!p0 $0xFFFFFFFF  }
0xb3: {  	s25 =	simm.s32 $0x1B8E;
	s24 =	sld [smem:$0x3FFE];
	[sflag:s4] =	ssyncadd.remote.s32 @!p0 $0x1  }
0xb4: {  	s26 =	simm.s32 $execute0_lowered;
	[smem:$0x3FD2] =	sst s25  }
0xb5: {  	s5 =	sshll.u32 s26, $0x1;
	_ =	strace $0x8000004C;
	[dreg:$0x1] =	wrdreg $0xFFFFFFFF  }
0xb6: {  	s28 =	simm.s32 $_size_execute0_lowered;
	s3 =	sadd.s32 s3, s5;
	[dreg:$0x0] =	wrdreg $0x0  }
0xb7: {  	s5 =	sshll.u32 s28, $0x1;
	[dreg:$0x2] =	wrdreg s3  }
0xb8: {  	[dreg:$0x3] =	wrdreg s5  }
0xb9: {  	[dreg:$0x4] =	wrdreg $0xC0  }
0xba: {  	_ =	task [dreg:s22], $0x5FFFF  }
0xbb: {  	[dreg:$0x1] =	wrdreg $0xFFFFFFFF  }
0xbc: {  	[dreg:$0x0] =	wrdreg $0x60  }
0xbd: {  	[dreg:$0x2] =	wrdreg s24  }
0xbe: {  	[dreg:$0x3] =	wrdreg $0xA  }
0xbf: {  	_ =	task.clear_ibuf [dreg:s22], $0x4FFFF;
	_ =	strace $0x9000004C  }
0xc0: {  	s29 =	simm.s32 $0xA;
	_ =	strace $0x8000004E  }
0xc1: {  	_ =	swait.ge [sflag:s29], $0x1  }
0xc2: {  	[sflag:s29] =	ssyncadd.s32 $0xFFFFFFFF  }
0xc3: {  	_ =	strace $0x9000004E  }
0xc4: {  	_ =	sfence  }
0xc5: {  	s30 =	sld [smem:$0x0];
	_ =	sdelay $0x2  }
0xc6: {  	s31 =	sshll.u32 s1, $0xD;
	s1 =	sshrl.u32 s1, $0x2  }
0xc7: {  	s4 =	sand.u32 $0x4000, s31;
	s1 =	sadd.s32 s1, s30  }
0xc8: {  	s0 =	sor.u32 s4, s0;
	s1 =	sshll.u32 s1, $0x11  }
0xc9: {  	s0 =	sor.u32 s1, s0  }
0xca: {  	s0 =	sadd.s32 $0x8F2B, s0  }
0xcb: {  	[sflag:s0] =	ssyncadd.remote.s32 $0x1  }
0xcc: {  	_ =	sfence.sel $0xFFFF  }
0xcd: {  	[dreg:$0x0] =	wrdreg $0xFFFFFFFF;
	(pc) =	sbr.abs _section_cstart, $3  }
0xce: {  	[dreg:$0x1] =	wrdreg $0xFFFFFFFF  }
0xcf: {  	_ =	task.clear_ibuf [dreg:s22], $0x2FFFF;
	_ =	strace $0x9FFFFFFF  }
0xd0: {  	(tm) =	ssettm $0x7FFFFFFF  }
0xd1: {  	_ =	shalt  }
tec
execute0_lowered:
.L_overlay_start_1:
0x0: {  	(tag) =	ssettag $0x1  }
0x1: {  	s0 =	rddreg [dreg:$0x0];
	s2 =	simm.s32 $0x0  }
0x2: {  	s1 =	srdreg.scid;
	s12 =	stileid.u32;
	s14 =	simm.s32 $0x1D900  }
0x3: {  	s15 =	simm.s32 $0x1DE00;
	s16 =	simm.s32 $0x1;
	s17 =	simm.s32 $0x280  }
0x4: {  	s18 =	simm.s32 $0x1E300;
	s19 =	simm.s32 $0x13900;
	s20 =	simm.s32 $0x10  }
0x5: {  	s21 =	simm.s32 $0x100;
	s22 =	simm.s32 $0x18900;
	s23 =	simm.s32 $0x1DB80  }
0x6: {  	s28 =	simm.s32 $0x16100;
	s29 =	simm.s32 $0x1B100;
	s30 =	simm.s32 $0x3  }
0x7: {  	s31 =	simm.s32 $0x4;
	[smem:$0x7FF] =	sst s2;
	s1 =	sand.u32 $0x1, s1  }
0x8: {  	s7 =	smul.u32 $0x13880, s12;
	s3 =	sadd.s32 $0x4E8000, s0;
	s4 =	sadd.s32 $0x53B200, s0  }
0x9: {  	s5 =	sadd.s32 $0x536200, s0;
	s24 =	sshll.u32 s12, $0x1;
	s11 =	sadd.s32 $0x53B250, s0  }
0xa: {  	s6 =	smul.u32 $0x138800, s1;
	_ =	strace $0x8000004D;
	s8 =	ssub.s32 $0x2, s1  }
0xb: {  	s1 =	smul.u32 $0x1388, s1;
	[dreg:$0x2] =	wrdreg s11;
	s9 =	sshrl.u32 s8, $0x1  }
0xc: {  	v2 =	vimm.f32 $0.0e+00;
	v3 =	vimm.s32 $0x4;
	s7 =	sadd.s32 s7, s6;
	s6 =	sadd.s32 $0x6000, s0;
	s8 =	ssub.s32 s8, s9  }
0xd: {  	v4 =	vimm.s32 $0x0;
	v5 =	vlaneseq.u32;
	v1 =	vmov s1;
	s1 =	simm.s32 $0x0;
	s7 =	sshrl.u32 s7, $0x3;
	s9 =	sadd.s32 s6, s24  }
.Ltmp0:
0xe: {  	v6 =	vimm.s32 $0x1;
	v7 =	vimm.s32 $0x2;
	v8 =	vimm.s32 $0x3;
	s26 =	smax.u32 s8, $0x1;
	s24 =	simm.s32 $0x1E080;
	(pc) =	sbr.rel .LBB2_1-.Ltmp0, $4  }
0xf: {  	v9 =	vimm.s32 $0x5;
	v10 =	vimm.s32 $0x6;
	v11 =	vimm.s32 $0x7;
	s10 =	sadd.s32 s7, s0;
	s7 =	sshll.u32 s12, $0x4;
	[dreg:$0x3] =	wrdreg s9  }
0x10: {  	v12 =	vimm.s32 $0x8;
	v13 =	vimm.s32 $0x9;
	v14 =	vimm.s32 $0xA;
	s0 =	sadd.s32 $0x536250, s0;
	[dreg:$0x6] =	wrdreg s26;
	s26 =	simm.s32 $0x1E580  }
0x11: {  	v15 =	vimm.s32 $0xB;
	v16 =	vimm.s32 $0xC;
	v17 =	vimm.s32 $0xD;
	[dreg:$0x4] =	wrdreg s0;
	s11 =	sor.u32 $0x28000, s7;
	s25 =	sadd.s32 $0x540A00, s10  }
0x12: {  	v18 =	vimm.s32 $0xE;
	v19 =	vimm.s32 $0xF;
	v0 =	vmov s12;
	s0 =	simm.s32 $0x5;
	[dreg:$0x5] =	wrdreg s25;
	s25 =	simm.s32 $0x2  }
.LBB2_12:
0x13: {  	s8 =	rddreg [dreg:$0x5]  }
0x14: {  	[hbm4b:s8+s2] =	stream.linear.scatter [tilespmem:s2], [sflag:$0x5], $0x13880, $0x38;
	[tilespmem:$0x1E800] =	vst v63  }
0x15: {  	_ =	swait.ge [sflag:s0], $0x13880  }
0x16: {  	s1 =	sadd.s32 $0x1, s1;
	s13 =	rddreg [dreg:$0x6]  }
0x17: {  	p0 =	sne.s32 s1, s13  }
.Ltmp1:
0x18: {  	_ = 	snop;
	(pc) =	sbr.rel @!p0 .LBB2_13-.Ltmp1, $3  }
0x19: {  	_ =	sdelay $0x1  }
0x1a: {  	[sflag:s0] =	ssyncset.done $0x0  }
0x1b: {  	[sflag:s0] =	ssyncadd.s32 $0xFFFEC780  }
.LBB2_1:
0x1c: {  	s8 =	simm.s32 $0x40  }
0x1d: {  	[tilespmem:s8+$0xFFFFFFC0] =	vst v2  }
0x1e: {  	[tilespmem:s8+$0x30] =	vst v2  }
0x1f: {  	[tilespmem:s8+$0x20] =	vst v2  }
0x20: {  	[tilespmem:s8+$0x10] =	vst v2  }
0x21: {  	[tilespmem:s8+$0x0] =	vst v2  }
0x22: {  	[tilespmem:s8+$0xFFFFFFF0] =	vst v2  }
0x23: {  	s9 =	simm.s32 $0x0;
	[tilespmem:s8+$0xFFFFFFE0] =	vst v2  }
.LBB2_2:
0x24: {  	s9 =	sadd.s32 $0x8, s9;
	[tilespmem:s8+$0xFFFFFFD0] =	vst v2;
	s8 =	sadd.s32 $0x80, s8  }
0x25: {  	[tilespmem:s8+$0xFFFFFFC0] =	vst v2;
	p0 =	slt.u32 s9, $0x1388  }
0x26: {  	[tilespmem:s8+$0x30] =	vst v2  }
.Ltmp2:
0x27: {  	[tilespmem:s8+$0x20] =	vst v2;
	(pc) =	sbr.rel @p0 .LBB2_2-.Ltmp2, $4  }
0x28: {  	[tilespmem:s8+$0x10] =	vst v2  }
0x29: {  	[tilespmem:s8+$0x0] =	vst v2  }
0x2a: {  	[tilespmem:s8+$0xFFFFFFF0] =	vst v2  }
0x2b: {  	[tilespmem:s8+$0xFFFFFFE0] =	vst v2  }
0x2c: {  	[tilespmem:s8+$0xFFFFFFD0] =	vst v2;
	s8 =	simm.s32 $0x0  }
0x2d: {  	[tilespmem:s14], [sflag:$0x1] =	stream.linear.gather [hbm4b:s4+s8], $0x280, $0x38;
	[tilespmem:$0x1E800] =	vst v63  }
0x2e: {  	_ = 	snop  }
0x2f: {  	[tilespmem:s15], [sflag:$0x1] =	stream.linear.gather [hbm4b:s5+s8], $0x280, $0x38;
	[tilespmem:$0x1E800] =	vst v63  }
0x30: {  	_ =	swait.ge [sflag:s16], $0x280  }
0x31: {  	[sflag:s16] =	ssyncset.done $0x0  }
0x32: {  	[sflag:s16] =	ssyncadd.s32 $0xFFFFFD80  }
0x33: {  	_ =	swait.ge [sflag:s16], $0x280  }
0x34: {  	[sflag:s16] =	ssyncset.done $0x0  }
0x35: {  	[sflag:s16] =	ssyncadd.s32 $0xFFFFFD80  }
0x36: {  	v20 =	vld [tilespmem:$0x1D900]  }
0x37: {  	v21 =	vld [tilespmem:$0x1D910]  }
0x38: {  	v22 =	vld [tilespmem:$0x1D920]  }
0x39: {  	v23 =	vld [tilespmem:$0x1D930]  }
0x3a: {  	v24 =	vld [tilespmem:$0x1D940]  }
0x3b: {  	v25 =	vld [tilespmem:$0x1D950];
	v20 =	vshll.u32 v20, $0x4  }
0x3c: {  	v26 =	vld [tilespmem:$0x1D960];
	v21 =	vshll.u32 v21, $0x4;
	v20 =	vor.u32 v0, v20  }
0x3d: {  	v30 =	vld [tilespmem:$0x1D970];
	v29 =	vshll.u32 v22, $0x4;
	[tilespmem:$0x1E300] =	vst v20;
	v20 =	vor.u32 v0, v21  }
0x3e: {  	v32 =	vld [tilespmem:$0x1D980];
	v31 =	vshll.u32 v23, $0x4;
	[tilespmem:$0x1E310] =	vst v20;
	v20 =	vor.u32 v0, v29  }
0x3f: {  	v34 =	vld [tilespmem:$0x1D990];
	v33 =	vshll.u32 v24, $0x4;
	[tilespmem:$0x1E320] =	vst v20;
	v20 =	vor.u32 v0, v31  }
0x40: {  	v36 =	vld [tilespmem:$0x1D9A0];
	v35 =	vshll.u32 v25, $0x4;
	[tilespmem:$0x1E330] =	vst v20;
	v20 =	vor.u32 v0, v33  }
0x41: {  	v38 =	vld [tilespmem:$0x1D9B0];
	v37 =	vshll.u32 v26, $0x4;
	[tilespmem:$0x1E340] =	vst v20;
	v20 =	vor.u32 v0, v35  }
0x42: {  	v40 =	vld [tilespmem:$0x1D9C0];
	v39 =	vshll.u32 v30, $0x4;
	[tilespmem:$0x1E350] =	vst v20;
	v20 =	vor.u32 v0, v37  }
0x43: {  	v42 =	vld [tilespmem:$0x1D9D0];
	v41 =	vshll.u32 v32, $0x4;
	[tilespmem:$0x1E360] =	vst v20;
	v20 =	vor.u32 v0, v39  }
0x44: {  	v44 =	vld [tilespmem:$0x1D9E0];
	v43 =	vshll.u32 v34, $0x4;
	[tilespmem:$0x1E370] =	vst v20;
	v20 =	vor.u32 v0, v41  }
0x45: {  	v46 =	vld [tilespmem:$0x1D9F0];
	v45 =	vshll.u32 v36, $0x4;
	[tilespmem:$0x1E380] =	vst v20;
	v20 =	vor.u32 v0, v43  }
0x46: {  	v48 =	vld [tilespmem:$0x1DA00];
	v47 =	vshll.u32 v38, $0x4;
	[tilespmem:$0x1E390] =	vst v20;
	v20 =	vor.u32 v0, v45  }
0x47: {  	v50 =	vld [tilespmem:$0x1DA10];
	v49 =	vshll.u32 v40, $0x4;
	[tilespmem:$0x1E3A0] =	vst v20;
	v20 =	vor.u32 v0, v47  }
0x48: {  	v52 =	vld [tilespmem:$0x1DA20];
	v51 =	vshll.u32 v42, $0x4;
	[tilespmem:$0x1E3B0] =	vst v20;
	v20 =	vor.u32 v0, v49  }
0x49: {  	v54 =	vld [tilespmem:$0x1DA30];
	v53 =	vshll.u32 v44, $0x4;
	[tilespmem:$0x1E3C0] =	vst v20;
	v20 =	vor.u32 v0, v51  }
0x4a: {  	v56 =	vld [tilespmem:$0x1DA40];
	v55 =	vshll.u32 v46, $0x4;
	[tilespmem:$0x1E3D0] =	vst v20;
	v20 =	vor.u32 v0, v53  }
0x4b: {  	v58 =	vld [tilespmem:$0x1DA50];
	v57 =	vshll.u32 v48, $0x4;
	[tilespmem:$0x1E3E0] =	vst v20;
	v20 =	vor.u32 v0, v55  }
0x4c: {  	v60 =	vld [tilespmem:$0x1DA60];
	v59 =	vshll.u32 v50, $0x4;
	[tilespmem:$0x1E3F0] =	vst v20;
	v20 =	vor.u32 v0, v57  }
0x4d: {  	v62 =	vld [tilespmem:$0x1DA70];
	v61 =	vshll.u32 v52, $0x4;
	[tilespmem:$0x1E400] =	vst v20;
	v20 =	vor.u32 v0, v59  }
0x4e: {  	v28 =	vld [tilespmem:$0x1DA80];
	v63 =	vshll.u32 v54, $0x4;
	[tilespmem:$0x1E410] =	vst v20;
	v20 =	vor.u32 v0, v61  }
0x4f: {  	v30 =	vld [tilespmem:$0x1DA90];
	v29 =	vshll.u32 v56, $0x4;
	[tilespmem:$0x1E420] =	vst v20;
	v20 =	vor.u32 v0, v63  }
0x50: {  	v32 =	vld [tilespmem:$0x1DAA0];
	v31 =	vshll.u32 v58, $0x4;
	[tilespmem:$0x1E430] =	vst v20;
	v20 =	vor.u32 v0, v29  }
0x51: {  	v34 =	vld [tilespmem:$0x1DAB0];
	v33 =	vshll.u32 v60, $0x4;
	[tilespmem:$0x1E440] =	vst v20;
	v20 =	vor.u32 v0, v31  }
0x52: {  	v36 =	vld [tilespmem:$0x1DAC0];
	v35 =	vshll.u32 v62, $0x4;
	[tilespmem:$0x1E450] =	vst v20;
	v20 =	vor.u32 v0, v33  }
0x53: {  	v38 =	vld [tilespmem:$0x1DAD0];
	v37 =	vshll.u32 v28, $0x4;
	[tilespmem:$0x1E460] =	vst v20;
	v20 =	vor.u32 v0, v35  }
0x54: {  	v40 =	vld [tilespmem:$0x1DAE0];
	v39 =	vshll.u32 v30, $0x4;
	[tilespmem:$0x1E470] =	vst v20;
	v20 =	vor.u32 v0, v37  }
0x55: {  	v42 =	vld [tilespmem:$0x1DAF0];
	v41 =	vshll.u32 v32, $0x4;
	[tilespmem:$0x1E480] =	vst v20;
	v20 =	vor.u32 v0, v39  }
0x56: {  	v44 =	vld [tilespmem:$0x1DB00];
	v43 =	vshll.u32 v34, $0x4;
	[tilespmem:$0x1E490] =	vst v20;
	v20 =	vor.u32 v0, v41  }
0x57: {  	v46 =	vld [tilespmem:$0x1DB10];
	v45 =	vshll.u32 v36, $0x4;
	[tilespmem:$0x1E4A0] =	vst v20;
	v20 =	vor.u32 v0, v43  }
0x58: {  	v48 =	vld [tilespmem:$0x1DB20];
	v47 =	vshll.u32 v38, $0x4;
	[tilespmem:$0x1E4B0] =	vst v20;
	v20 =	vor.u32 v0, v45  }
0x59: {  	v50 =	vld [tilespmem:$0x1DB30];
	v49 =	vshll.u32 v40, $0x4;
	[tilespmem:$0x1E4C0] =	vst v20;
	v20 =	vor.u32 v0, v47  }
0x5a: {  	v52 =	vld [tilespmem:$0x1DB40];
	v51 =	vshll.u32 v42, $0x4;
	[tilespmem:$0x1E4D0] =	vst v20;
	v20 =	vor.u32 v0, v49  }
0x5b: {  	v54 =	vld [tilespmem:$0x1DB50];
	v53 =	vshll.u32 v44, $0x4;
	[tilespmem:$0x1E4E0] =	vst v20;
	v20 =	vor.u32 v0, v51  }
0x5c: {  	v56 =	vld [tilespmem:$0x1DB60];
	v55 =	vshll.u32 v46, $0x4;
	[tilespmem:$0x1E4F0] =	vst v20;
	v20 =	vor.u32 v0, v53  }
0x5d: {  	v58 =	vld [tilespmem:$0x1DB70];
	v57 =	vshll.u32 v48, $0x4;
	[tilespmem:$0x1E500] =	vst v20;
	v20 =	vor.u32 v0, v55  }
0x5e: {  	v59 =	vshll.u32 v50, $0x4;
	[tilespmem:$0x1E510] =	vst v20;
	v20 =	vor.u32 v0, v57  }
0x5f: {  	v60 =	vshll.u32 v52, $0x4;
	[tilespmem:$0x1E520] =	vst v20;
	v20 =	vor.u32 v0, v59  }
0x60: {  	v61 =	vshll.u32 v54, $0x4;
	[tilespmem:$0x1E530] =	vst v20;
	v20 =	vor.u32 v0, v60  }
0x61: {  	v62 =	vshll.u32 v56, $0x4;
	[tilespmem:$0x1E540] =	vst v20;
	v20 =	vor.u32 v0, v61  }
0x62: {  	v63 =	vshll.u32 v58, $0x4;
	[tilespmem:$0x1E550] =	vst v20;
	v20 =	vor.u32 v0, v62  }
0x63: {  	[tilespmem:$0x1E560] =	vst v20;
	v20 =	vor.u32 v0, v63  }
0x64: {  	[tilespmem:$0x1E570] =	vst v20  }
0x65: {  	[tilespmem:s19], [sflag:$0x3] =	stream.indirect.gather [hbm4b:s3+s17], $0x10, s18, s17, $0xb8;
	[tilespmem:$0x1E800] =	vst v63  }
0x66: {  	s9 =	rddreg [dreg:$0x3]  }
0x67: {  	[tilespmem:s22], [sflag:$0x3] =	stream.strided.gather [hbm4b:s9+s20], $0x2800, s21, s20, $0x38;
	[tilespmem:$0x1E800] =	vst v63  }
0x68: {  	s12 =	rddreg [dreg:$0x2]  }
0x69: {  	[tilespmem:s23], [sflag:$0x2] =	stream.linear.gather [hbm4b:s12+s8], $0x280, $0x38;
	[tilespmem:$0x1E800] =	vst v63  }
0x6a: {  	s13 =	rddreg [dreg:$0x4]  }
0x6b: {  	[tilespmem:s24], [sflag:$0x2] =	stream.linear.gather [hbm4b:s13+s8], $0x280, $0x38;
	[tilespmem:$0x1E800] =	vst v63  }
.LBB2_4:
0x6c: {  	_ =	swait.ge [sflag:s25], $0x280  }
0x6d: {  	[sflag:s25] =	ssyncset.done $0x0  }
0x6e: {  	[sflag:s25] =	ssyncadd.s32 $0xFFFFFD80  }
0x6f: {  	_ =	swait.ge [sflag:s25], $0x280  }
0x70: {  	[sflag:s25] =	ssyncset.done $0x0  }
0x71: {  	[sflag:s25] =	ssyncadd.s32 $0xFFFFFD80  }
0x72: {  	v20 =	vld [tilespmem:$0x1DB80]  }
0x73: {  	v21 =	vld [tilespmem:$0x1DB90]  }
0x74: {  	v22 =	vld [tilespmem:$0x1DBA0]  }
0x75: {  	v23 =	vld [tilespmem:$0x1DBB0]  }
0x76: {  	v24 =	vld [tilespmem:$0x1DBC0]  }
0x77: {  	v25 =	vld [tilespmem:$0x1DBD0];
	v20 =	vshll.u32 v20, $0x4  }
0x78: {  	v26 =	vld [tilespmem:$0x1DBE0];
	v21 =	vshll.u32 v21, $0x4;
	v20 =	vor.u32 v0, v20  }
0x79: {  	v30 =	vld [tilespmem:$0x1DBF0];
	v29 =	vshll.u32 v22, $0x4;
	[tilespmem:$0x1E580] =	vst v20;
	v20 =	vor.u32 v0, v21  }
0x7a: {  	v32 =	vld [tilespmem:$0x1DC00];
	v31 =	vshll.u32 v23, $0x4;
	[tilespmem:$0x1E590] =	vst v20;
	v20 =	vor.u32 v0, v29  }
0x7b: {  	v34 =	vld [tilespmem:$0x1DC10];
	v33 =	vshll.u32 v24, $0x4;
	[tilespmem:$0x1E5A0] =	vst v20;
	v20 =	vor.u32 v0, v31  }
0x7c: {  	v36 =	vld [tilespmem:$0x1DC20];
	v35 =	vshll.u32 v25, $0x4;
	[tilespmem:$0x1E5B0] =	vst v20;
	v20 =	vor.u32 v0, v33  }
0x7d: {  	v38 =	vld [tilespmem:$0x1DC30];
	v37 =	vshll.u32 v26, $0x4;
	[tilespmem:$0x1E5C0] =	vst v20;
	v20 =	vor.u32 v0, v35  }
0x7e: {  	v40 =	vld [tilespmem:$0x1DC40];
	v39 =	vshll.u32 v30, $0x4;
	[tilespmem:$0x1E5D0] =	vst v20;
	v20 =	vor.u32 v0, v37  }
0x7f: {  	v42 =	vld [tilespmem:$0x1DC50];
	v41 =	vshll.u32 v32, $0x4;
	[tilespmem:$0x1E5E0] =	vst v20;
	v20 =	vor.u32 v0, v39  }
0x80: {  	v44 =	vld [tilespmem:$0x1DC60];
	v43 =	vshll.u32 v34, $0x4;
	[tilespmem:$0x1E5F0] =	vst v20;
	v20 =	vor.u32 v0, v41  }
0x81: {  	v46 =	vld [tilespmem:$0x1DC70];
	v45 =	vshll.u32 v36, $0x4;
	[tilespmem:$0x1E600] =	vst v20;
	v20 =	vor.u32 v0, v43  }
0x82: {  	v48 =	vld [tilespmem:$0x1DC80];
	v47 =	vshll.u32 v38, $0x4;
	[tilespmem:$0x1E610] =	vst v20;
	v20 =	vor.u32 v0, v45  }
0x83: {  	v50 =	vld [tilespmem:$0x1DC90];
	v49 =	vshll.u32 v40, $0x4;
	[tilespmem:$0x1E620] =	vst v20;
	v20 =	vor.u32 v0, v47  }
0x84: {  	v52 =	vld [tilespmem:$0x1DCA0];
	v51 =	vshll.u32 v42, $0x4;
	[tilespmem:$0x1E630] =	vst v20;
	v20 =	vor.u32 v0, v49  }
0x85: {  	v54 =	vld [tilespmem:$0x1DCB0];
	v53 =	vshll.u32 v44, $0x4;
	[tilespmem:$0x1E640] =	vst v20;
	v20 =	vor.u32 v0, v51  }
0x86: {  	v56 =	vld [tilespmem:$0x1DCC0];
	v55 =	vshll.u32 v46, $0x4;
	[tilespmem:$0x1E650] =	vst v20;
	v20 =	vor.u32 v0, v53  }
0x87: {  	v58 =	vld [tilespmem:$0x1DCD0];
	v57 =	vshll.u32 v48, $0x4;
	[tilespmem:$0x1E660] =	vst v20;
	v20 =	vor.u32 v0, v55  }
0x88: {  	v60 =	vld [tilespmem:$0x1DCE0];
	v59 =	vshll.u32 v50, $0x4;
	[tilespmem:$0x1E670] =	vst v20;
	v20 =	vor.u32 v0, v57  }
0x89: {  	v62 =	vld [tilespmem:$0x1DCF0];
	v61 =	vshll.u32 v52, $0x4;
	[tilespmem:$0x1E680] =	vst v20;
	v20 =	vor.u32 v0, v59  }
0x8a: {  	v28 =	vld [tilespmem:$0x1DD00];
	v63 =	vshll.u32 v54, $0x4;
	[tilespmem:$0x1E690] =	vst v20;
	v20 =	vor.u32 v0, v61  }
0x8b: {  	v30 =	vld [tilespmem:$0x1DD10];
	v29 =	vshll.u32 v56, $0x4;
	[tilespmem:$0x1E6A0] =	vst v20;
	v20 =	vor.u32 v0, v63  }
0x8c: {  	v32 =	vld [tilespmem:$0x1DD20];
	v31 =	vshll.u32 v58, $0x4;
	[tilespmem:$0x1E6B0] =	vst v20;
	v20 =	vor.u32 v0, v29  }
0x8d: {  	v34 =	vld [tilespmem:$0x1DD30];
	v33 =	vshll.u32 v60, $0x4;
	[tilespmem:$0x1E6C0] =	vst v20;
	v20 =	vor.u32 v0, v31  }
0x8e: {  	v36 =	vld [tilespmem:$0x1DD40];
	v35 =	vshll.u32 v62, $0x4;
	[tilespmem:$0x1E6D0] =	vst v20;
	v20 =	vor.u32 v0, v33  }
0x8f: {  	v38 =	vld [tilespmem:$0x1DD50];
	v37 =	vshll.u32 v28, $0x4;
	[tilespmem:$0x1E6E0] =	vst v20;
	v20 =	vor.u32 v0, v35  }
0x90: {  	v40 =	vld [tilespmem:$0x1DD60];
	v39 =	vshll.u32 v30, $0x4;
	[tilespmem:$0x1E6F0] =	vst v20;
	v20 =	vor.u32 v0, v37  }
0x91: {  	v42 =	vld [tilespmem:$0x1DD70];
	v41 =	vshll.u32 v32, $0x4;
	[tilespmem:$0x1E700] =	vst v20;
	v20 =	vor.u32 v0, v39  }
0x92: {  	v44 =	vld [tilespmem:$0x1DD80];
	v43 =	vshll.u32 v34, $0x4;
	[tilespmem:$0x1E710] =	vst v20;
	v20 =	vor.u32 v0, v41  }
0x93: {  	v46 =	vld [tilespmem:$0x1DD90];
	v45 =	vshll.u32 v36, $0x4;
	[tilespmem:$0x1E720] =	vst v20;
	v20 =	vor.u32 v0, v43  }
0x94: {  	v48 =	vld [tilespmem:$0x1DDA0];
	v47 =	vshll.u32 v38, $0x4;
	[tilespmem:$0x1E730] =	vst v20;
	v20 =	vor.u32 v0, v45  }
0x95: {  	v50 =	vld [tilespmem:$0x1DDB0];
	v49 =	vshll.u32 v40, $0x4;
	[tilespmem:$0x1E740] =	vst v20;
	v20 =	vor.u32 v0, v47  }
0x96: {  	v52 =	vld [tilespmem:$0x1DDC0];
	v51 =	vshll.u32 v42, $0x4;
	[tilespmem:$0x1E750] =	vst v20;
	v20 =	vor.u32 v0, v49  }
0x97: {  	v54 =	vld [tilespmem:$0x1DDD0];
	v53 =	vshll.u32 v44, $0x4;
	[tilespmem:$0x1E760] =	vst v20;
	v20 =	vor.u32 v0, v51  }
0x98: {  	v56 =	vld [tilespmem:$0x1DDE0];
	v55 =	vshll.u32 v46, $0x4;
	[tilespmem:$0x1E770] =	vst v20;
	v20 =	vor.u32 v0, v53  }
0x99: {  	v58 =	vld [tilespmem:$0x1DDF0];
	v57 =	vshll.u32 v48, $0x4;
	[tilespmem:$0x1E780] =	vst v20;
	v20 =	vor.u32 v0, v55  }
0x9a: {  	v59 =	vshll.u32 v50, $0x4;
	[tilespmem:$0x1E790] =	vst v20;
	v20 =	vor.u32 v0, v57  }
0x9b: {  	v60 =	vshll.u32 v52, $0x4;
	[tilespmem:$0x1E7A0] =	vst v20;
	v20 =	vor.u32 v0, v59  }
0x9c: {  	v61 =	vshll.u32 v54, $0x4;
	[tilespmem:$0x1E7B0] =	vst v20;
	v20 =	vor.u32 v0, v60  }
0x9d: {  	s9 =	smul.u32 $0x50000, s8;
	v62 =	vshll.u32 v56, $0x4;
	[tilespmem:$0x1E7C0] =	vst v20;
	v20 =	vor.u32 v0, v61  }
0x9e: {  	v63 =	vshll.u32 v58, $0x4;
	[tilespmem:$0x1E7D0] =	vst v20;
	v20 =	vor.u32 v0, v62  }
0x9f: {  	s9 =	sadd.s32 s11, s9;
	[tilespmem:$0x1E7E0] =	vst v20;
	v20 =	vor.u32 v0, v63  }
0xa0: {  	s9 =	sshrl.u32 s9, $0x3;
	[tilespmem:$0x1E7F0] =	vst v20  }
0xa1: {  	[tilespmem:s28], [sflag:$0x4] =	stream.indirect.gather [hbm4b:s3+s17], $0x10, s26, s17, $0xb8;
	[tilespmem:$0x1E800] =	vst v63  }
0xa2: {  	s9 =	sadd.s32 s6, s9  }
0xa3: {  	[tilespmem:s29], [sflag:$0x4] =	stream.strided.gather [hbm4b:s9+s20], $0x2800, s21, s20, $0x38;
	[tilespmem:$0x1E800] =	vst v63  }
0xa4: {  	_ =	swait.ge [sflag:s30], $0x2800  }
0xa5: {  	[sflag:s30] =	ssyncset.done $0x0  }
0xa6: {  	[sflag:s30] =	ssyncadd.s32 $0xFFFFD800  }
0xa7: {  	_ =	swait.ge [sflag:s30], $0x2800  }
0xa8: {  	s10 =	simm.s32 $0x13A00;
	s12 =	simm.s32 $0x18A00;
	[sflag:s30] =	ssyncset.done $0x0  }
0xa9: {  	s13 =	simm.s32 $0x1DE10;
	s9 =	simm.s32 $0xFFFFFFFE;
	[sflag:s30] =	ssyncadd.s32 $0xFFFFD800  }
.LBB2_5:
0xaa: {  	v20 =	vld [tilespmem:s13+$0xFFFFFFF0];
	_ =	sdelay $0x4  }
0xab: {  	v20 =	vsub.s32 v20, v1  }
0xac: {  	v21 =	vld [tilespmem:s10+$0xFFFFFF00];
	v20 =	vmin.u32 v20, $0x1388  }
0xad: {  	v22 =	vld [tilespmem:s12+$0xFFFFFF00];
	v20 =	vshll.u32 v20, $0x4  }
0xae: {  	v23 =	vperm.xlane v20, v4;
	_ =	sdelay $0x1  }
0xaf: {  	v23 =	vadd.s32 v5, v23;
	_ =	sdelay $0x1  }
0xb0: {  	v21 =	vadd.f32 v22, v21;
	_ =	sdelay $0x1  }
0xb1: {  	v21 =	vmax.f32 v21, $0.0e+00  }
0xb2: {  	[tilespmem:v23+s2+$0x0] =	vst.idx.add.f32.msk $0xffff, v21  }
0xb3: {  	v21 =	vld [tilespmem:s10+$0xFFFFFF10]  }
0xb4: {  	v44 =	vld [tilespmem:s12+$0xFFFFFF10]  }
0xb5: {  	v45 =	vperm.xlane v20, v6;
	_ =	sdelay $0x1  }
0xb6: {  	v23 =	vadd.s32 v5, v45;
	_ =	sdelay $0x1  }
0xb7: {  	v21 =	vadd.f32 v44, v21;
	_ =	sdelay $0x1  }
0xb8: {  	v21 =	vmax.f32 v21, $0.0e+00  }
0xb9: {  	[tilespmem:v23+s2+$0x0] =	vst.idx.add.f32.msk $0xffff, v21  }
0xba: {  	v21 =	vld [tilespmem:s10+$0xFFFFFF20]  }
0xbb: {  	v46 =	vld [tilespmem:s12+$0xFFFFFF20]  }
0xbc: {  	v47 =	vperm.xlane v20, v7;
	_ =	sdelay $0x1  }
0xbd: {  	v23 =	vadd.s32 v5, v47;
	_ =	sdelay $0x1  }
0xbe: {  	v21 =	vadd.f32 v46, v21;
	_ =	sdelay $0x1  }
0xbf: {  	v21 =	vmax.f32 v21, $0.0e+00  }
0xc0: {  	[tilespmem:v23+s2+$0x0] =	vst.idx.add.f32.msk $0xffff, v21  }
0xc1: {  	v21 =	vld [tilespmem:s10+$0xFFFFFF30]  }
0xc2: {  	v48 =	vld [tilespmem:s12+$0xFFFFFF30]  }
0xc3: {  	v49 =	vperm.xlane v20, v8;
	_ =	sdelay $0x1  }
0xc4: {  	v23 =	vadd.s32 v5, v49;
	_ =	sdelay $0x1  }
0xc5: {  	v21 =	vadd.f32 v48, v21;
	_ =	sdelay $0x1  }
0xc6: {  	v21 =	vmax.f32 v21, $0.0e+00  }
0xc7: {  	[tilespmem:v23+s2+$0x0] =	vst.idx.add.f32.msk $0xffff, v21  }
0xc8: {  	v21 =	vld [tilespmem:s10+$0xFFFFFF40]  }
0xc9: {  	v50 =	vld [tilespmem:s12+$0xFFFFFF40]  }
0xca: {  	v51 =	vperm.xlane v20, v3;
	_ =	sdelay $0x1  }
0xcb: {  	v23 =	vadd.s32 v5, v51;
	_ =	sdelay $0x1  }
0xcc: {  	v21 =	vadd.f32 v50, v21;
	_ =	sdelay $0x1  }
0xcd: {  	v21 =	vmax.f32 v21, $0.0e+00  }
0xce: {  	[tilespmem:v23+s2+$0x0] =	vst.idx.add.f32.msk $0xffff, v21  }
0xcf: {  	v21 =	vld [tilespmem:s10+$0xFFFFFF50]  }
0xd0: {  	v52 =	vld [tilespmem:s12+$0xFFFFFF50]  }
0xd1: {  	v53 =	vperm.xlane v20, v9;
	_ =	sdelay $0x1  }
0xd2: {  	v23 =	vadd.s32 v5, v53;
	_ =	sdelay $0x1  }
0xd3: {  	v21 =	vadd.f32 v52, v21;
	_ =	sdelay $0x1  }
0xd4: {  	v21 =	vmax.f32 v21, $0.0e+00  }
0xd5: {  	[tilespmem:v23+s2+$0x0] =	vst.idx.add.f32.msk $0xffff, v21  }
0xd6: {  	v21 =	vld [tilespmem:s10+$0xFFFFFF60]  }
0xd7: {  	v54 =	vld [tilespmem:s12+$0xFFFFFF60]  }
0xd8: {  	v55 =	vperm.xlane v20, v10;
	_ =	sdelay $0x1  }
0xd9: {  	v23 =	vadd.s32 v5, v55;
	_ =	sdelay $0x1  }
0xda: {  	v21 =	vadd.f32 v54, v21;
	_ =	sdelay $0x1  }
0xdb: {  	v21 =	vmax.f32 v21, $0.0e+00  }
0xdc: {  	[tilespmem:v23+s2+$0x0] =	vst.idx.add.f32.msk $0xffff, v21  }
0xdd: {  	v21 =	vld [tilespmem:s10+$0xFFFFFF70]  }
0xde: {  	v56 =	vld [tilespmem:s12+$0xFFFFFF70]  }
0xdf: {  	v57 =	vperm.xlane v20, v11;
	_ =	sdelay $0x1  }
0xe0: {  	v23 =	vadd.s32 v5, v57;
	_ =	sdelay $0x1  }
0xe1: {  	v21 =	vadd.f32 v56, v21;
	_ =	sdelay $0x1  }
0xe2: {  	v21 =	vmax.f32 v21, $0.0e+00  }
0xe3: {  	[tilespmem:v23+s2+$0x0] =	vst.idx.add.f32.msk $0xffff, v21  }
0xe4: {  	v21 =	vld [tilespmem:s10+$0xFFFFFF80]  }
0xe5: {  	v58 =	vld [tilespmem:s12+$0xFFFFFF80]  }
0xe6: {  	v59 =	vperm.xlane v20, v12;
	_ =	sdelay $0x1  }
0xe7: {  	v23 =	vadd.s32 v5, v59;
	_ =	sdelay $0x1  }
0xe8: {  	v21 =	vadd.f32 v58, v21;
	_ =	sdelay $0x1  }
0xe9: {  	v21 =	vmax.f32 v21, $0.0e+00  }
0xea: {  	[tilespmem:v23+s2+$0x0] =	vst.idx.add.f32.msk $0xffff, v21  }
0xeb: {  	v21 =	vld [tilespmem:s10+$0xFFFFFF90]  }
0xec: {  	v60 =	vld [tilespmem:s12+$0xFFFFFF90]  }
0xed: {  	v61 =	vperm.xlane v20, v13;
	_ =	sdelay $0x1  }
0xee: {  	v23 =	vadd.s32 v5, v61;
	_ =	sdelay $0x1  }
0xef: {  	v21 =	vadd.f32 v60, v21;
	_ =	sdelay $0x1  }
0xf0: {  	v21 =	vmax.f32 v21, $0.0e+00  }
0xf1: {  	[tilespmem:v23+s2+$0x0] =	vst.idx.add.f32.msk $0xffff, v21  }
0xf2: {  	v21 =	vld [tilespmem:s10+$0xFFFFFFA0]  }
0xf3: {  	v62 =	vld [tilespmem:s12+$0xFFFFFFA0]  }
0xf4: {  	v63 =	vperm.xlane v20, v14;
	_ =	sdelay $0x1  }
0xf5: {  	v23 =	vadd.s32 v5, v63;
	_ =	sdelay $0x1  }
0xf6: {  	v21 =	vadd.f32 v62, v21;
	_ =	sdelay $0x1  }
0xf7: {  	v21 =	vmax.f32 v21, $0.0e+00  }
0xf8: {  	[tilespmem:v23+s2+$0x0] =	vst.idx.add.f32.msk $0xffff, v21  }
0xf9: {  	v21 =	vld [tilespmem:s10+$0xFFFFFFB0]  }
0xfa: {  	v24 =	vld [tilespmem:s12+$0xFFFFFFB0]  }
0xfb: {  	v25 =	vperm.xlane v20, v15;
	_ =	sdelay $0x1  }
0xfc: {  	v23 =	vadd.s32 v5, v25;
	_ =	sdelay $0x1  }
0xfd: {  	v21 =	vadd.f32 v24, v21;
	_ =	sdelay $0x1  }
0xfe: {  	v21 =	vmax.f32 v21, $0.0e+00  }
0xff: {  	[tilespmem:v23+s2+$0x0] =	vst.idx.add.f32.msk $0xffff, v21  }
0x100: {  	v21 =	vld [tilespmem:s10+$0xFFFFFFC0]  }
0x101: {  	v26 =	vld [tilespmem:s12+$0xFFFFFFC0]  }
0x102: {  	v27 =	vperm.xlane v20, v16;
	_ =	sdelay $0x1  }
0x103: {  	v23 =	vadd.s32 v5, v27;
	_ =	sdelay $0x1  }
0x104: {  	v21 =	vadd.f32 v26, v21;
	_ =	sdelay $0x1  }
0x105: {  	v21 =	vmax.f32 v21, $0.0e+00  }
0x106: {  	[tilespmem:v23+s2+$0x0] =	vst.idx.add.f32.msk $0xffff, v21  }
0x107: {  	v21 =	vld [tilespmem:s10+$0xFFFFFFD0]  }
0x108: {  	v28 =	vld [tilespmem:s12+$0xFFFFFFD0]  }
0x109: {  	v29 =	vperm.xlane v20, v17;
	_ =	sdelay $0x1  }
0x10a: {  	v23 =	vadd.s32 v5, v29;
	_ =	sdelay $0x1  }
0x10b: {  	v21 =	vadd.f32 v28, v21;
	_ =	sdelay $0x1  }
0x10c: {  	v21 =	vmax.f32 v21, $0.0e+00  }
0x10d: {  	[tilespmem:v23+s2+$0x0] =	vst.idx.add.f32.msk $0xffff, v21  }
0x10e: {  	v21 =	vld [tilespmem:s10+$0xFFFFFFE0]  }
0x10f: {  	v30 =	vld [tilespmem:s12+$0xFFFFFFE0]  }
0x110: {  	v31 =	vperm.xlane v20, v18;
	_ =	sdelay $0x1  }
0x111: {  	v23 =	vadd.s32 v5, v31;
	_ =	sdelay $0x1  }
0x112: {  	v21 =	vadd.f32 v30, v21;
	_ =	sdelay $0x1  }
0x113: {  	v21 =	vmax.f32 v21, $0.0e+00  }
0x114: {  	[tilespmem:v23+s2+$0x0] =	vst.idx.add.f32.msk $0xffff, v21  }
0x115: {  	v21 =	vld [tilespmem:s10+$0xFFFFFFF0]  }
0x116: {  	v32 =	vld [tilespmem:s12+$0xFFFFFFF0]  }
0x117: {  	v20 =	vperm.xlane v20, v19;
	_ =	sdelay $0x1  }
0x118: {  	v20 =	vadd.s32 v5, v20;
	_ =	sdelay $0x1  }
0x119: {  	v21 =	vadd.f32 v32, v21;
	_ =	sdelay $0x1  }
0x11a: {  	v21 =	vmax.f32 v21, $0.0e+00  }
0x11b: {  	[tilespmem:v20+s2+$0x0] =	vst.idx.add.f32.msk $0xffff, v21  }
0x11c: {  	v20 =	vld [tilespmem:s13+$0x0];
	_ =	sdelay $0x4  }
0x11d: {  	v20 =	vsub.s32 v20, v1  }
0x11e: {  	v21 =	vld [tilespmem:s10+$0x0];
	v20 =	vmin.u32 v20, $0x1388  }
0x11f: {  	v33 =	vld [tilespmem:s12+$0x0];
	v20 =	vshll.u32 v20, $0x4  }
0x120: {  	v34 =	vperm.xlane v20, v4;
	_ =	sdelay $0x1  }
0x121: {  	v23 =	vadd.s32 v5, v34;
	_ =	sdelay $0x1  }
0x122: {  	v21 =	vadd.f32 v33, v21;
	_ =	sdelay $0x1  }
0x123: {  	v21 =	vmax.f32 v21, $0.0e+00  }
0x124: {  	[tilespmem:v23+s2+$0x0] =	vst.idx.add.f32.msk $0xffff, v21  }
0x125: {  	v21 =	vld [tilespmem:s10+$0x10]  }
0x126: {  	v35 =	vld [tilespmem:s12+$0x10]  }
0x127: {  	v36 =	vperm.xlane v20, v6;
	_ =	sdelay $0x1  }
0x128: {  	v23 =	vadd.s32 v5, v36;
	_ =	sdelay $0x1  }
0x129: {  	v21 =	vadd.f32 v35, v21;
	_ =	sdelay $0x1  }
0x12a: {  	v21 =	vmax.f32 v21, $0.0e+00  }
0x12b: {  	[tilespmem:v23+s2+$0x0] =	vst.idx.add.f32.msk $0xffff, v21  }
0x12c: {  	v21 =	vld [tilespmem:s10+$0x20]  }
0x12d: {  	v37 =	vld [tilespmem:s12+$0x20]  }
0x12e: {  	v38 =	vperm.xlane v20, v7;
	_ =	sdelay $0x1  }
0x12f: {  	v23 =	vadd.s32 v5, v38;
	_ =	sdelay $0x1  }
0x130: {  	v21 =	vadd.f32 v37, v21;
	_ =	sdelay $0x1  }
0x131: {  	v21 =	vmax.f32 v21, $0.0e+00  }
0x132: {  	[tilespmem:v23+s2+$0x0] =	vst.idx.add.f32.msk $0xffff, v21  }
0x133: {  	v21 =	vld [tilespmem:s10+$0x30]  }
0x134: {  	v39 =	vld [tilespmem:s12+$0x30]  }
0x135: {  	v40 =	vperm.xlane v20, v8;
	_ =	sdelay $0x1  }
0x136: {  	v23 =	vadd.s32 v5, v40;
	_ =	sdelay $0x1  }
0x137: {  	v21 =	vadd.f32 v39, v21;
	_ =	sdelay $0x1  }
0x138: {  	v21 =	vmax.f32 v21, $0.0e+00  }
0x139: {  	[tilespmem:v23+s2+$0x0] =	vst.idx.add.f32.msk $0xffff, v21  }
0x13a: {  	v21 =	vld [tilespmem:s10+$0x40]  }
0x13b: {  	v41 =	vld [tilespmem:s12+$0x40]  }
0x13c: {  	v42 =	vperm.xlane v20, v3;
	_ =	sdelay $0x1  }
0x13d: {  	v23 =	vadd.s32 v5, v42;
	_ =	sdelay $0x1  }
0x13e: {  	v21 =	vadd.f32 v41, v21;
	_ =	sdelay $0x1  }
0x13f: {  	v21 =	vmax.f32 v21, $0.0e+00  }
0x140: {  	[tilespmem:v23+s2+$0x0] =	vst.idx.add.f32.msk $0xffff, v21  }
0x141: {  	v21 =	vld [tilespmem:s10+$0x50]  }
0x142: {  	v43 =	vld [tilespmem:s12+$0x50]  }
0x143: {  	v44 =	vperm.xlane v20, v9;
	_ =	sdelay $0x1  }
0x144: {  	v23 =	vadd.s32 v5, v44;
	_ =	sdelay $0x1  }
0x145: {  	v21 =	vadd.f32 v43, v21;
	_ =	sdelay $0x1  }
0x146: {  	v21 =	vmax.f32 v21, $0.0e+00  }
0x147: {  	[tilespmem:v23+s2+$0x0] =	vst.idx.add.f32.msk $0xffff, v21  }
0x148: {  	v21 =	vld [tilespmem:s10+$0x60]  }
0x149: {  	v45 =	vld [tilespmem:s12+$0x60]  }
0x14a: {  	v46 =	vperm.xlane v20, v10;
	_ =	sdelay $0x1  }
0x14b: {  	v23 =	vadd.s32 v5, v46;
	_ =	sdelay $0x1  }
0x14c: {  	v21 =	vadd.f32 v45, v21;
	_ =	sdelay $0x1  }
0x14d: {  	v21 =	vmax.f32 v21, $0.0e+00  }
0x14e: {  	[tilespmem:v23+s2+$0x0] =	vst.idx.add.f32.msk $0xffff, v21  }
0x14f: {  	v21 =	vld [tilespmem:s10+$0x70]  }
0x150: {  	v47 =	vld [tilespmem:s12+$0x70]  }
0x151: {  	v48 =	vperm.xlane v20, v11;
	_ =	sdelay $0x1  }
0x152: {  	v23 =	vadd.s32 v5, v48;
	_ =	sdelay $0x1  }
0x153: {  	v21 =	vadd.f32 v47, v21;
	_ =	sdelay $0x1  }
0x154: {  	v21 =	vmax.f32 v21, $0.0e+00  }
0x155: {  	[tilespmem:v23+s2+$0x0] =	vst.idx.add.f32.msk $0xffff, v21  }
0x156: {  	v21 =	vld [tilespmem:s10+$0x80]  }
0x157: {  	v49 =	vld [tilespmem:s12+$0x80]  }
0x158: {  	v50 =	vperm.xlane v20, v12;
	_ =	sdelay $0x1  }
0x159: {  	v23 =	vadd.s32 v5, v50;
	_ =	sdelay $0x1  }
0x15a: {  	v21 =	vadd.f32 v49, v21;
	_ =	sdelay $0x1  }
0x15b: {  	v21 =	vmax.f32 v21, $0.0e+00  }
0x15c: {  	[tilespmem:v23+s2+$0x0] =	vst.idx.add.f32.msk $0xffff, v21  }
0x15d: {  	v21 =	vld [tilespmem:s10+$0x90]  }
0x15e: {  	v51 =	vld [tilespmem:s12+$0x90]  }
0x15f: {  	v52 =	vperm.xlane v20, v13;
	_ =	sdelay $0x1  }
0x160: {  	v23 =	vadd.s32 v5, v52;
	_ =	sdelay $0x1  }
0x161: {  	v21 =	vadd.f32 v51, v21;
	_ =	sdelay $0x1  }
0x162: {  	v21 =	vmax.f32 v21, $0.0e+00  }
0x163: {  	[tilespmem:v23+s2+$0x0] =	vst.idx.add.f32.msk $0xffff, v21  }
0x164: {  	v21 =	vld [tilespmem:s10+$0xA0]  }
0x165: {  	v53 =	vld [tilespmem:s12+$0xA0]  }
0x166: {  	v54 =	vperm.xlane v20, v14;
	_ =	sdelay $0x1  }
0x167: {  	v23 =	vadd.s32 v5, v54;
	_ =	sdelay $0x1  }
0x168: {  	v21 =	vadd.f32 v53, v21;
	_ =	sdelay $0x1  }
0x169: {  	v21 =	vmax.f32 v21, $0.0e+00  }
0x16a: {  	[tilespmem:v23+s2+$0x0] =	vst.idx.add.f32.msk $0xffff, v21  }
0x16b: {  	v21 =	vld [tilespmem:s10+$0xB0]  }
0x16c: {  	v55 =	vld [tilespmem:s12+$0xB0]  }
0x16d: {  	v56 =	vperm.xlane v20, v15;
	_ =	sdelay $0x1  }
0x16e: {  	v23 =	vadd.s32 v5, v56;
	_ =	sdelay $0x1  }
0x16f: {  	v21 =	vadd.f32 v55, v21;
	_ =	sdelay $0x1  }
0x170: {  	v21 =	vmax.f32 v21, $0.0e+00  }
0x171: {  	[tilespmem:v23+s2+$0x0] =	vst.idx.add.f32.msk $0xffff, v21  }
0x172: {  	v21 =	vld [tilespmem:s10+$0xC0]  }
0x173: {  	v57 =	vld [tilespmem:s12+$0xC0]  }
0x174: {  	v58 =	vperm.xlane v20, v16;
	_ =	sdelay $0x1  }
0x175: {  	v23 =	vadd.s32 v5, v58;
	_ =	sdelay $0x1  }
0x176: {  	v21 =	vadd.f32 v57, v21;
	_ =	sdelay $0x1  }
0x177: {  	v21 =	vmax.f32 v21, $0.0e+00  }
0x178: {  	[tilespmem:v23+s2+$0x0] =	vst.idx.add.f32.msk $0xffff, v21  }
0x179: {  	v21 =	vld [tilespmem:s10+$0xD0]  }
0x17a: {  	v59 =	vld [tilespmem:s12+$0xD0]  }
0x17b: {  	v60 =	vperm.xlane v20, v17;
	_ =	sdelay $0x1  }
0x17c: {  	v23 =	vadd.s32 v5, v60;
	_ =	sdelay $0x1  }
0x17d: {  	v21 =	vadd.f32 v59, v21;
	_ =	sdelay $0x1  }
0x17e: {  	v21 =	vmax.f32 v21, $0.0e+00  }
0x17f: {  	[tilespmem:v23+s2+$0x0] =	vst.idx.add.f32.msk $0xffff, v21  }
0x180: {  	v21 =	vld [tilespmem:s10+$0xE0]  }
0x181: {  	v61 =	vld [tilespmem:s12+$0xE0]  }
0x182: {  	v62 =	vperm.xlane v20, v18;
	_ =	sdelay $0x1  }
0x183: {  	v23 =	vadd.s32 v5, v62;
	_ =	sdelay $0x1  }
0x184: {  	v21 =	vadd.f32 v61, v21;
	_ =	sdelay $0x1  }
0x185: {  	v21 =	vmax.f32 v21, $0.0e+00  }
0x186: {  	[tilespmem:v23+s2+$0x0] =	vst.idx.add.f32.msk $0xffff, v21  }
0x187: {  	v21 =	vld [tilespmem:s10+$0xF0]  }
0x188: {  	v63 =	vld [tilespmem:s12+$0xF0]  }
0x189: {  	v20 =	vperm.xlane v20, v19  }
0x18a: {  	s9 =	sadd.s32 $0x2, s9  }
0x18b: {  	p0 =	slt.u32 s9, $0x26;
	v20 =	vadd.s32 v5, v20  }
.Ltmp3:
0x18c: {  	_ = 	snop;
	(pc) =	sbr.rel @p0 .LBB2_5-.Ltmp3, $3  }
0x18d: {  	v21 =	vadd.f32 v63, v21;
	_ =	sdelay $0x1  }
0x18e: {  	v21 =	vmax.f32 v21, $0.0e+00  }
0x18f: {  	s13 =	sadd.s32 $0x20, s13;
	s10 =	sadd.s32 $0x200, s10;
	s12 =	sadd.s32 $0x200, s12;
	[tilespmem:v20+s2+$0x0] =	vst.idx.add.f32.msk $0xffff, v21  }
0x190: {  	p0 =	seq.s32 s8, $0x7C  }
.Ltmp4:
0x191: {  	_ = 	snop;
	(pc) =	sbr.rel @p0 .LBB2_8-.Ltmp4, $1  }
0x192: {  	_ =	sdelay $0x3  }
0x193: {  	s9 =	sshll.u32 s8, $0x1  }
0x194: {  	s9 =	sadd.s32 $0x2, s9  }
0x195: {  	s10 =	smul.u32 $0x50, s9;
	_ =	sdelay $0x1  }
0x196: {  	s12 =	sadd.s32 s4, s10  }
0x197: {  	[tilespmem:s14], [sflag:$0x1] =	stream.linear.gather [hbm4b:s12+s2], $0x280, $0x38;
	[tilespmem:$0x1E800] =	vst v63  }
0x198: {  	s10 =	sadd.s32 s5, s10  }
0x199: {  	[tilespmem:s15], [sflag:$0x1] =	stream.linear.gather [hbm4b:s10+s2], $0x280, $0x38;
	[tilespmem:$0x1E800] =	vst v63  }
0x19a: {  	_ =	swait.ge [sflag:s16], $0x280  }
0x19b: {  	[sflag:s16] =	ssyncset.done $0x0  }
0x19c: {  	[sflag:s16] =	ssyncadd.s32 $0xFFFFFD80  }
0x19d: {  	_ =	swait.ge [sflag:s16], $0x280  }
0x19e: {  	[sflag:s16] =	ssyncset.done $0x0  }
0x19f: {  	[sflag:s16] =	ssyncadd.s32 $0xFFFFFD80  }
0x1a0: {  	v20 =	vld [tilespmem:$0x1D900]  }
0x1a1: {  	v21 =	vld [tilespmem:$0x1D910]  }
0x1a2: {  	v22 =	vld [tilespmem:$0x1D920]  }
0x1a3: {  	v23 =	vld [tilespmem:$0x1D930]  }
0x1a4: {  	v24 =	vld [tilespmem:$0x1D940]  }
0x1a5: {  	v25 =	vld [tilespmem:$0x1D950];
	v20 =	vshll.u32 v20, $0x4  }
0x1a6: {  	v26 =	vld [tilespmem:$0x1D960];
	v21 =	vshll.u32 v21, $0x4;
	v20 =	vor.u32 v0, v20  }
0x1a7: {  	v30 =	vld [tilespmem:$0x1D970];
	v29 =	vshll.u32 v22, $0x4;
	[tilespmem:$0x1E300] =	vst v20;
	v20 =	vor.u32 v0, v21  }
0x1a8: {  	v32 =	vld [tilespmem:$0x1D980];
	v31 =	vshll.u32 v23, $0x4;
	[tilespmem:$0x1E310] =	vst v20;
	v20 =	vor.u32 v0, v29  }
0x1a9: {  	v34 =	vld [tilespmem:$0x1D990];
	v33 =	vshll.u32 v24, $0x4;
	[tilespmem:$0x1E320] =	vst v20;
	v20 =	vor.u32 v0, v31  }
0x1aa: {  	v36 =	vld [tilespmem:$0x1D9A0];
	v35 =	vshll.u32 v25, $0x4;
	[tilespmem:$0x1E330] =	vst v20;
	v20 =	vor.u32 v0, v33  }
0x1ab: {  	v38 =	vld [tilespmem:$0x1D9B0];
	v37 =	vshll.u32 v26, $0x4;
	[tilespmem:$0x1E340] =	vst v20;
	v20 =	vor.u32 v0, v35  }
0x1ac: {  	v40 =	vld [tilespmem:$0x1D9C0];
	v39 =	vshll.u32 v30, $0x4;
	[tilespmem:$0x1E350] =	vst v20;
	v20 =	vor.u32 v0, v37  }
0x1ad: {  	v42 =	vld [tilespmem:$0x1D9D0];
	v41 =	vshll.u32 v32, $0x4;
	[tilespmem:$0x1E360] =	vst v20;
	v20 =	vor.u32 v0, v39  }
0x1ae: {  	v44 =	vld [tilespmem:$0x1D9E0];
	v43 =	vshll.u32 v34, $0x4;
	[tilespmem:$0x1E370] =	vst v20;
	v20 =	vor.u32 v0, v41  }
0x1af: {  	v46 =	vld [tilespmem:$0x1D9F0];
	v45 =	vshll.u32 v36, $0x4;
	[tilespmem:$0x1E380] =	vst v20;
	v20 =	vor.u32 v0, v43  }
0x1b0: {  	v48 =	vld [tilespmem:$0x1DA00];
	v47 =	vshll.u32 v38, $0x4;
	[tilespmem:$0x1E390] =	vst v20;
	v20 =	vor.u32 v0, v45  }
0x1b1: {  	v50 =	vld [tilespmem:$0x1DA10];
	v49 =	vshll.u32 v40, $0x4;
	[tilespmem:$0x1E3A0] =	vst v20;
	v20 =	vor.u32 v0, v47  }
0x1b2: {  	v52 =	vld [tilespmem:$0x1DA20];
	v51 =	vshll.u32 v42, $0x4;
	[tilespmem:$0x1E3B0] =	vst v20;
	v20 =	vor.u32 v0, v49  }
0x1b3: {  	v54 =	vld [tilespmem:$0x1DA30];
	v53 =	vshll.u32 v44, $0x4;
	[tilespmem:$0x1E3C0] =	vst v20;
	v20 =	vor.u32 v0, v51  }
0x1b4: {  	v56 =	vld [tilespmem:$0x1DA40];
	v55 =	vshll.u32 v46, $0x4;
	[tilespmem:$0x1E3D0] =	vst v20;
	v20 =	vor.u32 v0, v53  }
0x1b5: {  	v58 =	vld [tilespmem:$0x1DA50];
	v57 =	vshll.u32 v48, $0x4;
	[tilespmem:$0x1E3E0] =	vst v20;
	v20 =	vor.u32 v0, v55  }
0x1b6: {  	v60 =	vld [tilespmem:$0x1DA60];
	v59 =	vshll.u32 v50, $0x4;
	[tilespmem:$0x1E3F0] =	vst v20;
	v20 =	vor.u32 v0, v57  }
0x1b7: {  	v62 =	vld [tilespmem:$0x1DA70];
	v61 =	vshll.u32 v52, $0x4;
	[tilespmem:$0x1E400] =	vst v20;
	v20 =	vor.u32 v0, v59  }
0x1b8: {  	v28 =	vld [tilespmem:$0x1DA80];
	v63 =	vshll.u32 v54, $0x4;
	[tilespmem:$0x1E410] =	vst v20;
	v20 =	vor.u32 v0, v61  }
0x1b9: {  	v30 =	vld [tilespmem:$0x1DA90];
	v29 =	vshll.u32 v56, $0x4;
	[tilespmem:$0x1E420] =	vst v20;
	v20 =	vor.u32 v0, v63  }
0x1ba: {  	v32 =	vld [tilespmem:$0x1DAA0];
	v31 =	vshll.u32 v58, $0x4;
	[tilespmem:$0x1E430] =	vst v20;
	v20 =	vor.u32 v0, v29  }
0x1bb: {  	v34 =	vld [tilespmem:$0x1DAB0];
	v33 =	vshll.u32 v60, $0x4;
	[tilespmem:$0x1E440] =	vst v20;
	v20 =	vor.u32 v0, v31  }
0x1bc: {  	v36 =	vld [tilespmem:$0x1DAC0];
	v35 =	vshll.u32 v62, $0x4;
	[tilespmem:$0x1E450] =	vst v20;
	v20 =	vor.u32 v0, v33  }
0x1bd: {  	v38 =	vld [tilespmem:$0x1DAD0];
	v37 =	vshll.u32 v28, $0x4;
	[tilespmem:$0x1E460] =	vst v20;
	v20 =	vor.u32 v0, v35  }
0x1be: {  	v40 =	vld [tilespmem:$0x1DAE0];
	v39 =	vshll.u32 v30, $0x4;
	[tilespmem:$0x1E470] =	vst v20;
	v20 =	vor.u32 v0, v37  }
0x1bf: {  	v42 =	vld [tilespmem:$0x1DAF0];
	v41 =	vshll.u32 v32, $0x4;
	[tilespmem:$0x1E480] =	vst v20;
	v20 =	vor.u32 v0, v39  }
0x1c0: {  	v44 =	vld [tilespmem:$0x1DB00];
	v43 =	vshll.u32 v34, $0x4;
	[tilespmem:$0x1E490] =	vst v20;
	v20 =	vor.u32 v0, v41  }
0x1c1: {  	v46 =	vld [tilespmem:$0x1DB10];
	v45 =	vshll.u32 v36, $0x4;
	[tilespmem:$0x1E4A0] =	vst v20;
	v20 =	vor.u32 v0, v43  }
0x1c2: {  	v48 =	vld [tilespmem:$0x1DB20];
	v47 =	vshll.u32 v38, $0x4;
	[tilespmem:$0x1E4B0] =	vst v20;
	v20 =	vor.u32 v0, v45  }
0x1c3: {  	v50 =	vld [tilespmem:$0x1DB30];
	v49 =	vshll.u32 v40, $0x4;
	[tilespmem:$0x1E4C0] =	vst v20;
	v20 =	vor.u32 v0, v47  }
0x1c4: {  	v52 =	vld [tilespmem:$0x1DB40];
	v51 =	vshll.u32 v42, $0x4;
	[tilespmem:$0x1E4D0] =	vst v20;
	v20 =	vor.u32 v0, v49  }
0x1c5: {  	v54 =	vld [tilespmem:$0x1DB50];
	v53 =	vshll.u32 v44, $0x4;
	[tilespmem:$0x1E4E0] =	vst v20;
	v20 =	vor.u32 v0, v51  }
0x1c6: {  	v56 =	vld [tilespmem:$0x1DB60];
	v55 =	vshll.u32 v46, $0x4;
	[tilespmem:$0x1E4F0] =	vst v20;
	v20 =	vor.u32 v0, v53  }
0x1c7: {  	v58 =	vld [tilespmem:$0x1DB70];
	v57 =	vshll.u32 v48, $0x4;
	[tilespmem:$0x1E500] =	vst v20;
	v20 =	vor.u32 v0, v55  }
0x1c8: {  	v59 =	vshll.u32 v50, $0x4;
	[tilespmem:$0x1E510] =	vst v20;
	v20 =	vor.u32 v0, v57  }
0x1c9: {  	v60 =	vshll.u32 v52, $0x4;
	[tilespmem:$0x1E520] =	vst v20;
	v20 =	vor.u32 v0, v59  }
0x1ca: {  	v61 =	vshll.u32 v54, $0x4;
	[tilespmem:$0x1E530] =	vst v20;
	v20 =	vor.u32 v0, v60  }
0x1cb: {  	s9 =	smul.u32 $0x28000, s9;
	v62 =	vshll.u32 v56, $0x4;
	[tilespmem:$0x1E540] =	vst v20;
	v20 =	vor.u32 v0, v61  }
0x1cc: {  	v63 =	vshll.u32 v58, $0x4;
	[tilespmem:$0x1E550] =	vst v20;
	v20 =	vor.u32 v0, v62  }
0x1cd: {  	s9 =	sor.u32 s7, s9;
	[tilespmem:$0x1E560] =	vst v20;
	v20 =	vor.u32 v0, v63  }
0x1ce: {  	s9 =	sshrl.u32 s9, $0x3;
	[tilespmem:$0x1E570] =	vst v20  }
0x1cf: {  	[tilespmem:s19], [sflag:$0x3] =	stream.indirect.gather [hbm4b:s3+s17], $0x10, s18, s17, $0xb8;
	[tilespmem:$0x1E800] =	vst v63  }
0x1d0: {  	s9 =	sadd.s32 s6, s9  }
0x1d1: {  	[tilespmem:s22], [sflag:$0x3] =	stream.strided.gather [hbm4b:s9+s20], $0x2800, s21, s20, $0x38;
	[tilespmem:$0x1E800] =	vst v63  }
.LBB2_8:
0x1d2: {  	_ =	swait.ge [sflag:s31], $0x2800  }
0x1d3: {  	[sflag:s31] =	ssyncset.done $0x0  }
0x1d4: {  	[sflag:s31] =	ssyncadd.s32 $0xFFFFD800  }
0x1d5: {  	_ =	swait.ge [sflag:s31], $0x2800  }
0x1d6: {  	s9 =	simm.s32 $0xFFFFFFFE;
	s10 =	simm.s32 $0x16200;
	[sflag:s31] =	ssyncset.done $0x0  }
0x1d7: {  	s12 =	simm.s32 $0x1B200;
	s13 =	simm.s32 $0x1E090;
	[sflag:s31] =	ssyncadd.s32 $0xFFFFD800  }
.LBB2_9:
0x1d8: {  	v20 =	vld [tilespmem:s13+$0xFFFFFFF0];
	_ =	sdelay $0x4  }
0x1d9: {  	v20 =	vsub.s32 v20, v1  }
0x1da: {  	v21 =	vld [tilespmem:s10+$0xFFFFFF00];
	v20 =	vmin.u32 v20, $0x1388  }
0x1db: {  	v22 =	vld [tilespmem:s12+$0xFFFFFF00];
	v20 =	vshll.u32 v20, $0x4  }
0x1dc: {  	v23 =	vperm.xlane v20, v4;
	_ =	sdelay $0x1  }
0x1dd: {  	v23 =	vadd.s32 v5, v23;
	_ =	sdelay $0x1  }
0x1de: {  	v21 =	vadd.f32 v22, v21;
	_ =	sdelay $0x1  }
0x1df: {  	v21 =	vmax.f32 v21, $0.0e+00  }
0x1e0: {  	[tilespmem:v23+s2+$0x0] =	vst.idx.add.f32.msk $0xffff, v21  }
0x1e1: {  	v21 =	vld [tilespmem:s10+$0xFFFFFF10]  }
0x1e2: {  	v44 =	vld [tilespmem:s12+$0xFFFFFF10]  }
0x1e3: {  	v45 =	vperm.xlane v20, v6;
	_ =	sdelay $0x1  }
0x1e4: {  	v23 =	vadd.s32 v5, v45;
	_ =	sdelay $0x1  }
0x1e5: {  	v21 =	vadd.f32 v44, v21;
	_ =	sdelay $0x1  }
0x1e6: {  	v21 =	vmax.f32 v21, $0.0e+00  }
0x1e7: {  	[tilespmem:v23+s2+$0x0] =	vst.idx.add.f32.msk $0xffff, v21  }
0x1e8: {  	v21 =	vld [tilespmem:s10+$0xFFFFFF20]  }
0x1e9: {  	v46 =	vld [tilespmem:s12+$0xFFFFFF20]  }
0x1ea: {  	v47 =	vperm.xlane v20, v7;
	_ =	sdelay $0x1  }
0x1eb: {  	v23 =	vadd.s32 v5, v47;
	_ =	sdelay $0x1  }
0x1ec: {  	v21 =	vadd.f32 v46, v21;
	_ =	sdelay $0x1  }
0x1ed: {  	v21 =	vmax.f32 v21, $0.0e+00  }
0x1ee: {  	[tilespmem:v23+s2+$0x0] =	vst.idx.add.f32.msk $0xffff, v21  }
0x1ef: {  	v21 =	vld [tilespmem:s10+$0xFFFFFF30]  }
0x1f0: {  	v48 =	vld [tilespmem:s12+$0xFFFFFF30]  }
0x1f1: {  	v49 =	vperm.xlane v20, v8;
	_ =	sdelay $0x1  }
0x1f2: {  	v23 =	vadd.s32 v5, v49;
	_ =	sdelay $0x1  }
0x1f3: {  	v21 =	vadd.f32 v48, v21;
	_ =	sdelay $0x1  }
0x1f4: {  	v21 =	vmax.f32 v21, $0.0e+00  }
0x1f5: {  	[tilespmem:v23+s2+$0x0] =	vst.idx.add.f32.msk $0xffff, v21  }
0x1f6: {  	v21 =	vld [tilespmem:s10+$0xFFFFFF40]  }
0x1f7: {  	v50 =	vld [tilespmem:s12+$0xFFFFFF40]  }
0x1f8: {  	v51 =	vperm.xlane v20, v3;
	_ =	sdelay $0x1  }
0x1f9: {  	v23 =	vadd.s32 v5, v51;
	_ =	sdelay $0x1  }
0x1fa: {  	v21 =	vadd.f32 v50, v21;
	_ =	sdelay $0x1  }
0x1fb: {  	v21 =	vmax.f32 v21, $0.0e+00  }
0x1fc: {  	[tilespmem:v23+s2+$0x0] =	vst.idx.add.f32.msk $0xffff, v21  }
0x1fd: {  	v21 =	vld [tilespmem:s10+$0xFFFFFF50]  }
0x1fe: {  	v52 =	vld [tilespmem:s12+$0xFFFFFF50]  }
0x1ff: {  	v53 =	vperm.xlane v20, v9;
	_ =	sdelay $0x1  }
0x200: {  	v23 =	vadd.s32 v5, v53;
	_ =	sdelay $0x1  }
0x201: {  	v21 =	vadd.f32 v52, v21;
	_ =	sdelay $0x1  }
0x202: {  	v21 =	vmax.f32 v21, $0.0e+00  }
0x203: {  	[tilespmem:v23+s2+$0x0] =	vst.idx.add.f32.msk $0xffff, v21  }
0x204: {  	v21 =	vld [tilespmem:s10+$0xFFFFFF60]  }
0x205: {  	v54 =	vld [tilespmem:s12+$0xFFFFFF60]  }
0x206: {  	v55 =	vperm.xlane v20, v10;
	_ =	sdelay $0x1  }
0x207: {  	v23 =	vadd.s32 v5, v55;
	_ =	sdelay $0x1  }
0x208: {  	v21 =	vadd.f32 v54, v21;
	_ =	sdelay $0x1  }
0x209: {  	v21 =	vmax.f32 v21, $0.0e+00  }
0x20a: {  	[tilespmem:v23+s2+$0x0] =	vst.idx.add.f32.msk $0xffff, v21  }
0x20b: {  	v21 =	vld [tilespmem:s10+$0xFFFFFF70]  }
0x20c: {  	v56 =	vld [tilespmem:s12+$0xFFFFFF70]  }
0x20d: {  	v57 =	vperm.xlane v20, v11;
	_ =	sdelay $0x1  }
0x20e: {  	v23 =	vadd.s32 v5, v57;
	_ =	sdelay $0x1  }
0x20f: {  	v21 =	vadd.f32 v56, v21;
	_ =	sdelay $0x1  }
0x210: {  	v21 =	vmax.f32 v21, $0.0e+00  }
0x211: {  	[tilespmem:v23+s2+$0x0] =	vst.idx.add.f32.msk $0xffff, v21  }
0x212: {  	v21 =	vld [tilespmem:s10+$0xFFFFFF80]  }
0x213: {  	v58 =	vld [tilespmem:s12+$0xFFFFFF80]  }
0x214: {  	v59 =	vperm.xlane v20, v12;
	_ =	sdelay $0x1  }
0x215: {  	v23 =	vadd.s32 v5, v59;
	_ =	sdelay $0x1  }
0x216: {  	v21 =	vadd.f32 v58, v21;
	_ =	sdelay $0x1  }
0x217: {  	v21 =	vmax.f32 v21, $0.0e+00  }
0x218: {  	[tilespmem:v23+s2+$0x0] =	vst.idx.add.f32.msk $0xffff, v21  }
0x219: {  	v21 =	vld [tilespmem:s10+$0xFFFFFF90]  }
0x21a: {  	v60 =	vld [tilespmem:s12+$0xFFFFFF90]  }
0x21b: {  	v61 =	vperm.xlane v20, v13;
	_ =	sdelay $0x1  }
0x21c: {  	v23 =	vadd.s32 v5, v61;
	_ =	sdelay $0x1  }
0x21d: {  	v21 =	vadd.f32 v60, v21;
	_ =	sdelay $0x1  }
0x21e: {  	v21 =	vmax.f32 v21, $0.0e+00  }
0x21f: {  	[tilespmem:v23+s2+$0x0] =	vst.idx.add.f32.msk $0xffff, v21  }
0x220: {  	v21 =	vld [tilespmem:s10+$0xFFFFFFA0]  }
0x221: {  	v62 =	vld [tilespmem:s12+$0xFFFFFFA0]  }
0x222: {  	v63 =	vperm.xlane v20, v14;
	_ =	sdelay $0x1  }
0x223: {  	v23 =	vadd.s32 v5, v63;
	_ =	sdelay $0x1  }
0x224: {  	v21 =	vadd.f32 v62, v21;
	_ =	sdelay $0x1  }
0x225: {  	v21 =	vmax.f32 v21, $0.0e+00  }
0x226: {  	[tilespmem:v23+s2+$0x0] =	vst.idx.add.f32.msk $0xffff, v21  }
0x227: {  	v21 =	vld [tilespmem:s10+$0xFFFFFFB0]  }
0x228: {  	v24 =	vld [tilespmem:s12+$0xFFFFFFB0]  }
0x229: {  	v25 =	vperm.xlane v20, v15;
	_ =	sdelay $0x1  }
0x22a: {  	v23 =	vadd.s32 v5, v25;
	_ =	sdelay $0x1  }
0x22b: {  	v21 =	vadd.f32 v24, v21;
	_ =	sdelay $0x1  }
0x22c: {  	v21 =	vmax.f32 v21, $0.0e+00  }
0x22d: {  	[tilespmem:v23+s2+$0x0] =	vst.idx.add.f32.msk $0xffff, v21  }
0x22e: {  	v21 =	vld [tilespmem:s10+$0xFFFFFFC0]  }
0x22f: {  	v26 =	vld [tilespmem:s12+$0xFFFFFFC0]  }
0x230: {  	v27 =	vperm.xlane v20, v16;
	_ =	sdelay $0x1  }
0x231: {  	v23 =	vadd.s32 v5, v27;
	_ =	sdelay $0x1  }
0x232: {  	v21 =	vadd.f32 v26, v21;
	_ =	sdelay $0x1  }
0x233: {  	v21 =	vmax.f32 v21, $0.0e+00  }
0x234: {  	[tilespmem:v23+s2+$0x0] =	vst.idx.add.f32.msk $0xffff, v21  }
0x235: {  	v21 =	vld [tilespmem:s10+$0xFFFFFFD0]  }
0x236: {  	v28 =	vld [tilespmem:s12+$0xFFFFFFD0]  }
0x237: {  	v29 =	vperm.xlane v20, v17;
	_ =	sdelay $0x1  }
0x238: {  	v23 =	vadd.s32 v5, v29;
	_ =	sdelay $0x1  }
0x239: {  	v21 =	vadd.f32 v28, v21;
	_ =	sdelay $0x1  }
0x23a: {  	v21 =	vmax.f32 v21, $0.0e+00  }
0x23b: {  	[tilespmem:v23+s2+$0x0] =	vst.idx.add.f32.msk $0xffff, v21  }
0x23c: {  	v21 =	vld [tilespmem:s10+$0xFFFFFFE0]  }
0x23d: {  	v30 =	vld [tilespmem:s12+$0xFFFFFFE0]  }
0x23e: {  	v31 =	vperm.xlane v20, v18;
	_ =	sdelay $0x1  }
0x23f: {  	v23 =	vadd.s32 v5, v31;
	_ =	sdelay $0x1  }
0x240: {  	v21 =	vadd.f32 v30, v21;
	_ =	sdelay $0x1  }
0x241: {  	v21 =	vmax.f32 v21, $0.0e+00  }
0x242: {  	[tilespmem:v23+s2+$0x0] =	vst.idx.add.f32.msk $0xffff, v21  }
0x243: {  	v21 =	vld [tilespmem:s10+$0xFFFFFFF0]  }
0x244: {  	v32 =	vld [tilespmem:s12+$0xFFFFFFF0]  }
0x245: {  	v20 =	vperm.xlane v20, v19;
	_ =	sdelay $0x1  }
0x246: {  	v20 =	vadd.s32 v5, v20;
	_ =	sdelay $0x1  }
0x247: {  	v21 =	vadd.f32 v32, v21;
	_ =	sdelay $0x1  }
0x248: {  	v21 =	vmax.f32 v21, $0.0e+00  }
0x249: {  	[tilespmem:v20+s2+$0x0] =	vst.idx.add.f32.msk $0xffff, v21  }
0x24a: {  	v20 =	vld [tilespmem:s13+$0x0];
	_ =	sdelay $0x4  }
0x24b: {  	v20 =	vsub.s32 v20, v1  }
0x24c: {  	v21 =	vld [tilespmem:s10+$0x0];
	v20 =	vmin.u32 v20, $0x1388  }
0x24d: {  	v33 =	vld [tilespmem:s12+$0x0];
	v20 =	vshll.u32 v20, $0x4  }
0x24e: {  	v34 =	vperm.xlane v20, v4;
	_ =	sdelay $0x1  }
0x24f: {  	v23 =	vadd.s32 v5, v34;
	_ =	sdelay $0x1  }
0x250: {  	v21 =	vadd.f32 v33, v21;
	_ =	sdelay $0x1  }
0x251: {  	v21 =	vmax.f32 v21, $0.0e+00  }
0x252: {  	[tilespmem:v23+s2+$0x0] =	vst.idx.add.f32.msk $0xffff, v21  }
0x253: {  	v21 =	vld [tilespmem:s10+$0x10]  }
0x254: {  	v35 =	vld [tilespmem:s12+$0x10]  }
0x255: {  	v36 =	vperm.xlane v20, v6;
	_ =	sdelay $0x1  }
0x256: {  	v23 =	vadd.s32 v5, v36;
	_ =	sdelay $0x1  }
0x257: {  	v21 =	vadd.f32 v35, v21;
	_ =	sdelay $0x1  }
0x258: {  	v21 =	vmax.f32 v21, $0.0e+00  }
0x259: {  	[tilespmem:v23+s2+$0x0] =	vst.idx.add.f32.msk $0xffff, v21  }
0x25a: {  	v21 =	vld [tilespmem:s10+$0x20]  }
0x25b: {  	v37 =	vld [tilespmem:s12+$0x20]  }
0x25c: {  	v38 =	vperm.xlane v20, v7;
	_ =	sdelay $0x1  }
0x25d: {  	v23 =	vadd.s32 v5, v38;
	_ =	sdelay $0x1  }
0x25e: {  	v21 =	vadd.f32 v37, v21;
	_ =	sdelay $0x1  }
0x25f: {  	v21 =	vmax.f32 v21, $0.0e+00  }
0x260: {  	[tilespmem:v23+s2+$0x0] =	vst.idx.add.f32.msk $0xffff, v21  }
0x261: {  	v21 =	vld [tilespmem:s10+$0x30]  }
0x262: {  	v39 =	vld [tilespmem:s12+$0x30]  }
0x263: {  	v40 =	vperm.xlane v20, v8;
	_ =	sdelay $0x1  }
0x264: {  	v23 =	vadd.s32 v5, v40;
	_ =	sdelay $0x1  }
0x265: {  	v21 =	vadd.f32 v39, v21;
	_ =	sdelay $0x1  }
0x266: {  	v21 =	vmax.f32 v21, $0.0e+00  }
0x267: {  	[tilespmem:v23+s2+$0x0] =	vst.idx.add.f32.msk $0xffff, v21  }
0x268: {  	v21 =	vld [tilespmem:s10+$0x40]  }
0x269: {  	v41 =	vld [tilespmem:s12+$0x40]  }
0x26a: {  	v42 =	vperm.xlane v20, v3;
	_ =	sdelay $0x1  }
0x26b: {  	v23 =	vadd.s32 v5, v42;
	_ =	sdelay $0x1  }
0x26c: {  	v21 =	vadd.f32 v41, v21;
	_ =	sdelay $0x1  }
0x26d: {  	v21 =	vmax.f32 v21, $0.0e+00  }
0x26e: {  	[tilespmem:v23+s2+$0x0] =	vst.idx.add.f32.msk $0xffff, v21  }
0x26f: {  	v21 =	vld [tilespmem:s10+$0x50]  }
0x270: {  	v43 =	vld [tilespmem:s12+$0x50]  }
0x271: {  	v44 =	vperm.xlane v20, v9;
	_ =	sdelay $0x1  }
0x272: {  	v23 =	vadd.s32 v5, v44;
	_ =	sdelay $0x1  }
0x273: {  	v21 =	vadd.f32 v43, v21;
	_ =	sdelay $0x1  }
0x274: {  	v21 =	vmax.f32 v21, $0.0e+00  }
0x275: {  	[tilespmem:v23+s2+$0x0] =	vst.idx.add.f32.msk $0xffff, v21  }
0x276: {  	v21 =	vld [tilespmem:s10+$0x60]  }
0x277: {  	v45 =	vld [tilespmem:s12+$0x60]  }
0x278: {  	v46 =	vperm.xlane v20, v10;
	_ =	sdelay $0x1  }
0x279: {  	v23 =	vadd.s32 v5, v46;
	_ =	sdelay $0x1  }
0x27a: {  	v21 =	vadd.f32 v45, v21;
	_ =	sdelay $0x1  }
0x27b: {  	v21 =	vmax.f32 v21, $0.0e+00  }
0x27c: {  	[tilespmem:v23+s2+$0x0] =	vst.idx.add.f32.msk $0xffff, v21  }
0x27d: {  	v21 =	vld [tilespmem:s10+$0x70]  }
0x27e: {  	v47 =	vld [tilespmem:s12+$0x70]  }
0x27f: {  	v48 =	vperm.xlane v20, v11;
	_ =	sdelay $0x1  }
0x280: {  	v23 =	vadd.s32 v5, v48;
	_ =	sdelay $0x1  }
0x281: {  	v21 =	vadd.f32 v47, v21;
	_ =	sdelay $0x1  }
0x282: {  	v21 =	vmax.f32 v21, $0.0e+00  }
0x283: {  	[tilespmem:v23+s2+$0x0] =	vst.idx.add.f32.msk $0xffff, v21  }
0x284: {  	v21 =	vld [tilespmem:s10+$0x80]  }
0x285: {  	v49 =	vld [tilespmem:s12+$0x80]  }
0x286: {  	v50 =	vperm.xlane v20, v12;
	_ =	sdelay $0x1  }
0x287: {  	v23 =	vadd.s32 v5, v50;
	_ =	sdelay $0x1  }
0x288: {  	v21 =	vadd.f32 v49, v21;
	_ =	sdelay $0x1  }
0x289: {  	v21 =	vmax.f32 v21, $0.0e+00  }
0x28a: {  	[tilespmem:v23+s2+$0x0] =	vst.idx.add.f32.msk $0xffff, v21  }
0x28b: {  	v21 =	vld [tilespmem:s10+$0x90]  }
0x28c: {  	v51 =	vld [tilespmem:s12+$0x90]  }
0x28d: {  	v52 =	vperm.xlane v20, v13;
	_ =	sdelay $0x1  }
0x28e: {  	v23 =	vadd.s32 v5, v52;
	_ =	sdelay $0x1  }
0x28f: {  	v21 =	vadd.f32 v51, v21;
	_ =	sdelay $0x1  }
0x290: {  	v21 =	vmax.f32 v21, $0.0e+00  }
0x291: {  	[tilespmem:v23+s2+$0x0] =	vst.idx.add.f32.msk $0xffff, v21  }
0x292: {  	v21 =	vld [tilespmem:s10+$0xA0]  }
0x293: {  	v53 =	vld [tilespmem:s12+$0xA0]  }
0x294: {  	v54 =	vperm.xlane v20, v14;
	_ =	sdelay $0x1  }
0x295: {  	v23 =	vadd.s32 v5, v54;
	_ =	sdelay $0x1  }
0x296: {  	v21 =	vadd.f32 v53, v21;
	_ =	sdelay $0x1  }
0x297: {  	v21 =	vmax.f32 v21, $0.0e+00  }
0x298: {  	[tilespmem:v23+s2+$0x0] =	vst.idx.add.f32.msk $0xffff, v21  }
0x299: {  	v21 =	vld [tilespmem:s10+$0xB0]  }
0x29a: {  	v55 =	vld [tilespmem:s12+$0xB0]  }
0x29b: {  	v56 =	vperm.xlane v20, v15;
	_ =	sdelay $0x1  }
0x29c: {  	v23 =	vadd.s32 v5, v56;
	_ =	sdelay $0x1  }
0x29d: {  	v21 =	vadd.f32 v55, v21;
	_ =	sdelay $0x1  }
0x29e: {  	v21 =	vmax.f32 v21, $0.0e+00  }
0x29f: {  	[tilespmem:v23+s2+$0x0] =	vst.idx.add.f32.msk $0xffff, v21  }
0x2a0: {  	v21 =	vld [tilespmem:s10+$0xC0]  }
0x2a1: {  	v57 =	vld [tilespmem:s12+$0xC0]  }
0x2a2: {  	v58 =	vperm.xlane v20, v16;
	_ =	sdelay $0x1  }
0x2a3: {  	v23 =	vadd.s32 v5, v58;
	_ =	sdelay $0x1  }
0x2a4: {  	v21 =	vadd.f32 v57, v21;
	_ =	sdelay $0x1  }
0x2a5: {  	v21 =	vmax.f32 v21, $0.0e+00  }
0x2a6: {  	[tilespmem:v23+s2+$0x0] =	vst.idx.add.f32.msk $0xffff, v21  }
0x2a7: {  	v21 =	vld [tilespmem:s10+$0xD0]  }
0x2a8: {  	v59 =	vld [tilespmem:s12+$0xD0]  }
0x2a9: {  	v60 =	vperm.xlane v20, v17;
	_ =	sdelay $0x1  }
0x2aa: {  	v23 =	vadd.s32 v5, v60;
	_ =	sdelay $0x1  }
0x2ab: {  	v21 =	vadd.f32 v59, v21;
	_ =	sdelay $0x1  }
0x2ac: {  	v21 =	vmax.f32 v21, $0.0e+00  }
0x2ad: {  	[tilespmem:v23+s2+$0x0] =	vst.idx.add.f32.msk $0xffff, v21  }
0x2ae: {  	v21 =	vld [tilespmem:s10+$0xE0]  }
0x2af: {  	v61 =	vld [tilespmem:s12+$0xE0]  }
0x2b0: {  	v62 =	vperm.xlane v20, v18;
	_ =	sdelay $0x1  }
0x2b1: {  	v23 =	vadd.s32 v5, v62;
	_ =	sdelay $0x1  }
0x2b2: {  	v21 =	vadd.f32 v61, v21;
	_ =	sdelay $0x1  }
0x2b3: {  	v21 =	vmax.f32 v21, $0.0e+00  }
0x2b4: {  	[tilespmem:v23+s2+$0x0] =	vst.idx.add.f32.msk $0xffff, v21  }
0x2b5: {  	v21 =	vld [tilespmem:s10+$0xF0]  }
0x2b6: {  	v63 =	vld [tilespmem:s12+$0xF0]  }
0x2b7: {  	v20 =	vperm.xlane v20, v19  }
0x2b8: {  	s9 =	sadd.s32 $0x2, s9  }
0x2b9: {  	p1 =	slt.u32 s9, $0x26;
	v20 =	vadd.s32 v5, v20  }
.Ltmp5:
0x2ba: {  	_ = 	snop;
	(pc) =	sbr.rel @p1 .LBB2_9-.Ltmp5, $3  }
0x2bb: {  	v21 =	vadd.f32 v63, v21;
	_ =	sdelay $0x1  }
0x2bc: {  	v21 =	vmax.f32 v21, $0.0e+00  }
0x2bd: {  	s13 =	sadd.s32 $0x20, s13;
	s10 =	sadd.s32 $0x200, s10;
	s12 =	sadd.s32 $0x200, s12;
	[tilespmem:v20+s2+$0x0] =	vst.idx.add.f32.msk $0xffff, v21  }
.Ltmp6:
0x2be: {  	(pc) =	sbr.rel @p0 .LBB2_12-.Ltmp6, $1  }
0x2bf: {  	_ =	sdelay $0x3  }
0x2c0: {  	s9 =	smul.u32 $0x500, s8;
	_ =	sdelay $0x1  }
0x2c1: {  	s9 =	sshrl.u32 s9, $0x3  }
.Ltmp7:
0x2c2: {  	s9 =	sadd.s32 $0xF0, s9;
	(pc) =	sbr.rel .LBB2_4-.Ltmp7, $4  }
0x2c3: {  	s10 =	sadd.s32 s4, s9  }
0x2c4: {  	[tilespmem:s23], [sflag:$0x2] =	stream.linear.gather [hbm4b:s10+s2], $0x280, $0x38;
	[tilespmem:$0x1E800] =	vst v63  }
0x2c5: {  	s8 =	sadd.s32 $0x1, s8;
	s9 =	sadd.s32 s5, s9  }
0x2c6: {  	[tilespmem:s24], [sflag:$0x2] =	stream.linear.gather [hbm4b:s9+s2], $0x280, $0x38;
	[tilespmem:$0x1E800] =	vst v63  }
.LBB2_13:
0x2c7: {  	_ =	sfence.sel $0x180000  }
0x2c8: {  	[bflag:$0x0] =	sbarrier.arrive $0xFFFF  }
0x2c9: {  	_ =	strace $0x9000004D  }
0x2ca: {  	s0 =	stileid.u32;
	[bflag:$0x2] =	sbarrier.arrive $0xFFFF  }
0x2cb: {  	p0 =	sne.s32 s0, $0x0;
	s0 =	rddreg [dreg:$0x1]  }
0x2cc: {  	s0 =	sadd.s32 @!p0 $0x100000, s0  }
0x2cd: {  	[sflag:s0] =	ssyncadd.tile.s32 @!p0 $0x1;
	_ =	shalt  }
.Lfunc_end2:
_tile_overlayer_lowered:
.L_overlay_start_2:
0x2ce: {  	(tag) =	ssettag $0x2  }
0x2cf: {  	s0 =	rddreg [dreg:$0x0];
	s2 =	stileid.u32  }
0x2d0: {  	s1 =	rddreg [dreg:$0x1];
	p0 =	sne.s32 s2, $0x0  }
0x2d1: {  	s3 =	rddreg [dreg:$0x2];
	[bflag:$0x3] =	sbarrier.arrive $0xFFFF;
	s2 =	simm.s32 @!p0 $0x1C05  }
0x2d2: {  	[timem:s3], [sflag:s2] =	dma.local @!p0 [hbm:s0], s1  }
0x2d3: {  	s0 =	simm.s32 @!p0 $0x5  }
0x2d4: {  	_ =	swait.ge @!p0 [sflag:s0], s1  }
0x2d5: {  	s1 =	ssub.s32 @!p0 $0x0, s1;
	[sflag:s0] =	ssyncset.done @!p0 $0x0  }
0x2d6: {  	[sflag:s0] =	ssyncadd.s32 @!p0 s1  }
0x2d7: {  	[bflag:$0x3] =	sbarrier.arrive $0xFFFF  }
0x2d8: {  	_ =	shalt  }

// kernel: scatter_offload_async_start
scs
__scs_entry_jumppad:
0x0: {  	(pc) =	sbr.rel $0x88, $3  }
0x1: {  	(tag) =	ssettag $0x0;
	lr =	simm.s32 $0x1  }
0x2: {  	[smem:$0x3F7A] =	sst lr;
	_ =	strace $0xD0000000  }
0x3: {  	_ = 	snop  }
0x4: {  	_ = 	snop  }
0x5: {  	_ = 	snop  }
0x6: {  	_ = 	snop  }
0x7: {  	_ = 	snop  }
__scs_overlays_trampoline_lowered:
0x8: {  	[smem:$0x3F89] =	sst s0  }
0x9: {  	[smem:$0x3F8A] =	sst s1  }
0xa: {  	[smem:$0x3F8B] =	sst s2  }
0xb: {  	[smem:$0x3F8C] =	sst s3  }
0xc: {  	[smem:$0x3F8D] =	sst s4  }
0xd: {  	[smem:$0x3F8E] =	sst s5  }
0xe: {  	[smem:$0x3F8F] =	sst s6  }
0xf: {  	[smem:$0x3F90] =	sst s7  }
0x10: {  	[smem:$0x3F91] =	sst s8  }
0x11: {  	[smem:$0x3F92] =	sst s9;
	s0 =	simm.s32 @!p0 $0x0  }
0x12: {  	s1 =	sld [smem:$0x3F78];
	s0 =	simm.s32 @p0 $0x1  }
0x13: {  	[smem:$0x3F93] =	sst s0;
	s0 =	simm.s32 @!p1 $0x0  }
0x14: {  	s2 =	sld [smem:$0x3F77];
	s0 =	simm.s32 @p1 $0x1  }
0x15: {  	[smem:$0x3F94] =	sst s0;
	s0 =	simm.s32 @!p2 $0x0  }
0x16: {  	s3 =	sld [smem:$0x3FDB];
	s0 =	simm.s32 @p2 $0x1  }
0x17: {  	s4 =	simm.s32 $0x1BF5;
	[smem:$0x3F96] =	sst s0  }
0x18: {  	s0 =	sld [smem:$0x3F79];
	_ =	swait.ge [sflag:s4], $0x0  }
0x19: {  	s7 =	sld [smem:$0x3F7A]  }
0x1a: {  	s8 =	sadd.s32 $0xFFFFE003, lr  }
0x1b: {  	s9 =	sadd.s32 $0xFFFFFEF7, lr;
	s5 =	simm.s32 $0xFFFFFFFF;
	p2 =	slt.u32 s8, $0xFFFFF086  }
0x1c: {  	p1 =	slt.u32 s9, $0xF7A;
	s5 =	simm.s32 @!p2 $0x0  }
0x1d: {  	s5 =	simm.s32 @p1 $0x1;
	p0 =	seq.s32 s7, s2  }
0x1e: {  	s7 =	smul.u32 @!p0 $0xF7A, s2;
	p2 =	seq.s32 @!p0 s5, $0x0  }
0x1f: {  	s9 =	smul.u32 $0xF7A, s1;
	s8 =	simm.s32 @!p0 $0x1BF5;
	p2 =	por !p2, p0  }
0x20: {  	[sflag:s8] =	ssyncset.s32 @!p0 $0xFFFFF086;
	s6 =	sadd.s32 @!p0 s3, s7;
	s7 =	simm.s32 @!p0 $0x108  }
0x21: {  	s3 =	sadd.s32 s3, s9;
	s6 =	sadd.s32 @!p0 $0x88, s6;
	s7 =	simm.s32 @p2 $0x1082  }
0x22: {  	[simem:s7], [sflag:s8] =	dma.local @!p0 [hbm:s6], $0xF7A  }
0x23: {  	s9 =	sor.u32 $0xD0000000, s2;
	s6 =	simm.s32 $0x108;
	_ =	swait.ge @!p0 [sflag:s8], $0x0  }
0x24: {  	s3 =	sadd.s32 $0x88, s3;
	s6 =	simm.s32 @!p1 $0x1082;
	[sflag:s4] =	ssyncset.s32 $0xFFFFF086  }
0x25: {  	[simem:s6], [sflag:s4] =	dma.local [hbm:s3], $0xF7A  }
0x26: {  	[smem:$0x3F7A] =	sst s1;
	(tag) =	ssettag s2;
	_ =	strace s9  }
0x27: {  	s1 =	sld [smem:$0x3F8A]  }
0x28: {  	s2 =	sld [smem:$0x3F8B]  }
0x29: {  	s4 =	sld [smem:$0x3F8D]  }
0x2a: {  	p0 =	seq.s32 s5, $0x0;
	s5 =	sld [smem:$0x3F8E]  }
0x2b: {  	s6 =	sld [smem:$0x3F8F]  }
0x2c: {  	s7 =	sld [smem:$0x3F90]  }
0x2d: {  	s3 =	simm.s32 $0x108;
	s8 =	sld [smem:$0x3F91]  }
0x2e: {  	s3 =	simm.s32 @!p0 $0x1082;
	s9 =	sld [smem:$0x3F92]  }
0x2f: {  	lr =	sadd.s32 s0, s3;
	s0 =	sld [smem:$0x3F89]  }
0x30: {  	s3 =	sld [smem:$0x3F8C]  }
0x31: {  	[smem:$0x3F95] =	sst s10  }
0x32: {  	s10 =	sld [smem:$0x3F93];
	_ =	sdelay $0x3  }
0x33: {  	p0 =	seq.s32 s10, $0x1;
	s10 =	sld [smem:$0x3F95];
	_ =	sdelay $0x3  }
0x34: {  	[smem:$0x3F95] =	sst s10  }
0x35: {  	s10 =	sld [smem:$0x3F94];
	_ =	sdelay $0x3  }
0x36: {  	p1 =	seq.s32 s10, $0x1;
	s10 =	sld [smem:$0x3F95];
	_ =	sdelay $0x3  }
0x37: {  	[smem:$0x3F95] =	sst s10  }
0x38: {  	s10 =	sld [smem:$0x3F96]  }
0x39: {  	_ = 	snop;
	(pc) =	sbr.ind lr, $3  }
0x3a: {  	_ = 	snop  }
0x3b: {  	_ = 	snop  }
0x3c: {  	p2 =	seq.s32 s10, $0x1;
	s10 =	sld [smem:$0x3F95]  }
0x3d: {  	_ =	shalt  }
0x3e: {  	_ =	shalt  }
0x3f: {  	_ =	shalt  }
0x40: {  	_ =	shalt  }
0x41: {  	_ =	shalt  }
0x42: {  	_ =	shalt  }
0x43: {  	_ =	shalt  }
0x44: {  	_ =	shalt  }
0x45: {  	_ =	shalt  }
0x46: {  	_ =	shalt  }
0x47: {  	_ =	shalt  }
0x48: {  	_ =	shalt  }
0x49: {  	_ =	shalt  }
0x4a: {  	_ =	shalt  }
0x4b: {  	_ =	shalt  }
0x4c: {  	_ =	shalt  }
0x4d: {  	_ =	shalt  }
0x4e: {  	_ =	shalt  }
0x4f: {  	_ =	shalt  }
0x50: {  	_ =	shalt  }
0x51: {  	_ =	shalt  }
0x52: {  	_ =	shalt  }
0x53: {  	_ =	shalt  }
0x54: {  	_ =	shalt  }
0x55: {  	_ =	shalt  }
0x56: {  	_ =	shalt  }
0x57: {  	_ =	shalt  }
0x58: {  	_ =	shalt  }
0x59: {  	_ =	shalt  }
0x5a: {  	_ =	shalt  }
0x5b: {  	_ =	shalt  }
0x5c: {  	_ =	shalt  }
0x5d: {  	_ =	shalt  }
0x5e: {  	_ =	shalt  }
0x5f: {  	_ =	shalt  }
0x60: {  	_ =	shalt  }
0x61: {  	_ =	shalt  }
0x62: {  	_ =	shalt  }
0x63: {  	_ =	shalt  }
0x64: {  	_ =	shalt  }
0x65: {  	_ =	shalt  }
0x66: {  	_ =	shalt  }
0x67: {  	_ =	shalt  }
0x68: {  	_ =	shalt  }
0x69: {  	_ =	shalt  }
0x6a: {  	_ =	shalt  }
0x6b: {  	_ =	shalt  }
0x6c: {  	_ =	shalt  }
0x6d: {  	_ =	shalt  }
0x6e: {  	_ =	shalt  }
0x6f: {  	_ =	shalt  }
0x70: {  	_ =	shalt  }
0x71: {  	_ =	shalt  }
0x72: {  	_ =	shalt  }
0x73: {  	_ =	shalt  }
0x74: {  	_ =	shalt  }
0x75: {  	_ =	shalt  }
0x76: {  	_ =	shalt  }
0x77: {  	_ =	shalt  }
0x78: {  	_ =	shalt  }
0x79: {  	_ =	shalt  }
0x7a: {  	_ =	shalt  }
0x7b: {  	_ =	shalt  }
0x7c: {  	_ =	shalt  }
0x7d: {  	_ =	shalt  }
0x7e: {  	_ =	shalt  }
0x7f: {  	_ =	shalt  }
0x80: {  	_ =	shalt  }
0x81: {  	_ =	shalt  }
0x82: {  	_ =	shalt  }
0x83: {  	_ =	shalt  }
0x84: {  	_ =	shalt  }
0x85: {  	_ =	shalt  }
0x86: {  	_ =	shalt  }
0x87: {  	_ =	shalt  }
.Lfunc_end0:
.L_simem_size_0:
called_computation_lowered:
.L_overlay_start_0:
0x88: {  	s0 =	sld [smem:$0x3FD9]  }
0x89: {  	s1 =	sld [smem:$0x3FFE];
	_ =	sdelay $0x3  }
0x8a: {  	s0 =	sadd.s32 s1, s0  }
0x8b: {  	[smem:$0x3FA1] =	sst s0  }
0x8c: {  	_ = 	snop  }
0x8d: {  	s0 =	sld [smem:$0x3FD0];
	_ =	sdelay $0x2  }
0x8e: {  	s13 =	simm.s32 $0xB;
	s2 =	simm.s32 $0x10  }
0x8f: {  	[smem:s2], [sflag:s13] =	dma.local [hbm:s0], $0x1  }
0x90: {  	_ =	swait.eq [sflag:s13], $0x1  }
0x91: {  	[sflag:s13] =	ssyncset.done $0x0  }
0x92: {  	[sflag:s13] =	ssyncadd.s32 $0xFFFFFFFF  }
0x93: {  	s14 =	sld [smem:$0x11];
	(tm) =	ssettm $0x1  }
0x94: {  	s15 =	sld [smem:$0x3FFB];
	_ =	sdelay $0x3  }
0x95: {  	_ =	strace s15  }
0x96: {  	s1 =	sld [smem:$0x3FFC];
	_ =	sdelay $0x3  }
0x97: {  	_ =	strace s1  }
0x98: {  	s1 =	sld [smem:$0x3FFD];
	_ =	sdelay $0x3  }
0x99: {  	_ =	strace s1  }
0x9a: {  	_ =	strace $0x8FFFFFFF  }
0x9b: {  	s16 =	sld [smem:$0x3FDB];
	_ =	sdelay $0x1  }
0x9c: {  	s17 =	simm.s32 $_scs_section_size  }
0x9d: {  	s3 =	simm.s32 $_size__tile_overlayer_lowered;
	s4 =	simm.s32 $_tile_overlayer_lowered  }
0x9e: {  	s20 =	simm.s32 $0x1BFF;
	s19 =	sshll.u32 s4, $0x1;
	s1 =	sadd.s32 s17, s16  }
0x9f: {  	s5 =	simm.s32 $0x0;
	s18 =	sshll.u32 s3, $0x1;
	s3 =	sadd.s32 s19, s1  }
0xa0: {  	[timem:s5], [sflag:s20] =	dma.local [hbm:s3], s18  }
0xa1: {  	_ =	swait.ge [sflag:s20], s18  }
0xa2: {  	s2 =	ssub.s32 $0x0, s18;
	[sflag:s20] =	ssyncset.done $0x0  }
0xa3: {  	[sflag:s20] =	ssyncadd.s32 s2;
	_ =	sdelay $0x1  }
0xa4: {  	s21 =	simm.s32 $0x1B8B  }
0xa5: {  	_ =	swait.ge [sflag:s21], $0x1  }
0xa6: {  	[sflag:s21] =	ssyncset.done $0x0  }
0xa7: {  	s23 =	simm.s32 $0x1B8E;
	s22 =	sld [smem:$0x3FFE];
	[sflag:s21] =	ssyncadd.s32 $0xFFFFFFFF  }
0xa8: {  	s24 =	simm.s32 $execute0_lowered;
	[smem:$0x3FD2] =	sst s23  }
0xa9: {  	s3 =	sshll.u32 s24, $0x1;
	_ =	strace $0x80000049;
	[dreg:$0x1] =	wrdreg $0xFFFFFFFF  }
0xaa: {  	s25 =	simm.s32 $_size_execute0_lowered;
	s1 =	sadd.s32 s1, s3;
	[dreg:$0x0] =	wrdreg $0x0  }
0xab: {  	s3 =	sshll.u32 s25, $0x1;
	[dreg:$0x2] =	wrdreg s1  }
0xac: {  	[dreg:$0x3] =	wrdreg s3  }
0xad: {  	[dreg:$0x4] =	wrdreg $0xC0  }
0xae: {  	_ =	task [dreg:s5], $0x5FFFF  }
0xaf: {  	[dreg:$0x1] =	wrdreg $0xFFFFFFFF  }
0xb0: {  	[dreg:$0x0] =	wrdreg $0x60  }
0xb1: {  	[dreg:$0x2] =	wrdreg s22  }
0xb2: {  	[dreg:$0x3] =	wrdreg s14  }
0xb3: {  	[dreg:$0x4] =	wrdreg $0x9  }
0xb4: {  	_ =	task.clear_ibuf [dreg:s5], $0x5FFFF;
	_ =	strace $0x90000049  }
0xb5: {  	s26 =	simm.s32 $0x9;
	_ =	strace $0x8000004B  }
0xb6: {  	_ =	swait.ge [sflag:s26], $0x1  }
0xb7: {  	[sflag:s26] =	ssyncadd.s32 $0xFFFFFFFF  }
0xb8: {  	_ =	strace $0x9000004B  }
0xb9: {  	_ =	sfence  }
0xba: {  	s28 =	sld [smem:$0x0];
	_ =	sdelay $0x1  }
0xbb: {  	s29 =	srdreg.scid  }
0xbc: {  	s30 =	sshll.u32 s29, $0xD;
	s31 =	sshrl.u32 s29, $0x2  }
0xbd: {  	s2 =	sand.u32 $0x4000, s30;
	s1 =	sand.u32 $0x1, s29;
	s0 =	sadd.s32 s31, s28  }
0xbe: {  	s1 =	sor.u32 s2, s1;
	s0 =	sshll.u32 s0, $0x11  }
0xbf: {  	s0 =	sor.u32 s0, s1  }
0xc0: {  	s0 =	sadd.s32 $0x8F2B, s0  }
0xc1: {  	[sflag:s0] =	ssyncadd.remote.s32 $0x1  }
0xc2: {  	_ =	sfence.sel $0xFFFF  }
0xc3: {  	[dreg:$0x0] =	wrdreg $0xFFFFFFFF;
	(pc) =	sbr.abs _section_cstart, $3  }
0xc4: {  	[dreg:$0x1] =	wrdreg $0xFFFFFFFF  }
0xc5: {  	_ =	task.clear_ibuf [dreg:s5], $0x2FFFF;
	_ =	strace $0x9FFFFFFF  }
0xc6: {  	(tm) =	ssettm $0x7FFFFFFF  }
0xc7: {  	_ =	shalt  }
tec
execute0_lowered:
.L_overlay_start_1:
0x0: {  	(tag) =	ssettag $0x1  }
0x1: {  	s7 =	rddreg [dreg:$0x0]  }
0x2: {  	s2 =	rddreg [dreg:$0x1]  }
0x3: {  	s0 =	rddreg [dreg:$0x2]  }
0x4: {  	_ =	strace $0x8000004A;
	s4 =	stileid.u32;
	s5 =	simm.s32 $0x3E  }
0x5: {  	s1 =	sadd.s32 $0x540800, s7;
	p0 =	sne.s32 s4, $0x0;
	[sflag:s5] =	ssyncpa.u1 $0x0  }
0x6: {  	s30 =	smin.u32 s4, $0x9;
	s3 =	simm.s32 @!p0 $0x1C3E;
	s6 =	simm.s32 @!p0 $0x0  }
0x7: {  	[spmem:s6], [sflag:s3] =	dma.local @!p0 [hbm:s1], $0x20  }
0x8: {  	s3 =	sadd.s32 s4, s30  }
0x9: {  	p1 =	slt.u32 s4, $0x9;
	s4 =	simm.s32 $0x320;
	s3 =	smul.u32 $0x190, s3  }
0xa: {  	s4 =	simm.s32 @!p1 $0x190  }
0xb: {  	s4 =	sadd.s32 s4, s3  }
0xc: {  	s4 =	smin.u32 s4, $0x2710  }
0xd: {  	s8 =	ssub.s32 s4, s3  }
0xe: {  	p1 =	sgt.s32 s8, $0x0  }
0xf: {  	s8 =	simm.s32 @!p1 $0x0  }
0x10: {  	s9 =	sand.u32 $0xFFF0, s8  }
0x11: {  	s9 =	sshrl.u32 s9, $0x4  }
0x12: {  	s6 =	simm.s32 @!p0 $0x3E;
	s31 =	smul.u32 $0xA3E, s9  }
0x13: {  	_ =	swait.ge @!p0 [sflag:s6], $0x20  }
0x14: {  	[sflag:s6] =	ssyncset.done @!p0 $0x0;
	s9 =	sshrl.u32 s31, $0x10  }
0x15: {  	s11 =	simm.s32 $0x0;
	[sflag:s6] =	ssyncadd.s32 @!p0 $0xFFFFFFE0;
	s10 =	smul.u32 $0x190, s9  }
.Ltmp0:
0x16: {  	s7 =	sadd.s32 $0x540200, s7;
	[bflag:$0x0] =	sbarrier.arrive $0xFFFF;
	(pc) =	sbr.rel .LBB2_1-.Ltmp0, $4  }
0x17: {  	s6 =	simm.s32 $0x2;
	[sflag:s5] =	ssyncpa.u1 $0x1;
	s5 =	simm.s32 $0x1  }
0x18: {  	[sflag:s5] =	ssyncpa.u1 $0x0;
	p1 =	sne.s32 s8, s10;
	s8 =	simm.s32 $0x1  }
0x19: {  	(ifvalue) =	ssetifvalue $0x100;
	[sflag:s6] =	ssyncpa.u1 $0x0;
	s8 =	simm.s32 @!p1 $0x0  }
0x1a: {  	vm0 =	vmmov $0xffff;
	s10 =	smov.u32 s3;
	s8 =	sadd.s32 s9, s8;
	s9 =	simm.s32 $0x0  }
.LBB2_5:
0x1b: {  	p2 =	sne.s32 s11, s8  }
.Ltmp1:
0x1c: {  	_ = 	snop;
	(pc) =	sbr.rel @!p2 .LBB2_6-.Ltmp1, $4  }
0x1d: {  	_ = 	snop  }
0x1e: {  	s12 =	sadd.s32 $0x190, s10  }
0x1f: {  	s10 =	smov.u32 s3;
	s13 =	sadd.s32 $0x1, s11;
	p1 =	slt.s32 s12, s4  }
0x20: {  	s11 =	smov.u32 s13;
	s10 =	smov.u32 @p1 s12  }
.LBB2_1:
0x21: {  	p1 =	sge.u32 s11, s8  }
0x22: {  	s12 =	sxor.u32 @!p1 $0xFFFFFFFF, s11  }
0x23: {  	s12 =	sand.u32 @!p1 $0x1, s12  }
0x24: {  	s12 =	smul.u32 @!p1 $0x190, s12  }
0x25: {  	s13 =	sshrl.u32 @!p1 s10, $0x3  }
0x26: {  	s16 =	sand.u32 @!p1 $0x7, s10;
	s14 =	sadd.s32 @!p1 s2, s13;
	s15 =	sadd.s32 @!p1 $0x10, s12  }
0x27: {  	[tilespmem:s15], [sflag:$0x2] =	stream.linear.gather @!p1 [hbm4b:s14+s16], $0x190, $0x38;
	[tilespmem:$0x650] =	vst v63  }
0x28: {  	s13 =	sadd.s32 @!p1 s7, s13;
	s12 =	sadd.s32 @!p1 $0x330, s12  }
0x29: {  	[tilespmem:s12], [sflag:$0x2] =	stream.linear.gather @!p1 [hbm4b:s13+s16], $0x190, $0x38;
	[tilespmem:$0x650] =	vst v63  }
0x2a: {  	p1 =	seq.s32 s11, $0x0  }
.Ltmp2:
0x2b: {  	_ = 	snop;
	(pc) =	sbr.rel @p1 .LBB2_5-.Ltmp2, $1  }
0x2c: {  	_ =	sdelay $0x3  }
0x2d: {  	s12 =	sand.u32 $0x1, s11  }
0x2e: {  	_ =	swait.ge [sflag:s6], $0x320;
	p1 =	seq.s32 s12, $0x1;
	s12 =	simm.s32 $0x190  }
0x2f: {  	[sflag:s6] =	ssyncset.done $0x0;
	s12 =	simm.s32 @!p1 $0x0  }
0x30: {  	[sflag:s6] =	ssyncadd.s32 $0xFFFFFCE0;
	s14 =	sadd.s32 $0x10, s12  }
0x31: {  	v0 =	vld.msk [tilespmem:s14+$0x0 ss:$0x1], $0xffff;
	_ =	sdelay $0x4  }
0x32: {  	v0 =	vmin.u32 v0, $0x100;
	_ =	sdelay $0x3  }
0x33: {  	s13 =	simm.s32 $0x0;
	s12 =	sadd.s32 $0x330, s12;
	s14 =	sadd.s32 $0x10, s14  }
0x34: {  	[spmem:s9] =	stream.indirect_vreg.scatter.add.s32 [tilespmem:s12], [sflag:$0x1], $0x1, v0, vm0, $0x4038;
	[tilespmem:$0x650] =	vst v63  }
.LBB2_3:
0x35: {  	v0 =	vld.msk [tilespmem:s14+$0x0 ss:$0x1], $0xffff;
	s13 =	sadd.s32 $0x10, s13  }
0x36: {  	p1 =	slt.u32 s13, $0x180;
	_ =	sdelay $0x4  }
0x37: {  	v0 =	vmin.u32 v0, $0x100  }
.Ltmp3:
0x38: {  	(pc) =	sbr.rel @p1 .LBB2_3-.Ltmp3, $3  }
0x39: {  	_ =	sdelay $0x1  }
0x3a: {  	s14 =	sadd.s32 $0x10, s14;
	s12 =	sadd.s32 $0x10, s12  }
0x3b: {  	[spmem:s9] =	stream.indirect_vreg.scatter.add.s32 [tilespmem:s12], [sflag:$0x1], $0x1, v0, vm0, $0x4038;
	[tilespmem:$0x650] =	vst v63  }
.Ltmp4:
0x3c: {  	(pc) =	sbr.rel .LBB2_5-.Ltmp4, $4  }
0x3d: {  	_ = 	snop  }
0x3e: {  	_ =	swait.ge [sflag:s5], $0x190  }
0x3f: {  	[sflag:s5] =	ssyncset.done $0x0  }
0x40: {  	[sflag:s5] =	ssyncadd.s32 $0xFFFFFE70  }
.LBB2_6:
0x41: {  	_ =	sfence.sel $0x180000  }
0x42: {  	s2 =	simm.s32 $0x2;
	[bflag:$0x0] =	sbarrier.arrive $0xFFFF  }
0x43: {  	s30 =	simm.s32 $0x1;
	[sflag:s2] =	ssyncpa.u1 $0x1  }
0x44: {  	[sflag:s30] =	ssyncpa.u1 $0x1  }
0x45: {  	_ =	sfence.stream.spmem  }
0x46: {  	s31 =	simm.s32 $0x3D;
	[bflag:$0x0] =	sbarrier.arrive $0xFFFF  }
0x47: {  	s2 =	simm.s32 @p0 $0x3D;
	[sflag:s31] =	ssyncpa.u1 $0x0  }
0x48: {  	[sflag:s2] =	ssyncpa.u1 @p0 $0x1  }
0x49: {  	[bflag:$0x0] =	sbarrier.arrive @p0 $0xFFFF  }
0x4a: {  	_ =	strace @p0 $0x9000004A  }
0x4b: {  	s3 =	simm.s32 @!p0 $0x1C3D;
	s2 =	simm.s32 @!p0 $0x0;
	[bflag:$0x2] =	sbarrier.arrive @p0 $0xFFFF  }
0x4c: {  	[hbm:s1], [sflag:s3] =	dma.local @!p0 [spmem:s2], $0x20  }
0x4d: {  	s1 =	simm.s32 @!p0 $0x3D  }
0x4e: {  	_ =	swait.ge @!p0 [sflag:s1], $0x20  }
0x4f: {  	[sflag:s1] =	ssyncset.done @!p0 $0x0  }
0x50: {  	[sflag:s1] =	ssyncadd.s32 @!p0 $0xFFFFFFE0  }
0x51: {  	[sflag:s1] =	ssyncpa.u1 @!p0 $0x1  }
0x52: {  	[bflag:$0x0] =	sbarrier.arrive @!p0 $0xFFFF  }
0x53: {  	_ =	strace @!p0 $0x9000004A  }
0x54: {  	s0 =	sadd.s32 @!p0 $0x100000, s0;
	[bflag:$0x2] =	sbarrier.arrive @!p0 $0xFFFF  }
0x55: {  	[sflag:s0] =	ssyncadd.tile.s32 @!p0 $0x1;
	_ =	shalt  }
.Lfunc_end2:
_tile_overlayer_lowered:
.L_overlay_start_2:
0x56: {  	(tag) =	ssettag $0x2  }
0x57: {  	s0 =	rddreg [dreg:$0x0];
	s2 =	stileid.u32  }
0x58: {  	s1 =	rddreg [dreg:$0x1];
	p0 =	sne.s32 s2, $0x0  }
0x59: {  	s3 =	rddreg [dreg:$0x2];
	[bflag:$0x3] =	sbarrier.arrive $0xFFFF;
	s2 =	simm.s32 @!p0 $0x1C01  }
0x5a: {  	[timem:s3], [sflag:s2] =	dma.local @!p0 [hbm:s0], s1  }
0x5b: {  	s0 =	simm.s32 @!p0 $0x1  }
0x5c: {  	_ =	swait.ge @!p0 [sflag:s0], s1  }
0x5d: {  	s1 =	ssub.s32 @!p0 $0x0, s1;
	[sflag:s0] =	ssyncset.done @!p0 $0x0  }
0x5e: {  	[sflag:s0] =	ssyncadd.s32 @!p0 s1  }
0x5f: {  	[bflag:$0x3] =	sbarrier.arrive $0xFFFF  }
0x60: {  	_ =	shalt  }

// kernel: sparse-core-data-format-call.cloned.1.call-start
scs
called_computation.1_lowered:
.L_overlay_start_0:
0x0: {  	s2 =	sld [smem:$0x3FD9]  }
0x1: {  	s3 =	sld [smem:$0x3FFE];
	_ =	sdelay $0x1  }
0x2: {  	s1 =	srdreg.scid  }
0x3: {  	s0 =	sand.u32 $0x1, s1  }
0x4: {  	s18 =	sshll.u32 s0, $0xA;
	s2 =	sadd.s32 s3, s2  }
0x5: {  	s2 =	sadd.s32 s2, s18  }
0x6: {  	[smem:$0x3FA1] =	sst s2  }
0x7: {  	_ = 	snop  }
0x8: {  	s2 =	sld [smem:$0x3FC7];
	(tm) =	ssettm $0x1  }
0x9: {  	s19 =	sld [smem:$0x3FFB];
	_ =	sdelay $0x3  }
0xa: {  	_ =	strace s19  }
0xb: {  	s3 =	sld [smem:$0x3FFC];
	_ =	sdelay $0x3  }
0xc: {  	_ =	strace s3  }
0xd: {  	s3 =	sld [smem:$0x3FFD];
	_ =	sdelay $0x3  }
0xe: {  	_ =	strace s3  }
0xf: {  	_ =	strace $0x8FFFFFFF  }
0x10: {  	s20 =	sld [smem:$0x3FDB];
	_ =	sdelay $0x1  }
0x11: {  	s4 =	simm.s32 $_scs_section_size  }
0x12: {  	s5 =	simm.s32 $_size__tile_overlayer_lowered;
	s6 =	simm.s32 $_tile_overlayer_lowered  }
0x13: {  	s23 =	simm.s32 $0x1BFF;
	s22 =	sshll.u32 s6, $0x1;
	s3 =	sadd.s32 s4, s20  }
0x14: {  	s7 =	simm.s32 $0x0;
	s21 =	sshll.u32 s5, $0x1;
	s5 =	sadd.s32 s22, s3  }
0x15: {  	[timem:s7], [sflag:s23] =	dma.local [hbm:s5], s21  }
0x16: {  	_ =	swait.ge [sflag:s23], s21  }
0x17: {  	s4 =	ssub.s32 $0x0, s21;
	[sflag:s23] =	ssyncset.done $0x0  }
0x18: {  	[sflag:s23] =	ssyncadd.s32 s4;
	_ =	sdelay $0x1  }
0x19: {  	s24 =	simm.s32 $0x1B8B  }
0x1a: {  	_ =	swait.ge [sflag:s24], $0x1  }
0x1b: {  	[sflag:s24] =	ssyncset.done $0x0  }
0x1c: {  	s26 =	simm.s32 $0x1B8E;
	s25 =	sld [smem:$0x3FFE];
	[sflag:s24] =	ssyncadd.s32 $0xFFFFFFFF  }
0x1d: {  	s27 =	simm.s32 $execute0_lowered;
	[smem:$0x3FD2] =	sst s26  }
0x1e: {  	s5 =	sshll.u32 s27, $0x1;
	_ =	strace $0x80000046;
	[dreg:$0x1] =	wrdreg $0xFFFFFFFF  }
0x1f: {  	s28 =	simm.s32 $_size_execute0_lowered;
	s3 =	sadd.s32 s3, s5;
	[dreg:$0x0] =	wrdreg $0x0  }
0x20: {  	s5 =	sshll.u32 s28, $0x1;
	[dreg:$0x2] =	wrdreg s3  }
0x21: {  	[dreg:$0x3] =	wrdreg s5  }
0x22: {  	[dreg:$0x4] =	wrdreg $0xC0  }
0x23: {  	_ =	task [dreg:s7], $0x5FFFF  }
0x24: {  	[dreg:$0x1] =	wrdreg $0xFFFFFFFF  }
0x25: {  	[dreg:$0x0] =	wrdreg $0x60  }
0x26: {  	[dreg:$0x2] =	wrdreg s2  }
0x27: {  	[dreg:$0x3] =	wrdreg s25  }
0x28: {  	[dreg:$0x4] =	wrdreg $0xA  }
0x29: {  	_ =	task.clear_ibuf [dreg:s7], $0x5FFFF;
	_ =	strace $0x90000046  }
0x2a: {  	s29 =	simm.s32 $0xA;
	_ =	strace $0x80000048  }
0x2b: {  	_ =	swait.ge [sflag:s29], $0x1  }
0x2c: {  	[sflag:s29] =	ssyncadd.s32 $0xFFFFFFFF  }
0x2d: {  	_ =	strace $0x90000048  }
0x2e: {  	_ =	sfence  }
0x2f: {  	s30 =	sld [smem:$0x0];
	_ =	sdelay $0x2  }
0x30: {  	s31 =	sshll.u32 s1, $0xD;
	s1 =	sshrl.u32 s1, $0x2  }
0x31: {  	s3 =	sand.u32 $0x4000, s31;
	s1 =	sadd.s32 s1, s30  }
0x32: {  	s0 =	sor.u32 s3, s0;
	s1 =	sshll.u32 s1, $0x11  }
0x33: {  	s0 =	sor.u32 s1, s0  }
0x34: {  	s0 =	sadd.s32 $0x8F2B, s0  }
0x35: {  	[sflag:s0] =	ssyncadd.remote.s32 $0x1  }
0x36: {  	_ =	sfence.sel $0xFFFF  }
0x37: {  	[dreg:$0x0] =	wrdreg $0xFFFFFFFF;
	(pc) =	sbr.abs _section_cstart, $3  }
0x38: {  	[dreg:$0x1] =	wrdreg $0xFFFFFFFF  }
0x39: {  	_ =	task.clear_ibuf [dreg:s7], $0x2FFFF;
	_ =	strace $0x9FFFFFFF  }
0x3a: {  	(tm) =	ssettm $0x7FFFFFFF  }
0x3b: {  	_ =	shalt  }
tec
execute0_lowered:
.L_overlay_start_1:
0x0: {  	(tag) =	ssettag $0x1  }
0x1: {  	s0 =	srdreg.scid  }
0x2: {  	s1 =	sshll.u32 s0, $0x4  }
0x3: {  	s2 =	rddreg [dreg:$0x0];
	s0 =	stileid.u32;
	s1 =	sand.u32 $0x10, s1  }
0x4: {  	s4 =	rddreg [dreg:$0x1];
	s7 =	simm.s32 $0x1;
	s1 =	sor.u32 s0, s1  }
0x5: {  	s8 =	simm.s32 $0x2;
	s9 =	simm.s32 $0x0;
	s3 =	sshll.u32 s1, $0x3  }
0x6: {  	s12 =	simm.s32 $0x0;
	s11 =	simm.s32 $0x0;
	s6 =	ssub.s32 $0x4E20, s3  }
.Ltmp0:
0x7: {  	s4 =	sadd.s32 $0x6000, s4;
	s5 =	sand.u32 $0xF8, s6;
	(pc) =	sbr.rel .LBB1_1-.Ltmp0, $4  }
0x8: {  	s1 =	rddreg [dreg:$0x2];
	_ =	strace $0x80000047;
	p0 =	sne.s32 s5, $0x0  }
0x9: {  	s6 =	sshrl.u32 s6, $0x8;
	s5 =	simm.s32 $0x1;
	s7 =	simm.s32 @!p0 $0x0  }
0xa: {  	s10 =	smov.u32 s3;
	[sflag:s5] =	ssyncpa.u1 $0x0;
	s6 =	sadd.s32 s7, s6  }
0xb: {  	[sflag:s8] =	ssyncpa.u1 $0x0;
	s8 =	simm.s32 $0x0;
	s7 =	sadd.s32 $0x1, s6  }
.LBB1_9:
0xc: {  	s14 =	sadd.s32 $0x100, s10  }
0xd: {  	p1 =	sgt.s32 s14, $0x4E1F  }
0xe: {  	s14 =	smov.u32 @p1 s3;
	p1 =	sne.s32 s11, s7  }
.Ltmp1:
0xf: {  	p0 =	slt.u32 s11, $0x2;
	(pc) =	sbr.rel @!p1 .LBB1_10-.Ltmp1, $4  }
0x10: {  	s13 =	simm.s32 @!p0 $0x2  }
0x11: {  	s15 =	sadd.s32 $0x1, s11;
	_ =	swait.ge @!p0 [sflag:s13], $0x4000  }
0x12: {  	s12 =	smov.u32 s10;
	s9 =	sadd.s32 $0x4000, s9;
	[sflag:s13] =	ssyncset.done @!p0 $0x0  }
0x13: {  	s11 =	smov.u32 s15;
	s10 =	smov.u32 s14;
	[sflag:s13] =	ssyncadd.s32 @!p0 $0xFFFFC000  }
.LBB1_1:
0x14: {  	p0 =	sge.u32 s11, s6  }
0x15: {  	s13 =	sxor.u32 @!p0 $0xFFFFFFFF, s11  }
0x16: {  	s31 =	sadd.s32 $0xFFFFFFFF, s11;
	s14 =	sshll.u32 @!p0 s10, $0x8;
	s13 =	sshll.u32 @!p0 s13, $0xE  }
0x17: {  	s15 =	simm.s32 @!p0 $0x0;
	s14 =	sadd.s32 @!p0 s2, s14;
	s13 =	sand.u32 @!p0 $0x4000, s13  }
0x18: {  	[tilespmem:s13], [sflag:$0x1] =	stream.linear.gather @!p0 [hbm4b:s14+s15], $0x4000, $0x38;
	[tilespmem:$0x10000] =	vst v63  }
0x19: {  	p0 =	sge.u32 s31, s6  }
.Ltmp2:
0x1a: {  	_ = 	snop;
	(pc) =	sbr.rel @p0 .LBB1_9-.Ltmp2, $1  }
0x1b: {  	_ =	sdelay $0x3  }
0x1c: {  	s13 =	sshll.u32 s9, $0x2;
	_ =	swait.ge [sflag:s5], $0x4000;
	s14 =	sshll.u32 s11, $0xE  }
0x1d: {  	s16 =	simm.s32 $0x0;
	s17 =	simm.s32 $0x0;
	s15 =	sand.u32 $0x10000, s13  }
0x1e: {  	[sflag:s5] =	ssyncset.done $0x0;
	s31 =	sand.u32 $0x4000, s14;
	s14 =	sshrl.u32 s15, $0x2  }
0x1f: {  	[sflag:s5] =	ssyncadd.s32 $0xFFFFC000;
	s13 =	sor.u32 $0x8000, s31;
	s15 =	sor.u32 $0x8000, s14  }
.LBB1_3:
0x20: {  	s18 =	sshra.s32 s16, $0x2  }
0x21: {  	v0 =	vmov s18;
	_ =	sdelay $0x3  }
0x22: {  	p1 =	por $0x1, $0x1;
	s18 =	simm.s32 $0x0  }
.LBB1_4:
0x23: {  	_ = 	snop  }
0x24: {  	s19 =	sshll.u32 s18, $0xA  }
0x25: {  	s19 =	sand.u32 $0x3FFFFC00, s19  }
0x26: {  	s19 =	sadd.s32 s19, s14  }
0x27: {  	v5 =	vld.idx.msk [tilespmem:v0+s19+$0x70 ss:$0x1], $0xffff  }
0x28: {  	v6 =	vld.idx.msk [tilespmem:v0+s19+$0x10 ss:$0x1], $0xffff  }
0x29: {  	v7 =	vld.idx.msk [tilespmem:v0+s19+$0x20 ss:$0x1], $0xffff  }
0x2a: {  	s31 =	sshll.u32 s18, $0x7;
	v1 =	vld.idx.msk [tilespmem:v0+s19+$0x30 ss:$0x1], $0xffff  }
0x2b: {  	s18 =	sand.u32 $0x3FFFFF80, s31;
	v2 =	vld.idx.msk [tilespmem:v0+s19+$0x40 ss:$0x1], $0xffff  }
0x2c: {  	s18 =	sadd.s32 s18, s15;
	v3 =	vld.idx.msk [tilespmem:v0+s19+$0x50 ss:$0x1], $0xffff  }
0x2d: {  	v4 =	vld.idx.msk [tilespmem:v0+s19+$0x60 ss:$0x1], $0xffff;
	[tilespmem:v0+s18+$0x70 ss:$0x1] =	vst.idx.msk $0xffff, v5  }
0x2e: {  	v5 =	vld.idx.msk [tilespmem:v0+s19+$0x0 ss:$0x1], $0xffff;
	[tilespmem:v0+s18+$0x10 ss:$0x1] =	vst.idx.msk $0xffff, v6;
	s19 =	sadd.s32 $0x80, s19  }
0x2f: {  	p0 =	por p1, p1;
	s20 =	simm.s32 $0x6;
	[tilespmem:v0+s18+$0x20 ss:$0x1] =	vst.idx.msk $0xffff, v7;
	v6 =	vld.idx.msk [tilespmem:v0+s19+$0x70 ss:$0x1], $0xffff  }
.LBB1_5:
0x30: {  	p1 =	sne.s32 s20, $0x1;
	v7 =	vld.idx.msk [tilespmem:v0+s19+$0x10 ss:$0x1], $0xffff;
	[tilespmem:v0+s18+$0x30 ss:$0x1] =	vst.idx.msk $0xffff, v1  }
0x31: {  	v8 =	vld.idx.msk [tilespmem:v0+s19+$0x20 ss:$0x1], $0xffff;
	[tilespmem:v0+s18+$0x40 ss:$0x1] =	vst.idx.msk $0xffff, v2  }
0x32: {  	v1 =	vld.idx.msk [tilespmem:v0+s19+$0x30 ss:$0x1], $0xffff;
	[tilespmem:v0+s18+$0x50 ss:$0x1] =	vst.idx.msk $0xffff, v3  }
.Ltmp3:
0x33: {  	v2 =	vld.idx.msk [tilespmem:v0+s19+$0x40 ss:$0x1], $0xffff;
	[tilespmem:v0+s18+$0x60 ss:$0x1] =	vst.idx.msk $0xffff, v4;
	(pc) =	sbr.rel @p1 .LBB1_5-.Ltmp3, $4  }
0x34: {  	v3 =	vld.idx.msk [tilespmem:v0+s19+$0x50 ss:$0x1], $0xffff;
	[tilespmem:v0+s18+$0x0 ss:$0x1] =	vst.idx.msk $0xffff, v5;
	s18 =	sadd.s32 $0x100, s18  }
0x35: {  	v4 =	vld.idx.msk [tilespmem:v0+s19+$0x60 ss:$0x1], $0xffff;
	[tilespmem:v0+s18+$0x70 ss:$0x1] =	vst.idx.msk $0xffff, v6  }
0x36: {  	v5 =	vld.idx.msk [tilespmem:v0+s19+$0x0 ss:$0x1], $0xffff;
	[tilespmem:v0+s18+$0x10 ss:$0x1] =	vst.idx.msk $0xffff, v7;
	s19 =	sadd.s32 $0x80, s19  }
0x37: {  	s20 =	sadd.s32 $0xFFFFFFFF, s20;
	v6 =	vld.idx.msk [tilespmem:v0+s19+$0x70 ss:$0x1], $0xffff;
	[tilespmem:v0+s18+$0x20 ss:$0x1] =	vst.idx.msk $0xffff, v8  }
0x38: {  	_ =	sdelay $0x3  }
0x39: {  	[tilespmem:v0+s18+$0x30 ss:$0x1] =	vst.idx.msk $0xffff, v1  }
0x3a: {  	v1 =	vld.idx.msk [tilespmem:v0+s19+$0x10 ss:$0x1], $0xffff;
	[tilespmem:v0+s18+$0x40 ss:$0x1] =	vst.idx.msk $0xffff, v2  }
0x3b: {  	v2 =	vld.idx.msk [tilespmem:v0+s19+$0x20 ss:$0x1], $0xffff;
	[tilespmem:v0+s18+$0x50 ss:$0x1] =	vst.idx.msk $0xffff, v3  }
0x3c: {  	v61 =	vld.idx.msk [tilespmem:v0+s19+$0x40 ss:$0x1], $0xffff;
	[tilespmem:v0+s18+$0x60 ss:$0x1] =	vst.idx.msk $0xffff, v4  }
0x3d: {  	s31 =	sadd.s32 $0x100, s18;
	v62 =	vld.idx.msk [tilespmem:v0+s19+$0x50 ss:$0x1], $0xffff;
	[tilespmem:v0+s18+$0x0 ss:$0x1] =	vst.idx.msk $0xffff, v5  }
0x3e: {  	v63 =	vld.idx.msk [tilespmem:v0+s19+$0x60 ss:$0x1], $0xffff;
	[tilespmem:v0+s31+$0x70 ss:$0x1] =	vst.idx.msk $0xffff, v6  }
0x3f: {  	v3 =	vld.idx.msk [tilespmem:v0+s19+$0x30 ss:$0x1], $0xffff;
	[tilespmem:v0+s31+$0x10 ss:$0x1] =	vst.idx.msk $0xffff, v1  }
0x40: {  	v1 =	vld.idx.msk [tilespmem:v0+s19+$0x0 ss:$0x1], $0xffff;
	[tilespmem:v0+s31+$0x20 ss:$0x1] =	vst.idx.msk $0xffff, v2  }
.Ltmp4:
0x41: {  	[tilespmem:v0+s31+$0x40 ss:$0x1] =	vst.idx.msk $0xffff, v61;
	(pc) =	sbr.rel @p0 .LBB1_4-.Ltmp4, $4  }
0x42: {  	[tilespmem:v0+s31+$0x50 ss:$0x1] =	vst.idx.msk $0xffff, v62  }
0x43: {  	[tilespmem:v0+s31+$0x60 ss:$0x1] =	vst.idx.msk $0xffff, v63  }
0x44: {  	[tilespmem:v0+s31+$0x30 ss:$0x1] =	vst.idx.msk $0xffff, v3  }
0x45: {  	p1 =	por $0x0, $0x0;
	s18 =	simm.s32 $0x1;
	[tilespmem:v0+s31+$0x0 ss:$0x1] =	vst.idx.msk $0xffff, v1  }
0x46: {  	s17 =	sadd.s32 $0x1, s17  }
0x47: {  	p0 =	sne.s32 s17, $0x8  }
.Ltmp5:
0x48: {  	_ = 	snop;
	(pc) =	sbr.rel @p0 .LBB1_3-.Ltmp5, $2  }
0x49: {  	_ =	sdelay $0x2  }
0x4a: {  	s16 =	sadd.s32 $0x2000, s16  }
.Ltmp6:
0x4b: {  	(pc) =	sbr.rel .LBB1_9-.Ltmp6, $4  }
0x4c: {  	_ = 	snop  }
0x4d: {  	s12 =	sshll.u32 s12, $0x8  }
0x4e: {  	s12 =	sadd.s32 s4, s12  }
0x4f: {  	[hbm4b:s12+s8] =	stream.linear.scatter [tilespmem:s13], [sflag:$0x2], $0x4000, $0x38;
	[tilespmem:$0x10000] =	vst v63  }
.LBB1_10:
0x50: {  	_ =	sfence.sel $0x180000  }
0x51: {  	s2 =	simm.s32 $0x1;
	[bflag:$0x0] =	sbarrier.arrive $0xFFFF  }
0x52: {  	s31 =	simm.s32 $0x2;
	[sflag:s2] =	ssyncpa.u1 $0x1  }
0x53: {  	[sflag:s31] =	ssyncpa.u1 $0x1  }
0x54: {  	p0 =	sne.s32 s0, $0x0;
	_ =	strace $0x90000047  }
0x55: {  	s0 =	sadd.s32 @!p0 $0x100000, s1;
	[bflag:$0x2] =	sbarrier.arrive $0xFFFF  }
0x56: {  	[sflag:s0] =	ssyncadd.tile.s32 @!p0 $0x1;
	_ =	shalt  }
.Lfunc_end1:
_tile_overlayer_lowered:
.L_overlay_start_2:
0x57: {  	(tag) =	ssettag $0x2  }
0x58: {  	s0 =	rddreg [dreg:$0x0];
	s2 =	stileid.u32  }
0x59: {  	s1 =	rddreg [dreg:$0x1];
	p0 =	sne.s32 s2, $0x0  }
0x5a: {  	s3 =	rddreg [dreg:$0x2];
	[bflag:$0x3] =	sbarrier.arrive $0xFFFF;
	s2 =	simm.s32 @!p0 $0x1C01  }
0x5b: {  	[timem:s3], [sflag:s2] =	dma.local @!p0 [hbm:s0], s1  }
0x5c: {  	s0 =	simm.s32 @!p0 $0x1  }
0x5d: {  	_ =	swait.ge @!p0 [sflag:s0], s1  }
0x5e: {  	s1 =	ssub.s32 @!p0 $0x0, s1;
	[sflag:s0] =	ssyncset.done @!p0 $0x0  }
0x5f: {  	[sflag:s0] =	ssyncadd.s32 @!p0 s1  }
0x60: {  	[bflag:$0x3] =	sbarrier.arrive $0xFFFF  }
0x61: {  	_ =	shalt  }

</sc_bundles>
